<compile_context>
chip_gen: v7x
topology: tpu7x:2x2x1
jax: 0.10.2.dev20260603
libtpu: 0.0.44.dev20260713+nightly
codegen_flags: <defaults>
</compile_context>

<pallas_src>
import functools

import jax
import jax.numpy as jnp
from jax import lax
from jax.experimental import pallas as pl
from jax.experimental.pallas import tpu as pltpu
from jax.experimental.pallas import tpu_sc as plsc

N_WORDS = 8192
TOP_K = 50
EMB = 64

NC = 2
NS = 16
L = 16
NW = NC * NS
TOTAL = N_WORDS * TOP_K
PER_TILE = TOTAL // NW
GROUPS = PER_TILE // L

CHUNK = 128
NCHUNK = PER_TILE // CHUNK
NBUF = 6
LOOKAHEAD = NBUF - 2


def _body(ti_hbm, emb_hbm, out_hbm, emb_sh, idx_v, bufs, gsems, wsems):
    cid = lax.axis_index("c")
    sid = lax.axis_index("s")
    wid = sid * NC + cid
    base = wid * PER_TILE

    @pl.when(sid == 0)
    def _():
        pltpu.sync_copy(emb_hbm, emb_sh)

    pltpu.sync_copy(ti_hbm.at[pl.ds(base, PER_TILE)], idx_v)
    plsc.subcore_barrier()

    lanes = lax.iota(jnp.int32, L)

    def g_body(g, carry):
        t = idx_v[pl.ds(g * L, L)]
        p = base + g * L + lanes
        word = lax.div(p, jnp.int32(TOP_K))
        d = jnp.maximum(word - t, 1)
        b = jnp.minimum(jnp.maximum(d - 1, 0), 1)
        for thr in (3, 4, 5, 8, 16, 32, 64):
            b = b + jnp.minimum(jnp.maximum(d - (thr - 1), 0), 1)
        idx_v[pl.ds(g * L, L)] = b
        return carry

    lax.fori_loop(0, GROUPS, g_body, 0)

    gd = [None] * NCHUNK
    wd = [None] * NCHUNK

    def start_gather(c):
        gd[c] = pltpu.async_copy(
            emb_sh.at[idx_v.at[pl.ds(c * CHUNK, CHUNK)]],
            bufs[c % NBUF], gsems[c % NBUF])

    for c in range(min(LOOKAHEAD, NCHUNK)):
        start_gather(c)
    for c in range(NCHUNK):
        nxt = c + LOOKAHEAD
        if nxt < NCHUNK:
            prev = nxt - NBUF
            if prev >= 0:
                wd[prev].wait()
            start_gather(nxt)
        gd[c].wait()
        wd[c] = pltpu.async_copy(
            bufs[c % NBUF],
            out_hbm.at[pl.ds(base + c * CHUNK, CHUNK)],
            wsems[c % NBUF])
    for c in range(max(0, NCHUNK - NBUF), NCHUNK):
        wd[c].wait()


def _sc_call(ti_flat, emb):
    mesh = plsc.VectorSubcoreMesh(
        core_axis_name="c", subcore_axis_name="s",
        num_cores=NC, num_subcores=NS)

    def body(ti_hbm, emb_hbm, out_hbm, emb_sh, idx_v, *rest):
        bufs = rest[:NBUF]
        gsems = rest[NBUF:2 * NBUF]
        wsems = rest[2 * NBUF:]
        _body(ti_hbm, emb_hbm, out_hbm, emb_sh, idx_v, bufs, gsems, wsems)

    scratch = (
        [pltpu.VMEM_SHARED((9, EMB), jnp.float32)]
        + [pltpu.VMEM((PER_TILE,), jnp.int32)]
        + [pltpu.VMEM((CHUNK, EMB), jnp.float32) for _ in range(NBUF)]
        + [pltpu.SemaphoreType.DMA for _ in range(2 * NBUF)]
    )
    k = pl.kernel(
        body,
        out_type=jax.ShapeDtypeStruct((TOTAL, EMB), jnp.float32),
        mesh=mesh,
        scratch_types=scratch,
        compiler_params=pltpu.CompilerParams(use_tc_tiling_on_sc=False),
    )
    return k(ti_flat, emb)


def kernel(top_indices, distance_emb):
    ti_flat = top_indices.reshape(-1).astype(jnp.int32)
    out = _sc_call(ti_flat, distance_emb)
    return out.reshape(N_WORDS, TOP_K, EMB)

# --- scband reference (transcript-rebuilt; emitter-appended) ---
"""Pipeline reference for scband-pairwise-encoder-9070970929694 (READ-ONLY COPY).

The authoritative reference and input builder live on the scoring server;
editing this copy changes nothing except your own understanding.
"""

import jax, jax.numpy as jnp
import numpy as np

N_WORDS = 8192
TOP_K = 50
EMB = 64

def setup_inputs(seed: int = 0):
    key = jax.random.key(seed)
    k1, k2 = jax.random.split(key)
    top_indices = jax.random.randint(k1, (N_WORDS, TOP_K), 0, N_WORDS)
    distance_emb = jax.random.normal(k2, (9, EMB), dtype=jnp.float32) * 0.02
    return {"top_indices": top_indices, "distance_emb": distance_emb}

def reference(top_indices, distance_emb):
    # word_ids = arange(len(doc['cased_words'])) -- doc length equals n rows of top_indices
    n_words = top_indices.shape[0]
    word_ids = jnp.arange(n_words)
    # distance = (word_ids.unsqueeze(1) - word_ids[top_indices]).clamp_min_(1)
    distance = jnp.maximum(word_ids[:, None] - word_ids[top_indices], 1)
    # log_distance = distance.float().log2().floor_().clamp_max_(6).long()
    log_distance = jnp.floor(jnp.log2(distance.astype(jnp.float32)))
    log_distance = jnp.minimum(log_distance, 6.0).astype(jnp.int32)
    # bucketize: exact for d<5, log-scale buckets otherwise (9 buckets total)
    bucket = jnp.where(distance < 5, distance - 1, log_distance + 2)
    # embedding lookup (dropout is identity at inference)
    return jnp.take(distance_emb, bucket, axis=0)

if __name__ == "__main__":
    import jax
    _d = setup_inputs()
    print(jax.jit(kernel)(*tuple(_d.values())))

</pallas_src>

<mosaic_0001>
#map = affine_map<(d0, d1) -> (0)>
#map1 = affine_map<(d0, d1) -> (0, 0)>
module attributes {stable_mosaic.version = 14 : i64} {
  func.func @body(%arg0: i32, %arg1: i32, %arg2: memref<409600xi32, #tpu.memory_space<hbm>>, %arg3: memref<9x64xf32, #tpu.memory_space<hbm>>, %arg4: memref<409600x64xf32, #tpu.memory_space<hbm>>, %arg5: memref<9x64xf32, #tpu.memory_space<vmem_shared>>, %arg6: memref<12800xi32, #tpu.memory_space<vmem>>, %arg7: memref<128x64xf32, #tpu.memory_space<vmem>>, %arg8: memref<128x64xf32, #tpu.memory_space<vmem>>, %arg9: memref<128x64xf32, #tpu.memory_space<vmem>>, %arg10: memref<128x64xf32, #tpu.memory_space<vmem>>, %arg11: memref<128x64xf32, #tpu.memory_space<vmem>>, %arg12: memref<128x64xf32, #tpu.memory_space<vmem>>, %arg13: memref<!tpu.dma_semaphore, #tpu.memory_space<semaphore_mem>>, %arg14: memref<!tpu.dma_semaphore, #tpu.memory_space<semaphore_mem>>, %arg15: memref<!tpu.dma_semaphore, #tpu.memory_space<semaphore_mem>>, %arg16: memref<!tpu.dma_semaphore, #tpu.memory_space<semaphore_mem>>, %arg17: memref<!tpu.dma_semaphore, #tpu.memory_space<semaphore_mem>>, %arg18: memref<!tpu.dma_semaphore, #tpu.memory_space<semaphore_mem>>, %arg19: memref<!tpu.dma_semaphore, #tpu.memory_space<semaphore_mem>>, %arg20: memref<!tpu.dma_semaphore, #tpu.memory_space<semaphore_mem>>, %arg21: memref<!tpu.dma_semaphore, #tpu.memory_space<semaphore_mem>>, %arg22: memref<!tpu.dma_semaphore, #tpu.memory_space<semaphore_mem>>, %arg23: memref<!tpu.dma_semaphore, #tpu.memory_space<semaphore_mem>>, %arg24: memref<!tpu.dma_semaphore, #tpu.memory_space<semaphore_mem>>) attributes {dimension_semantics = [#tpu.dimension_semantics<core_parallel>, #tpu.dimension_semantics<subcore_parallel>], iteration_bounds = array<i64: 2, 16>, scalar_prefetch = 0 : i64, scratch_operands = 20 : i64, tpu.core_type = #tpu.core_type<sc_vector_subcore>, window_params = [{transform_indices = #map}, {transform_indices = #map1}, {transform_indices = #map1}]} {
    %mul3A = arith.constant 2 : i32
    %mul3A_0 = arith.muli %arg1, %mul3A : i32
    %add3A = arith.addi %mul3A_0, %arg0 : i32
    %mul3A_1 = arith.constant 12800 : i32
    %mul3A_2 = arith.muli %add3A, %mul3A_1 : i32
    %eq3A = arith.constant 0 : i32
    %eq3A_3 = arith.cmpi eq, %arg1, %eq3A : i32
    %convert_element_type3A = arith.extui %eq3A_3 : i1 to i32
    %cond3A = arith.constant 0 : i32
    %cond3A_4 = arith.cmpi ne, %convert_element_type3A, %cond3A : i32
    scf.if %cond3A_4 {
      "tpu.region"() ({
        %run_scoped3A = tpu.sem_alloc : memref<!tpu.dma_semaphore, #tpu.memory_space<semaphore_mem>>
        tpu.enqueue_dma source(%arg3 : memref<9x64xf32, #tpu.memory_space<hbm>>) target(%arg5 : memref<9x64xf32, #tpu.memory_space<vmem_shared>>) target_semaphore(%run_scoped3A : memref<!tpu.dma_semaphore, #tpu.memory_space<semaphore_mem>>)
        tpu.wait_dma2 semaphore(%run_scoped3A : memref<!tpu.dma_semaphore, #tpu.memory_space<semaphore_mem>>) src(%arg3 : memref<9x64xf32, #tpu.memory_space<hbm>>) dst(%arg5 : memref<9x64xf32, #tpu.memory_space<vmem_shared>>)
        tpu.yield
      }) : () -> ()
    } else {
    }
    "tpu.region"() ({
      %run_scoped3A = tpu.sem_alloc : memref<!tpu.dma_semaphore, #tpu.memory_space<semaphore_mem>>
      %dma_start3A_2008 = tpu.memref_slice %arg2[%mul3A_2] : memref<409600xi32, #tpu.memory_space<hbm>> -> memref<12800xi32, #tpu.memory_space<hbm>>
      %dma_start3A_2009 = tpu.memref_slice %arg2[%mul3A_2] : memref<409600xi32, #tpu.memory_space<hbm>> -> memref<12800xi32, #tpu.memory_space<hbm>>
      tpu.enqueue_dma source(%dma_start3A_2009 : memref<12800xi32, #tpu.memory_space<hbm>>) target(%arg6 : memref<12800xi32, #tpu.memory_space<vmem>>) target_semaphore(%run_scoped3A : memref<!tpu.dma_semaphore, #tpu.memory_space<semaphore_mem>>)
      %dma_wait3A_2010 = tpu.memref_slice %arg2[%mul3A_2] : memref<409600xi32, #tpu.memory_space<hbm>> -> memref<12800xi32, #tpu.memory_space<hbm>>
      %dma_wait3A_2011 = tpu.memref_slice %arg2[%mul3A_2] : memref<409600xi32, #tpu.memory_space<hbm>> -> memref<12800xi32, #tpu.memory_space<hbm>>
      tpu.wait_dma2 semaphore(%run_scoped3A : memref<!tpu.dma_semaphore, #tpu.memory_space<semaphore_mem>>) src(%dma_wait3A_2011 : memref<12800xi32, #tpu.memory_space<hbm>>) dst(%arg6 : memref<12800xi32, #tpu.memory_space<vmem>>)
      tpu.yield
    }) : () -> ()
    %barrier3A = arith.constant 0 : index
    tpu.barrier barrier_id(%barrier3A)
    %iota3A = tpu.iota {dimensions = array<i32: 0>} : vector<16xi32>
    %scan3A = arith.constant 0 : i32
    %scan3A_5 = arith.constant 0 : i32
    %scan3A_6 = arith.constant 800 : i32
    %scan3A_7 = arith.addi %scan3A_5, %scan3A_6 : i32
    %scan3A_8 = arith.constant 1 : i32
    scf.for %scan3A_2008 = %scan3A_5 to %scan3A_7 step %scan3A_8  : i32 {
      %mul3A_2009 = arith.constant 16 : i32
      %mul3A_2010 = arith.muli %scan3A_2008, %mul3A_2009 : i32
      %get3A = arith.index_cast %mul3A_2010 : i32 to index
      %get3A_2011 = tpu.vector_load %arg6[%get3A] {strides = array<i32>} : memref<12800xi32, #tpu.memory_space<vmem>>, vector<16xi32>,
      %get3A_2012 = vector.shape_cast %get3A_2011 : vector<16xi32> to vector<16xi32>
      %mul3A_2013 = arith.constant 16 : i32
      %mul3A_2014 = arith.muli %scan3A_2008, %mul3A_2013 : i32
      %add3A_2015 = arith.addi %mul3A_2, %mul3A_2014 : i32
      %add3A_2016 = vector.broadcast %add3A_2015 : i32 to vector<16xi32>
      %add3A_2017 = arith.addi %add3A_2016, %iota3A : vector<16xi32>
      %div3A = arith.constant 50 : i32
      %div3A_2018 = vector.broadcast %div3A : i32 to vector<16xi32>
      %div3A_2019 = arith.divsi %add3A_2017, %div3A_2018 : vector<16xi32>
      %sub3A = arith.subi %div3A_2019, %get3A_2012 : vector<16xi32>
      %max3A = arith.constant 1 : i32
      %max3A_2020 = vector.broadcast %max3A : i32 to vector<16xi32>
      %max3A_2021 = arith.maxsi %sub3A, %max3A_2020 : vector<16xi32>
      %sub3A_2022 = arith.constant 1 : i32
      %sub3A_2023 = vector.broadcast %sub3A_2022 : i32 to vector<16xi32>
      %sub3A_2024 = arith.subi %max3A_2021, %sub3A_2023 : vector<16xi32>
      %max3A_2025 = arith.constant 0 : i32
      %max3A_2026 = vector.broadcast %max3A_2025 : i32 to vector<16xi32>
      %max3A_2027 = arith.maxsi %sub3A_2024, %max3A_2026 : vector<16xi32>
      %min3A = arith.constant 1 : i32
      %min3A_2028 = vector.broadcast %min3A : i32 to vector<16xi32>
      %min3A_2029 = arith.minsi %max3A_2027, %min3A_2028 : vector<16xi32>
      %sub3A_2030 = arith.constant 2 : i32
      %sub3A_2031 = vector.broadcast %sub3A_2030 : i32 to vector<16xi32>
      %sub3A_2032 = arith.subi %max3A_2021, %sub3A_2031 : vector<16xi32>
      %max3A_2033 = arith.constant 0 : i32
      %max3A_2034 = vector.broadcast %max3A_2033 : i32 to vector<16xi32>
      %max3A_2035 = arith.maxsi %sub3A_2032, %max3A_2034 : vector<16xi32>
      %min3A_2036 = arith.constant 1 : i32
      %min3A_2037 = vector.broadcast %min3A_2036 : i32 to vector<16xi32>
      %min3A_2038 = arith.minsi %max3A_2035, %min3A_2037 : vector<16xi32>
      %add3A_2039 = arith.addi %min3A_2029, %min3A_2038 : vector<16xi32>
      %sub3A_2040 = arith.constant 3 : i32
      %sub3A_2041 = vector.broadcast %sub3A_2040 : i32 to vector<16xi32>
      %sub3A_2042 = arith.subi %max3A_2021, %sub3A_2041 : vector<16xi32>
      %max3A_2043 = arith.constant 0 : i32
      %max3A_2044 = vector.broadcast %max3A_2043 : i32 to vector<16xi32>
      %max3A_2045 = arith.maxsi %sub3A_2042, %max3A_2044 : vector<16xi32>
      %min3A_2046 = arith.constant 1 : i32
      %min3A_2047 = vector.broadcast %min3A_2046 : i32 to vector<16xi32>
      %min3A_2048 = arith.minsi %max3A_2045, %min3A_2047 : vector<16xi32>
      %add3A_2049 = arith.addi %add3A_2039, %min3A_2048 : vector<16xi32>
      %sub3A_2050 = arith.constant 4 : i32
      %sub3A_2051 = vector.broadcast %sub3A_2050 : i32 to vector<16xi32>
      %sub3A_2052 = arith.subi %max3A_2021, %sub3A_2051 : vector<16xi32>
      %max3A_2053 = arith.constant 0 : i32
      %max3A_2054 = vector.broadcast %max3A_2053 : i32 to vector<16xi32>
      %max3A_2055 = arith.maxsi %sub3A_2052, %max3A_2054 : vector<16xi32>
      %min3A_2056 = arith.constant 1 : i32
      %min3A_2057 = vector.broadcast %min3A_2056 : i32 to vector<16xi32>
      %min3A_2058 = arith.minsi %max3A_2055, %min3A_2057 : vector<16xi32>
      %add3A_2059 = arith.addi %add3A_2049, %min3A_2058 : vector<16xi32>
      %sub3A_2060 = arith.constant 7 : i32
      %sub3A_2061 = vector.broadcast %sub3A_2060 : i32 to vector<16xi32>
      %sub3A_2062 = arith.subi %max3A_2021, %sub3A_2061 : vector<16xi32>
      %max3A_2063 = arith.constant 0 : i32
      %max3A_2064 = vector.broadcast %max3A_2063 : i32 to vector<16xi32>
      %max3A_2065 = arith.maxsi %sub3A_2062, %max3A_2064 : vector<16xi32>
      %min3A_2066 = arith.constant 1 : i32
      %min3A_2067 = vector.broadcast %min3A_2066 : i32 to vector<16xi32>
      %min3A_2068 = arith.minsi %max3A_2065, %min3A_2067 : vector<16xi32>
      %add3A_2069 = arith.addi %add3A_2059, %min3A_2068 : vector<16xi32>
      %sub3A_2070 = arith.constant 15 : i32
      %sub3A_2071 = vector.broadcast %sub3A_2070 : i32 to vector<16xi32>
      %sub3A_2072 = arith.subi %max3A_2021, %sub3A_2071 : vector<16xi32>
      %max3A_2073 = arith.constant 0 : i32
      %max3A_2074 = vector.broadcast %max3A_2073 : i32 to vector<16xi32>
      %max3A_2075 = arith.maxsi %sub3A_2072, %max3A_2074 : vector<16xi32>
      %min3A_2076 = arith.constant 1 : i32
      %min3A_2077 = vector.broadcast %min3A_2076 : i32 to vector<16xi32>
      %min3A_2078 = arith.minsi %max3A_2075, %min3A_2077 : vector<16xi32>
      %add3A_2079 = arith.addi %add3A_2069, %min3A_2078 : vector<16xi32>
      %sub3A_2080 = arith.constant 31 : i32
      %sub3A_2081 = vector.broadcast %sub3A_2080 : i32 to vector<16xi32>
      %sub3A_2082 = arith.subi %max3A_2021, %sub3A_2081 : vector<16xi32>
      %max3A_2083 = arith.constant 0 : i32
      %max3A_2084 = vector.broadcast %max3A_2083 : i32 to vector<16xi32>
      %max3A_2085 = arith.maxsi %sub3A_2082, %max3A_2084 : vector<16xi32>
      %min3A_2086 = arith.constant 1 : i32
      %min3A_2087 = vector.broadcast %min3A_2086 : i32 to vector<16xi32>
      %min3A_2088 = arith.minsi %max3A_2085, %min3A_2087 : vector<16xi32>
      %add3A_2089 = arith.addi %add3A_2079, %min3A_2088 : vector<16xi32>
      %sub3A_2090 = arith.constant 63 : i32
      %sub3A_2091 = vector.broadcast %sub3A_2090 : i32 to vector<16xi32>
      %sub3A_2092 = arith.subi %max3A_2021, %sub3A_2091 : vector<16xi32>
      %max3A_2093 = arith.constant 0 : i32
      %max3A_2094 = vector.broadcast %max3A_2093 : i32 to vector<16xi32>
      %max3A_2095 = arith.maxsi %sub3A_2092, %max3A_2094 : vector<16xi32>
      %min3A_2096 = arith.constant 1 : i32
      %min3A_2097 = vector.broadcast %min3A_2096 : i32 to vector<16xi32>
      %min3A_2098 = arith.minsi %max3A_2095, %min3A_2097 : vector<16xi32>
      %add3A_2099 = arith.addi %add3A_2089, %min3A_2098 : vector<16xi32>
      %mul3A_2100 = arith.constant 16 : i32
      %mul3A_2101 = arith.muli %scan3A_2008, %mul3A_2100 : i32
      %swap3A = arith.index_cast %mul3A_2101 : i32 to index
      %swap3A_2102 = tpu.vector_load %arg6[%swap3A] {strides = array<i32>} : memref<12800xi32, #tpu.memory_space<vmem>>, vector<16xi32>,
      %swap3A_2103 = vector.shape_cast %swap3A_2102 : vector<16xi32> to vector<16xi32>
      %swap3A_2104 = vector.shape_cast %add3A_2099 : vector<16xi32> to vector<16xi32>
      tpu.vector_store %arg6[%swap3A], %swap3A_2104 {strides = array<i32>} : memref<12800xi32, #tpu.memory_space<vmem>>, vector<16xi32>,
    }
    %scan3A_9 = arith.constant 800 : i32
    %dma_start3A = arith.constant 0 : i32
    %dma_start3A_10 = tpu.memref_slice %arg6[%dma_start3A] : memref<12800xi32, #tpu.memory_space<vmem>> -> memref<128xi32, #tpu.memory_space<vmem>>
    %dma_start3A_11 = arith.constant 0 : i32
    %dma_start3A_12 = arith.constant 0 : i32
    %dma_start3A_13 = tpu.memref_slice %arg5[%dma_start3A_11, %dma_start3A_12] : memref<9x64xf32, #tpu.memory_space<vmem_shared>> -> memref<9x64xf32, #tpu.memory_space<vmem_shared>>
    tpu.enqueue_indirect_dma source(%dma_start3A_13 : memref<9x64xf32, #tpu.memory_space<vmem_shared>>) target(%arg7 : memref<128x64xf32, #tpu.memory_space<vmem>>) offsets(%dma_start3A_10 : memref<128xi32, #tpu.memory_space<vmem>>) semaphore(%arg13 : memref<!tpu.dma_semaphore, #tpu.memory_space<semaphore_mem>>)
    %dma_start3A_14 = arith.constant 128 : i32
    %dma_start3A_15 = tpu.memref_slice %arg6[%dma_start3A_14] : memref<12800xi32, #tpu.memory_space<vmem>> -> memref<128xi32, #tpu.memory_space<vmem>>
    %dma_start3A_16 = arith.constant 0 : i32
    %dma_start3A_17 = arith.constant 0 : i32
    %dma_start3A_18 = tpu.memref_slice %arg5[%dma_start3A_16, %dma_start3A_17] : memref<9x64xf32, #tpu.memory_space<vmem_shared>> -> memref<9x64xf32, #tpu.memory_space<vmem_shared>>
    tpu.enqueue_indirect_dma source(%dma_start3A_18 : memref<9x64xf32, #tpu.memory_space<vmem_shared>>) target(%arg8 : memref<128x64xf32, #tpu.memory_space<vmem>>) offsets(%dma_start3A_15 : memref<128xi32, #tpu.memory_space<vmem>>) semaphore(%arg14 : memref<!tpu.dma_semaphore, #tpu.memory_space<semaphore_mem>>)
    %dma_start3A_19 = arith.constant 256 : i32
    %dma_start3A_20 = tpu.memref_slice %arg6[%dma_start3A_19] : memref<12800xi32, #tpu.memory_space<vmem>> -> memref<128xi32, #tpu.memory_space<vmem>>
    %dma_start3A_21 = arith.constant 0 : i32
    %dma_start3A_22 = arith.constant 0 : i32
    %dma_start3A_23 = tpu.memref_slice %arg5[%dma_start3A_21, %dma_start3A_22] : memref<9x64xf32, #tpu.memory_space<vmem_shared>> -> memref<9x64xf32, #tpu.memory_space<vmem_shared>>
    tpu.enqueue_indirect_dma source(%dma_start3A_23 : memref<9x64xf32, #tpu.memory_space<vmem_shared>>) target(%arg9 : memref<128x64xf32, #tpu.memory_space<vmem>>) offsets(%dma_start3A_20 : memref<128xi32, #tpu.memory_space<vmem>>) semaphore(%arg15 : memref<!tpu.dma_semaphore, #tpu.memory_space<semaphore_mem>>)
    %dma_start3A_24 = arith.constant 384 : i32
    %dma_start3A_25 = tpu.memref_slice %arg6[%dma_start3A_24] : memref<12800xi32, #tpu.memory_space<vmem>> -> memref<128xi32, #tpu.memory_space<vmem>>
    %dma_start3A_26 = arith.constant 0 : i32
    %dma_start3A_27 = arith.constant 0 : i32
    %dma_start3A_28 = tpu.memref_slice %arg5[%dma_start3A_26, %dma_start3A_27] : memref<9x64xf32, #tpu.memory_space<vmem_shared>> -> memref<9x64xf32, #tpu.memory_space<vmem_shared>>
    tpu.enqueue_indirect_dma source(%dma_start3A_28 : memref<9x64xf32, #tpu.memory_space<vmem_shared>>) target(%arg10 : memref<128x64xf32, #tpu.memory_space<vmem>>) offsets(%dma_start3A_25 : memref<128xi32, #tpu.memory_space<vmem>>) semaphore(%arg16 : memref<!tpu.dma_semaphore, #tpu.memory_space<semaphore_mem>>)
    %dma_start3A_29 = arith.constant 512 : i32
    %dma_start3A_30 = tpu.memref_slice %arg6[%dma_start3A_29] : memref<12800xi32, #tpu.memory_space<vmem>> -> memref<128xi32, #tpu.memory_space<vmem>>
    %dma_start3A_31 = arith.constant 0 : i32
    %dma_start3A_32 = arith.constant 0 : i32
    %dma_start3A_33 = tpu.memref_slice %arg5[%dma_start3A_31, %dma_start3A_32] : memref<9x64xf32, #tpu.memory_space<vmem_shared>> -> memref<9x64xf32, #tpu.memory_space<vmem_shared>>
    tpu.enqueue_indirect_dma source(%dma_start3A_33 : memref<9x64xf32, #tpu.memory_space<vmem_shared>>) target(%arg11 : memref<128x64xf32, #tpu.memory_space<vmem>>) offsets(%dma_start3A_30 : memref<128xi32, #tpu.memory_space<vmem>>) semaphore(%arg17 : memref<!tpu.dma_semaphore, #tpu.memory_space<semaphore_mem>>)
    %dma_wait3A = arith.constant 0 : i32
    %dma_wait3A_34 = tpu.memref_slice %arg6[%dma_wait3A] : memref<12800xi32, #tpu.memory_space<vmem>> -> memref<128xi32, #tpu.memory_space<vmem>>
    %dma_wait3A_35 = arith.constant 0 : i32
    %dma_wait3A_36 = arith.constant 0 : i32
    %dma_wait3A_37 = tpu.memref_slice %arg5[%dma_wait3A_35, %dma_wait3A_36] : memref<9x64xf32, #tpu.memory_space<vmem_shared>> -> memref<9x64xf32, #tpu.memory_space<vmem_shared>>
    tpu.wait_indirect_dma semaphore(%arg13 : memref<!tpu.dma_semaphore, #tpu.memory_space<semaphore_mem>>) src(%dma_wait3A_37 : memref<9x64xf32, #tpu.memory_space<vmem_shared>>) dst(%arg7 : memref<128x64xf32, #tpu.memory_space<vmem>>)
    %add3A_38 = arith.constant 0 : i32
    %add3A_39 = arith.addi %mul3A_2, %add3A_38 : i32
    %dma_start3A_40 = arith.constant 0 : i32
    %dma_start3A_41 = tpu.memref_slice %arg4[%add3A_39, %dma_start3A_40] : memref<409600x64xf32, #tpu.memory_space<hbm>> -> memref<128x64xf32, #tpu.memory_space<hbm>>
    %dma_start3A_42 = arith.constant 0 : i32
    %dma_start3A_43 = tpu.memref_slice %arg4[%add3A_39, %dma_start3A_42] : memref<409600x64xf32, #tpu.memory_space<hbm>> -> memref<128x64xf32, #tpu.memory_space<hbm>>
    tpu.enqueue_dma source(%arg7 : memref<128x64xf32, #tpu.memory_space<vmem>>) target(%dma_start3A_43 : memref<128x64xf32, #tpu.memory_space<hbm>>) target_semaphore(%arg19 : memref<!tpu.dma_semaphore, #tpu.memory_space<semaphore_mem>>)
    %dma_start3A_44 = arith.constant 640 : i32
    %dma_start3A_45 = tpu.memref_slice %arg6[%dma_start3A_44] : memref<12800xi32, #tpu.memory_space<vmem>> -> memref<128xi32, #tpu.memory_space<vmem>>
    %dma_start3A_46 = arith.constant 0 : i32
    %dma_start3A_47 = arith.constant 0 : i32
    %dma_start3A_48 = tpu.memref_slice %arg5[%dma_start3A_46, %dma_start3A_47] : memref<9x64xf32, #tpu.memory_space<vmem_shared>> -> memref<9x64xf32, #tpu.memory_space<vmem_shared>>
    tpu.enqueue_indirect_dma source(%dma_start3A_48 : memref<9x64xf32, #tpu.memory_space<vmem_shared>>) target(%arg12 : memref<128x64xf32, #tpu.memory_space<vmem>>) offsets(%dma_start3A_45 : memref<128xi32, #tpu.memory_space<vmem>>) semaphore(%arg18 : memref<!tpu.dma_semaphore, #tpu.memory_space<semaphore_mem>>)
    %dma_wait3A_49 = arith.constant 128 : i32
    %dma_wait3A_50 = tpu.memref_slice %arg6[%dma_wait3A_49] : memref<12800xi32, #tpu.memory_space<vmem>> -> memref<128xi32, #tpu.memory_space<vmem>>
    %dma_wait3A_51 = arith.constant 0 : i32
    %dma_wait3A_52 = arith.constant 0 : i32
    %dma_wait3A_53 = tpu.memref_slice %arg5[%dma_wait3A_51, %dma_wait3A_52] : memref<9x64xf32, #tpu.memory_space<vmem_shared>> -> memref<9x64xf32, #tpu.memory_space<vmem_shared>>
    tpu.wait_indirect_dma semaphore(%arg14 : memref<!tpu.dma_semaphore, #tpu.memory_space<semaphore_mem>>) src(%dma_wait3A_53 : memref<9x64xf32, #tpu.memory_space<vmem_shared>>) dst(%arg8 : memref<128x64xf32, #tpu.memory_space<vmem>>)
    %add3A_54 = arith.constant 128 : i32
    %add3A_55 = arith.addi %mul3A_2, %add3A_54 : i32
    %dma_start3A_56 = arith.constant 0 : i32
    %dma_start3A_57 = tpu.memref_slice %arg4[%add3A_55, %dma_start3A_56] : memref<409600x64xf32, #tpu.memory_space<hbm>> -> memref<128x64xf32, #tpu.memory_space<hbm>>
    %dma_start3A_58 = arith.constant 0 : i32
    %dma_start3A_59 = tpu.memref_slice %arg4[%add3A_55, %dma_start3A_58] : memref<409600x64xf32, #tpu.memory_space<hbm>> -> memref<128x64xf32, #tpu.memory_space<hbm>>
    tpu.enqueue_dma source(%arg8 : memref<128x64xf32, #tpu.memory_space<vmem>>) target(%dma_start3A_59 : memref<128x64xf32, #tpu.memory_space<hbm>>) target_semaphore(%arg20 : memref<!tpu.dma_semaphore, #tpu.memory_space<semaphore_mem>>)
    %dma_wait3A_60 = arith.constant 0 : i32
    %dma_wait3A_61 = tpu.memref_slice %arg4[%add3A_39, %dma_wait3A_60] : memref<409600x64xf32, #tpu.memory_space<hbm>> -> memref<128x64xf32, #tpu.memory_space<hbm>>
    %dma_wait3A_62 = arith.constant 0 : i32
    %dma_wait3A_63 = tpu.memref_slice %arg4[%add3A_39, %dma_wait3A_62] : memref<409600x64xf32, #tpu.memory_space<hbm>> -> memref<128x64xf32, #tpu.memory_space<hbm>>
    tpu.wait_dma2 semaphore(%arg19 : memref<!tpu.dma_semaphore, #tpu.memory_space<semaphore_mem>>) src(%arg7 : memref<128x64xf32, #tpu.memory_space<vmem>>) dst(%dma_wait3A_63 : memref<128x64xf32, #tpu.memory_space<hbm>>)
    %dma_start3A_64 = arith.constant 768 : i32
    %dma_start3A_65 = tpu.memref_slice %arg6[%dma_start3A_64] : memref<12800xi32, #tpu.memory_space<vmem>> -> memref<128xi32, #tpu.memory_space<vmem>>
    %dma_start3A_66 = arith.constant 0 : i32
    %dma_start3A_67 = arith.constant 0 : i32
    %dma_start3A_68 = tpu.memref_slice %arg5[%dma_start3A_66, %dma_start3A_67] : memref<9x64xf32, #tpu.memory_space<vmem_shared>> -> memref<9x64xf32, #tpu.memory_space<vmem_shared>>
    tpu.enqueue_indirect_dma source(%dma_start3A_68 : memref<9x64xf32, #tpu.memory_space<vmem_shared>>) target(%arg7 : memref<128x64xf32, #tpu.memory_space<vmem>>) offsets(%dma_start3A_65 : memref<128xi32, #tpu.memory_space<vmem>>) semaphore(%arg13 : memref<!tpu.dma_semaphore, #tpu.memory_space<semaphore_mem>>)
    %dma_wait3A_69 = arith.constant 256 : i32
    %dma_wait3A_70 = tpu.memref_slice %arg6[%dma_wait3A_69] : memref<12800xi32, #tpu.memory_space<vmem>> -> memref<128xi32, #tpu.memory_space<vmem>>
    %dma_wait3A_71 = arith.constant 0 : i32
    %dma_wait3A_72 = arith.constant 0 : i32
    %dma_wait3A_73 = tpu.memref_slice %arg5[%dma_wait3A_71, %dma_wait3A_72] : memref<9x64xf32, #tpu.memory_space<vmem_shared>> -> memref<9x64xf32, #tpu.memory_space<vmem_shared>>
    tpu.wait_indirect_dma semaphore(%arg15 : memref<!tpu.dma_semaphore, #tpu.memory_space<semaphore_mem>>) src(%dma_wait3A_73 : memref<9x64xf32, #tpu.memory_space<vmem_shared>>) dst(%arg9 : memref<128x64xf32, #tpu.memory_space<vmem>>)
    %add3A_74 = arith.constant 256 : i32
    %add3A_75 = arith.addi %mul3A_2, %add3A_74 : i32
    %dma_start3A_76 = arith.constant 0 : i32
    %dma_start3A_77 = tpu.memref_slice %arg4[%add3A_75, %dma_start3A_76] : memref<409600x64xf32, #tpu.memory_space<hbm>> -> memref<128x64xf32, #tpu.memory_space<hbm>>
    %dma_start3A_78 = arith.constant 0 : i32
    %dma_start3A_79 = tpu.memref_slice %arg4[%add3A_75, %dma_start3A_78] : memref<409600x64xf32, #tpu.memory_space<hbm>> -> memref<128x64xf32, #tpu.memory_space<hbm>>
    tpu.enqueue_dma source(%arg9 : memref<128x64xf32, #tpu.memory_space<vmem>>) target(%dma_start3A_79 : memref<128x64xf32, #tpu.memory_space<hbm>>) target_semaphore(%arg21 : memref<!tpu.dma_semaphore, #tpu.memory_space<semaphore_mem>>)
    %dma_wait3A_80 = arith.constant 0 : i32
    %dma_wait3A_81 = tpu.memref_slice %arg4[%add3A_55, %dma_wait3A_80] : memref<409600x64xf32, #tpu.memory_space<hbm>> -> memref<128x64xf32, #tpu.memory_space<hbm>>
    %dma_wait3A_82 = arith.constant 0 : i32
    %dma_wait3A_83 = tpu.memref_slice %arg4[%add3A_55, %dma_wait3A_82] : memref<409600x64xf32, #tpu.memory_space<hbm>> -> memref<128x64xf32, #tpu.memory_space<hbm>>
    tpu.wait_dma2 semaphore(%arg20 : memref<!tpu.dma_semaphore, #tpu.memory_space<semaphore_mem>>) src(%arg8 : memref<128x64xf32, #tpu.memory_space<vmem>>) dst(%dma_wait3A_83 : memref<128x64xf32, #tpu.memory_space<hbm>>)
    %dma_start3A_84 = arith.constant 896 : i32
    %dma_start3A_85 = tpu.memref_slice %arg6[%dma_start3A_84] : memref<12800xi32, #tpu.memory_space<vmem>> -> memref<128xi32, #tpu.memory_space<vmem>>
    %dma_start3A_86 = arith.constant 0 : i32
    %dma_start3A_87 = arith.constant 0 : i32
    %dma_start3A_88 = tpu.memref_slice %arg5[%dma_start3A_86, %dma_start3A_87] : memref<9x64xf32, #tpu.memory_space<vmem_shared>> -> memref<9x64xf32, #tpu.memory_space<vmem_shared>>
    tpu.enqueue_indirect_dma source(%dma_start3A_88 : memref<9x64xf32, #tpu.memory_space<vmem_shared>>) target(%arg8 : memref<128x64xf32, #tpu.memory_space<vmem>>) offsets(%dma_start3A_85 : memref<128xi32, #tpu.memory_space<vmem>>) semaphore(%arg14 : memref<!tpu.dma_semaphore, #tpu.memory_space<semaphore_mem>>)
    %dma_wait3A_89 = arith.constant 384 : i32
    %dma_wait3A_90 = tpu.memref_slice %arg6[%dma_wait3A_89] : memref<12800xi32, #tpu.memory_space<vmem>> -> memref<128xi32, #tpu.memory_space<vmem>>
    %dma_wait3A_91 = arith.constant 0 : i32
    %dma_wait3A_92 = arith.constant 0 : i32
    %dma_wait3A_93 = tpu.memref_slice %arg5[%dma_wait3A_91, %dma_wait3A_92] : memref<9x64xf32, #tpu.memory_space<vmem_shared>> -> memref<9x64xf32, #tpu.memory_space<vmem_shared>>
    tpu.wait_indirect_dma semaphore(%arg16 : memref<!tpu.dma_semaphore, #tpu.memory_space<semaphore_mem>>) src(%dma_wait3A_93 : memref<9x64xf32, #tpu.memory_space<vmem_shared>>) dst(%arg10 : memref<128x64xf32, #tpu.memory_space<vmem>>)
    %add3A_94 = arith.constant 384 : i32
    %add3A_95 = arith.addi %mul3A_2, %add3A_94 : i32
    %dma_start3A_96 = arith.constant 0 : i32
    %dma_start3A_97 = tpu.memref_slice %arg4[%add3A_95, %dma_start3A_96] : memref<409600x64xf32, #tpu.memory_space<hbm>> -> memref<128x64xf32, #tpu.memory_space<hbm>>
    %dma_start3A_98 = arith.constant 0 : i32
    %dma_start3A_99 = tpu.memref_slice %arg4[%add3A_95, %dma_start3A_98] : memref<409600x64xf32, #tpu.memory_space<hbm>> -> memref<128x64xf32, #tpu.memory_space<hbm>>
    tpu.enqueue_dma source(%arg10 : memref<128x64xf32, #tpu.memory_space<vmem>>) target(%dma_start3A_99 : memref<128x64xf32, #tpu.memory_space<hbm>>) target_semaphore(%arg22 : memref<!tpu.dma_semaphore, #tpu.memory_space<semaphore_mem>>)
    %dma_wait3A_100 = arith.constant 0 : i32
    %dma_wait3A_101 = tpu.memref_slice %arg4[%add3A_75, %dma_wait3A_100] : memref<409600x64xf32, #tpu.memory_space<hbm>> -> memref<128x64xf32, #tpu.memory_space<hbm>>
    %dma_wait3A_102 = arith.constant 0 : i32
    %dma_wait3A_103 = tpu.memref_slice %arg4[%add3A_75, %dma_wait3A_102] : memref<409600x64xf32, #tpu.memory_space<hbm>> -> memref<128x64xf32, #tpu.memory_space<hbm>>
    tpu.wait_dma2 semaphore(%arg21 : memref<!tpu.dma_semaphore, #tpu.memory_space<semaphore_mem>>) src(%arg9 : memref<128x64xf32, #tpu.memory_space<vmem>>) dst(%dma_wait3A_103 : memref<128x64xf32, #tpu.memory_space<hbm>>)
    %dma_start3A_104 = arith.constant 1024 : i32
    %dma_start3A_105 = tpu.memref_slice %arg6[%dma_start3A_104] : memref<12800xi32, #tpu.memory_space<vmem>> -> memref<128xi32, #tpu.memory_space<vmem>>
    %dma_start3A_106 = arith.constant 0 : i32
    %dma_start3A_107 = arith.constant 0 : i32
    %dma_start3A_108 = tpu.memref_slice %arg5[%dma_start3A_106, %dma_start3A_107] : memref<9x64xf32, #tpu.memory_space<vmem_shared>> -> memref<9x64xf32, #tpu.memory_space<vmem_shared>>
    tpu.enqueue_indirect_dma source(%dma_start3A_108 : memref<9x64xf32, #tpu.memory_space<vmem_shared>>) target(%arg9 : memref<128x64xf32, #tpu.memory_space<vmem>>) offsets(%dma_start3A_105 : memref<128xi32, #tpu.memory_space<vmem>>) semaphore(%arg15 : memref<!tpu.dma_semaphore, #tpu.memory_space<semaphore_mem>>)
    %dma_wait3A_109 = arith.constant 512 : i32
    %dma_wait3A_110 = tpu.memref_slice %arg6[%dma_wait3A_109] : memref<12800xi32, #tpu.memory_space<vmem>> -> memref<128xi32, #tpu.memory_space<vmem>>
    %dma_wait3A_111 = arith.constant 0 : i32
    %dma_wait3A_112 = arith.constant 0 : i32
    %dma_wait3A_113 = tpu.memref_slice %arg5[%dma_wait3A_111, %dma_wait3A_112] : memref<9x64xf32, #tpu.memory_space<vmem_shared>> -> memref<9x64xf32, #tpu.memory_space<vmem_shared>>
    tpu.wait_indirect_dma semaphore(%arg17 : memref<!tpu.dma_semaphore, #tpu.memory_space<semaphore_mem>>) src(%dma_wait3A_113 : memref<9x64xf32, #tpu.memory_space<vmem_shared>>) dst(%arg11 : memref<128x64xf32, #tpu.memory_space<vmem>>)
    %add3A_114 = arith.constant 512 : i32
    %add3A_115 = arith.addi %mul3A_2, %add3A_114 : i32
    %dma_start3A_116 = arith.constant 0 : i32
    %dma_start3A_117 = tpu.memref_slice %arg4[%add3A_115, %dma_start3A_116] : memref<409600x64xf32, #tpu.memory_space<hbm>> -> memref<128x64xf32, #tpu.memory_space<hbm>>
    %dma_start3A_118 = arith.constant 0 : i32
    %dma_start3A_119 = tpu.memref_slice %arg4[%add3A_115, %dma_start3A_118] : memref<409600x64xf32, #tpu.memory_space<hbm>> -> memref<128x64xf32, #tpu.memory_space<hbm>>
    tpu.enqueue_dma source(%arg11 : memref<128x64xf32, #tpu.memory_space<vmem>>) target(%dma_start3A_119 : memref<128x64xf32, #tpu.memory_space<hbm>>) target_semaphore(%arg23 : memref<!tpu.dma_semaphore, #tpu.memory_space<semaphore_mem>>)
    %dma_wait3A_120 = arith.constant 0 : i32
    %dma_wait3A_121 = tpu.memref_slice %arg4[%add3A_95, %dma_wait3A_120] : memref<409600x64xf32, #tpu.memory_space<hbm>> -> memref<128x64xf32, #tpu.memory_space<hbm>>
    %dma_wait3A_122 = arith.constant 0 : i32
    %dma_wait3A_123 = tpu.memref_slice %arg4[%add3A_95, %dma_wait3A_122] : memref<409600x64xf32, #tpu.memory_space<hbm>> -> memref<128x64xf32, #tpu.memory_space<hbm>>
    tpu.wait_dma2 semaphore(%arg22 : memref<!tpu.dma_semaphore, #tpu.memory_space<semaphore_mem>>) src(%arg10 : memref<128x64xf32, #tpu.memory_space<vmem>>) dst(%dma_wait3A_123 : memref<128x64xf32, #tpu.memory_space<hbm>>)
    %dma_start3A_124 = arith.constant 1152 : i32
    %dma_start3A_125 = tpu.memref_slice %arg6[%dma_start3A_124] : memref<12800xi32, #tpu.memory_space<vmem>> -> memref<128xi32, #tpu.memory_space<vmem>>
    %dma_start3A_126 = arith.constant 0 : i32
    %dma_start3A_127 = arith.constant 0 : i32
    %dma_start3A_128 = tpu.memref_slice %arg5[%dma_start3A_126, %dma_start3A_127] : memref<9x64xf32, #tpu.memory_space<vmem_shared>> -> memref<9x64xf32, #tpu.memory_space<vmem_shared>>
    tpu.enqueue_indirect_dma source(%dma_start3A_128 : memref<9x64xf32, #tpu.memory_space<vmem_shared>>) target(%arg10 : memref<128x64xf32, #tpu.memory_space<vmem>>) offsets(%dma_start3A_125 : memref<128xi32, #tpu.memory_space<vmem>>) semaphore(%arg16 : memref<!tpu.dma_semaphore, #tpu.memory_space<semaphore_mem>>)
    %dma_wait3A_129 = arith.constant 640 : i32
    %dma_wait3A_130 = tpu.memref_slice %arg6[%dma_wait3A_129] : memref<12800xi32, #tpu.memory_space<vmem>> -> memref<128xi32, #tpu.memory_space<vmem>>
    %dma_wait3A_131 = arith.constant 0 : i32
    %dma_wait3A_132 = arith.constant 0 : i32
    %dma_wait3A_133 = tpu.memref_slice %arg5[%dma_wait3A_131, %dma_wait3A_132] : memref<9x64xf32, #tpu.memory_space<vmem_shared>> -> memref<9x64xf32, #tpu.memory_space<vmem_shared>>
    tpu.wait_indirect_dma semaphore(%arg18 : memref<!tpu.dma_semaphore, #tpu.memory_space<semaphore_mem>>) src(%dma_wait3A_133 : memref<9x64xf32, #tpu.memory_space<vmem_shared>>) dst(%arg12 : memref<128x64xf32, #tpu.memory_space<vmem>>)
    %add3A_134 = arith.constant 640 : i32
    %add3A_135 = arith.addi %mul3A_2, %add3A_134 : i32
    %dma_start3A_136 = arith.constant 0 : i32
    %dma_start3A_137 = tpu.memref_slice %arg4[%add3A_135, %dma_start3A_136] : memref<409600x64xf32, #tpu.memory_space<hbm>> -> memref<128x64xf32, #tpu.memory_space<hbm>>
    %dma_start3A_138 = arith.constant 0 : i32
    %dma_start3A_139 = tpu.memref_slice %arg4[%add3A_135, %dma_start3A_138] : memref<409600x64xf32, #tpu.memory_space<hbm>> -> memref<128x64xf32, #tpu.memory_space<hbm>>
    tpu.enqueue_dma source(%arg12 : memref<128x64xf32, #tpu.memory_space<vmem>>) target(%dma_start3A_139 : memref<128x64xf32, #tpu.memory_space<hbm>>) target_semaphore(%arg24 : memref<!tpu.dma_semaphore, #tpu.memory_space<semaphore_mem>>)
    %dma_wait3A_140 = arith.constant 0 : i32
    %dma_wait3A_141 = tpu.memref_slice %arg4[%add3A_115, %dma_wait3A_140] : memref<409600x64xf32, #tpu.memory_space<hbm>> -> memref<128x64xf32, #tpu.memory_space<hbm>>
    %dma_wait3A_142 = arith.constant 0 : i32
    %dma_wait3A_143 = tpu.memref_slice %arg4[%add3A_115, %dma_wait3A_142] : memref<409600x64xf32, #tpu.memory_space<hbm>> -> memref<128x64xf32, #tpu.memory_space<hbm>>
    tpu.wait_dma2 semaphore(%arg23 : memref<!tpu.dma_semaphore, #tpu.memory_space<semaphore_mem>>) src(%arg11 : memref<128x64xf32, #tpu.memory_space<vmem>>) dst(%dma_wait3A_143 : memref<128x64xf32, #tpu.memory_space<hbm>>)
    %dma_start3A_144 = arith.constant 1280 : i32
    %dma_start3A_145 = tpu.memref_slice %arg6[%dma_start3A_144] : memref<12800xi32, #tpu.memory_space<vmem>> -> memref<128xi32, #tpu.memory_space<vmem>>
    %dma_start3A_146 = arith.constant 0 : i32
    %dma_start3A_147 = arith.constant 0 : i32
    %dma_start3A_148 = tpu.memref_slice %arg5[%dma_start3A_146, %dma_start3A_147] : memref<9x64xf32, #tpu.memory_space<vmem_shared>> -> memref<9x64xf32, #tpu.memory_space<vmem_shared>>
    tpu.enqueue_indirect_dma source(%dma_start3A_148 : memref<9x64xf32, #tpu.memory_space<vmem_shared>>) target(%arg11 : memref<128x64xf32, #tpu.memory_space<vmem>>) offsets(%dma_start3A_145 : memref<128xi32, #tpu.memory_space<vmem>>) semaphore(%arg17 : memref<!tpu.dma_semaphore, #tpu.memory_space<semaphore_mem>>)
    %dma_wait3A_149 = arith.constant 768 : i32
    %dma_wait3A_150 = tpu.memref_slice %arg6[%dma_wait3A_149] : memref<12800xi32, #tpu.memory_space<vmem>> -> memref<128xi32, #tpu.memory_space<vmem>>
    %dma_wait3A_151 = arith.constant 0 : i32
    %dma_wait3A_152 = arith.constant 0 : i32
    %dma_wait3A_153 = tpu.memref_slice %arg5[%dma_wait3A_151, %dma_wait3A_152] : memref<9x64xf32, #tpu.memory_space<vmem_shared>> -> memref<9x64xf32, #tpu.memory_space<vmem_shared>>
    tpu.wait_indirect_dma semaphore(%arg13 : memref<!tpu.dma_semaphore, #tpu.memory_space<semaphore_mem>>) src(%dma_wait3A_153 : memref<9x64xf32, #tpu.memory_space<vmem_shared>>) dst(%arg7 : memref<128x64xf32, #tpu.memory_space<vmem>>)
    %add3A_154 = arith.constant 768 : i32
    %add3A_155 = arith.addi %mul3A_2, %add3A_154 : i32
    %dma_start3A_156 = arith.constant 0 : i32
    %dma_start3A_157 = tpu.memref_slice %arg4[%add3A_155, %dma_start3A_156] : memref<409600x64xf32, #tpu.memory_space<hbm>> -> memref<128x64xf32, #tpu.memory_space<hbm>>
    %dma_start3A_158 = arith.constant 0 : i32
    %dma_start3A_159 = tpu.memref_slice %arg4[%add3A_155, %dma_start3A_158] : memref<409600x64xf32, #tpu.memory_space<hbm>> -> memref<128x64xf32, #tpu.memory_space<hbm>>
    tpu.enqueue_dma source(%arg7 : memref<128x64xf32, #tpu.memory_space<vmem>>) target(%dma_start3A_159 : memref<128x64xf32, #tpu.memory_space<hbm>>) target_semaphore(%arg19 : memref<!tpu.dma_semaphore, #tpu.memory_space<semaphore_mem>>)
    %dma_wait3A_160 = arith.constant 0 : i32
    %dma_wait3A_161 = tpu.memref_slice %arg4[%add3A_135, %dma_wait3A_160] : memref<409600x64xf32, #tpu.memory_space<hbm>> -> memref<128x64xf32, #tpu.memory_space<hbm>>
    %dma_wait3A_162 = arith.constant 0 : i32
    %dma_wait3A_163 = tpu.memref_slice %arg4[%add3A_135, %dma_wait3A_162] : memref<409600x64xf32, #tpu.memory_space<hbm>> -> memref<128x64xf32, #tpu.memory_space<hbm>>
    tpu.wait_dma2 semaphore(%arg24 : memref<!tpu.dma_semaphore, #tpu.memory_space<semaphore_mem>>) src(%arg12 : memref<128x64xf32, #tpu.memory_space<vmem>>) dst(%dma_wait3A_163 : memref<128x64xf32, #tpu.memory_space<hbm>>)
    %dma_start3A_164 = arith.constant 1408 : i32
    %dma_start3A_165 = tpu.memref_slice %arg6[%dma_start3A_164] : memref<12800xi32, #tpu.memory_space<vmem>> -> memref<128xi32, #tpu.memory_space<vmem>>
    %dma_start3A_166 = arith.constant 0 : i32
    %dma_start3A_167 = arith.constant 0 : i32
    %dma_start3A_168 = tpu.memref_slice %arg5[%dma_start3A_166, %dma_start3A_167] : memref<9x64xf32, #tpu.memory_space<vmem_shared>> -> memref<9x64xf32, #tpu.memory_space<vmem_shared>>
    tpu.enqueue_indirect_dma source(%dma_start3A_168 : memref<9x64xf32, #tpu.memory_space<vmem_shared>>) target(%arg12 : memref<128x64xf32, #tpu.memory_space<vmem>>) offsets(%dma_start3A_165 : memref<128xi32, #tpu.memory_space<vmem>>) semaphore(%arg18 : memref<!tpu.dma_semaphore, #tpu.memory_space<semaphore_mem>>)
    %dma_wait3A_169 = arith.constant 896 : i32
    %dma_wait3A_170 = tpu.memref_slice %arg6[%dma_wait3A_169] : memref<12800xi32, #tpu.memory_space<vmem>> -> memref<128xi32, #tpu.memory_space<vmem>>
    %dma_wait3A_171 = arith.constant 0 : i32
    %dma_wait3A_172 = arith.constant 0 : i32
    %dma_wait3A_173 = tpu.memref_slice %arg5[%dma_wait3A_171, %dma_wait3A_172] : memref<9x64xf32, #tpu.memory_space<vmem_shared>> -> memref<9x64xf32, #tpu.memory_space<vmem_shared>>
    tpu.wait_indirect_dma semaphore(%arg14 : memref<!tpu.dma_semaphore, #tpu.memory_space<semaphore_mem>>) src(%dma_wait3A_173 : memref<9x64xf32, #tpu.memory_space<vmem_shared>>) dst(%arg8 : memref<128x64xf32, #tpu.memory_space<vmem>>)
    %add3A_174 = arith.constant 896 : i32
    %add3A_175 = arith.addi %mul3A_2, %add3A_174 : i32
    %dma_start3A_176 = arith.constant 0 : i32
    %dma_start3A_177 = tpu.memref_slice %arg4[%add3A_175, %dma_start3A_176] : memref<409600x64xf32, #tpu.memory_space<hbm>> -> memref<128x64xf32, #tpu.memory_space<hbm>>
    %dma_start3A_178 = arith.constant 0 : i32
    %dma_start3A_179 = tpu.memref_slice %arg4[%add3A_175, %dma_start3A_178] : memref<409600x64xf32, #tpu.memory_space<hbm>> -> memref<128x64xf32, #tpu.memory_space<hbm>>
    tpu.enqueue_dma source(%arg8 : memref<128x64xf32, #tpu.memory_space<vmem>>) target(%dma_start3A_179 : memref<128x64xf32, #tpu.memory_space<hbm>>) target_semaphore(%arg20 : memref<!tpu.dma_semaphore, #tpu.memory_space<semaphore_mem>>)
    %dma_wait3A_180 = arith.constant 0 : i32
    %dma_wait3A_181 = tpu.memref_slice %arg4[%add3A_155, %dma_wait3A_180] : memref<409600x64xf32, #tpu.memory_space<hbm>> -> memref<128x64xf32, #tpu.memory_space<hbm>>
    %dma_wait3A_182 = arith.constant 0 : i32
    %dma_wait3A_183 = tpu.memref_slice %arg4[%add3A_155, %dma_wait3A_182] : memref<409600x64xf32, #tpu.memory_space<hbm>> -> memref<128x64xf32, #tpu.memory_space<hbm>>
    tpu.wait_dma2 semaphore(%arg19 : memref<!tpu.dma_semaphore, #tpu.memory_space<semaphore_mem>>) src(%arg7 : memref<128x64xf32, #tpu.memory_space<vmem>>) dst(%dma_wait3A_183 : memref<128x64xf32, #tpu.memory_space<hbm>>)
    %dma_start3A_184 = arith.constant 1536 : i32
    %dma_start3A_185 = tpu.memref_slice %arg6[%dma_start3A_184] : memref<12800xi32, #tpu.memory_space<vmem>> -> memref<128xi32, #tpu.memory_space<vmem>>
    %dma_start3A_186 = arith.constant 0 : i32
    %dma_start3A_187 = arith.constant 0 : i32
    %dma_start3A_188 = tpu.memref_slice %arg5[%dma_start3A_186, %dma_start3A_187] : memref<9x64xf32, #tpu.memory_space<vmem_shared>> -> memref<9x64xf32, #tpu.memory_space<vmem_shared>>
    tpu.enqueue_indirect_dma source(%dma_start3A_188 : memref<9x64xf32, #tpu.memory_space<vmem_shared>>) target(%arg7 : memref<128x64xf32, #tpu.memory_space<vmem>>) offsets(%dma_start3A_185 : memref<128xi32, #tpu.memory_space<vmem>>) semaphore(%arg13 : memref<!tpu.dma_semaphore, #tpu.memory_space<semaphore_mem>>)
    %dma_wait3A_189 = arith.constant 1024 : i32
    %dma_wait3A_190 = tpu.memref_slice %arg6[%dma_wait3A_189] : memref<12800xi32, #tpu.memory_space<vmem>> -> memref<128xi32, #tpu.memory_space<vmem>>
    %dma_wait3A_191 = arith.constant 0 : i32
    %dma_wait3A_192 = arith.constant 0 : i32
    %dma_wait3A_193 = tpu.memref_slice %arg5[%dma_wait3A_191, %dma_wait3A_192] : memref<9x64xf32, #tpu.memory_space<vmem_shared>> -> memref<9x64xf32, #tpu.memory_space<vmem_shared>>
    tpu.wait_indirect_dma semaphore(%arg15 : memref<!tpu.dma_semaphore, #tpu.memory_space<semaphore_mem>>) src(%dma_wait3A_193 : memref<9x64xf32, #tpu.memory_space<vmem_shared>>) dst(%arg9 : memref<128x64xf32, #tpu.memory_space<vmem>>)
    %add3A_194 = arith.constant 1024 : i32
    %add3A_195 = arith.addi %mul3A_2, %add3A_194 : i32
    %dma_start3A_196 = arith.constant 0 : i32
    %dma_start3A_197 = tpu.memref_slice %arg4[%add3A_195, %dma_start3A_196] : memref<409600x64xf32, #tpu.memory_space<hbm>> -> memref<128x64xf32, #tpu.memory_space<hbm>>
    %dma_start3A_198 = arith.constant 0 : i32
    %dma_start3A_199 = tpu.memref_slice %arg4[%add3A_195, %dma_start3A_198] : memref<409600x64xf32, #tpu.memory_space<hbm>> -> memref<128x64xf32, #tpu.memory_space<hbm>>
    tpu.enqueue_dma source(%arg9 : memref<128x64xf32, #tpu.memory_space<vmem>>) target(%dma_start3A_199 : memref<128x64xf32, #tpu.memory_space<hbm>>) target_semaphore(%arg21 : memref<!tpu.dma_semaphore, #tpu.memory_space<semaphore_mem>>)
    %dma_wait3A_200 = arith.constant 0 : i32
    %dma_wait3A_201 = tpu.memref_slice %arg4[%add3A_175, %dma_wait3A_200] : memref<409600x64xf32, #tpu.memory_space<hbm>> -> memref<128x64xf32, #tpu.memory_space<hbm>>
    %dma_wait3A_202 = arith.constant 0 : i32
    %dma_wait3A_203 = tpu.memref_slice %arg4[%add3A_175, %dma_wait3A_202] : memref<409600x64xf32, #tpu.memory_space<hbm>> -> memref<128x64xf32, #tpu.memory_space<hbm>>
    tpu.wait_dma2 semaphore(%arg20 : memref<!tpu.dma_semaphore, #tpu.memory_space<semaphore_mem>>) src(%arg8 : memref<128x64xf32, #tpu.memory_space<vmem>>) dst(%dma_wait3A_203 : memref<128x64xf32, #tpu.memory_space<hbm>>)
    %dma_start3A_204 = arith.constant 1664 : i32
    %dma_start3A_205 = tpu.memref_slice %arg6[%dma_start3A_204] : memref<12800xi32, #tpu.memory_space<vmem>> -> memref<128xi32, #tpu.memory_space<vmem>>
    %dma_start3A_206 = arith.constant 0 : i32
    %dma_start3A_207 = arith.constant 0 : i32
    %dma_start3A_208 = tpu.memref_slice %arg5[%dma_start3A_206, %dma_start3A_207] : memref<9x64xf32, #tpu.memory_space<vmem_shared>> -> memref<9x64xf32, #tpu.memory_space<vmem_shared>>
    tpu.enqueue_indirect_dma source(%dma_start3A_208 : memref<9x64xf32, #tpu.memory_space<vmem_shared>>) target(%arg8 : memref<128x64xf32, #tpu.memory_space<vmem>>) offsets(%dma_start3A_205 : memref<128xi32, #tpu.memory_space<vmem>>) semaphore(%arg14 : memref<!tpu.dma_semaphore, #tpu.memory_space<semaphore_mem>>)
    %dma_wait3A_209 = arith.constant 1152 : i32
    %dma_wait3A_210 = tpu.memref_slice %arg6[%dma_wait3A_209] : memref<12800xi32, #tpu.memory_space<vmem>> -> memref<128xi32, #tpu.memory_space<vmem>>
    %dma_wait3A_211 = arith.constant 0 : i32
    %dma_wait3A_212 = arith.constant 0 : i32
    %dma_wait3A_213 = tpu.memref_slice %arg5[%dma_wait3A_211, %dma_wait3A_212] : memref<9x64xf32, #tpu.memory_space<vmem_shared>> -> memref<9x64xf32, #tpu.memory_space<vmem_shared>>
    tpu.wait_indirect_dma semaphore(%arg16 : memref<!tpu.dma_semaphore, #tpu.memory_space<semaphore_mem>>) src(%dma_wait3A_213 : memref<9x64xf32, #tpu.memory_space<vmem_shared>>) dst(%arg10 : memref<128x64xf32, #tpu.memory_space<vmem>>)
    %add3A_214 = arith.constant 1152 : i32
    %add3A_215 = arith.addi %mul3A_2, %add3A_214 : i32
    %dma_start3A_216 = arith.constant 0 : i32
    %dma_start3A_217 = tpu.memref_slice %arg4[%add3A_215, %dma_start3A_216] : memref<409600x64xf32, #tpu.memory_space<hbm>> -> memref<128x64xf32, #tpu.memory_space<hbm>>
    %dma_start3A_218 = arith.constant 0 : i32
    %dma_start3A_219 = tpu.memref_slice %arg4[%add3A_215, %dma_start3A_218] : memref<409600x64xf32, #tpu.memory_space<hbm>> -> memref<128x64xf32, #tpu.memory_space<hbm>>
    tpu.enqueue_dma source(%arg10 : memref<128x64xf32, #tpu.memory_space<vmem>>) target(%dma_start3A_219 : memref<128x64xf32, #tpu.memory_space<hbm>>) target_semaphore(%arg22 : memref<!tpu.dma_semaphore, #tpu.memory_space<semaphore_mem>>)
    %dma_wait3A_220 = arith.constant 0 : i32
    %dma_wait3A_221 = tpu.memref_slice %arg4[%add3A_195, %dma_wait3A_220] : memref<409600x64xf32, #tpu.memory_space<hbm>> -> memref<128x64xf32, #tpu.memory_space<hbm>>
    %dma_wait3A_222 = arith.constant 0 : i32
    %dma_wait3A_223 = tpu.memref_slice %arg4[%add3A_195, %dma_wait3A_222] : memref<409600x64xf32, #tpu.memory_space<hbm>> -> memref<128x64xf32, #tpu.memory_space<hbm>>
    tpu.wait_dma2 semaphore(%arg21 : memref<!tpu.dma_semaphore, #tpu.memory_space<semaphore_mem>>) src(%arg9 : memref<128x64xf32, #tpu.memory_space<vmem>>) dst(%dma_wait3A_223 : memref<128x64xf32, #tpu.memory_space<hbm>>)
    %dma_start3A_224 = arith.constant 1792 : i32
    %dma_start3A_225 = tpu.memref_slice %arg6[%dma_start3A_224] : memref<12800xi32, #tpu.memory_space<vmem>> -> memref<128xi32, #tpu.memory_space<vmem>>
    %dma_start3A_226 = arith.constant 0 : i32
    %dma_start3A_227 = arith.constant 0 : i32
    %dma_start3A_228 = tpu.memref_slice %arg5[%dma_start3A_226, %dma_start3A_227] : memref<9x64xf32, #tpu.memory_space<vmem_shared>> -> memref<9x64xf32, #tpu.memory_space<vmem_shared>>
    tpu.enqueue_indirect_dma source(%dma_start3A_228 : memref<9x64xf32, #tpu.memory_space<vmem_shared>>) target(%arg9 : memref<128x64xf32, #tpu.memory_space<vmem>>) offsets(%dma_start3A_225 : memref<128xi32, #tpu.memory_space<vmem>>) semaphore(%arg15 : memref<!tpu.dma_semaphore, #tpu.memory_space<semaphore_mem>>)
    %dma_wait3A_229 = arith.constant 1280 : i32
    %dma_wait3A_230 = tpu.memref_slice %arg6[%dma_wait3A_229] : memref<12800xi32, #tpu.memory_space<vmem>> -> memref<128xi32, #tpu.memory_space<vmem>>
    %dma_wait3A_231 = arith.constant 0 : i32
    %dma_wait3A_232 = arith.constant 0 : i32
    %dma_wait3A_233 = tpu.memref_slice %arg5[%dma_wait3A_231, %dma_wait3A_232] : memref<9x64xf32, #tpu.memory_space<vmem_shared>> -> memref<9x64xf32, #tpu.memory_space<vmem_shared>>
    tpu.wait_indirect_dma semaphore(%arg17 : memref<!tpu.dma_semaphore, #tpu.memory_space<semaphore_mem>>) src(%dma_wait3A_233 : memref<9x64xf32, #tpu.memory_space<vmem_shared>>) dst(%arg11 : memref<128x64xf32, #tpu.memory_space<vmem>>)
    %add3A_234 = arith.constant 1280 : i32
    %add3A_235 = arith.addi %mul3A_2, %add3A_234 : i32
    %dma_start3A_236 = arith.constant 0 : i32
    %dma_start3A_237 = tpu.memref_slice %arg4[%add3A_235, %dma_start3A_236] : memref<409600x64xf32, #tpu.memory_space<hbm>> -> memref<128x64xf32, #tpu.memory_space<hbm>>
    %dma_start3A_238 = arith.constant 0 : i32
    %dma_start3A_239 = tpu.memref_slice %arg4[%add3A_235, %dma_start3A_238] : memref<409600x64xf32, #tpu.memory_space<hbm>> -> memref<128x64xf32, #tpu.memory_space<hbm>>
    tpu.enqueue_dma source(%arg11 : memref<128x64xf32, #tpu.memory_space<vmem>>) target(%dma_start3A_239 : memref<128x64xf32, #tpu.memory_space<hbm>>) target_semaphore(%arg23 : memref<!tpu.dma_semaphore, #tpu.memory_space<semaphore_mem>>)
    %dma_wait3A_240 = arith.constant 0 : i32
    %dma_wait3A_241 = tpu.memref_slice %arg4[%add3A_215, %dma_wait3A_240] : memref<409600x64xf32, #tpu.memory_space<hbm>> -> memref<128x64xf32, #tpu.memory_space<hbm>>
    %dma_wait3A_242 = arith.constant 0 : i32
    %dma_wait3A_243 = tpu.memref_slice %arg4[%add3A_215, %dma_wait3A_242] : memref<409600x64xf32, #tpu.memory_space<hbm>> -> memref<128x64xf32, #tpu.memory_space<hbm>>
    tpu.wait_dma2 semaphore(%arg22 : memref<!tpu.dma_semaphore, #tpu.memory_space<semaphore_mem>>) src(%arg10 : memref<128x64xf32, #tpu.memory_space<vmem>>) dst(%dma_wait3A_243 : memref<128x64xf32, #tpu.memory_space<hbm>>)
    %dma_start3A_244 = arith.constant 1920 : i32
    %dma_start3A_245 = tpu.memref_slice %arg6[%dma_start3A_244] : memref<12800xi32, #tpu.memory_space<vmem>> -> memref<128xi32, #tpu.memory_space<vmem>>
    %dma_start3A_246 = arith.constant 0 : i32
    %dma_start3A_247 = arith.constant 0 : i32
    %dma_start3A_248 = tpu.memref_slice %arg5[%dma_start3A_246, %dma_start3A_247] : memref<9x64xf32, #tpu.memory_space<vmem_shared>> -> memref<9x64xf32, #tpu.memory_space<vmem_shared>>
    tpu.enqueue_indirect_dma source(%dma_start3A_248 : memref<9x64xf32, #tpu.memory_space<vmem_shared>>) target(%arg10 : memref<128x64xf32, #tpu.memory_space<vmem>>) offsets(%dma_start3A_245 : memref<128xi32, #tpu.memory_space<vmem>>) semaphore(%arg16 : memref<!tpu.dma_semaphore, #tpu.memory_space<semaphore_mem>>)
    %dma_wait3A_249 = arith.constant 1408 : i32
    %dma_wait3A_250 = tpu.memref_slice %arg6[%dma_wait3A_249] : memref<12800xi32, #tpu.memory_space<vmem>> -> memref<128xi32, #tpu.memory_space<vmem>>
    %dma_wait3A_251 = arith.constant 0 : i32
    %dma_wait3A_252 = arith.constant 0 : i32
    %dma_wait3A_253 = tpu.memref_slice %arg5[%dma_wait3A_251, %dma_wait3A_252] : memref<9x64xf32, #tpu.memory_space<vmem_shared>> -> memref<9x64xf32, #tpu.memory_space<vmem_shared>>
    tpu.wait_indirect_dma semaphore(%arg18 : memref<!tpu.dma_semaphore, #tpu.memory_space<semaphore_mem>>) src(%dma_wait3A_253 : memref<9x64xf32, #tpu.memory_space<vmem_shared>>) dst(%arg12 : memref<128x64xf32, #tpu.memory_space<vmem>>)
    %add3A_254 = arith.constant 1408 : i32
    %add3A_255 = arith.addi %mul3A_2, %add3A_254 : i32
    %dma_start3A_256 = arith.constant 0 : i32
    %dma_start3A_257 = tpu.memref_slice %arg4[%add3A_255, %dma_start3A_256] : memref<409600x64xf32, #tpu.memory_space<hbm>> -> memref<128x64xf32, #tpu.memory_space<hbm>>
    %dma_start3A_258 = arith.constant 0 : i32
    %dma_start3A_259 = tpu.memref_slice %arg4[%add3A_255, %dma_start3A_258] : memref<409600x64xf32, #tpu.memory_space<hbm>> -> memref<128x64xf32, #tpu.memory_space<hbm>>
    tpu.enqueue_dma source(%arg12 : memref<128x64xf32, #tpu.memory_space<vmem>>) target(%dma_start3A_259 : memref<128x64xf32, #tpu.memory_space<hbm>>) target_semaphore(%arg24 : memref<!tpu.dma_semaphore, #tpu.memory_space<semaphore_mem>>)
    %dma_wait3A_260 = arith.constant 0 : i32
    %dma_wait3A_261 = tpu.memref_slice %arg4[%add3A_235, %dma_wait3A_260] : memref<409600x64xf32, #tpu.memory_space<hbm>> -> memref<128x64xf32, #tpu.memory_space<hbm>>
    %dma_wait3A_262 = arith.constant 0 : i32
    %dma_wait3A_263 = tpu.memref_slice %arg4[%add3A_235, %dma_wait3A_262] : memref<409600x64xf32, #tpu.memory_space<hbm>> -> memref<128x64xf32, #tpu.memory_space<hbm>>
    tpu.wait_dma2 semaphore(%arg23 : memref<!tpu.dma_semaphore, #tpu.memory_space<semaphore_mem>>) src(%arg11 : memref<128x64xf32, #tpu.memory_space<vmem>>) dst(%dma_wait3A_263 : memref<128x64xf32, #tpu.memory_space<hbm>>)
    %dma_start3A_264 = arith.constant 2048 : i32
    %dma_start3A_265 = tpu.memref_slice %arg6[%dma_start3A_264] : memref<12800xi32, #tpu.memory_space<vmem>> -> memref<128xi32, #tpu.memory_space<vmem>>
    %dma_start3A_266 = arith.constant 0 : i32
    %dma_start3A_267 = arith.constant 0 : i32
    %dma_start3A_268 = tpu.memref_slice %arg5[%dma_start3A_266, %dma_start3A_267] : memref<9x64xf32, #tpu.memory_space<vmem_shared>> -> memref<9x64xf32, #tpu.memory_space<vmem_shared>>
    tpu.enqueue_indirect_dma source(%dma_start3A_268 : memref<9x64xf32, #tpu.memory_space<vmem_shared>>) target(%arg11 : memref<128x64xf32, #tpu.memory_space<vmem>>) offsets(%dma_start3A_265 : memref<128xi32, #tpu.memory_space<vmem>>) semaphore(%arg17 : memref<!tpu.dma_semaphore, #tpu.memory_space<semaphore_mem>>)
    %dma_wait3A_269 = arith.constant 1536 : i32
    %dma_wait3A_270 = tpu.memref_slice %arg6[%dma_wait3A_269] : memref<12800xi32, #tpu.memory_space<vmem>> -> memref<128xi32, #tpu.memory_space<vmem>>
    %dma_wait3A_271 = arith.constant 0 : i32
    %dma_wait3A_272 = arith.constant 0 : i32
    %dma_wait3A_273 = tpu.memref_slice %arg5[%dma_wait3A_271, %dma_wait3A_272] : memref<9x64xf32, #tpu.memory_space<vmem_shared>> -> memref<9x64xf32, #tpu.memory_space<vmem_shared>>
    tpu.wait_indirect_dma semaphore(%arg13 : memref<!tpu.dma_semaphore, #tpu.memory_space<semaphore_mem>>) src(%dma_wait3A_273 : memref<9x64xf32, #tpu.memory_space<vmem_shared>>) dst(%arg7 : memref<128x64xf32, #tpu.memory_space<vmem>>)
    %add3A_274 = arith.constant 1536 : i32
    %add3A_275 = arith.addi %mul3A_2, %add3A_274 : i32
    %dma_start3A_276 = arith.constant 0 : i32
    %dma_start3A_277 = tpu.memref_slice %arg4[%add3A_275, %dma_start3A_276] : memref<409600x64xf32, #tpu.memory_space<hbm>> -> memref<128x64xf32, #tpu.memory_space<hbm>>
    %dma_start3A_278 = arith.constant 0 : i32
    %dma_start3A_279 = tpu.memref_slice %arg4[%add3A_275, %dma_start3A_278] : memref<409600x64xf32, #tpu.memory_space<hbm>> -> memref<128x64xf32, #tpu.memory_space<hbm>>
    tpu.enqueue_dma source(%arg7 : memref<128x64xf32, #tpu.memory_space<vmem>>) target(%dma_start3A_279 : memref<128x64xf32, #tpu.memory_space<hbm>>) target_semaphore(%arg19 : memref<!tpu.dma_semaphore, #tpu.memory_space<semaphore_mem>>)
    %dma_wait3A_280 = arith.constant 0 : i32
    %dma_wait3A_281 = tpu.memref_slice %arg4[%add3A_255, %dma_wait3A_280] : memref<409600x64xf32, #tpu.memory_space<hbm>> -> memref<128x64xf32, #tpu.memory_space<hbm>>
    %dma_wait3A_282 = arith.constant 0 : i32
    %dma_wait3A_283 = tpu.memref_slice %arg4[%add3A_255, %dma_wait3A_282] : memref<409600x64xf32, #tpu.memory_space<hbm>> -> memref<128x64xf32, #tpu.memory_space<hbm>>
    tpu.wait_dma2 semaphore(%arg24 : memref<!tpu.dma_semaphore, #tpu.memory_space<semaphore_mem>>) src(%arg12 : memref<128x64xf32, #tpu.memory_space<vmem>>) dst(%dma_wait3A_283 : memref<128x64xf32, #tpu.memory_space<hbm>>)
    %dma_start3A_284 = arith.constant 2176 : i32
    %dma_start3A_285 = tpu.memref_slice %arg6[%dma_start3A_284] : memref<12800xi32, #tpu.memory_space<vmem>> -> memref<128xi32, #tpu.memory_space<vmem>>
    %dma_start3A_286 = arith.constant 0 : i32
    %dma_start3A_287 = arith.constant 0 : i32
    %dma_start3A_288 = tpu.memref_slice %arg5[%dma_start3A_286, %dma_start3A_287] : memref<9x64xf32, #tpu.memory_space<vmem_shared>> -> memref<9x64xf32, #tpu.memory_space<vmem_shared>>
    tpu.enqueue_indirect_dma source(%dma_start3A_288 : memref<9x64xf32, #tpu.memory_space<vmem_shared>>) target(%arg12 : memref<128x64xf32, #tpu.memory_space<vmem>>) offsets(%dma_start3A_285 : memref<128xi32, #tpu.memory_space<vmem>>) semaphore(%arg18 : memref<!tpu.dma_semaphore, #tpu.memory_space<semaphore_mem>>)
    %dma_wait3A_289 = arith.constant 1664 : i32
    %dma_wait3A_290 = tpu.memref_slice %arg6[%dma_wait3A_289] : memref<12800xi32, #tpu.memory_space<vmem>> -> memref<128xi32, #tpu.memory_space<vmem>>
    %dma_wait3A_291 = arith.constant 0 : i32
    %dma_wait3A_292 = arith.constant 0 : i32
    %dma_wait3A_293 = tpu.memref_slice %arg5[%dma_wait3A_291, %dma_wait3A_292] : memref<9x64xf32, #tpu.memory_space<vmem_shared>> -> memref<9x64xf32, #tpu.memory_space<vmem_shared>>
    tpu.wait_indirect_dma semaphore(%arg14 : memref<!tpu.dma_semaphore, #tpu.memory_space<semaphore_mem>>) src(%dma_wait3A_293 : memref<9x64xf32, #tpu.memory_space<vmem_shared>>) dst(%arg8 : memref<128x64xf32, #tpu.memory_space<vmem>>)
    %add3A_294 = arith.constant 1664 : i32
    %add3A_295 = arith.addi %mul3A_2, %add3A_294 : i32
    %dma_start3A_296 = arith.constant 0 : i32
    %dma_start3A_297 = tpu.memref_slice %arg4[%add3A_295, %dma_start3A_296] : memref<409600x64xf32, #tpu.memory_space<hbm>> -> memref<128x64xf32, #tpu.memory_space<hbm>>
    %dma_start3A_298 = arith.constant 0 : i32
    %dma_start3A_299 = tpu.memref_slice %arg4[%add3A_295, %dma_start3A_298] : memref<409600x64xf32, #tpu.memory_space<hbm>> -> memref<128x64xf32, #tpu.memory_space<hbm>>
    tpu.enqueue_dma source(%arg8 : memref<128x64xf32, #tpu.memory_space<vmem>>) target(%dma_start3A_299 : memref<128x64xf32, #tpu.memory_space<hbm>>) target_semaphore(%arg20 : memref<!tpu.dma_semaphore, #tpu.memory_space<semaphore_mem>>)
    %dma_wait3A_300 = arith.constant 0 : i32
    %dma_wait3A_301 = tpu.memref_slice %arg4[%add3A_275, %dma_wait3A_300] : memref<409600x64xf32, #tpu.memory_space<hbm>> -> memref<128x64xf32, #tpu.memory_space<hbm>>
    %dma_wait3A_302 = arith.constant 0 : i32
    %dma_wait3A_303 = tpu.memref_slice %arg4[%add3A_275, %dma_wait3A_302] : memref<409600x64xf32, #tpu.memory_space<hbm>> -> memref<128x64xf32, #tpu.memory_space<hbm>>
    tpu.wait_dma2 semaphore(%arg19 : memref<!tpu.dma_semaphore, #tpu.memory_space<semaphore_mem>>) src(%arg7 : memref<128x64xf32, #tpu.memory_space<vmem>>) dst(%dma_wait3A_303 : memref<128x64xf32, #tpu.memory_space<hbm>>)
    %dma_start3A_304 = arith.constant 2304 : i32
    %dma_start3A_305 = tpu.memref_slice %arg6[%dma_start3A_304] : memref<12800xi32, #tpu.memory_space<vmem>> -> memref<128xi32, #tpu.memory_space<vmem>>
    %dma_start3A_306 = arith.constant 0 : i32
    %dma_start3A_307 = arith.constant 0 : i32
    %dma_start3A_308 = tpu.memref_slice %arg5[%dma_start3A_306, %dma_start3A_307] : memref<9x64xf32, #tpu.memory_space<vmem_shared>> -> memref<9x64xf32, #tpu.memory_space<vmem_shared>>
    tpu.enqueue_indirect_dma source(%dma_start3A_308 : memref<9x64xf32, #tpu.memory_space<vmem_shared>>) target(%arg7 : memref<128x64xf32, #tpu.memory_space<vmem>>) offsets(%dma_start3A_305 : memref<128xi32, #tpu.memory_space<vmem>>) semaphore(%arg13 : memref<!tpu.dma_semaphore, #tpu.memory_space<semaphore_mem>>)
    %dma_wait3A_309 = arith.constant 1792 : i32
    %dma_wait3A_310 = tpu.memref_slice %arg6[%dma_wait3A_309] : memref<12800xi32, #tpu.memory_space<vmem>> -> memref<128xi32, #tpu.memory_space<vmem>>
    %dma_wait3A_311 = arith.constant 0 : i32
    %dma_wait3A_312 = arith.constant 0 : i32
    %dma_wait3A_313 = tpu.memref_slice %arg5[%dma_wait3A_311, %dma_wait3A_312] : memref<9x64xf32, #tpu.memory_space<vmem_shared>> -> memref<9x64xf32, #tpu.memory_space<vmem_shared>>
    tpu.wait_indirect_dma semaphore(%arg15 : memref<!tpu.dma_semaphore, #tpu.memory_space<semaphore_mem>>) src(%dma_wait3A_313 : memref<9x64xf32, #tpu.memory_space<vmem_shared>>) dst(%arg9 : memref<128x64xf32, #tpu.memory_space<vmem>>)
    %add3A_314 = arith.constant 1792 : i32
    %add3A_315 = arith.addi %mul3A_2, %add3A_314 : i32
    %dma_start3A_316 = arith.constant 0 : i32
    %dma_start3A_317 = tpu.memref_slice %arg4[%add3A_315, %dma_start3A_316] : memref<409600x64xf32, #tpu.memory_space<hbm>> -> memref<128x64xf32, #tpu.memory_space<hbm>>
    %dma_start3A_318 = arith.constant 0 : i32
    %dma_start3A_319 = tpu.memref_slice %arg4[%add3A_315, %dma_start3A_318] : memref<409600x64xf32, #tpu.memory_space<hbm>> -> memref<128x64xf32, #tpu.memory_space<hbm>>
    tpu.enqueue_dma source(%arg9 : memref<128x64xf32, #tpu.memory_space<vmem>>) target(%dma_start3A_319 : memref<128x64xf32, #tpu.memory_space<hbm>>) target_semaphore(%arg21 : memref<!tpu.dma_semaphore, #tpu.memory_space<semaphore_mem>>)
    %dma_wait3A_320 = arith.constant 0 : i32
    %dma_wait3A_321 = tpu.memref_slice %arg4[%add3A_295, %dma_wait3A_320] : memref<409600x64xf32, #tpu.memory_space<hbm>> -> memref<128x64xf32, #tpu.memory_space<hbm>>
    %dma_wait3A_322 = arith.constant 0 : i32
    %dma_wait3A_323 = tpu.memref_slice %arg4[%add3A_295, %dma_wait3A_322] : memref<409600x64xf32, #tpu.memory_space<hbm>> -> memref<128x64xf32, #tpu.memory_space<hbm>>
    tpu.wait_dma2 semaphore(%arg20 : memref<!tpu.dma_semaphore, #tpu.memory_space<semaphore_mem>>) src(%arg8 : memref<128x64xf32, #tpu.memory_space<vmem>>) dst(%dma_wait3A_323 : memref<128x64xf32, #tpu.memory_space<hbm>>)
    %dma_start3A_324 = arith.constant 2432 : i32
    %dma_start3A_325 = tpu.memref_slice %arg6[%dma_start3A_324] : memref<12800xi32, #tpu.memory_space<vmem>> -> memref<128xi32, #tpu.memory_space<vmem>>
    %dma_start3A_326 = arith.constant 0 : i32
    %dma_start3A_327 = arith.constant 0 : i32
    %dma_start3A_328 = tpu.memref_slice %arg5[%dma_start3A_326, %dma_start3A_327] : memref<9x64xf32, #tpu.memory_space<vmem_shared>> -> memref<9x64xf32, #tpu.memory_space<vmem_shared>>
    tpu.enqueue_indirect_dma source(%dma_start3A_328 : memref<9x64xf32, #tpu.memory_space<vmem_shared>>) target(%arg8 : memref<128x64xf32, #tpu.memory_space<vmem>>) offsets(%dma_start3A_325 : memref<128xi32, #tpu.memory_space<vmem>>) semaphore(%arg14 : memref<!tpu.dma_semaphore, #tpu.memory_space<semaphore_mem>>)
    %dma_wait3A_329 = arith.constant 1920 : i32
    %dma_wait3A_330 = tpu.memref_slice %arg6[%dma_wait3A_329] : memref<12800xi32, #tpu.memory_space<vmem>> -> memref<128xi32, #tpu.memory_space<vmem>>
    %dma_wait3A_331 = arith.constant 0 : i32
    %dma_wait3A_332 = arith.constant 0 : i32
    %dma_wait3A_333 = tpu.memref_slice %arg5[%dma_wait3A_331, %dma_wait3A_332] : memref<9x64xf32, #tpu.memory_space<vmem_shared>> -> memref<9x64xf32, #tpu.memory_space<vmem_shared>>
    tpu.wait_indirect_dma semaphore(%arg16 : memref<!tpu.dma_semaphore, #tpu.memory_space<semaphore_mem>>) src(%dma_wait3A_333 : memref<9x64xf32, #tpu.memory_space<vmem_shared>>) dst(%arg10 : memref<128x64xf32, #tpu.memory_space<vmem>>)
    %add3A_334 = arith.constant 1920 : i32
    %add3A_335 = arith.addi %mul3A_2, %add3A_334 : i32
    %dma_start3A_336 = arith.constant 0 : i32
    %dma_start3A_337 = tpu.memref_slice %arg4[%add3A_335, %dma_start3A_336] : memref<409600x64xf32, #tpu.memory_space<hbm>> -> memref<128x64xf32, #tpu.memory_space<hbm>>
    %dma_start3A_338 = arith.constant 0 : i32
    %dma_start3A_339 = tpu.memref_slice %arg4[%add3A_335, %dma_start3A_338] : memref<409600x64xf32, #tpu.memory_space<hbm>> -> memref<128x64xf32, #tpu.memory_space<hbm>>
    tpu.enqueue_dma source(%arg10 : memref<128x64xf32, #tpu.memory_space<vmem>>) target(%dma_start3A_339 : memref<128x64xf32, #tpu.memory_space<hbm>>) target_semaphore(%arg22 : memref<!tpu.dma_semaphore, #tpu.memory_space<semaphore_mem>>)
    %dma_wait3A_340 = arith.constant 0 : i32
    %dma_wait3A_341 = tpu.memref_slice %arg4[%add3A_315, %dma_wait3A_340] : memref<409600x64xf32, #tpu.memory_space<hbm>> -> memref<128x64xf32, #tpu.memory_space<hbm>>
    %dma_wait3A_342 = arith.constant 0 : i32
    %dma_wait3A_343 = tpu.memref_slice %arg4[%add3A_315, %dma_wait3A_342] : memref<409600x64xf32, #tpu.memory_space<hbm>> -> memref<128x64xf32, #tpu.memory_space<hbm>>
    tpu.wait_dma2 semaphore(%arg21 : memref<!tpu.dma_semaphore, #tpu.memory_space<semaphore_mem>>) src(%arg9 : memref<128x64xf32, #tpu.memory_space<vmem>>) dst(%dma_wait3A_343 : memref<128x64xf32, #tpu.memory_space<hbm>>)
    %dma_start3A_344 = arith.constant 2560 : i32
    %dma_start3A_345 = tpu.memref_slice %arg6[%dma_start3A_344] : memref<12800xi32, #tpu.memory_space<vmem>> -> memref<128xi32, #tpu.memory_space<vmem>>
    %dma_start3A_346 = arith.constant 0 : i32
    %dma_start3A_347 = arith.constant 0 : i32
    %dma_start3A_348 = tpu.memref_slice %arg5[%dma_start3A_346, %dma_start3A_347] : memref<9x64xf32, #tpu.memory_space<vmem_shared>> -> memref<9x64xf32, #tpu.memory_space<vmem_shared>>
    tpu.enqueue_indirect_dma source(%dma_start3A_348 : memref<9x64xf32, #tpu.memory_space<vmem_shared>>) target(%arg9 : memref<128x64xf32, #tpu.memory_space<vmem>>) offsets(%dma_start3A_345 : memref<128xi32, #tpu.memory_space<vmem>>) semaphore(%arg15 : memref<!tpu.dma_semaphore, #tpu.memory_space<semaphore_mem>>)
    %dma_wait3A_349 = arith.constant 2048 : i32
    %dma_wait3A_350 = tpu.memref_slice %arg6[%dma_wait3A_349] : memref<12800xi32, #tpu.memory_space<vmem>> -> memref<128xi32, #tpu.memory_space<vmem>>
    %dma_wait3A_351 = arith.constant 0 : i32
    %dma_wait3A_352 = arith.constant 0 : i32
    %dma_wait3A_353 = tpu.memref_slice %arg5[%dma_wait3A_351, %dma_wait3A_352] : memref<9x64xf32, #tpu.memory_space<vmem_shared>> -> memref<9x64xf32, #tpu.memory_space<vmem_shared>>
    tpu.wait_indirect_dma semaphore(%arg17 : memref<!tpu.dma_semaphore, #tpu.memory_space<semaphore_mem>>) src(%dma_wait3A_353 : memref<9x64xf32, #tpu.memory_space<vmem_shared>>) dst(%arg11 : memref<128x64xf32, #tpu.memory_space<vmem>>)
    %add3A_354 = arith.constant 2048 : i32
    %add3A_355 = arith.addi %mul3A_2, %add3A_354 : i32
    %dma_start3A_356 = arith.constant 0 : i32
    %dma_start3A_357 = tpu.memref_slice %arg4[%add3A_355, %dma_start3A_356] : memref<409600x64xf32, #tpu.memory_space<hbm>> -> memref<128x64xf32, #tpu.memory_space<hbm>>
    %dma_start3A_358 = arith.constant 0 : i32
    %dma_start3A_359 = tpu.memref_slice %arg4[%add3A_355, %dma_start3A_358] : memref<409600x64xf32, #tpu.memory_space<hbm>> -> memref<128x64xf32, #tpu.memory_space<hbm>>
    tpu.enqueue_dma source(%arg11 : memref<128x64xf32, #tpu.memory_space<vmem>>) target(%dma_start3A_359 : memref<128x64xf32, #tpu.memory_space<hbm>>) target_semaphore(%arg23 : memref<!tpu.dma_semaphore, #tpu.memory_space<semaphore_mem>>)
    %dma_wait3A_360 = arith.constant 0 : i32
    %dma_wait3A_361 = tpu.memref_slice %arg4[%add3A_335, %dma_wait3A_360] : memref<409600x64xf32, #tpu.memory_space<hbm>> -> memref<128x64xf32, #tpu.memory_space<hbm>>
    %dma_wait3A_362 = arith.constant 0 : i32
    %dma_wait3A_363 = tpu.memref_slice %arg4[%add3A_335, %dma_wait3A_362] : memref<409600x64xf32, #tpu.memory_space<hbm>> -> memref<128x64xf32, #tpu.memory_space<hbm>>
    tpu.wait_dma2 semaphore(%arg22 : memref<!tpu.dma_semaphore, #tpu.memory_space<semaphore_mem>>) src(%arg10 : memref<128x64xf32, #tpu.memory_space<vmem>>) dst(%dma_wait3A_363 : memref<128x64xf32, #tpu.memory_space<hbm>>)
    %dma_start3A_364 = arith.constant 2688 : i32
    %dma_start3A_365 = tpu.memref_slice %arg6[%dma_start3A_364] : memref<12800xi32, #tpu.memory_space<vmem>> -> memref<128xi32, #tpu.memory_space<vmem>>
    %dma_start3A_366 = arith.constant 0 : i32
    %dma_start3A_367 = arith.constant 0 : i32
    %dma_start3A_368 = tpu.memref_slice %arg5[%dma_start3A_366, %dma_start3A_367] : memref<9x64xf32, #tpu.memory_space<vmem_shared>> -> memref<9x64xf32, #tpu.memory_space<vmem_shared>>
    tpu.enqueue_indirect_dma source(%dma_start3A_368 : memref<9x64xf32, #tpu.memory_space<vmem_shared>>) target(%arg10 : memref<128x64xf32, #tpu.memory_space<vmem>>) offsets(%dma_start3A_365 : memref<128xi32, #tpu.memory_space<vmem>>) semaphore(%arg16 : memref<!tpu.dma_semaphore, #tpu.memory_space<semaphore_mem>>)
    %dma_wait3A_369 = arith.constant 2176 : i32
    %dma_wait3A_370 = tpu.memref_slice %arg6[%dma_wait3A_369] : memref<12800xi32, #tpu.memory_space<vmem>> -> memref<128xi32, #tpu.memory_space<vmem>>
    %dma_wait3A_371 = arith.constant 0 : i32
    %dma_wait3A_372 = arith.constant 0 : i32
    %dma_wait3A_373 = tpu.memref_slice %arg5[%dma_wait3A_371, %dma_wait3A_372] : memref<9x64xf32, #tpu.memory_space<vmem_shared>> -> memref<9x64xf32, #tpu.memory_space<vmem_shared>>
    tpu.wait_indirect_dma semaphore(%arg18 : memref<!tpu.dma_semaphore, #tpu.memory_space<semaphore_mem>>) src(%dma_wait3A_373 : memref<9x64xf32, #tpu.memory_space<vmem_shared>>) dst(%arg12 : memref<128x64xf32, #tpu.memory_space<vmem>>)
    %add3A_374 = arith.constant 2176 : i32
    %add3A_375 = arith.addi %mul3A_2, %add3A_374 : i32
    %dma_start3A_376 = arith.constant 0 : i32
    %dma_start3A_377 = tpu.memref_slice %arg4[%add3A_375, %dma_start3A_376] : memref<409600x64xf32, #tpu.memory_space<hbm>> -> memref<128x64xf32, #tpu.memory_space<hbm>>
    %dma_start3A_378 = arith.constant 0 : i32
    %dma_start3A_379 = tpu.memref_slice %arg4[%add3A_375, %dma_start3A_378] : memref<409600x64xf32, #tpu.memory_space<hbm>> -> memref<128x64xf32, #tpu.memory_space<hbm>>
    tpu.enqueue_dma source(%arg12 : memref<128x64xf32, #tpu.memory_space<vmem>>) target(%dma_start3A_379 : memref<128x64xf32, #tpu.memory_space<hbm>>) target_semaphore(%arg24 : memref<!tpu.dma_semaphore, #tpu.memory_space<semaphore_mem>>)
    %dma_wait3A_380 = arith.constant 0 : i32
    %dma_wait3A_381 = tpu.memref_slice %arg4[%add3A_355, %dma_wait3A_380] : memref<409600x64xf32, #tpu.memory_space<hbm>> -> memref<128x64xf32, #tpu.memory_space<hbm>>
    %dma_wait3A_382 = arith.constant 0 : i32
    %dma_wait3A_383 = tpu.memref_slice %arg4[%add3A_355, %dma_wait3A_382] : memref<409600x64xf32, #tpu.memory_space<hbm>> -> memref<128x64xf32, #tpu.memory_space<hbm>>
    tpu.wait_dma2 semaphore(%arg23 : memref<!tpu.dma_semaphore, #tpu.memory_space<semaphore_mem>>) src(%arg11 : memref<128x64xf32, #tpu.memory_space<vmem>>) dst(%dma_wait3A_383 : memref<128x64xf32, #tpu.memory_space<hbm>>)
    %dma_start3A_384 = arith.constant 2816 : i32
    %dma_start3A_385 = tpu.memref_slice %arg6[%dma_start3A_384] : memref<12800xi32, #tpu.memory_space<vmem>> -> memref<128xi32, #tpu.memory_space<vmem>>
    %dma_start3A_386 = arith.constant 0 : i32
    %dma_start3A_387 = arith.constant 0 : i32
    %dma_start3A_388 = tpu.memref_slice %arg5[%dma_start3A_386, %dma_start3A_387] : memref<9x64xf32, #tpu.memory_space<vmem_shared>> -> memref<9x64xf32, #tpu.memory_space<vmem_shared>>
    tpu.enqueue_indirect_dma source(%dma_start3A_388 : memref<9x64xf32, #tpu.memory_space<vmem_shared>>) target(%arg11 : memref<128x64xf32, #tpu.memory_space<vmem>>) offsets(%dma_start3A_385 : memref<128xi32, #tpu.memory_space<vmem>>) semaphore(%arg17 : memref<!tpu.dma_semaphore, #tpu.memory_space<semaphore_mem>>)
    %dma_wait3A_389 = arith.constant 2304 : i32
    %dma_wait3A_390 = tpu.memref_slice %arg6[%dma_wait3A_389] : memref<12800xi32, #tpu.memory_space<vmem>> -> memref<128xi32, #tpu.memory_space<vmem>>
    %dma_wait3A_391 = arith.constant 0 : i32
    %dma_wait3A_392 = arith.constant 0 : i32
    %dma_wait3A_393 = tpu.memref_slice %arg5[%dma_wait3A_391, %dma_wait3A_392] : memref<9x64xf32, #tpu.memory_space<vmem_shared>> -> memref<9x64xf32, #tpu.memory_space<vmem_shared>>
    tpu.wait_indirect_dma semaphore(%arg13 : memref<!tpu.dma_semaphore, #tpu.memory_space<semaphore_mem>>) src(%dma_wait3A_393 : memref<9x64xf32, #tpu.memory_space<vmem_shared>>) dst(%arg7 : memref<128x64xf32, #tpu.memory_space<vmem>>)
    %add3A_394 = arith.constant 2304 : i32
    %add3A_395 = arith.addi %mul3A_2, %add3A_394 : i32
    %dma_start3A_396 = arith.constant 0 : i32
    %dma_start3A_397 = tpu.memref_slice %arg4[%add3A_395, %dma_start3A_396] : memref<409600x64xf32, #tpu.memory_space<hbm>> -> memref<128x64xf32, #tpu.memory_space<hbm>>
    %dma_start3A_398 = arith.constant 0 : i32
    %dma_start3A_399 = tpu.memref_slice %arg4[%add3A_395, %dma_start3A_398] : memref<409600x64xf32, #tpu.memory_space<hbm>> -> memref<128x64xf32, #tpu.memory_space<hbm>>
    tpu.enqueue_dma source(%arg7 : memref<128x64xf32, #tpu.memory_space<vmem>>) target(%dma_start3A_399 : memref<128x64xf32, #tpu.memory_space<hbm>>) target_semaphore(%arg19 : memref<!tpu.dma_semaphore, #tpu.memory_space<semaphore_mem>>)
    %dma_wait3A_400 = arith.constant 0 : i32
    %dma_wait3A_401 = tpu.memref_slice %arg4[%add3A_375, %dma_wait3A_400] : memref<409600x64xf32, #tpu.memory_space<hbm>> -> memref<128x64xf32, #tpu.memory_space<hbm>>
    %dma_wait3A_402 = arith.constant 0 : i32
    %dma_wait3A_403 = tpu.memref_slice %arg4[%add3A_375, %dma_wait3A_402] : memref<409600x64xf32, #tpu.memory_space<hbm>> -> memref<128x64xf32, #tpu.memory_space<hbm>>
    tpu.wait_dma2 semaphore(%arg24 : memref<!tpu.dma_semaphore, #tpu.memory_space<semaphore_mem>>) src(%arg12 : memref<128x64xf32, #tpu.memory_space<vmem>>) dst(%dma_wait3A_403 : memref<128x64xf32, #tpu.memory_space<hbm>>)
    %dma_start3A_404 = arith.constant 2944 : i32
    %dma_start3A_405 = tpu.memref_slice %arg6[%dma_start3A_404] : memref<12800xi32, #tpu.memory_space<vmem>> -> memref<128xi32, #tpu.memory_space<vmem>>
    %dma_start3A_406 = arith.constant 0 : i32
    %dma_start3A_407 = arith.constant 0 : i32
    %dma_start3A_408 = tpu.memref_slice %arg5[%dma_start3A_406, %dma_start3A_407] : memref<9x64xf32, #tpu.memory_space<vmem_shared>> -> memref<9x64xf32, #tpu.memory_space<vmem_shared>>
    tpu.enqueue_indirect_dma source(%dma_start3A_408 : memref<9x64xf32, #tpu.memory_space<vmem_shared>>) target(%arg12 : memref<128x64xf32, #tpu.memory_space<vmem>>) offsets(%dma_start3A_405 : memref<128xi32, #tpu.memory_space<vmem>>) semaphore(%arg18 : memref<!tpu.dma_semaphore, #tpu.memory_space<semaphore_mem>>)
    %dma_wait3A_409 = arith.constant 2432 : i32
    %dma_wait3A_410 = tpu.memref_slice %arg6[%dma_wait3A_409] : memref<12800xi32, #tpu.memory_space<vmem>> -> memref<128xi32, #tpu.memory_space<vmem>>
    %dma_wait3A_411 = arith.constant 0 : i32
    %dma_wait3A_412 = arith.constant 0 : i32
    %dma_wait3A_413 = tpu.memref_slice %arg5[%dma_wait3A_411, %dma_wait3A_412] : memref<9x64xf32, #tpu.memory_space<vmem_shared>> -> memref<9x64xf32, #tpu.memory_space<vmem_shared>>
    tpu.wait_indirect_dma semaphore(%arg14 : memref<!tpu.dma_semaphore, #tpu.memory_space<semaphore_mem>>) src(%dma_wait3A_413 : memref<9x64xf32, #tpu.memory_space<vmem_shared>>) dst(%arg8 : memref<128x64xf32, #tpu.memory_space<vmem>>)
    %add3A_414 = arith.constant 2432 : i32
    %add3A_415 = arith.addi %mul3A_2, %add3A_414 : i32
    %dma_start3A_416 = arith.constant 0 : i32
    %dma_start3A_417 = tpu.memref_slice %arg4[%add3A_415, %dma_start3A_416] : memref<409600x64xf32, #tpu.memory_space<hbm>> -> memref<128x64xf32, #tpu.memory_space<hbm>>
    %dma_start3A_418 = arith.constant 0 : i32
    %dma_start3A_419 = tpu.memref_slice %arg4[%add3A_415, %dma_start3A_418] : memref<409600x64xf32, #tpu.memory_space<hbm>> -> memref<128x64xf32, #tpu.memory_space<hbm>>
    tpu.enqueue_dma source(%arg8 : memref<128x64xf32, #tpu.memory_space<vmem>>) target(%dma_start3A_419 : memref<128x64xf32, #tpu.memory_space<hbm>>) target_semaphore(%arg20 : memref<!tpu.dma_semaphore, #tpu.memory_space<semaphore_mem>>)
    %dma_wait3A_420 = arith.constant 0 : i32
    %dma_wait3A_421 = tpu.memref_slice %arg4[%add3A_395, %dma_wait3A_420] : memref<409600x64xf32, #tpu.memory_space<hbm>> -> memref<128x64xf32, #tpu.memory_space<hbm>>
    %dma_wait3A_422 = arith.constant 0 : i32
    %dma_wait3A_423 = tpu.memref_slice %arg4[%add3A_395, %dma_wait3A_422] : memref<409600x64xf32, #tpu.memory_space<hbm>> -> memref<128x64xf32, #tpu.memory_space<hbm>>
    tpu.wait_dma2 semaphore(%arg19 : memref<!tpu.dma_semaphore, #tpu.memory_space<semaphore_mem>>) src(%arg7 : memref<128x64xf32, #tpu.memory_space<vmem>>) dst(%dma_wait3A_423 : memref<128x64xf32, #tpu.memory_space<hbm>>)
    %dma_start3A_424 = arith.constant 3072 : i32
    %dma_start3A_425 = tpu.memref_slice %arg6[%dma_start3A_424] : memref<12800xi32, #tpu.memory_space<vmem>> -> memref<128xi32, #tpu.memory_space<vmem>>
    %dma_start3A_426 = arith.constant 0 : i32
    %dma_start3A_427 = arith.constant 0 : i32
    %dma_start3A_428 = tpu.memref_slice %arg5[%dma_start3A_426, %dma_start3A_427] : memref<9x64xf32, #tpu.memory_space<vmem_shared>> -> memref<9x64xf32, #tpu.memory_space<vmem_shared>>
    tpu.enqueue_indirect_dma source(%dma_start3A_428 : memref<9x64xf32, #tpu.memory_space<vmem_shared>>) target(%arg7 : memref<128x64xf32, #tpu.memory_space<vmem>>) offsets(%dma_start3A_425 : memref<128xi32, #tpu.memory_space<vmem>>) semaphore(%arg13 : memref<!tpu.dma_semaphore, #tpu.memory_space<semaphore_mem>>)
    %dma_wait3A_429 = arith.constant 2560 : i32
    %dma_wait3A_430 = tpu.memref_slice %arg6[%dma_wait3A_429] : memref<12800xi32, #tpu.memory_space<vmem>> -> memref<128xi32, #tpu.memory_space<vmem>>
    %dma_wait3A_431 = arith.constant 0 : i32
    %dma_wait3A_432 = arith.constant 0 : i32
    %dma_wait3A_433 = tpu.memref_slice %arg5[%dma_wait3A_431, %dma_wait3A_432] : memref<9x64xf32, #tpu.memory_space<vmem_shared>> -> memref<9x64xf32, #tpu.memory_space<vmem_shared>>
    tpu.wait_indirect_dma semaphore(%arg15 : memref<!tpu.dma_semaphore, #tpu.memory_space<semaphore_mem>>) src(%dma_wait3A_433 : memref<9x64xf32, #tpu.memory_space<vmem_shared>>) dst(%arg9 : memref<128x64xf32, #tpu.memory_space<vmem>>)
    %add3A_434 = arith.constant 2560 : i32
    %add3A_435 = arith.addi %mul3A_2, %add3A_434 : i32
    %dma_start3A_436 = arith.constant 0 : i32
    %dma_start3A_437 = tpu.memref_slice %arg4[%add3A_435, %dma_start3A_436] : memref<409600x64xf32, #tpu.memory_space<hbm>> -> memref<128x64xf32, #tpu.memory_space<hbm>>
    %dma_start3A_438 = arith.constant 0 : i32
    %dma_start3A_439 = tpu.memref_slice %arg4[%add3A_435, %dma_start3A_438] : memref<409600x64xf32, #tpu.memory_space<hbm>> -> memref<128x64xf32, #tpu.memory_space<hbm>>
    tpu.enqueue_dma source(%arg9 : memref<128x64xf32, #tpu.memory_space<vmem>>) target(%dma_start3A_439 : memref<128x64xf32, #tpu.memory_space<hbm>>) target_semaphore(%arg21 : memref<!tpu.dma_semaphore, #tpu.memory_space<semaphore_mem>>)
    %dma_wait3A_440 = arith.constant 0 : i32
    %dma_wait3A_441 = tpu.memref_slice %arg4[%add3A_415, %dma_wait3A_440] : memref<409600x64xf32, #tpu.memory_space<hbm>> -> memref<128x64xf32, #tpu.memory_space<hbm>>
    %dma_wait3A_442 = arith.constant 0 : i32
    %dma_wait3A_443 = tpu.memref_slice %arg4[%add3A_415, %dma_wait3A_442] : memref<409600x64xf32, #tpu.memory_space<hbm>> -> memref<128x64xf32, #tpu.memory_space<hbm>>
    tpu.wait_dma2 semaphore(%arg20 : memref<!tpu.dma_semaphore, #tpu.memory_space<semaphore_mem>>) src(%arg8 : memref<128x64xf32, #tpu.memory_space<vmem>>) dst(%dma_wait3A_443 : memref<128x64xf32, #tpu.memory_space<hbm>>)
    %dma_start3A_444 = arith.constant 3200 : i32
    %dma_start3A_445 = tpu.memref_slice %arg6[%dma_start3A_444] : memref<12800xi32, #tpu.memory_space<vmem>> -> memref<128xi32, #tpu.memory_space<vmem>>
    %dma_start3A_446 = arith.constant 0 : i32
    %dma_start3A_447 = arith.constant 0 : i32
    %dma_start3A_448 = tpu.memref_slice %arg5[%dma_start3A_446, %dma_start3A_447] : memref<9x64xf32, #tpu.memory_space<vmem_shared>> -> memref<9x64xf32, #tpu.memory_space<vmem_shared>>
    tpu.enqueue_indirect_dma source(%dma_start3A_448 : memref<9x64xf32, #tpu.memory_space<vmem_shared>>) target(%arg8 : memref<128x64xf32, #tpu.memory_space<vmem>>) offsets(%dma_start3A_445 : memref<128xi32, #tpu.memory_space<vmem>>) semaphore(%arg14 : memref<!tpu.dma_semaphore, #tpu.memory_space<semaphore_mem>>)
    %dma_wait3A_449 = arith.constant 2688 : i32
    %dma_wait3A_450 = tpu.memref_slice %arg6[%dma_wait3A_449] : memref<12800xi32, #tpu.memory_space<vmem>> -> memref<128xi32, #tpu.memory_space<vmem>>
    %dma_wait3A_451 = arith.constant 0 : i32
    %dma_wait3A_452 = arith.constant 0 : i32
    %dma_wait3A_453 = tpu.memref_slice %arg5[%dma_wait3A_451, %dma_wait3A_452] : memref<9x64xf32, #tpu.memory_space<vmem_shared>> -> memref<9x64xf32, #tpu.memory_space<vmem_shared>>
    tpu.wait_indirect_dma semaphore(%arg16 : memref<!tpu.dma_semaphore, #tpu.memory_space<semaphore_mem>>) src(%dma_wait3A_453 : memref<9x64xf32, #tpu.memory_space<vmem_shared>>) dst(%arg10 : memref<128x64xf32, #tpu.memory_space<vmem>>)
    %add3A_454 = arith.constant 2688 : i32
    %add3A_455 = arith.addi %mul3A_2, %add3A_454 : i32
    %dma_start3A_456 = arith.constant 0 : i32
    %dma_start3A_457 = tpu.memref_slice %arg4[%add3A_455, %dma_start3A_456] : memref<409600x64xf32, #tpu.memory_space<hbm>> -> memref<128x64xf32, #tpu.memory_space<hbm>>
    %dma_start3A_458 = arith.constant 0 : i32
    %dma_start3A_459 = tpu.memref_slice %arg4[%add3A_455, %dma_start3A_458] : memref<409600x64xf32, #tpu.memory_space<hbm>> -> memref<128x64xf32, #tpu.memory_space<hbm>>
    tpu.enqueue_dma source(%arg10 : memref<128x64xf32, #tpu.memory_space<vmem>>) target(%dma_start3A_459 : memref<128x64xf32, #tpu.memory_space<hbm>>) target_semaphore(%arg22 : memref<!tpu.dma_semaphore, #tpu.memory_space<semaphore_mem>>)
    %dma_wait3A_460 = arith.constant 0 : i32
    %dma_wait3A_461 = tpu.memref_slice %arg4[%add3A_435, %dma_wait3A_460] : memref<409600x64xf32, #tpu.memory_space<hbm>> -> memref<128x64xf32, #tpu.memory_space<hbm>>
    %dma_wait3A_462 = arith.constant 0 : i32
    %dma_wait3A_463 = tpu.memref_slice %arg4[%add3A_435, %dma_wait3A_462] : memref<409600x64xf32, #tpu.memory_space<hbm>> -> memref<128x64xf32, #tpu.memory_space<hbm>>
    tpu.wait_dma2 semaphore(%arg21 : memref<!tpu.dma_semaphore, #tpu.memory_space<semaphore_mem>>) src(%arg9 : memref<128x64xf32, #tpu.memory_space<vmem>>) dst(%dma_wait3A_463 : memref<128x64xf32, #tpu.memory_space<hbm>>)
    %dma_start3A_464 = arith.constant 3328 : i32
    %dma_start3A_465 = tpu.memref_slice %arg6[%dma_start3A_464] : memref<12800xi32, #tpu.memory_space<vmem>> -> memref<128xi32, #tpu.memory_space<vmem>>
    %dma_start3A_466 = arith.constant 0 : i32
    %dma_start3A_467 = arith.constant 0 : i32
    %dma_start3A_468 = tpu.memref_slice %arg5[%dma_start3A_466, %dma_start3A_467] : memref<9x64xf32, #tpu.memory_space<vmem_shared>> -> memref<9x64xf32, #tpu.memory_space<vmem_shared>>
    tpu.enqueue_indirect_dma source(%dma_start3A_468 : memref<9x64xf32, #tpu.memory_space<vmem_shared>>) target(%arg9 : memref<128x64xf32, #tpu.memory_space<vmem>>) offsets(%dma_start3A_465 : memref<128xi32, #tpu.memory_space<vmem>>) semaphore(%arg15 : memref<!tpu.dma_semaphore, #tpu.memory_space<semaphore_mem>>)
    %dma_wait3A_469 = arith.constant 2816 : i32
    %dma_wait3A_470 = tpu.memref_slice %arg6[%dma_wait3A_469] : memref<12800xi32, #tpu.memory_space<vmem>> -> memref<128xi32, #tpu.memory_space<vmem>>
    %dma_wait3A_471 = arith.constant 0 : i32
    %dma_wait3A_472 = arith.constant 0 : i32
    %dma_wait3A_473 = tpu.memref_slice %arg5[%dma_wait3A_471, %dma_wait3A_472] : memref<9x64xf32, #tpu.memory_space<vmem_shared>> -> memref<9x64xf32, #tpu.memory_space<vmem_shared>>
    tpu.wait_indirect_dma semaphore(%arg17 : memref<!tpu.dma_semaphore, #tpu.memory_space<semaphore_mem>>) src(%dma_wait3A_473 : memref<9x64xf32, #tpu.memory_space<vmem_shared>>) dst(%arg11 : memref<128x64xf32, #tpu.memory_space<vmem>>)
    %add3A_474 = arith.constant 2816 : i32
    %add3A_475 = arith.addi %mul3A_2, %add3A_474 : i32
    %dma_start3A_476 = arith.constant 0 : i32
    %dma_start3A_477 = tpu.memref_slice %arg4[%add3A_475, %dma_start3A_476] : memref<409600x64xf32, #tpu.memory_space<hbm>> -> memref<128x64xf32, #tpu.memory_space<hbm>>
    %dma_start3A_478 = arith.constant 0 : i32
    %dma_start3A_479 = tpu.memref_slice %arg4[%add3A_475, %dma_start3A_478] : memref<409600x64xf32, #tpu.memory_space<hbm>> -> memref<128x64xf32, #tpu.memory_space<hbm>>
    tpu.enqueue_dma source(%arg11 : memref<128x64xf32, #tpu.memory_space<vmem>>) target(%dma_start3A_479 : memref<128x64xf32, #tpu.memory_space<hbm>>) target_semaphore(%arg23 : memref<!tpu.dma_semaphore, #tpu.memory_space<semaphore_mem>>)
    %dma_wait3A_480 = arith.constant 0 : i32
    %dma_wait3A_481 = tpu.memref_slice %arg4[%add3A_455, %dma_wait3A_480] : memref<409600x64xf32, #tpu.memory_space<hbm>> -> memref<128x64xf32, #tpu.memory_space<hbm>>
    %dma_wait3A_482 = arith.constant 0 : i32
    %dma_wait3A_483 = tpu.memref_slice %arg4[%add3A_455, %dma_wait3A_482] : memref<409600x64xf32, #tpu.memory_space<hbm>> -> memref<128x64xf32, #tpu.memory_space<hbm>>
    tpu.wait_dma2 semaphore(%arg22 : memref<!tpu.dma_semaphore, #tpu.memory_space<semaphore_mem>>) src(%arg10 : memref<128x64xf32, #tpu.memory_space<vmem>>) dst(%dma_wait3A_483 : memref<128x64xf32, #tpu.memory_space<hbm>>)
    %dma_start3A_484 = arith.constant 3456 : i32
    %dma_start3A_485 = tpu.memref_slice %arg6[%dma_start3A_484] : memref<12800xi32, #tpu.memory_space<vmem>> -> memref<128xi32, #tpu.memory_space<vmem>>
    %dma_start3A_486 = arith.constant 0 : i32
    %dma_start3A_487 = arith.constant 0 : i32
    %dma_start3A_488 = tpu.memref_slice %arg5[%dma_start3A_486, %dma_start3A_487] : memref<9x64xf32, #tpu.memory_space<vmem_shared>> -> memref<9x64xf32, #tpu.memory_space<vmem_shared>>
    tpu.enqueue_indirect_dma source(%dma_start3A_488 : memref<9x64xf32, #tpu.memory_space<vmem_shared>>) target(%arg10 : memref<128x64xf32, #tpu.memory_space<vmem>>) offsets(%dma_start3A_485 : memref<128xi32, #tpu.memory_space<vmem>>) semaphore(%arg16 : memref<!tpu.dma_semaphore, #tpu.memory_space<semaphore_mem>>)
    %dma_wait3A_489 = arith.constant 2944 : i32
    %dma_wait3A_490 = tpu.memref_slice %arg6[%dma_wait3A_489] : memref<12800xi32, #tpu.memory_space<vmem>> -> memref<128xi32, #tpu.memory_space<vmem>>
    %dma_wait3A_491 = arith.constant 0 : i32
    %dma_wait3A_492 = arith.constant 0 : i32
    %dma_wait3A_493 = tpu.memref_slice %arg5[%dma_wait3A_491, %dma_wait3A_492] : memref<9x64xf32, #tpu.memory_space<vmem_shared>> -> memref<9x64xf32, #tpu.memory_space<vmem_shared>>
    tpu.wait_indirect_dma semaphore(%arg18 : memref<!tpu.dma_semaphore, #tpu.memory_space<semaphore_mem>>) src(%dma_wait3A_493 : memref<9x64xf32, #tpu.memory_space<vmem_shared>>) dst(%arg12 : memref<128x64xf32, #tpu.memory_space<vmem>>)
    %add3A_494 = arith.constant 2944 : i32
    %add3A_495 = arith.addi %mul3A_2, %add3A_494 : i32
    %dma_start3A_496 = arith.constant 0 : i32
    %dma_start3A_497 = tpu.memref_slice %arg4[%add3A_495, %dma_start3A_496] : memref<409600x64xf32, #tpu.memory_space<hbm>> -> memref<128x64xf32, #tpu.memory_space<hbm>>
    %dma_start3A_498 = arith.constant 0 : i32
    %dma_start3A_499 = tpu.memref_slice %arg4[%add3A_495, %dma_start3A_498] : memref<409600x64xf32, #tpu.memory_space<hbm>> -> memref<128x64xf32, #tpu.memory_space<hbm>>
    tpu.enqueue_dma source(%arg12 : memref<128x64xf32, #tpu.memory_space<vmem>>) target(%dma_start3A_499 : memref<128x64xf32, #tpu.memory_space<hbm>>) target_semaphore(%arg24 : memref<!tpu.dma_semaphore, #tpu.memory_space<semaphore_mem>>)
    %dma_wait3A_500 = arith.constant 0 : i32
    %dma_wait3A_501 = tpu.memref_slice %arg4[%add3A_475, %dma_wait3A_500] : memref<409600x64xf32, #tpu.memory_space<hbm>> -> memref<128x64xf32, #tpu.memory_space<hbm>>
    %dma_wait3A_502 = arith.constant 0 : i32
    %dma_wait3A_503 = tpu.memref_slice %arg4[%add3A_475, %dma_wait3A_502] : memref<409600x64xf32, #tpu.memory_space<hbm>> -> memref<128x64xf32, #tpu.memory_space<hbm>>
    tpu.wait_dma2 semaphore(%arg23 : memref<!tpu.dma_semaphore, #tpu.memory_space<semaphore_mem>>) src(%arg11 : memref<128x64xf32, #tpu.memory_space<vmem>>) dst(%dma_wait3A_503 : memref<128x64xf32, #tpu.memory_space<hbm>>)
    %dma_start3A_504 = arith.constant 3584 : i32
    %dma_start3A_505 = tpu.memref_slice %arg6[%dma_start3A_504] : memref<12800xi32, #tpu.memory_space<vmem>> -> memref<128xi32, #tpu.memory_space<vmem>>
    %dma_start3A_506 = arith.constant 0 : i32
    %dma_start3A_507 = arith.constant 0 : i32
    %dma_start3A_508 = tpu.memref_slice %arg5[%dma_start3A_506, %dma_start3A_507] : memref<9x64xf32, #tpu.memory_space<vmem_shared>> -> memref<9x64xf32, #tpu.memory_space<vmem_shared>>
    tpu.enqueue_indirect_dma source(%dma_start3A_508 : memref<9x64xf32, #tpu.memory_space<vmem_shared>>) target(%arg11 : memref<128x64xf32, #tpu.memory_space<vmem>>) offsets(%dma_start3A_505 : memref<128xi32, #tpu.memory_space<vmem>>) semaphore(%arg17 : memref<!tpu.dma_semaphore, #tpu.memory_space<semaphore_mem>>)
    %dma_wait3A_509 = arith.constant 3072 : i32
    %dma_wait3A_510 = tpu.memref_slice %arg6[%dma_wait3A_509] : memref<12800xi32, #tpu.memory_space<vmem>> -> memref<128xi32, #tpu.memory_space<vmem>>
    %dma_wait3A_511 = arith.constant 0 : i32
    %dma_wait3A_512 = arith.constant 0 : i32
    %dma_wait3A_513 = tpu.memref_slice %arg5[%dma_wait3A_511, %dma_wait3A_512] : memref<9x64xf32, #tpu.memory_space<vmem_shared>> -> memref<9x64xf32, #tpu.memory_space<vmem_shared>>
    tpu.wait_indirect_dma semaphore(%arg13 : memref<!tpu.dma_semaphore, #tpu.memory_space<semaphore_mem>>) src(%dma_wait3A_513 : memref<9x64xf32, #tpu.memory_space<vmem_shared>>) dst(%arg7 : memref<128x64xf32, #tpu.memory_space<vmem>>)
    %add3A_514 = arith.constant 3072 : i32
    %add3A_515 = arith.addi %mul3A_2, %add3A_514 : i32
    %dma_start3A_516 = arith.constant 0 : i32
    %dma_start3A_517 = tpu.memref_slice %arg4[%add3A_515, %dma_start3A_516] : memref<409600x64xf32, #tpu.memory_space<hbm>> -> memref<128x64xf32, #tpu.memory_space<hbm>>
    %dma_start3A_518 = arith.constant 0 : i32
    %dma_start3A_519 = tpu.memref_slice %arg4[%add3A_515, %dma_start3A_518] : memref<409600x64xf32, #tpu.memory_space<hbm>> -> memref<128x64xf32, #tpu.memory_space<hbm>>
    tpu.enqueue_dma source(%arg7 : memref<128x64xf32, #tpu.memory_space<vmem>>) target(%dma_start3A_519 : memref<128x64xf32, #tpu.memory_space<hbm>>) target_semaphore(%arg19 : memref<!tpu.dma_semaphore, #tpu.memory_space<semaphore_mem>>)
    %dma_wait3A_520 = arith.constant 0 : i32
    %dma_wait3A_521 = tpu.memref_slice %arg4[%add3A_495, %dma_wait3A_520] : memref<409600x64xf32, #tpu.memory_space<hbm>> -> memref<128x64xf32, #tpu.memory_space<hbm>>
    %dma_wait3A_522 = arith.constant 0 : i32
    %dma_wait3A_523 = tpu.memref_slice %arg4[%add3A_495, %dma_wait3A_522] : memref<409600x64xf32, #tpu.memory_space<hbm>> -> memref<128x64xf32, #tpu.memory_space<hbm>>
    tpu.wait_dma2 semaphore(%arg24 : memref<!tpu.dma_semaphore, #tpu.memory_space<semaphore_mem>>) src(%arg12 : memref<128x64xf32, #tpu.memory_space<vmem>>) dst(%dma_wait3A_523 : memref<128x64xf32, #tpu.memory_space<hbm>>)
    %dma_start3A_524 = arith.constant 3712 : i32
    %dma_start3A_525 = tpu.memref_slice %arg6[%dma_start3A_524] : memref<12800xi32, #tpu.memory_space<vmem>> -> memref<128xi32, #tpu.memory_space<vmem>>
    %dma_start3A_526 = arith.constant 0 : i32
    %dma_start3A_527 = arith.constant 0 : i32
    %dma_start3A_528 = tpu.memref_slice %arg5[%dma_start3A_526, %dma_start3A_527] : memref<9x64xf32, #tpu.memory_space<vmem_shared>> -> memref<9x64xf32, #tpu.memory_space<vmem_shared>>
    tpu.enqueue_indirect_dma source(%dma_start3A_528 : memref<9x64xf32, #tpu.memory_space<vmem_shared>>) target(%arg12 : memref<128x64xf32, #tpu.memory_space<vmem>>) offsets(%dma_start3A_525 : memref<128xi32, #tpu.memory_space<vmem>>) semaphore(%arg18 : memref<!tpu.dma_semaphore, #tpu.memory_space<semaphore_mem>>)
    %dma_wait3A_529 = arith.constant 3200 : i32
    %dma_wait3A_530 = tpu.memref_slice %arg6[%dma_wait3A_529] : memref<12800xi32, #tpu.memory_space<vmem>> -> memref<128xi32, #tpu.memory_space<vmem>>
    %dma_wait3A_531 = arith.constant 0 : i32
    %dma_wait3A_532 = arith.constant 0 : i32
    %dma_wait3A_533 = tpu.memref_slice %arg5[%dma_wait3A_531, %dma_wait3A_532] : memref<9x64xf32, #tpu.memory_space<vmem_shared>> -> memref<9x64xf32, #tpu.memory_space<vmem_shared>>
    tpu.wait_indirect_dma semaphore(%arg14 : memref<!tpu.dma_semaphore, #tpu.memory_space<semaphore_mem>>) src(%dma_wait3A_533 : memref<9x64xf32, #tpu.memory_space<vmem_shared>>) dst(%arg8 : memref<128x64xf32, #tpu.memory_space<vmem>>)
    %add3A_534 = arith.constant 3200 : i32
    %add3A_535 = arith.addi %mul3A_2, %add3A_534 : i32
    %dma_start3A_536 = arith.constant 0 : i32
    %dma_start3A_537 = tpu.memref_slice %arg4[%add3A_535, %dma_start3A_536] : memref<409600x64xf32, #tpu.memory_space<hbm>> -> memref<128x64xf32, #tpu.memory_space<hbm>>
    %dma_start3A_538 = arith.constant 0 : i32
    %dma_start3A_539 = tpu.memref_slice %arg4[%add3A_535, %dma_start3A_538] : memref<409600x64xf32, #tpu.memory_space<hbm>> -> memref<128x64xf32, #tpu.memory_space<hbm>>
    tpu.enqueue_dma source(%arg8 : memref<128x64xf32, #tpu.memory_space<vmem>>) target(%dma_start3A_539 : memref<128x64xf32, #tpu.memory_space<hbm>>) target_semaphore(%arg20 : memref<!tpu.dma_semaphore, #tpu.memory_space<semaphore_mem>>)
    %dma_wait3A_540 = arith.constant 0 : i32
    %dma_wait3A_541 = tpu.memref_slice %arg4[%add3A_515, %dma_wait3A_540] : memref<409600x64xf32, #tpu.memory_space<hbm>> -> memref<128x64xf32, #tpu.memory_space<hbm>>
    %dma_wait3A_542 = arith.constant 0 : i32
    %dma_wait3A_543 = tpu.memref_slice %arg4[%add3A_515, %dma_wait3A_542] : memref<409600x64xf32, #tpu.memory_space<hbm>> -> memref<128x64xf32, #tpu.memory_space<hbm>>
    tpu.wait_dma2 semaphore(%arg19 : memref<!tpu.dma_semaphore, #tpu.memory_space<semaphore_mem>>) src(%arg7 : memref<128x64xf32, #tpu.memory_space<vmem>>) dst(%dma_wait3A_543 : memref<128x64xf32, #tpu.memory_space<hbm>>)
    %dma_start3A_544 = arith.constant 3840 : i32
    %dma_start3A_545 = tpu.memref_slice %arg6[%dma_start3A_544] : memref<12800xi32, #tpu.memory_space<vmem>> -> memref<128xi32, #tpu.memory_space<vmem>>
    %dma_start3A_546 = arith.constant 0 : i32
    %dma_start3A_547 = arith.constant 0 : i32
    %dma_start3A_548 = tpu.memref_slice %arg5[%dma_start3A_546, %dma_start3A_547] : memref<9x64xf32, #tpu.memory_space<vmem_shared>> -> memref<9x64xf32, #tpu.memory_space<vmem_shared>>
    tpu.enqueue_indirect_dma source(%dma_start3A_548 : memref<9x64xf32, #tpu.memory_space<vmem_shared>>) target(%arg7 : memref<128x64xf32, #tpu.memory_space<vmem>>) offsets(%dma_start3A_545 : memref<128xi32, #tpu.memory_space<vmem>>) semaphore(%arg13 : memref<!tpu.dma_semaphore, #tpu.memory_space<semaphore_mem>>)
    %dma_wait3A_549 = arith.constant 3328 : i32
    %dma_wait3A_550 = tpu.memref_slice %arg6[%dma_wait3A_549] : memref<12800xi32, #tpu.memory_space<vmem>> -> memref<128xi32, #tpu.memory_space<vmem>>
    %dma_wait3A_551 = arith.constant 0 : i32
    %dma_wait3A_552 = arith.constant 0 : i32
    %dma_wait3A_553 = tpu.memref_slice %arg5[%dma_wait3A_551, %dma_wait3A_552] : memref<9x64xf32, #tpu.memory_space<vmem_shared>> -> memref<9x64xf32, #tpu.memory_space<vmem_shared>>
    tpu.wait_indirect_dma semaphore(%arg15 : memref<!tpu.dma_semaphore, #tpu.memory_space<semaphore_mem>>) src(%dma_wait3A_553 : memref<9x64xf32, #tpu.memory_space<vmem_shared>>) dst(%arg9 : memref<128x64xf32, #tpu.memory_space<vmem>>)
    %add3A_554 = arith.constant 3328 : i32
    %add3A_555 = arith.addi %mul3A_2, %add3A_554 : i32
    %dma_start3A_556 = arith.constant 0 : i32
    %dma_start3A_557 = tpu.memref_slice %arg4[%add3A_555, %dma_start3A_556] : memref<409600x64xf32, #tpu.memory_space<hbm>> -> memref<128x64xf32, #tpu.memory_space<hbm>>
    %dma_start3A_558 = arith.constant 0 : i32
    %dma_start3A_559 = tpu.memref_slice %arg4[%add3A_555, %dma_start3A_558] : memref<409600x64xf32, #tpu.memory_space<hbm>> -> memref<128x64xf32, #tpu.memory_space<hbm>>
    tpu.enqueue_dma source(%arg9 : memref<128x64xf32, #tpu.memory_space<vmem>>) target(%dma_start3A_559 : memref<128x64xf32, #tpu.memory_space<hbm>>) target_semaphore(%arg21 : memref<!tpu.dma_semaphore, #tpu.memory_space<semaphore_mem>>)
    %dma_wait3A_560 = arith.constant 0 : i32
    %dma_wait3A_561 = tpu.memref_slice %arg4[%add3A_535, %dma_wait3A_560] : memref<409600x64xf32, #tpu.memory_space<hbm>> -> memref<128x64xf32, #tpu.memory_space<hbm>>
    %dma_wait3A_562 = arith.constant 0 : i32
    %dma_wait3A_563 = tpu.memref_slice %arg4[%add3A_535, %dma_wait3A_562] : memref<409600x64xf32, #tpu.memory_space<hbm>> -> memref<128x64xf32, #tpu.memory_space<hbm>>
    tpu.wait_dma2 semaphore(%arg20 : memref<!tpu.dma_semaphore, #tpu.memory_space<semaphore_mem>>) src(%arg8 : memref<128x64xf32, #tpu.memory_space<vmem>>) dst(%dma_wait3A_563 : memref<128x64xf32, #tpu.memory_space<hbm>>)
    %dma_start3A_564 = arith.constant 3968 : i32
    %dma_start3A_565 = tpu.memref_slice %arg6[%dma_start3A_564] : memref<12800xi32, #tpu.memory_space<vmem>> -> memref<128xi32, #tpu.memory_space<vmem>>
    %dma_start3A_566 = arith.constant 0 : i32
    %dma_start3A_567 = arith.constant 0 : i32
    %dma_start3A_568 = tpu.memref_slice %arg5[%dma_start3A_566, %dma_start3A_567] : memref<9x64xf32, #tpu.memory_space<vmem_shared>> -> memref<9x64xf32, #tpu.memory_space<vmem_shared>>
    tpu.enqueue_indirect_dma source(%dma_start3A_568 : memref<9x64xf32, #tpu.memory_space<vmem_shared>>) target(%arg8 : memref<128x64xf32, #tpu.memory_space<vmem>>) offsets(%dma_start3A_565 : memref<128xi32, #tpu.memory_space<vmem>>) semaphore(%arg14 : memref<!tpu.dma_semaphore, #tpu.memory_space<semaphore_mem>>)
    %dma_wait3A_569 = arith.constant 3456 : i32
    %dma_wait3A_570 = tpu.memref_slice %arg6[%dma_wait3A_569] : memref<12800xi32, #tpu.memory_space<vmem>> -> memref<128xi32, #tpu.memory_space<vmem>>
    %dma_wait3A_571 = arith.constant 0 : i32
    %dma_wait3A_572 = arith.constant 0 : i32
    %dma_wait3A_573 = tpu.memref_slice %arg5[%dma_wait3A_571, %dma_wait3A_572] : memref<9x64xf32, #tpu.memory_space<vmem_shared>> -> memref<9x64xf32, #tpu.memory_space<vmem_shared>>
    tpu.wait_indirect_dma semaphore(%arg16 : memref<!tpu.dma_semaphore, #tpu.memory_space<semaphore_mem>>) src(%dma_wait3A_573 : memref<9x64xf32, #tpu.memory_space<vmem_shared>>) dst(%arg10 : memref<128x64xf32, #tpu.memory_space<vmem>>)
    %add3A_574 = arith.constant 3456 : i32
    %add3A_575 = arith.addi %mul3A_2, %add3A_574 : i32
    %dma_start3A_576 = arith.constant 0 : i32
    %dma_start3A_577 = tpu.memref_slice %arg4[%add3A_575, %dma_start3A_576] : memref<409600x64xf32, #tpu.memory_space<hbm>> -> memref<128x64xf32, #tpu.memory_space<hbm>>
    %dma_start3A_578 = arith.constant 0 : i32
    %dma_start3A_579 = tpu.memref_slice %arg4[%add3A_575, %dma_start3A_578] : memref<409600x64xf32, #tpu.memory_space<hbm>> -> memref<128x64xf32, #tpu.memory_space<hbm>>
    tpu.enqueue_dma source(%arg10 : memref<128x64xf32, #tpu.memory_space<vmem>>) target(%dma_start3A_579 : memref<128x64xf32, #tpu.memory_space<hbm>>) target_semaphore(%arg22 : memref<!tpu.dma_semaphore, #tpu.memory_space<semaphore_mem>>)
    %dma_wait3A_580 = arith.constant 0 : i32
    %dma_wait3A_581 = tpu.memref_slice %arg4[%add3A_555, %dma_wait3A_580] : memref<409600x64xf32, #tpu.memory_space<hbm>> -> memref<128x64xf32, #tpu.memory_space<hbm>>
    %dma_wait3A_582 = arith.constant 0 : i32
    %dma_wait3A_583 = tpu.memref_slice %arg4[%add3A_555, %dma_wait3A_582] : memref<409600x64xf32, #tpu.memory_space<hbm>> -> memref<128x64xf32, #tpu.memory_space<hbm>>
    tpu.wait_dma2 semaphore(%arg21 : memref<!tpu.dma_semaphore, #tpu.memory_space<semaphore_mem>>) src(%arg9 : memref<128x64xf32, #tpu.memory_space<vmem>>) dst(%dma_wait3A_583 : memref<128x64xf32, #tpu.memory_space<hbm>>)
    %dma_start3A_584 = arith.constant 4096 : i32
    %dma_start3A_585 = tpu.memref_slice %arg6[%dma_start3A_584] : memref<12800xi32, #tpu.memory_space<vmem>> -> memref<128xi32, #tpu.memory_space<vmem>>
    %dma_start3A_586 = arith.constant 0 : i32
    %dma_start3A_587 = arith.constant 0 : i32
    %dma_start3A_588 = tpu.memref_slice %arg5[%dma_start3A_586, %dma_start3A_587] : memref<9x64xf32, #tpu.memory_space<vmem_shared>> -> memref<9x64xf32, #tpu.memory_space<vmem_shared>>
    tpu.enqueue_indirect_dma source(%dma_start3A_588 : memref<9x64xf32, #tpu.memory_space<vmem_shared>>) target(%arg9 : memref<128x64xf32, #tpu.memory_space<vmem>>) offsets(%dma_start3A_585 : memref<128xi32, #tpu.memory_space<vmem>>) semaphore(%arg15 : memref<!tpu.dma_semaphore, #tpu.memory_space<semaphore_mem>>)
    %dma_wait3A_589 = arith.constant 3584 : i32
    %dma_wait3A_590 = tpu.memref_slice %arg6[%dma_wait3A_589] : memref<12800xi32, #tpu.memory_space<vmem>> -> memref<128xi32, #tpu.memory_space<vmem>>
    %dma_wait3A_591 = arith.constant 0 : i32
    %dma_wait3A_592 = arith.constant 0 : i32
    %dma_wait3A_593 = tpu.memref_slice %arg5[%dma_wait3A_591, %dma_wait3A_592] : memref<9x64xf32, #tpu.memory_space<vmem_shared>> -> memref<9x64xf32, #tpu.memory_space<vmem_shared>>
    tpu.wait_indirect_dma semaphore(%arg17 : memref<!tpu.dma_semaphore, #tpu.memory_space<semaphore_mem>>) src(%dma_wait3A_593 : memref<9x64xf32, #tpu.memory_space<vmem_shared>>) dst(%arg11 : memref<128x64xf32, #tpu.memory_space<vmem>>)
    %add3A_594 = arith.constant 3584 : i32
    %add3A_595 = arith.addi %mul3A_2, %add3A_594 : i32
    %dma_start3A_596 = arith.constant 0 : i32
    %dma_start3A_597 = tpu.memref_slice %arg4[%add3A_595, %dma_start3A_596] : memref<409600x64xf32, #tpu.memory_space<hbm>> -> memref<128x64xf32, #tpu.memory_space<hbm>>
    %dma_start3A_598 = arith.constant 0 : i32
    %dma_start3A_599 = tpu.memref_slice %arg4[%add3A_595, %dma_start3A_598] : memref<409600x64xf32, #tpu.memory_space<hbm>> -> memref<128x64xf32, #tpu.memory_space<hbm>>
    tpu.enqueue_dma source(%arg11 : memref<128x64xf32, #tpu.memory_space<vmem>>) target(%dma_start3A_599 : memref<128x64xf32, #tpu.memory_space<hbm>>) target_semaphore(%arg23 : memref<!tpu.dma_semaphore, #tpu.memory_space<semaphore_mem>>)
    %dma_wait3A_600 = arith.constant 0 : i32
    %dma_wait3A_601 = tpu.memref_slice %arg4[%add3A_575, %dma_wait3A_600] : memref<409600x64xf32, #tpu.memory_space<hbm>> -> memref<128x64xf32, #tpu.memory_space<hbm>>
    %dma_wait3A_602 = arith.constant 0 : i32
    %dma_wait3A_603 = tpu.memref_slice %arg4[%add3A_575, %dma_wait3A_602] : memref<409600x64xf32, #tpu.memory_space<hbm>> -> memref<128x64xf32, #tpu.memory_space<hbm>>
    tpu.wait_dma2 semaphore(%arg22 : memref<!tpu.dma_semaphore, #tpu.memory_space<semaphore_mem>>) src(%arg10 : memref<128x64xf32, #tpu.memory_space<vmem>>) dst(%dma_wait3A_603 : memref<128x64xf32, #tpu.memory_space<hbm>>)
    %dma_start3A_604 = arith.constant 4224 : i32
    %dma_start3A_605 = tpu.memref_slice %arg6[%dma_start3A_604] : memref<12800xi32, #tpu.memory_space<vmem>> -> memref<128xi32, #tpu.memory_space<vmem>>
    %dma_start3A_606 = arith.constant 0 : i32
    %dma_start3A_607 = arith.constant 0 : i32
    %dma_start3A_608 = tpu.memref_slice %arg5[%dma_start3A_606, %dma_start3A_607] : memref<9x64xf32, #tpu.memory_space<vmem_shared>> -> memref<9x64xf32, #tpu.memory_space<vmem_shared>>
    tpu.enqueue_indirect_dma source(%dma_start3A_608 : memref<9x64xf32, #tpu.memory_space<vmem_shared>>) target(%arg10 : memref<128x64xf32, #tpu.memory_space<vmem>>) offsets(%dma_start3A_605 : memref<128xi32, #tpu.memory_space<vmem>>) semaphore(%arg16 : memref<!tpu.dma_semaphore, #tpu.memory_space<semaphore_mem>>)
    %dma_wait3A_609 = arith.constant 3712 : i32
    %dma_wait3A_610 = tpu.memref_slice %arg6[%dma_wait3A_609] : memref<12800xi32, #tpu.memory_space<vmem>> -> memref<128xi32, #tpu.memory_space<vmem>>
    %dma_wait3A_611 = arith.constant 0 : i32
    %dma_wait3A_612 = arith.constant 0 : i32
    %dma_wait3A_613 = tpu.memref_slice %arg5[%dma_wait3A_611, %dma_wait3A_612] : memref<9x64xf32, #tpu.memory_space<vmem_shared>> -> memref<9x64xf32, #tpu.memory_space<vmem_shared>>
    tpu.wait_indirect_dma semaphore(%arg18 : memref<!tpu.dma_semaphore, #tpu.memory_space<semaphore_mem>>) src(%dma_wait3A_613 : memref<9x64xf32, #tpu.memory_space<vmem_shared>>) dst(%arg12 : memref<128x64xf32, #tpu.memory_space<vmem>>)
    %add3A_614 = arith.constant 3712 : i32
    %add3A_615 = arith.addi %mul3A_2, %add3A_614 : i32
    %dma_start3A_616 = arith.constant 0 : i32
    %dma_start3A_617 = tpu.memref_slice %arg4[%add3A_615, %dma_start3A_616] : memref<409600x64xf32, #tpu.memory_space<hbm>> -> memref<128x64xf32, #tpu.memory_space<hbm>>
    %dma_start3A_618 = arith.constant 0 : i32
    %dma_start3A_619 = tpu.memref_slice %arg4[%add3A_615, %dma_start3A_618] : memref<409600x64xf32, #tpu.memory_space<hbm>> -> memref<128x64xf32, #tpu.memory_space<hbm>>
    tpu.enqueue_dma source(%arg12 : memref<128x64xf32, #tpu.memory_space<vmem>>) target(%dma_start3A_619 : memref<128x64xf32, #tpu.memory_space<hbm>>) target_semaphore(%arg24 : memref<!tpu.dma_semaphore, #tpu.memory_space<semaphore_mem>>)
    %dma_wait3A_620 = arith.constant 0 : i32
    %dma_wait3A_621 = tpu.memref_slice %arg4[%add3A_595, %dma_wait3A_620] : memref<409600x64xf32, #tpu.memory_space<hbm>> -> memref<128x64xf32, #tpu.memory_space<hbm>>
    %dma_wait3A_622 = arith.constant 0 : i32
    %dma_wait3A_623 = tpu.memref_slice %arg4[%add3A_595, %dma_wait3A_622] : memref<409600x64xf32, #tpu.memory_space<hbm>> -> memref<128x64xf32, #tpu.memory_space<hbm>>
    tpu.wait_dma2 semaphore(%arg23 : memref<!tpu.dma_semaphore, #tpu.memory_space<semaphore_mem>>) src(%arg11 : memref<128x64xf32, #tpu.memory_space<vmem>>) dst(%dma_wait3A_623 : memref<128x64xf32, #tpu.memory_space<hbm>>)
    %dma_start3A_624 = arith.constant 4352 : i32
    %dma_start3A_625 = tpu.memref_slice %arg6[%dma_start3A_624] : memref<12800xi32, #tpu.memory_space<vmem>> -> memref<128xi32, #tpu.memory_space<vmem>>
    %dma_start3A_626 = arith.constant 0 : i32
    %dma_start3A_627 = arith.constant 0 : i32
    %dma_start3A_628 = tpu.memref_slice %arg5[%dma_start3A_626, %dma_start3A_627] : memref<9x64xf32, #tpu.memory_space<vmem_shared>> -> memref<9x64xf32, #tpu.memory_space<vmem_shared>>
    tpu.enqueue_indirect_dma source(%dma_start3A_628 : memref<9x64xf32, #tpu.memory_space<vmem_shared>>) target(%arg11 : memref<128x64xf32, #tpu.memory_space<vmem>>) offsets(%dma_start3A_625 : memref<128xi32, #tpu.memory_space<vmem>>) semaphore(%arg17 : memref<!tpu.dma_semaphore, #tpu.memory_space<semaphore_mem>>)
    %dma_wait3A_629 = arith.constant 3840 : i32
    %dma_wait3A_630 = tpu.memref_slice %arg6[%dma_wait3A_629] : memref<12800xi32, #tpu.memory_space<vmem>> -> memref<128xi32, #tpu.memory_space<vmem>>
    %dma_wait3A_631 = arith.constant 0 : i32
    %dma_wait3A_632 = arith.constant 0 : i32
    %dma_wait3A_633 = tpu.memref_slice %arg5[%dma_wait3A_631, %dma_wait3A_632] : memref<9x64xf32, #tpu.memory_space<vmem_shared>> -> memref<9x64xf32, #tpu.memory_space<vmem_shared>>
    tpu.wait_indirect_dma semaphore(%arg13 : memref<!tpu.dma_semaphore, #tpu.memory_space<semaphore_mem>>) src(%dma_wait3A_633 : memref<9x64xf32, #tpu.memory_space<vmem_shared>>) dst(%arg7 : memref<128x64xf32, #tpu.memory_space<vmem>>)
    %add3A_634 = arith.constant 3840 : i32
    %add3A_635 = arith.addi %mul3A_2, %add3A_634 : i32
    %dma_start3A_636 = arith.constant 0 : i32
    %dma_start3A_637 = tpu.memref_slice %arg4[%add3A_635, %dma_start3A_636] : memref<409600x64xf32, #tpu.memory_space<hbm>> -> memref<128x64xf32, #tpu.memory_space<hbm>>
    %dma_start3A_638 = arith.constant 0 : i32
    %dma_start3A_639 = tpu.memref_slice %arg4[%add3A_635, %dma_start3A_638] : memref<409600x64xf32, #tpu.memory_space<hbm>> -> memref<128x64xf32, #tpu.memory_space<hbm>>
    tpu.enqueue_dma source(%arg7 : memref<128x64xf32, #tpu.memory_space<vmem>>) target(%dma_start3A_639 : memref<128x64xf32, #tpu.memory_space<hbm>>) target_semaphore(%arg19 : memref<!tpu.dma_semaphore, #tpu.memory_space<semaphore_mem>>)
    %dma_wait3A_640 = arith.constant 0 : i32
    %dma_wait3A_641 = tpu.memref_slice %arg4[%add3A_615, %dma_wait3A_640] : memref<409600x64xf32, #tpu.memory_space<hbm>> -> memref<128x64xf32, #tpu.memory_space<hbm>>
    %dma_wait3A_642 = arith.constant 0 : i32
    %dma_wait3A_643 = tpu.memref_slice %arg4[%add3A_615, %dma_wait3A_642] : memref<409600x64xf32, #tpu.memory_space<hbm>> -> memref<128x64xf32, #tpu.memory_space<hbm>>
    tpu.wait_dma2 semaphore(%arg24 : memref<!tpu.dma_semaphore, #tpu.memory_space<semaphore_mem>>) src(%arg12 : memref<128x64xf32, #tpu.memory_space<vmem>>) dst(%dma_wait3A_643 : memref<128x64xf32, #tpu.memory_space<hbm>>)
    %dma_start3A_644 = arith.constant 4480 : i32
    %dma_start3A_645 = tpu.memref_slice %arg6[%dma_start3A_644] : memref<12800xi32, #tpu.memory_space<vmem>> -> memref<128xi32, #tpu.memory_space<vmem>>
    %dma_start3A_646 = arith.constant 0 : i32
    %dma_start3A_647 = arith.constant 0 : i32
    %dma_start3A_648 = tpu.memref_slice %arg5[%dma_start3A_646, %dma_start3A_647] : memref<9x64xf32, #tpu.memory_space<vmem_shared>> -> memref<9x64xf32, #tpu.memory_space<vmem_shared>>
    tpu.enqueue_indirect_dma source(%dma_start3A_648 : memref<9x64xf32, #tpu.memory_space<vmem_shared>>) target(%arg12 : memref<128x64xf32, #tpu.memory_space<vmem>>) offsets(%dma_start3A_645 : memref<128xi32, #tpu.memory_space<vmem>>) semaphore(%arg18 : memref<!tpu.dma_semaphore, #tpu.memory_space<semaphore_mem>>)
    %dma_wait3A_649 = arith.constant 3968 : i32
    %dma_wait3A_650 = tpu.memref_slice %arg6[%dma_wait3A_649] : memref<12800xi32, #tpu.memory_space<vmem>> -> memref<128xi32, #tpu.memory_space<vmem>>
    %dma_wait3A_651 = arith.constant 0 : i32
    %dma_wait3A_652 = arith.constant 0 : i32
    %dma_wait3A_653 = tpu.memref_slice %arg5[%dma_wait3A_651, %dma_wait3A_652] : memref<9x64xf32, #tpu.memory_space<vmem_shared>> -> memref<9x64xf32, #tpu.memory_space<vmem_shared>>
    tpu.wait_indirect_dma semaphore(%arg14 : memref<!tpu.dma_semaphore, #tpu.memory_space<semaphore_mem>>) src(%dma_wait3A_653 : memref<9x64xf32, #tpu.memory_space<vmem_shared>>) dst(%arg8 : memref<128x64xf32, #tpu.memory_space<vmem>>)
    %add3A_654 = arith.constant 3968 : i32
    %add3A_655 = arith.addi %mul3A_2, %add3A_654 : i32
    %dma_start3A_656 = arith.constant 0 : i32
    %dma_start3A_657 = tpu.memref_slice %arg4[%add3A_655, %dma_start3A_656] : memref<409600x64xf32, #tpu.memory_space<hbm>> -> memref<128x64xf32, #tpu.memory_space<hbm>>
    %dma_start3A_658 = arith.constant 0 : i32
    %dma_start3A_659 = tpu.memref_slice %arg4[%add3A_655, %dma_start3A_658] : memref<409600x64xf32, #tpu.memory_space<hbm>> -> memref<128x64xf32, #tpu.memory_space<hbm>>
    tpu.enqueue_dma source(%arg8 : memref<128x64xf32, #tpu.memory_space<vmem>>) target(%dma_start3A_659 : memref<128x64xf32, #tpu.memory_space<hbm>>) target_semaphore(%arg20 : memref<!tpu.dma_semaphore, #tpu.memory_space<semaphore_mem>>)
    %dma_wait3A_660 = arith.constant 0 : i32
    %dma_wait3A_661 = tpu.memref_slice %arg4[%add3A_635, %dma_wait3A_660] : memref<409600x64xf32, #tpu.memory_space<hbm>> -> memref<128x64xf32, #tpu.memory_space<hbm>>
    %dma_wait3A_662 = arith.constant 0 : i32
    %dma_wait3A_663 = tpu.memref_slice %arg4[%add3A_635, %dma_wait3A_662] : memref<409600x64xf32, #tpu.memory_space<hbm>> -> memref<128x64xf32, #tpu.memory_space<hbm>>
    tpu.wait_dma2 semaphore(%arg19 : memref<!tpu.dma_semaphore, #tpu.memory_space<semaphore_mem>>) src(%arg7 : memref<128x64xf32, #tpu.memory_space<vmem>>) dst(%dma_wait3A_663 : memref<128x64xf32, #tpu.memory_space<hbm>>)
    %dma_start3A_664 = arith.constant 4608 : i32
    %dma_start3A_665 = tpu.memref_slice %arg6[%dma_start3A_664] : memref<12800xi32, #tpu.memory_space<vmem>> -> memref<128xi32, #tpu.memory_space<vmem>>
    %dma_start3A_666 = arith.constant 0 : i32
    %dma_start3A_667 = arith.constant 0 : i32
    %dma_start3A_668 = tpu.memref_slice %arg5[%dma_start3A_666, %dma_start3A_667] : memref<9x64xf32, #tpu.memory_space<vmem_shared>> -> memref<9x64xf32, #tpu.memory_space<vmem_shared>>
    tpu.enqueue_indirect_dma source(%dma_start3A_668 : memref<9x64xf32, #tpu.memory_space<vmem_shared>>) target(%arg7 : memref<128x64xf32, #tpu.memory_space<vmem>>) offsets(%dma_start3A_665 : memref<128xi32, #tpu.memory_space<vmem>>) semaphore(%arg13 : memref<!tpu.dma_semaphore, #tpu.memory_space<semaphore_mem>>)
    %dma_wait3A_669 = arith.constant 4096 : i32
    %dma_wait3A_670 = tpu.memref_slice %arg6[%dma_wait3A_669] : memref<12800xi32, #tpu.memory_space<vmem>> -> memref<128xi32, #tpu.memory_space<vmem>>
    %dma_wait3A_671 = arith.constant 0 : i32
    %dma_wait3A_672 = arith.constant 0 : i32
    %dma_wait3A_673 = tpu.memref_slice %arg5[%dma_wait3A_671, %dma_wait3A_672] : memref<9x64xf32, #tpu.memory_space<vmem_shared>> -> memref<9x64xf32, #tpu.memory_space<vmem_shared>>
    tpu.wait_indirect_dma semaphore(%arg15 : memref<!tpu.dma_semaphore, #tpu.memory_space<semaphore_mem>>) src(%dma_wait3A_673 : memref<9x64xf32, #tpu.memory_space<vmem_shared>>) dst(%arg9 : memref<128x64xf32, #tpu.memory_space<vmem>>)
    %add3A_674 = arith.constant 4096 : i32
    %add3A_675 = arith.addi %mul3A_2, %add3A_674 : i32
    %dma_start3A_676 = arith.constant 0 : i32
    %dma_start3A_677 = tpu.memref_slice %arg4[%add3A_675, %dma_start3A_676] : memref<409600x64xf32, #tpu.memory_space<hbm>> -> memref<128x64xf32, #tpu.memory_space<hbm>>
    %dma_start3A_678 = arith.constant 0 : i32
    %dma_start3A_679 = tpu.memref_slice %arg4[%add3A_675, %dma_start3A_678] : memref<409600x64xf32, #tpu.memory_space<hbm>> -> memref<128x64xf32, #tpu.memory_space<hbm>>
    tpu.enqueue_dma source(%arg9 : memref<128x64xf32, #tpu.memory_space<vmem>>) target(%dma_start3A_679 : memref<128x64xf32, #tpu.memory_space<hbm>>) target_semaphore(%arg21 : memref<!tpu.dma_semaphore, #tpu.memory_space<semaphore_mem>>)
    %dma_wait3A_680 = arith.constant 0 : i32
    %dma_wait3A_681 = tpu.memref_slice %arg4[%add3A_655, %dma_wait3A_680] : memref<409600x64xf32, #tpu.memory_space<hbm>> -> memref<128x64xf32, #tpu.memory_space<hbm>>
    %dma_wait3A_682 = arith.constant 0 : i32
    %dma_wait3A_683 = tpu.memref_slice %arg4[%add3A_655, %dma_wait3A_682] : memref<409600x64xf32, #tpu.memory_space<hbm>> -> memref<128x64xf32, #tpu.memory_space<hbm>>
    tpu.wait_dma2 semaphore(%arg20 : memref<!tpu.dma_semaphore, #tpu.memory_space<semaphore_mem>>) src(%arg8 : memref<128x64xf32, #tpu.memory_space<vmem>>) dst(%dma_wait3A_683 : memref<128x64xf32, #tpu.memory_space<hbm>>)
    %dma_start3A_684 = arith.constant 4736 : i32
    %dma_start3A_685 = tpu.memref_slice %arg6[%dma_start3A_684] : memref<12800xi32, #tpu.memory_space<vmem>> -> memref<128xi32, #tpu.memory_space<vmem>>
    %dma_start3A_686 = arith.constant 0 : i32
    %dma_start3A_687 = arith.constant 0 : i32
    %dma_start3A_688 = tpu.memref_slice %arg5[%dma_start3A_686, %dma_start3A_687] : memref<9x64xf32, #tpu.memory_space<vmem_shared>> -> memref<9x64xf32, #tpu.memory_space<vmem_shared>>
    tpu.enqueue_indirect_dma source(%dma_start3A_688 : memref<9x64xf32, #tpu.memory_space<vmem_shared>>) target(%arg8 : memref<128x64xf32, #tpu.memory_space<vmem>>) offsets(%dma_start3A_685 : memref<128xi32, #tpu.memory_space<vmem>>) semaphore(%arg14 : memref<!tpu.dma_semaphore, #tpu.memory_space<semaphore_mem>>)
    %dma_wait3A_689 = arith.constant 4224 : i32
    %dma_wait3A_690 = tpu.memref_slice %arg6[%dma_wait3A_689] : memref<12800xi32, #tpu.memory_space<vmem>> -> memref<128xi32, #tpu.memory_space<vmem>>
    %dma_wait3A_691 = arith.constant 0 : i32
    %dma_wait3A_692 = arith.constant 0 : i32
    %dma_wait3A_693 = tpu.memref_slice %arg5[%dma_wait3A_691, %dma_wait3A_692] : memref<9x64xf32, #tpu.memory_space<vmem_shared>> -> memref<9x64xf32, #tpu.memory_space<vmem_shared>>
    tpu.wait_indirect_dma semaphore(%arg16 : memref<!tpu.dma_semaphore, #tpu.memory_space<semaphore_mem>>) src(%dma_wait3A_693 : memref<9x64xf32, #tpu.memory_space<vmem_shared>>) dst(%arg10 : memref<128x64xf32, #tpu.memory_space<vmem>>)
    %add3A_694 = arith.constant 4224 : i32
    %add3A_695 = arith.addi %mul3A_2, %add3A_694 : i32
    %dma_start3A_696 = arith.constant 0 : i32
    %dma_start3A_697 = tpu.memref_slice %arg4[%add3A_695, %dma_start3A_696] : memref<409600x64xf32, #tpu.memory_space<hbm>> -> memref<128x64xf32, #tpu.memory_space<hbm>>
    %dma_start3A_698 = arith.constant 0 : i32
    %dma_start3A_699 = tpu.memref_slice %arg4[%add3A_695, %dma_start3A_698] : memref<409600x64xf32, #tpu.memory_space<hbm>> -> memref<128x64xf32, #tpu.memory_space<hbm>>
    tpu.enqueue_dma source(%arg10 : memref<128x64xf32, #tpu.memory_space<vmem>>) target(%dma_start3A_699 : memref<128x64xf32, #tpu.memory_space<hbm>>) target_semaphore(%arg22 : memref<!tpu.dma_semaphore, #tpu.memory_space<semaphore_mem>>)
    %dma_wait3A_700 = arith.constant 0 : i32
    %dma_wait3A_701 = tpu.memref_slice %arg4[%add3A_675, %dma_wait3A_700] : memref<409600x64xf32, #tpu.memory_space<hbm>> -> memref<128x64xf32, #tpu.memory_space<hbm>>
    %dma_wait3A_702 = arith.constant 0 : i32
    %dma_wait3A_703 = tpu.memref_slice %arg4[%add3A_675, %dma_wait3A_702] : memref<409600x64xf32, #tpu.memory_space<hbm>> -> memref<128x64xf32, #tpu.memory_space<hbm>>
    tpu.wait_dma2 semaphore(%arg21 : memref<!tpu.dma_semaphore, #tpu.memory_space<semaphore_mem>>) src(%arg9 : memref<128x64xf32, #tpu.memory_space<vmem>>) dst(%dma_wait3A_703 : memref<128x64xf32, #tpu.memory_space<hbm>>)
    %dma_start3A_704 = arith.constant 4864 : i32
    %dma_start3A_705 = tpu.memref_slice %arg6[%dma_start3A_704] : memref<12800xi32, #tpu.memory_space<vmem>> -> memref<128xi32, #tpu.memory_space<vmem>>
    %dma_start3A_706 = arith.constant 0 : i32
    %dma_start3A_707 = arith.constant 0 : i32
    %dma_start3A_708 = tpu.memref_slice %arg5[%dma_start3A_706, %dma_start3A_707] : memref<9x64xf32, #tpu.memory_space<vmem_shared>> -> memref<9x64xf32, #tpu.memory_space<vmem_shared>>
    tpu.enqueue_indirect_dma source(%dma_start3A_708 : memref<9x64xf32, #tpu.memory_space<vmem_shared>>) target(%arg9 : memref<128x64xf32, #tpu.memory_space<vmem>>) offsets(%dma_start3A_705 : memref<128xi32, #tpu.memory_space<vmem>>) semaphore(%arg15 : memref<!tpu.dma_semaphore, #tpu.memory_space<semaphore_mem>>)
    %dma_wait3A_709 = arith.constant 4352 : i32
    %dma_wait3A_710 = tpu.memref_slice %arg6[%dma_wait3A_709] : memref<12800xi32, #tpu.memory_space<vmem>> -> memref<128xi32, #tpu.memory_space<vmem>>
    %dma_wait3A_711 = arith.constant 0 : i32
    %dma_wait3A_712 = arith.constant 0 : i32
    %dma_wait3A_713 = tpu.memref_slice %arg5[%dma_wait3A_711, %dma_wait3A_712] : memref<9x64xf32, #tpu.memory_space<vmem_shared>> -> memref<9x64xf32, #tpu.memory_space<vmem_shared>>
    tpu.wait_indirect_dma semaphore(%arg17 : memref<!tpu.dma_semaphore, #tpu.memory_space<semaphore_mem>>) src(%dma_wait3A_713 : memref<9x64xf32, #tpu.memory_space<vmem_shared>>) dst(%arg11 : memref<128x64xf32, #tpu.memory_space<vmem>>)
    %add3A_714 = arith.constant 4352 : i32
    %add3A_715 = arith.addi %mul3A_2, %add3A_714 : i32
    %dma_start3A_716 = arith.constant 0 : i32
    %dma_start3A_717 = tpu.memref_slice %arg4[%add3A_715, %dma_start3A_716] : memref<409600x64xf32, #tpu.memory_space<hbm>> -> memref<128x64xf32, #tpu.memory_space<hbm>>
    %dma_start3A_718 = arith.constant 0 : i32
    %dma_start3A_719 = tpu.memref_slice %arg4[%add3A_715, %dma_start3A_718] : memref<409600x64xf32, #tpu.memory_space<hbm>> -> memref<128x64xf32, #tpu.memory_space<hbm>>
    tpu.enqueue_dma source(%arg11 : memref<128x64xf32, #tpu.memory_space<vmem>>) target(%dma_start3A_719 : memref<128x64xf32, #tpu.memory_space<hbm>>) target_semaphore(%arg23 : memref<!tpu.dma_semaphore, #tpu.memory_space<semaphore_mem>>)
    %dma_wait3A_720 = arith.constant 0 : i32
    %dma_wait3A_721 = tpu.memref_slice %arg4[%add3A_695, %dma_wait3A_720] : memref<409600x64xf32, #tpu.memory_space<hbm>> -> memref<128x64xf32, #tpu.memory_space<hbm>>
    %dma_wait3A_722 = arith.constant 0 : i32
    %dma_wait3A_723 = tpu.memref_slice %arg4[%add3A_695, %dma_wait3A_722] : memref<409600x64xf32, #tpu.memory_space<hbm>> -> memref<128x64xf32, #tpu.memory_space<hbm>>
    tpu.wait_dma2 semaphore(%arg22 : memref<!tpu.dma_semaphore, #tpu.memory_space<semaphore_mem>>) src(%arg10 : memref<128x64xf32, #tpu.memory_space<vmem>>) dst(%dma_wait3A_723 : memref<128x64xf32, #tpu.memory_space<hbm>>)
    %dma_start3A_724 = arith.constant 4992 : i32
    %dma_start3A_725 = tpu.memref_slice %arg6[%dma_start3A_724] : memref<12800xi32, #tpu.memory_space<vmem>> -> memref<128xi32, #tpu.memory_space<vmem>>
    %dma_start3A_726 = arith.constant 0 : i32
    %dma_start3A_727 = arith.constant 0 : i32
    %dma_start3A_728 = tpu.memref_slice %arg5[%dma_start3A_726, %dma_start3A_727] : memref<9x64xf32, #tpu.memory_space<vmem_shared>> -> memref<9x64xf32, #tpu.memory_space<vmem_shared>>
    tpu.enqueue_indirect_dma source(%dma_start3A_728 : memref<9x64xf32, #tpu.memory_space<vmem_shared>>) target(%arg10 : memref<128x64xf32, #tpu.memory_space<vmem>>) offsets(%dma_start3A_725 : memref<128xi32, #tpu.memory_space<vmem>>) semaphore(%arg16 : memref<!tpu.dma_semaphore, #tpu.memory_space<semaphore_mem>>)
    %dma_wait3A_729 = arith.constant 4480 : i32
    %dma_wait3A_730 = tpu.memref_slice %arg6[%dma_wait3A_729] : memref<12800xi32, #tpu.memory_space<vmem>> -> memref<128xi32, #tpu.memory_space<vmem>>
    %dma_wait3A_731 = arith.constant 0 : i32
    %dma_wait3A_732 = arith.constant 0 : i32
    %dma_wait3A_733 = tpu.memref_slice %arg5[%dma_wait3A_731, %dma_wait3A_732] : memref<9x64xf32, #tpu.memory_space<vmem_shared>> -> memref<9x64xf32, #tpu.memory_space<vmem_shared>>
    tpu.wait_indirect_dma semaphore(%arg18 : memref<!tpu.dma_semaphore, #tpu.memory_space<semaphore_mem>>) src(%dma_wait3A_733 : memref<9x64xf32, #tpu.memory_space<vmem_shared>>) dst(%arg12 : memref<128x64xf32, #tpu.memory_space<vmem>>)
    %add3A_734 = arith.constant 4480 : i32
    %add3A_735 = arith.addi %mul3A_2, %add3A_734 : i32
    %dma_start3A_736 = arith.constant 0 : i32
    %dma_start3A_737 = tpu.memref_slice %arg4[%add3A_735, %dma_start3A_736] : memref<409600x64xf32, #tpu.memory_space<hbm>> -> memref<128x64xf32, #tpu.memory_space<hbm>>
    %dma_start3A_738 = arith.constant 0 : i32
    %dma_start3A_739 = tpu.memref_slice %arg4[%add3A_735, %dma_start3A_738] : memref<409600x64xf32, #tpu.memory_space<hbm>> -> memref<128x64xf32, #tpu.memory_space<hbm>>
    tpu.enqueue_dma source(%arg12 : memref<128x64xf32, #tpu.memory_space<vmem>>) target(%dma_start3A_739 : memref<128x64xf32, #tpu.memory_space<hbm>>) target_semaphore(%arg24 : memref<!tpu.dma_semaphore, #tpu.memory_space<semaphore_mem>>)
    %dma_wait3A_740 = arith.constant 0 : i32
    %dma_wait3A_741 = tpu.memref_slice %arg4[%add3A_715, %dma_wait3A_740] : memref<409600x64xf32, #tpu.memory_space<hbm>> -> memref<128x64xf32, #tpu.memory_space<hbm>>
    %dma_wait3A_742 = arith.constant 0 : i32
    %dma_wait3A_743 = tpu.memref_slice %arg4[%add3A_715, %dma_wait3A_742] : memref<409600x64xf32, #tpu.memory_space<hbm>> -> memref<128x64xf32, #tpu.memory_space<hbm>>
    tpu.wait_dma2 semaphore(%arg23 : memref<!tpu.dma_semaphore, #tpu.memory_space<semaphore_mem>>) src(%arg11 : memref<128x64xf32, #tpu.memory_space<vmem>>) dst(%dma_wait3A_743 : memref<128x64xf32, #tpu.memory_space<hbm>>)
    %dma_start3A_744 = arith.constant 5120 : i32
    %dma_start3A_745 = tpu.memref_slice %arg6[%dma_start3A_744] : memref<12800xi32, #tpu.memory_space<vmem>> -> memref<128xi32, #tpu.memory_space<vmem>>
    %dma_start3A_746 = arith.constant 0 : i32
    %dma_start3A_747 = arith.constant 0 : i32
    %dma_start3A_748 = tpu.memref_slice %arg5[%dma_start3A_746, %dma_start3A_747] : memref<9x64xf32, #tpu.memory_space<vmem_shared>> -> memref<9x64xf32, #tpu.memory_space<vmem_shared>>
    tpu.enqueue_indirect_dma source(%dma_start3A_748 : memref<9x64xf32, #tpu.memory_space<vmem_shared>>) target(%arg11 : memref<128x64xf32, #tpu.memory_space<vmem>>) offsets(%dma_start3A_745 : memref<128xi32, #tpu.memory_space<vmem>>) semaphore(%arg17 : memref<!tpu.dma_semaphore, #tpu.memory_space<semaphore_mem>>)
    %dma_wait3A_749 = arith.constant 4608 : i32
    %dma_wait3A_750 = tpu.memref_slice %arg6[%dma_wait3A_749] : memref<12800xi32, #tpu.memory_space<vmem>> -> memref<128xi32, #tpu.memory_space<vmem>>
    %dma_wait3A_751 = arith.constant 0 : i32
    %dma_wait3A_752 = arith.constant 0 : i32
    %dma_wait3A_753 = tpu.memref_slice %arg5[%dma_wait3A_751, %dma_wait3A_752] : memref<9x64xf32, #tpu.memory_space<vmem_shared>> -> memref<9x64xf32, #tpu.memory_space<vmem_shared>>
    tpu.wait_indirect_dma semaphore(%arg13 : memref<!tpu.dma_semaphore, #tpu.memory_space<semaphore_mem>>) src(%dma_wait3A_753 : memref<9x64xf32, #tpu.memory_space<vmem_shared>>) dst(%arg7 : memref<128x64xf32, #tpu.memory_space<vmem>>)
    %add3A_754 = arith.constant 4608 : i32
    %add3A_755 = arith.addi %mul3A_2, %add3A_754 : i32
    %dma_start3A_756 = arith.constant 0 : i32
    %dma_start3A_757 = tpu.memref_slice %arg4[%add3A_755, %dma_start3A_756] : memref<409600x64xf32, #tpu.memory_space<hbm>> -> memref<128x64xf32, #tpu.memory_space<hbm>>
    %dma_start3A_758 = arith.constant 0 : i32
    %dma_start3A_759 = tpu.memref_slice %arg4[%add3A_755, %dma_start3A_758] : memref<409600x64xf32, #tpu.memory_space<hbm>> -> memref<128x64xf32, #tpu.memory_space<hbm>>
    tpu.enqueue_dma source(%arg7 : memref<128x64xf32, #tpu.memory_space<vmem>>) target(%dma_start3A_759 : memref<128x64xf32, #tpu.memory_space<hbm>>) target_semaphore(%arg19 : memref<!tpu.dma_semaphore, #tpu.memory_space<semaphore_mem>>)
    %dma_wait3A_760 = arith.constant 0 : i32
    %dma_wait3A_761 = tpu.memref_slice %arg4[%add3A_735, %dma_wait3A_760] : memref<409600x64xf32, #tpu.memory_space<hbm>> -> memref<128x64xf32, #tpu.memory_space<hbm>>
    %dma_wait3A_762 = arith.constant 0 : i32
    %dma_wait3A_763 = tpu.memref_slice %arg4[%add3A_735, %dma_wait3A_762] : memref<409600x64xf32, #tpu.memory_space<hbm>> -> memref<128x64xf32, #tpu.memory_space<hbm>>
    tpu.wait_dma2 semaphore(%arg24 : memref<!tpu.dma_semaphore, #tpu.memory_space<semaphore_mem>>) src(%arg12 : memref<128x64xf32, #tpu.memory_space<vmem>>) dst(%dma_wait3A_763 : memref<128x64xf32, #tpu.memory_space<hbm>>)
    %dma_start3A_764 = arith.constant 5248 : i32
    %dma_start3A_765 = tpu.memref_slice %arg6[%dma_start3A_764] : memref<12800xi32, #tpu.memory_space<vmem>> -> memref<128xi32, #tpu.memory_space<vmem>>
    %dma_start3A_766 = arith.constant 0 : i32
    %dma_start3A_767 = arith.constant 0 : i32
    %dma_start3A_768 = tpu.memref_slice %arg5[%dma_start3A_766, %dma_start3A_767] : memref<9x64xf32, #tpu.memory_space<vmem_shared>> -> memref<9x64xf32, #tpu.memory_space<vmem_shared>>
    tpu.enqueue_indirect_dma source(%dma_start3A_768 : memref<9x64xf32, #tpu.memory_space<vmem_shared>>) target(%arg12 : memref<128x64xf32, #tpu.memory_space<vmem>>) offsets(%dma_start3A_765 : memref<128xi32, #tpu.memory_space<vmem>>) semaphore(%arg18 : memref<!tpu.dma_semaphore, #tpu.memory_space<semaphore_mem>>)
    %dma_wait3A_769 = arith.constant 4736 : i32
    %dma_wait3A_770 = tpu.memref_slice %arg6[%dma_wait3A_769] : memref<12800xi32, #tpu.memory_space<vmem>> -> memref<128xi32, #tpu.memory_space<vmem>>
    %dma_wait3A_771 = arith.constant 0 : i32
    %dma_wait3A_772 = arith.constant 0 : i32
    %dma_wait3A_773 = tpu.memref_slice %arg5[%dma_wait3A_771, %dma_wait3A_772] : memref<9x64xf32, #tpu.memory_space<vmem_shared>> -> memref<9x64xf32, #tpu.memory_space<vmem_shared>>
    tpu.wait_indirect_dma semaphore(%arg14 : memref<!tpu.dma_semaphore, #tpu.memory_space<semaphore_mem>>) src(%dma_wait3A_773 : memref<9x64xf32, #tpu.memory_space<vmem_shared>>) dst(%arg8 : memref<128x64xf32, #tpu.memory_space<vmem>>)
    %add3A_774 = arith.constant 4736 : i32
    %add3A_775 = arith.addi %mul3A_2, %add3A_774 : i32
    %dma_start3A_776 = arith.constant 0 : i32
    %dma_start3A_777 = tpu.memref_slice %arg4[%add3A_775, %dma_start3A_776] : memref<409600x64xf32, #tpu.memory_space<hbm>> -> memref<128x64xf32, #tpu.memory_space<hbm>>
    %dma_start3A_778 = arith.constant 0 : i32
    %dma_start3A_779 = tpu.memref_slice %arg4[%add3A_775, %dma_start3A_778] : memref<409600x64xf32, #tpu.memory_space<hbm>> -> memref<128x64xf32, #tpu.memory_space<hbm>>
    tpu.enqueue_dma source(%arg8 : memref<128x64xf32, #tpu.memory_space<vmem>>) target(%dma_start3A_779 : memref<128x64xf32, #tpu.memory_space<hbm>>) target_semaphore(%arg20 : memref<!tpu.dma_semaphore, #tpu.memory_space<semaphore_mem>>)
    %dma_wait3A_780 = arith.constant 0 : i32
    %dma_wait3A_781 = tpu.memref_slice %arg4[%add3A_755, %dma_wait3A_780] : memref<409600x64xf32, #tpu.memory_space<hbm>> -> memref<128x64xf32, #tpu.memory_space<hbm>>
    %dma_wait3A_782 = arith.constant 0 : i32
    %dma_wait3A_783 = tpu.memref_slice %arg4[%add3A_755, %dma_wait3A_782] : memref<409600x64xf32, #tpu.memory_space<hbm>> -> memref<128x64xf32, #tpu.memory_space<hbm>>
    tpu.wait_dma2 semaphore(%arg19 : memref<!tpu.dma_semaphore, #tpu.memory_space<semaphore_mem>>) src(%arg7 : memref<128x64xf32, #tpu.memory_space<vmem>>) dst(%dma_wait3A_783 : memref<128x64xf32, #tpu.memory_space<hbm>>)
    %dma_start3A_784 = arith.constant 5376 : i32
    %dma_start3A_785 = tpu.memref_slice %arg6[%dma_start3A_784] : memref<12800xi32, #tpu.memory_space<vmem>> -> memref<128xi32, #tpu.memory_space<vmem>>
    %dma_start3A_786 = arith.constant 0 : i32
    %dma_start3A_787 = arith.constant 0 : i32
    %dma_start3A_788 = tpu.memref_slice %arg5[%dma_start3A_786, %dma_start3A_787] : memref<9x64xf32, #tpu.memory_space<vmem_shared>> -> memref<9x64xf32, #tpu.memory_space<vmem_shared>>
    tpu.enqueue_indirect_dma source(%dma_start3A_788 : memref<9x64xf32, #tpu.memory_space<vmem_shared>>) target(%arg7 : memref<128x64xf32, #tpu.memory_space<vmem>>) offsets(%dma_start3A_785 : memref<128xi32, #tpu.memory_space<vmem>>) semaphore(%arg13 : memref<!tpu.dma_semaphore, #tpu.memory_space<semaphore_mem>>)
    %dma_wait3A_789 = arith.constant 4864 : i32
    %dma_wait3A_790 = tpu.memref_slice %arg6[%dma_wait3A_789] : memref<12800xi32, #tpu.memory_space<vmem>> -> memref<128xi32, #tpu.memory_space<vmem>>
    %dma_wait3A_791 = arith.constant 0 : i32
    %dma_wait3A_792 = arith.constant 0 : i32
    %dma_wait3A_793 = tpu.memref_slice %arg5[%dma_wait3A_791, %dma_wait3A_792] : memref<9x64xf32, #tpu.memory_space<vmem_shared>> -> memref<9x64xf32, #tpu.memory_space<vmem_shared>>
    tpu.wait_indirect_dma semaphore(%arg15 : memref<!tpu.dma_semaphore, #tpu.memory_space<semaphore_mem>>) src(%dma_wait3A_793 : memref<9x64xf32, #tpu.memory_space<vmem_shared>>) dst(%arg9 : memref<128x64xf32, #tpu.memory_space<vmem>>)
    %add3A_794 = arith.constant 4864 : i32
    %add3A_795 = arith.addi %mul3A_2, %add3A_794 : i32
    %dma_start3A_796 = arith.constant 0 : i32
    %dma_start3A_797 = tpu.memref_slice %arg4[%add3A_795, %dma_start3A_796] : memref<409600x64xf32, #tpu.memory_space<hbm>> -> memref<128x64xf32, #tpu.memory_space<hbm>>
    %dma_start3A_798 = arith.constant 0 : i32
    %dma_start3A_799 = tpu.memref_slice %arg4[%add3A_795, %dma_start3A_798] : memref<409600x64xf32, #tpu.memory_space<hbm>> -> memref<128x64xf32, #tpu.memory_space<hbm>>
    tpu.enqueue_dma source(%arg9 : memref<128x64xf32, #tpu.memory_space<vmem>>) target(%dma_start3A_799 : memref<128x64xf32, #tpu.memory_space<hbm>>) target_semaphore(%arg21 : memref<!tpu.dma_semaphore, #tpu.memory_space<semaphore_mem>>)
    %dma_wait3A_800 = arith.constant 0 : i32
    %dma_wait3A_801 = tpu.memref_slice %arg4[%add3A_775, %dma_wait3A_800] : memref<409600x64xf32, #tpu.memory_space<hbm>> -> memref<128x64xf32, #tpu.memory_space<hbm>>
    %dma_wait3A_802 = arith.constant 0 : i32
    %dma_wait3A_803 = tpu.memref_slice %arg4[%add3A_775, %dma_wait3A_802] : memref<409600x64xf32, #tpu.memory_space<hbm>> -> memref<128x64xf32, #tpu.memory_space<hbm>>
    tpu.wait_dma2 semaphore(%arg20 : memref<!tpu.dma_semaphore, #tpu.memory_space<semaphore_mem>>) src(%arg8 : memref<128x64xf32, #tpu.memory_space<vmem>>) dst(%dma_wait3A_803 : memref<128x64xf32, #tpu.memory_space<hbm>>)
    %dma_start3A_804 = arith.constant 5504 : i32
    %dma_start3A_805 = tpu.memref_slice %arg6[%dma_start3A_804] : memref<12800xi32, #tpu.memory_space<vmem>> -> memref<128xi32, #tpu.memory_space<vmem>>
    %dma_start3A_806 = arith.constant 0 : i32
    %dma_start3A_807 = arith.constant 0 : i32
    %dma_start3A_808 = tpu.memref_slice %arg5[%dma_start3A_806, %dma_start3A_807] : memref<9x64xf32, #tpu.memory_space<vmem_shared>> -> memref<9x64xf32, #tpu.memory_space<vmem_shared>>
    tpu.enqueue_indirect_dma source(%dma_start3A_808 : memref<9x64xf32, #tpu.memory_space<vmem_shared>>) target(%arg8 : memref<128x64xf32, #tpu.memory_space<vmem>>) offsets(%dma_start3A_805 : memref<128xi32, #tpu.memory_space<vmem>>) semaphore(%arg14 : memref<!tpu.dma_semaphore, #tpu.memory_space<semaphore_mem>>)
    %dma_wait3A_809 = arith.constant 4992 : i32
    %dma_wait3A_810 = tpu.memref_slice %arg6[%dma_wait3A_809] : memref<12800xi32, #tpu.memory_space<vmem>> -> memref<128xi32, #tpu.memory_space<vmem>>
    %dma_wait3A_811 = arith.constant 0 : i32
    %dma_wait3A_812 = arith.constant 0 : i32
    %dma_wait3A_813 = tpu.memref_slice %arg5[%dma_wait3A_811, %dma_wait3A_812] : memref<9x64xf32, #tpu.memory_space<vmem_shared>> -> memref<9x64xf32, #tpu.memory_space<vmem_shared>>
    tpu.wait_indirect_dma semaphore(%arg16 : memref<!tpu.dma_semaphore, #tpu.memory_space<semaphore_mem>>) src(%dma_wait3A_813 : memref<9x64xf32, #tpu.memory_space<vmem_shared>>) dst(%arg10 : memref<128x64xf32, #tpu.memory_space<vmem>>)
    %add3A_814 = arith.constant 4992 : i32
    %add3A_815 = arith.addi %mul3A_2, %add3A_814 : i32
    %dma_start3A_816 = arith.constant 0 : i32
    %dma_start3A_817 = tpu.memref_slice %arg4[%add3A_815, %dma_start3A_816] : memref<409600x64xf32, #tpu.memory_space<hbm>> -> memref<128x64xf32, #tpu.memory_space<hbm>>
    %dma_start3A_818 = arith.constant 0 : i32
    %dma_start3A_819 = tpu.memref_slice %arg4[%add3A_815, %dma_start3A_818] : memref<409600x64xf32, #tpu.memory_space<hbm>> -> memref<128x64xf32, #tpu.memory_space<hbm>>
    tpu.enqueue_dma source(%arg10 : memref<128x64xf32, #tpu.memory_space<vmem>>) target(%dma_start3A_819 : memref<128x64xf32, #tpu.memory_space<hbm>>) target_semaphore(%arg22 : memref<!tpu.dma_semaphore, #tpu.memory_space<semaphore_mem>>)
    %dma_wait3A_820 = arith.constant 0 : i32
    %dma_wait3A_821 = tpu.memref_slice %arg4[%add3A_795, %dma_wait3A_820] : memref<409600x64xf32, #tpu.memory_space<hbm>> -> memref<128x64xf32, #tpu.memory_space<hbm>>
    %dma_wait3A_822 = arith.constant 0 : i32
    %dma_wait3A_823 = tpu.memref_slice %arg4[%add3A_795, %dma_wait3A_822] : memref<409600x64xf32, #tpu.memory_space<hbm>> -> memref<128x64xf32, #tpu.memory_space<hbm>>
    tpu.wait_dma2 semaphore(%arg21 : memref<!tpu.dma_semaphore, #tpu.memory_space<semaphore_mem>>) src(%arg9 : memref<128x64xf32, #tpu.memory_space<vmem>>) dst(%dma_wait3A_823 : memref<128x64xf32, #tpu.memory_space<hbm>>)
    %dma_start3A_824 = arith.constant 5632 : i32
    %dma_start3A_825 = tpu.memref_slice %arg6[%dma_start3A_824] : memref<12800xi32, #tpu.memory_space<vmem>> -> memref<128xi32, #tpu.memory_space<vmem>>
    %dma_start3A_826 = arith.constant 0 : i32
    %dma_start3A_827 = arith.constant 0 : i32
    %dma_start3A_828 = tpu.memref_slice %arg5[%dma_start3A_826, %dma_start3A_827] : memref<9x64xf32, #tpu.memory_space<vmem_shared>> -> memref<9x64xf32, #tpu.memory_space<vmem_shared>>
    tpu.enqueue_indirect_dma source(%dma_start3A_828 : memref<9x64xf32, #tpu.memory_space<vmem_shared>>) target(%arg9 : memref<128x64xf32, #tpu.memory_space<vmem>>) offsets(%dma_start3A_825 : memref<128xi32, #tpu.memory_space<vmem>>) semaphore(%arg15 : memref<!tpu.dma_semaphore, #tpu.memory_space<semaphore_mem>>)
    %dma_wait3A_829 = arith.constant 5120 : i32
    %dma_wait3A_830 = tpu.memref_slice %arg6[%dma_wait3A_829] : memref<12800xi32, #tpu.memory_space<vmem>> -> memref<128xi32, #tpu.memory_space<vmem>>
    %dma_wait3A_831 = arith.constant 0 : i32
    %dma_wait3A_832 = arith.constant 0 : i32
    %dma_wait3A_833 = tpu.memref_slice %arg5[%dma_wait3A_831, %dma_wait3A_832] : memref<9x64xf32, #tpu.memory_space<vmem_shared>> -> memref<9x64xf32, #tpu.memory_space<vmem_shared>>
    tpu.wait_indirect_dma semaphore(%arg17 : memref<!tpu.dma_semaphore, #tpu.memory_space<semaphore_mem>>) src(%dma_wait3A_833 : memref<9x64xf32, #tpu.memory_space<vmem_shared>>) dst(%arg11 : memref<128x64xf32, #tpu.memory_space<vmem>>)
    %add3A_834 = arith.constant 5120 : i32
    %add3A_835 = arith.addi %mul3A_2, %add3A_834 : i32
    %dma_start3A_836 = arith.constant 0 : i32
    %dma_start3A_837 = tpu.memref_slice %arg4[%add3A_835, %dma_start3A_836] : memref<409600x64xf32, #tpu.memory_space<hbm>> -> memref<128x64xf32, #tpu.memory_space<hbm>>
    %dma_start3A_838 = arith.constant 0 : i32
    %dma_start3A_839 = tpu.memref_slice %arg4[%add3A_835, %dma_start3A_838] : memref<409600x64xf32, #tpu.memory_space<hbm>> -> memref<128x64xf32, #tpu.memory_space<hbm>>
    tpu.enqueue_dma source(%arg11 : memref<128x64xf32, #tpu.memory_space<vmem>>) target(%dma_start3A_839 : memref<128x64xf32, #tpu.memory_space<hbm>>) target_semaphore(%arg23 : memref<!tpu.dma_semaphore, #tpu.memory_space<semaphore_mem>>)
    %dma_wait3A_840 = arith.constant 0 : i32
    %dma_wait3A_841 = tpu.memref_slice %arg4[%add3A_815, %dma_wait3A_840] : memref<409600x64xf32, #tpu.memory_space<hbm>> -> memref<128x64xf32, #tpu.memory_space<hbm>>
    %dma_wait3A_842 = arith.constant 0 : i32
    %dma_wait3A_843 = tpu.memref_slice %arg4[%add3A_815, %dma_wait3A_842] : memref<409600x64xf32, #tpu.memory_space<hbm>> -> memref<128x64xf32, #tpu.memory_space<hbm>>
    tpu.wait_dma2 semaphore(%arg22 : memref<!tpu.dma_semaphore, #tpu.memory_space<semaphore_mem>>) src(%arg10 : memref<128x64xf32, #tpu.memory_space<vmem>>) dst(%dma_wait3A_843 : memref<128x64xf32, #tpu.memory_space<hbm>>)
    %dma_start3A_844 = arith.constant 5760 : i32
    %dma_start3A_845 = tpu.memref_slice %arg6[%dma_start3A_844] : memref<12800xi32, #tpu.memory_space<vmem>> -> memref<128xi32, #tpu.memory_space<vmem>>
    %dma_start3A_846 = arith.constant 0 : i32
    %dma_start3A_847 = arith.constant 0 : i32
    %dma_start3A_848 = tpu.memref_slice %arg5[%dma_start3A_846, %dma_start3A_847] : memref<9x64xf32, #tpu.memory_space<vmem_shared>> -> memref<9x64xf32, #tpu.memory_space<vmem_shared>>
    tpu.enqueue_indirect_dma source(%dma_start3A_848 : memref<9x64xf32, #tpu.memory_space<vmem_shared>>) target(%arg10 : memref<128x64xf32, #tpu.memory_space<vmem>>) offsets(%dma_start3A_845 : memref<128xi32, #tpu.memory_space<vmem>>) semaphore(%arg16 : memref<!tpu.dma_semaphore, #tpu.memory_space<semaphore_mem>>)
    %dma_wait3A_849 = arith.constant 5248 : i32
    %dma_wait3A_850 = tpu.memref_slice %arg6[%dma_wait3A_849] : memref<12800xi32, #tpu.memory_space<vmem>> -> memref<128xi32, #tpu.memory_space<vmem>>
    %dma_wait3A_851 = arith.constant 0 : i32
    %dma_wait3A_852 = arith.constant 0 : i32
    %dma_wait3A_853 = tpu.memref_slice %arg5[%dma_wait3A_851, %dma_wait3A_852] : memref<9x64xf32, #tpu.memory_space<vmem_shared>> -> memref<9x64xf32, #tpu.memory_space<vmem_shared>>
    tpu.wait_indirect_dma semaphore(%arg18 : memref<!tpu.dma_semaphore, #tpu.memory_space<semaphore_mem>>) src(%dma_wait3A_853 : memref<9x64xf32, #tpu.memory_space<vmem_shared>>) dst(%arg12 : memref<128x64xf32, #tpu.memory_space<vmem>>)
    %add3A_854 = arith.constant 5248 : i32
    %add3A_855 = arith.addi %mul3A_2, %add3A_854 : i32
    %dma_start3A_856 = arith.constant 0 : i32
    %dma_start3A_857 = tpu.memref_slice %arg4[%add3A_855, %dma_start3A_856] : memref<409600x64xf32, #tpu.memory_space<hbm>> -> memref<128x64xf32, #tpu.memory_space<hbm>>
    %dma_start3A_858 = arith.constant 0 : i32
    %dma_start3A_859 = tpu.memref_slice %arg4[%add3A_855, %dma_start3A_858] : memref<409600x64xf32, #tpu.memory_space<hbm>> -> memref<128x64xf32, #tpu.memory_space<hbm>>
    tpu.enqueue_dma source(%arg12 : memref<128x64xf32, #tpu.memory_space<vmem>>) target(%dma_start3A_859 : memref<128x64xf32, #tpu.memory_space<hbm>>) target_semaphore(%arg24 : memref<!tpu.dma_semaphore, #tpu.memory_space<semaphore_mem>>)
    %dma_wait3A_860 = arith.constant 0 : i32
    %dma_wait3A_861 = tpu.memref_slice %arg4[%add3A_835, %dma_wait3A_860] : memref<409600x64xf32, #tpu.memory_space<hbm>> -> memref<128x64xf32, #tpu.memory_space<hbm>>
    %dma_wait3A_862 = arith.constant 0 : i32
    %dma_wait3A_863 = tpu.memref_slice %arg4[%add3A_835, %dma_wait3A_862] : memref<409600x64xf32, #tpu.memory_space<hbm>> -> memref<128x64xf32, #tpu.memory_space<hbm>>
    tpu.wait_dma2 semaphore(%arg23 : memref<!tpu.dma_semaphore, #tpu.memory_space<semaphore_mem>>) src(%arg11 : memref<128x64xf32, #tpu.memory_space<vmem>>) dst(%dma_wait3A_863 : memref<128x64xf32, #tpu.memory_space<hbm>>)
    %dma_start3A_864 = arith.constant 5888 : i32
    %dma_start3A_865 = tpu.memref_slice %arg6[%dma_start3A_864] : memref<12800xi32, #tpu.memory_space<vmem>> -> memref<128xi32, #tpu.memory_space<vmem>>
    %dma_start3A_866 = arith.constant 0 : i32
    %dma_start3A_867 = arith.constant 0 : i32
    %dma_start3A_868 = tpu.memref_slice %arg5[%dma_start3A_866, %dma_start3A_867] : memref<9x64xf32, #tpu.memory_space<vmem_shared>> -> memref<9x64xf32, #tpu.memory_space<vmem_shared>>
    tpu.enqueue_indirect_dma source(%dma_start3A_868 : memref<9x64xf32, #tpu.memory_space<vmem_shared>>) target(%arg11 : memref<128x64xf32, #tpu.memory_space<vmem>>) offsets(%dma_start3A_865 : memref<128xi32, #tpu.memory_space<vmem>>) semaphore(%arg17 : memref<!tpu.dma_semaphore, #tpu.memory_space<semaphore_mem>>)
    %dma_wait3A_869 = arith.constant 5376 : i32
    %dma_wait3A_870 = tpu.memref_slice %arg6[%dma_wait3A_869] : memref<12800xi32, #tpu.memory_space<vmem>> -> memref<128xi32, #tpu.memory_space<vmem>>
    %dma_wait3A_871 = arith.constant 0 : i32
    %dma_wait3A_872 = arith.constant 0 : i32
    %dma_wait3A_873 = tpu.memref_slice %arg5[%dma_wait3A_871, %dma_wait3A_872] : memref<9x64xf32, #tpu.memory_space<vmem_shared>> -> memref<9x64xf32, #tpu.memory_space<vmem_shared>>
    tpu.wait_indirect_dma semaphore(%arg13 : memref<!tpu.dma_semaphore, #tpu.memory_space<semaphore_mem>>) src(%dma_wait3A_873 : memref<9x64xf32, #tpu.memory_space<vmem_shared>>) dst(%arg7 : memref<128x64xf32, #tpu.memory_space<vmem>>)
    %add3A_874 = arith.constant 5376 : i32
    %add3A_875 = arith.addi %mul3A_2, %add3A_874 : i32
    %dma_start3A_876 = arith.constant 0 : i32
    %dma_start3A_877 = tpu.memref_slice %arg4[%add3A_875, %dma_start3A_876] : memref<409600x64xf32, #tpu.memory_space<hbm>> -> memref<128x64xf32, #tpu.memory_space<hbm>>
    %dma_start3A_878 = arith.constant 0 : i32
    %dma_start3A_879 = tpu.memref_slice %arg4[%add3A_875, %dma_start3A_878] : memref<409600x64xf32, #tpu.memory_space<hbm>> -> memref<128x64xf32, #tpu.memory_space<hbm>>
    tpu.enqueue_dma source(%arg7 : memref<128x64xf32, #tpu.memory_space<vmem>>) target(%dma_start3A_879 : memref<128x64xf32, #tpu.memory_space<hbm>>) target_semaphore(%arg19 : memref<!tpu.dma_semaphore, #tpu.memory_space<semaphore_mem>>)
    %dma_wait3A_880 = arith.constant 0 : i32
    %dma_wait3A_881 = tpu.memref_slice %arg4[%add3A_855, %dma_wait3A_880] : memref<409600x64xf32, #tpu.memory_space<hbm>> -> memref<128x64xf32, #tpu.memory_space<hbm>>
    %dma_wait3A_882 = arith.constant 0 : i32
    %dma_wait3A_883 = tpu.memref_slice %arg4[%add3A_855, %dma_wait3A_882] : memref<409600x64xf32, #tpu.memory_space<hbm>> -> memref<128x64xf32, #tpu.memory_space<hbm>>
    tpu.wait_dma2 semaphore(%arg24 : memref<!tpu.dma_semaphore, #tpu.memory_space<semaphore_mem>>) src(%arg12 : memref<128x64xf32, #tpu.memory_space<vmem>>) dst(%dma_wait3A_883 : memref<128x64xf32, #tpu.memory_space<hbm>>)
    %dma_start3A_884 = arith.constant 6016 : i32
    %dma_start3A_885 = tpu.memref_slice %arg6[%dma_start3A_884] : memref<12800xi32, #tpu.memory_space<vmem>> -> memref<128xi32, #tpu.memory_space<vmem>>
    %dma_start3A_886 = arith.constant 0 : i32
    %dma_start3A_887 = arith.constant 0 : i32
    %dma_start3A_888 = tpu.memref_slice %arg5[%dma_start3A_886, %dma_start3A_887] : memref<9x64xf32, #tpu.memory_space<vmem_shared>> -> memref<9x64xf32, #tpu.memory_space<vmem_shared>>
    tpu.enqueue_indirect_dma source(%dma_start3A_888 : memref<9x64xf32, #tpu.memory_space<vmem_shared>>) target(%arg12 : memref<128x64xf32, #tpu.memory_space<vmem>>) offsets(%dma_start3A_885 : memref<128xi32, #tpu.memory_space<vmem>>) semaphore(%arg18 : memref<!tpu.dma_semaphore, #tpu.memory_space<semaphore_mem>>)
    %dma_wait3A_889 = arith.constant 5504 : i32
    %dma_wait3A_890 = tpu.memref_slice %arg6[%dma_wait3A_889] : memref<12800xi32, #tpu.memory_space<vmem>> -> memref<128xi32, #tpu.memory_space<vmem>>
    %dma_wait3A_891 = arith.constant 0 : i32
    %dma_wait3A_892 = arith.constant 0 : i32
    %dma_wait3A_893 = tpu.memref_slice %arg5[%dma_wait3A_891, %dma_wait3A_892] : memref<9x64xf32, #tpu.memory_space<vmem_shared>> -> memref<9x64xf32, #tpu.memory_space<vmem_shared>>
    tpu.wait_indirect_dma semaphore(%arg14 : memref<!tpu.dma_semaphore, #tpu.memory_space<semaphore_mem>>) src(%dma_wait3A_893 : memref<9x64xf32, #tpu.memory_space<vmem_shared>>) dst(%arg8 : memref<128x64xf32, #tpu.memory_space<vmem>>)
    %add3A_894 = arith.constant 5504 : i32
    %add3A_895 = arith.addi %mul3A_2, %add3A_894 : i32
    %dma_start3A_896 = arith.constant 0 : i32
    %dma_start3A_897 = tpu.memref_slice %arg4[%add3A_895, %dma_start3A_896] : memref<409600x64xf32, #tpu.memory_space<hbm>> -> memref<128x64xf32, #tpu.memory_space<hbm>>
    %dma_start3A_898 = arith.constant 0 : i32
    %dma_start3A_899 = tpu.memref_slice %arg4[%add3A_895, %dma_start3A_898] : memref<409600x64xf32, #tpu.memory_space<hbm>> -> memref<128x64xf32, #tpu.memory_space<hbm>>
    tpu.enqueue_dma source(%arg8 : memref<128x64xf32, #tpu.memory_space<vmem>>) target(%dma_start3A_899 : memref<128x64xf32, #tpu.memory_space<hbm>>) target_semaphore(%arg20 : memref<!tpu.dma_semaphore, #tpu.memory_space<semaphore_mem>>)
    %dma_wait3A_900 = arith.constant 0 : i32
    %dma_wait3A_901 = tpu.memref_slice %arg4[%add3A_875, %dma_wait3A_900] : memref<409600x64xf32, #tpu.memory_space<hbm>> -> memref<128x64xf32, #tpu.memory_space<hbm>>
    %dma_wait3A_902 = arith.constant 0 : i32
    %dma_wait3A_903 = tpu.memref_slice %arg4[%add3A_875, %dma_wait3A_902] : memref<409600x64xf32, #tpu.memory_space<hbm>> -> memref<128x64xf32, #tpu.memory_space<hbm>>
    tpu.wait_dma2 semaphore(%arg19 : memref<!tpu.dma_semaphore, #tpu.memory_space<semaphore_mem>>) src(%arg7 : memref<128x64xf32, #tpu.memory_space<vmem>>) dst(%dma_wait3A_903 : memref<128x64xf32, #tpu.memory_space<hbm>>)
    %dma_start3A_904 = arith.constant 6144 : i32
    %dma_start3A_905 = tpu.memref_slice %arg6[%dma_start3A_904] : memref<12800xi32, #tpu.memory_space<vmem>> -> memref<128xi32, #tpu.memory_space<vmem>>
    %dma_start3A_906 = arith.constant 0 : i32
    %dma_start3A_907 = arith.constant 0 : i32
    %dma_start3A_908 = tpu.memref_slice %arg5[%dma_start3A_906, %dma_start3A_907] : memref<9x64xf32, #tpu.memory_space<vmem_shared>> -> memref<9x64xf32, #tpu.memory_space<vmem_shared>>
    tpu.enqueue_indirect_dma source(%dma_start3A_908 : memref<9x64xf32, #tpu.memory_space<vmem_shared>>) target(%arg7 : memref<128x64xf32, #tpu.memory_space<vmem>>) offsets(%dma_start3A_905 : memref<128xi32, #tpu.memory_space<vmem>>) semaphore(%arg13 : memref<!tpu.dma_semaphore, #tpu.memory_space<semaphore_mem>>)
    %dma_wait3A_909 = arith.constant 5632 : i32
    %dma_wait3A_910 = tpu.memref_slice %arg6[%dma_wait3A_909] : memref<12800xi32, #tpu.memory_space<vmem>> -> memref<128xi32, #tpu.memory_space<vmem>>
    %dma_wait3A_911 = arith.constant 0 : i32
    %dma_wait3A_912 = arith.constant 0 : i32
    %dma_wait3A_913 = tpu.memref_slice %arg5[%dma_wait3A_911, %dma_wait3A_912] : memref<9x64xf32, #tpu.memory_space<vmem_shared>> -> memref<9x64xf32, #tpu.memory_space<vmem_shared>>
    tpu.wait_indirect_dma semaphore(%arg15 : memref<!tpu.dma_semaphore, #tpu.memory_space<semaphore_mem>>) src(%dma_wait3A_913 : memref<9x64xf32, #tpu.memory_space<vmem_shared>>) dst(%arg9 : memref<128x64xf32, #tpu.memory_space<vmem>>)
    %add3A_914 = arith.constant 5632 : i32
    %add3A_915 = arith.addi %mul3A_2, %add3A_914 : i32
    %dma_start3A_916 = arith.constant 0 : i32
    %dma_start3A_917 = tpu.memref_slice %arg4[%add3A_915, %dma_start3A_916] : memref<409600x64xf32, #tpu.memory_space<hbm>> -> memref<128x64xf32, #tpu.memory_space<hbm>>
    %dma_start3A_918 = arith.constant 0 : i32
    %dma_start3A_919 = tpu.memref_slice %arg4[%add3A_915, %dma_start3A_918] : memref<409600x64xf32, #tpu.memory_space<hbm>> -> memref<128x64xf32, #tpu.memory_space<hbm>>
    tpu.enqueue_dma source(%arg9 : memref<128x64xf32, #tpu.memory_space<vmem>>) target(%dma_start3A_919 : memref<128x64xf32, #tpu.memory_space<hbm>>) target_semaphore(%arg21 : memref<!tpu.dma_semaphore, #tpu.memory_space<semaphore_mem>>)
    %dma_wait3A_920 = arith.constant 0 : i32
    %dma_wait3A_921 = tpu.memref_slice %arg4[%add3A_895, %dma_wait3A_920] : memref<409600x64xf32, #tpu.memory_space<hbm>> -> memref<128x64xf32, #tpu.memory_space<hbm>>
    %dma_wait3A_922 = arith.constant 0 : i32
    %dma_wait3A_923 = tpu.memref_slice %arg4[%add3A_895, %dma_wait3A_922] : memref<409600x64xf32, #tpu.memory_space<hbm>> -> memref<128x64xf32, #tpu.memory_space<hbm>>
    tpu.wait_dma2 semaphore(%arg20 : memref<!tpu.dma_semaphore, #tpu.memory_space<semaphore_mem>>) src(%arg8 : memref<128x64xf32, #tpu.memory_space<vmem>>) dst(%dma_wait3A_923 : memref<128x64xf32, #tpu.memory_space<hbm>>)
    %dma_start3A_924 = arith.constant 6272 : i32
    %dma_start3A_925 = tpu.memref_slice %arg6[%dma_start3A_924] : memref<12800xi32, #tpu.memory_space<vmem>> -> memref<128xi32, #tpu.memory_space<vmem>>
    %dma_start3A_926 = arith.constant 0 : i32
    %dma_start3A_927 = arith.constant 0 : i32
    %dma_start3A_928 = tpu.memref_slice %arg5[%dma_start3A_926, %dma_start3A_927] : memref<9x64xf32, #tpu.memory_space<vmem_shared>> -> memref<9x64xf32, #tpu.memory_space<vmem_shared>>
    tpu.enqueue_indirect_dma source(%dma_start3A_928 : memref<9x64xf32, #tpu.memory_space<vmem_shared>>) target(%arg8 : memref<128x64xf32, #tpu.memory_space<vmem>>) offsets(%dma_start3A_925 : memref<128xi32, #tpu.memory_space<vmem>>) semaphore(%arg14 : memref<!tpu.dma_semaphore, #tpu.memory_space<semaphore_mem>>)
    %dma_wait3A_929 = arith.constant 5760 : i32
    %dma_wait3A_930 = tpu.memref_slice %arg6[%dma_wait3A_929] : memref<12800xi32, #tpu.memory_space<vmem>> -> memref<128xi32, #tpu.memory_space<vmem>>
    %dma_wait3A_931 = arith.constant 0 : i32
    %dma_wait3A_932 = arith.constant 0 : i32
    %dma_wait3A_933 = tpu.memref_slice %arg5[%dma_wait3A_931, %dma_wait3A_932] : memref<9x64xf32, #tpu.memory_space<vmem_shared>> -> memref<9x64xf32, #tpu.memory_space<vmem_shared>>
    tpu.wait_indirect_dma semaphore(%arg16 : memref<!tpu.dma_semaphore, #tpu.memory_space<semaphore_mem>>) src(%dma_wait3A_933 : memref<9x64xf32, #tpu.memory_space<vmem_shared>>) dst(%arg10 : memref<128x64xf32, #tpu.memory_space<vmem>>)
    %add3A_934 = arith.constant 5760 : i32
    %add3A_935 = arith.addi %mul3A_2, %add3A_934 : i32
    %dma_start3A_936 = arith.constant 0 : i32
    %dma_start3A_937 = tpu.memref_slice %arg4[%add3A_935, %dma_start3A_936] : memref<409600x64xf32, #tpu.memory_space<hbm>> -> memref<128x64xf32, #tpu.memory_space<hbm>>
    %dma_start3A_938 = arith.constant 0 : i32
    %dma_start3A_939 = tpu.memref_slice %arg4[%add3A_935, %dma_start3A_938] : memref<409600x64xf32, #tpu.memory_space<hbm>> -> memref<128x64xf32, #tpu.memory_space<hbm>>
    tpu.enqueue_dma source(%arg10 : memref<128x64xf32, #tpu.memory_space<vmem>>) target(%dma_start3A_939 : memref<128x64xf32, #tpu.memory_space<hbm>>) target_semaphore(%arg22 : memref<!tpu.dma_semaphore, #tpu.memory_space<semaphore_mem>>)
    %dma_wait3A_940 = arith.constant 0 : i32
    %dma_wait3A_941 = tpu.memref_slice %arg4[%add3A_915, %dma_wait3A_940] : memref<409600x64xf32, #tpu.memory_space<hbm>> -> memref<128x64xf32, #tpu.memory_space<hbm>>
    %dma_wait3A_942 = arith.constant 0 : i32
    %dma_wait3A_943 = tpu.memref_slice %arg4[%add3A_915, %dma_wait3A_942] : memref<409600x64xf32, #tpu.memory_space<hbm>> -> memref<128x64xf32, #tpu.memory_space<hbm>>
    tpu.wait_dma2 semaphore(%arg21 : memref<!tpu.dma_semaphore, #tpu.memory_space<semaphore_mem>>) src(%arg9 : memref<128x64xf32, #tpu.memory_space<vmem>>) dst(%dma_wait3A_943 : memref<128x64xf32, #tpu.memory_space<hbm>>)
    %dma_start3A_944 = arith.constant 6400 : i32
    %dma_start3A_945 = tpu.memref_slice %arg6[%dma_start3A_944] : memref<12800xi32, #tpu.memory_space<vmem>> -> memref<128xi32, #tpu.memory_space<vmem>>
    %dma_start3A_946 = arith.constant 0 : i32
    %dma_start3A_947 = arith.constant 0 : i32
    %dma_start3A_948 = tpu.memref_slice %arg5[%dma_start3A_946, %dma_start3A_947] : memref<9x64xf32, #tpu.memory_space<vmem_shared>> -> memref<9x64xf32, #tpu.memory_space<vmem_shared>>
    tpu.enqueue_indirect_dma source(%dma_start3A_948 : memref<9x64xf32, #tpu.memory_space<vmem_shared>>) target(%arg9 : memref<128x64xf32, #tpu.memory_space<vmem>>) offsets(%dma_start3A_945 : memref<128xi32, #tpu.memory_space<vmem>>) semaphore(%arg15 : memref<!tpu.dma_semaphore, #tpu.memory_space<semaphore_mem>>)
    %dma_wait3A_949 = arith.constant 5888 : i32
    %dma_wait3A_950 = tpu.memref_slice %arg6[%dma_wait3A_949] : memref<12800xi32, #tpu.memory_space<vmem>> -> memref<128xi32, #tpu.memory_space<vmem>>
    %dma_wait3A_951 = arith.constant 0 : i32
    %dma_wait3A_952 = arith.constant 0 : i32
    %dma_wait3A_953 = tpu.memref_slice %arg5[%dma_wait3A_951, %dma_wait3A_952] : memref<9x64xf32, #tpu.memory_space<vmem_shared>> -> memref<9x64xf32, #tpu.memory_space<vmem_shared>>
    tpu.wait_indirect_dma semaphore(%arg17 : memref<!tpu.dma_semaphore, #tpu.memory_space<semaphore_mem>>) src(%dma_wait3A_953 : memref<9x64xf32, #tpu.memory_space<vmem_shared>>) dst(%arg11 : memref<128x64xf32, #tpu.memory_space<vmem>>)
    %add3A_954 = arith.constant 5888 : i32
    %add3A_955 = arith.addi %mul3A_2, %add3A_954 : i32
    %dma_start3A_956 = arith.constant 0 : i32
    %dma_start3A_957 = tpu.memref_slice %arg4[%add3A_955, %dma_start3A_956] : memref<409600x64xf32, #tpu.memory_space<hbm>> -> memref<128x64xf32, #tpu.memory_space<hbm>>
    %dma_start3A_958 = arith.constant 0 : i32
    %dma_start3A_959 = tpu.memref_slice %arg4[%add3A_955, %dma_start3A_958] : memref<409600x64xf32, #tpu.memory_space<hbm>> -> memref<128x64xf32, #tpu.memory_space<hbm>>
    tpu.enqueue_dma source(%arg11 : memref<128x64xf32, #tpu.memory_space<vmem>>) target(%dma_start3A_959 : memref<128x64xf32, #tpu.memory_space<hbm>>) target_semaphore(%arg23 : memref<!tpu.dma_semaphore, #tpu.memory_space<semaphore_mem>>)
    %dma_wait3A_960 = arith.constant 0 : i32
    %dma_wait3A_961 = tpu.memref_slice %arg4[%add3A_935, %dma_wait3A_960] : memref<409600x64xf32, #tpu.memory_space<hbm>> -> memref<128x64xf32, #tpu.memory_space<hbm>>
    %dma_wait3A_962 = arith.constant 0 : i32
    %dma_wait3A_963 = tpu.memref_slice %arg4[%add3A_935, %dma_wait3A_962] : memref<409600x64xf32, #tpu.memory_space<hbm>> -> memref<128x64xf32, #tpu.memory_space<hbm>>
    tpu.wait_dma2 semaphore(%arg22 : memref<!tpu.dma_semaphore, #tpu.memory_space<semaphore_mem>>) src(%arg10 : memref<128x64xf32, #tpu.memory_space<vmem>>) dst(%dma_wait3A_963 : memref<128x64xf32, #tpu.memory_space<hbm>>)
    %dma_start3A_964 = arith.constant 6528 : i32
    %dma_start3A_965 = tpu.memref_slice %arg6[%dma_start3A_964] : memref<12800xi32, #tpu.memory_space<vmem>> -> memref<128xi32, #tpu.memory_space<vmem>>
    %dma_start3A_966 = arith.constant 0 : i32
    %dma_start3A_967 = arith.constant 0 : i32
    %dma_start3A_968 = tpu.memref_slice %arg5[%dma_start3A_966, %dma_start3A_967] : memref<9x64xf32, #tpu.memory_space<vmem_shared>> -> memref<9x64xf32, #tpu.memory_space<vmem_shared>>
    tpu.enqueue_indirect_dma source(%dma_start3A_968 : memref<9x64xf32, #tpu.memory_space<vmem_shared>>) target(%arg10 : memref<128x64xf32, #tpu.memory_space<vmem>>) offsets(%dma_start3A_965 : memref<128xi32, #tpu.memory_space<vmem>>) semaphore(%arg16 : memref<!tpu.dma_semaphore, #tpu.memory_space<semaphore_mem>>)
    %dma_wait3A_969 = arith.constant 6016 : i32
    %dma_wait3A_970 = tpu.memref_slice %arg6[%dma_wait3A_969] : memref<12800xi32, #tpu.memory_space<vmem>> -> memref<128xi32, #tpu.memory_space<vmem>>
    %dma_wait3A_971 = arith.constant 0 : i32
    %dma_wait3A_972 = arith.constant 0 : i32
    %dma_wait3A_973 = tpu.memref_slice %arg5[%dma_wait3A_971, %dma_wait3A_972] : memref<9x64xf32, #tpu.memory_space<vmem_shared>> -> memref<9x64xf32, #tpu.memory_space<vmem_shared>>
    tpu.wait_indirect_dma semaphore(%arg18 : memref<!tpu.dma_semaphore, #tpu.memory_space<semaphore_mem>>) src(%dma_wait3A_973 : memref<9x64xf32, #tpu.memory_space<vmem_shared>>) dst(%arg12 : memref<128x64xf32, #tpu.memory_space<vmem>>)
    %add3A_974 = arith.constant 6016 : i32
    %add3A_975 = arith.addi %mul3A_2, %add3A_974 : i32
    %dma_start3A_976 = arith.constant 0 : i32
    %dma_start3A_977 = tpu.memref_slice %arg4[%add3A_975, %dma_start3A_976] : memref<409600x64xf32, #tpu.memory_space<hbm>> -> memref<128x64xf32, #tpu.memory_space<hbm>>
    %dma_start3A_978 = arith.constant 0 : i32
    %dma_start3A_979 = tpu.memref_slice %arg4[%add3A_975, %dma_start3A_978] : memref<409600x64xf32, #tpu.memory_space<hbm>> -> memref<128x64xf32, #tpu.memory_space<hbm>>
    tpu.enqueue_dma source(%arg12 : memref<128x64xf32, #tpu.memory_space<vmem>>) target(%dma_start3A_979 : memref<128x64xf32, #tpu.memory_space<hbm>>) target_semaphore(%arg24 : memref<!tpu.dma_semaphore, #tpu.memory_space<semaphore_mem>>)
    %dma_wait3A_980 = arith.constant 0 : i32
    %dma_wait3A_981 = tpu.memref_slice %arg4[%add3A_955, %dma_wait3A_980] : memref<409600x64xf32, #tpu.memory_space<hbm>> -> memref<128x64xf32, #tpu.memory_space<hbm>>
    %dma_wait3A_982 = arith.constant 0 : i32
    %dma_wait3A_983 = tpu.memref_slice %arg4[%add3A_955, %dma_wait3A_982] : memref<409600x64xf32, #tpu.memory_space<hbm>> -> memref<128x64xf32, #tpu.memory_space<hbm>>
    tpu.wait_dma2 semaphore(%arg23 : memref<!tpu.dma_semaphore, #tpu.memory_space<semaphore_mem>>) src(%arg11 : memref<128x64xf32, #tpu.memory_space<vmem>>) dst(%dma_wait3A_983 : memref<128x64xf32, #tpu.memory_space<hbm>>)
    %dma_start3A_984 = arith.constant 6656 : i32
    %dma_start3A_985 = tpu.memref_slice %arg6[%dma_start3A_984] : memref<12800xi32, #tpu.memory_space<vmem>> -> memref<128xi32, #tpu.memory_space<vmem>>
    %dma_start3A_986 = arith.constant 0 : i32
    %dma_start3A_987 = arith.constant 0 : i32
    %dma_start3A_988 = tpu.memref_slice %arg5[%dma_start3A_986, %dma_start3A_987] : memref<9x64xf32, #tpu.memory_space<vmem_shared>> -> memref<9x64xf32, #tpu.memory_space<vmem_shared>>
    tpu.enqueue_indirect_dma source(%dma_start3A_988 : memref<9x64xf32, #tpu.memory_space<vmem_shared>>) target(%arg11 : memref<128x64xf32, #tpu.memory_space<vmem>>) offsets(%dma_start3A_985 : memref<128xi32, #tpu.memory_space<vmem>>) semaphore(%arg17 : memref<!tpu.dma_semaphore, #tpu.memory_space<semaphore_mem>>)
    %dma_wait3A_989 = arith.constant 6144 : i32
    %dma_wait3A_990 = tpu.memref_slice %arg6[%dma_wait3A_989] : memref<12800xi32, #tpu.memory_space<vmem>> -> memref<128xi32, #tpu.memory_space<vmem>>
    %dma_wait3A_991 = arith.constant 0 : i32
    %dma_wait3A_992 = arith.constant 0 : i32
    %dma_wait3A_993 = tpu.memref_slice %arg5[%dma_wait3A_991, %dma_wait3A_992] : memref<9x64xf32, #tpu.memory_space<vmem_shared>> -> memref<9x64xf32, #tpu.memory_space<vmem_shared>>
    tpu.wait_indirect_dma semaphore(%arg13 : memref<!tpu.dma_semaphore, #tpu.memory_space<semaphore_mem>>) src(%dma_wait3A_993 : memref<9x64xf32, #tpu.memory_space<vmem_shared>>) dst(%arg7 : memref<128x64xf32, #tpu.memory_space<vmem>>)
    %add3A_994 = arith.constant 6144 : i32
    %add3A_995 = arith.addi %mul3A_2, %add3A_994 : i32
    %dma_start3A_996 = arith.constant 0 : i32
    %dma_start3A_997 = tpu.memref_slice %arg4[%add3A_995, %dma_start3A_996] : memref<409600x64xf32, #tpu.memory_space<hbm>> -> memref<128x64xf32, #tpu.memory_space<hbm>>
    %dma_start3A_998 = arith.constant 0 : i32
    %dma_start3A_999 = tpu.memref_slice %arg4[%add3A_995, %dma_start3A_998] : memref<409600x64xf32, #tpu.memory_space<hbm>> -> memref<128x64xf32, #tpu.memory_space<hbm>>
    tpu.enqueue_dma source(%arg7 : memref<128x64xf32, #tpu.memory_space<vmem>>) target(%dma_start3A_999 : memref<128x64xf32, #tpu.memory_space<hbm>>) target_semaphore(%arg19 : memref<!tpu.dma_semaphore, #tpu.memory_space<semaphore_mem>>)
    %dma_wait3A_1000 = arith.constant 0 : i32
    %dma_wait3A_1001 = tpu.memref_slice %arg4[%add3A_975, %dma_wait3A_1000] : memref<409600x64xf32, #tpu.memory_space<hbm>> -> memref<128x64xf32, #tpu.memory_space<hbm>>
    %dma_wait3A_1002 = arith.constant 0 : i32
    %dma_wait3A_1003 = tpu.memref_slice %arg4[%add3A_975, %dma_wait3A_1002] : memref<409600x64xf32, #tpu.memory_space<hbm>> -> memref<128x64xf32, #tpu.memory_space<hbm>>
    tpu.wait_dma2 semaphore(%arg24 : memref<!tpu.dma_semaphore, #tpu.memory_space<semaphore_mem>>) src(%arg12 : memref<128x64xf32, #tpu.memory_space<vmem>>) dst(%dma_wait3A_1003 : memref<128x64xf32, #tpu.memory_space<hbm>>)
    %dma_start3A_1004 = arith.constant 6784 : i32
    %dma_start3A_1005 = tpu.memref_slice %arg6[%dma_start3A_1004] : memref<12800xi32, #tpu.memory_space<vmem>> -> memref<128xi32, #tpu.memory_space<vmem>>
    %dma_start3A_1006 = arith.constant 0 : i32
    %dma_start3A_1007 = arith.constant 0 : i32
    %dma_start3A_1008 = tpu.memref_slice %arg5[%dma_start3A_1006, %dma_start3A_1007] : memref<9x64xf32, #tpu.memory_space<vmem_shared>> -> memref<9x64xf32, #tpu.memory_space<vmem_shared>>
    tpu.enqueue_indirect_dma source(%dma_start3A_1008 : memref<9x64xf32, #tpu.memory_space<vmem_shared>>) target(%arg12 : memref<128x64xf32, #tpu.memory_space<vmem>>) offsets(%dma_start3A_1005 : memref<128xi32, #tpu.memory_space<vmem>>) semaphore(%arg18 : memref<!tpu.dma_semaphore, #tpu.memory_space<semaphore_mem>>)
    %dma_wait3A_1009 = arith.constant 6272 : i32
    %dma_wait3A_1010 = tpu.memref_slice %arg6[%dma_wait3A_1009] : memref<12800xi32, #tpu.memory_space<vmem>> -> memref<128xi32, #tpu.memory_space<vmem>>
    %dma_wait3A_1011 = arith.constant 0 : i32
    %dma_wait3A_1012 = arith.constant 0 : i32
    %dma_wait3A_1013 = tpu.memref_slice %arg5[%dma_wait3A_1011, %dma_wait3A_1012] : memref<9x64xf32, #tpu.memory_space<vmem_shared>> -> memref<9x64xf32, #tpu.memory_space<vmem_shared>>
    tpu.wait_indirect_dma semaphore(%arg14 : memref<!tpu.dma_semaphore, #tpu.memory_space<semaphore_mem>>) src(%dma_wait3A_1013 : memref<9x64xf32, #tpu.memory_space<vmem_shared>>) dst(%arg8 : memref<128x64xf32, #tpu.memory_space<vmem>>)
    %add3A_1014 = arith.constant 6272 : i32
    %add3A_1015 = arith.addi %mul3A_2, %add3A_1014 : i32
    %dma_start3A_1016 = arith.constant 0 : i32
    %dma_start3A_1017 = tpu.memref_slice %arg4[%add3A_1015, %dma_start3A_1016] : memref<409600x64xf32, #tpu.memory_space<hbm>> -> memref<128x64xf32, #tpu.memory_space<hbm>>
    %dma_start3A_1018 = arith.constant 0 : i32
    %dma_start3A_1019 = tpu.memref_slice %arg4[%add3A_1015, %dma_start3A_1018] : memref<409600x64xf32, #tpu.memory_space<hbm>> -> memref<128x64xf32, #tpu.memory_space<hbm>>
    tpu.enqueue_dma source(%arg8 : memref<128x64xf32, #tpu.memory_space<vmem>>) target(%dma_start3A_1019 : memref<128x64xf32, #tpu.memory_space<hbm>>) target_semaphore(%arg20 : memref<!tpu.dma_semaphore, #tpu.memory_space<semaphore_mem>>)
    %dma_wait3A_1020 = arith.constant 0 : i32
    %dma_wait3A_1021 = tpu.memref_slice %arg4[%add3A_995, %dma_wait3A_1020] : memref<409600x64xf32, #tpu.memory_space<hbm>> -> memref<128x64xf32, #tpu.memory_space<hbm>>
    %dma_wait3A_1022 = arith.constant 0 : i32
    %dma_wait3A_1023 = tpu.memref_slice %arg4[%add3A_995, %dma_wait3A_1022] : memref<409600x64xf32, #tpu.memory_space<hbm>> -> memref<128x64xf32, #tpu.memory_space<hbm>>
    tpu.wait_dma2 semaphore(%arg19 : memref<!tpu.dma_semaphore, #tpu.memory_space<semaphore_mem>>) src(%arg7 : memref<128x64xf32, #tpu.memory_space<vmem>>) dst(%dma_wait3A_1023 : memref<128x64xf32, #tpu.memory_space<hbm>>)
    %dma_start3A_1024 = arith.constant 6912 : i32
    %dma_start3A_1025 = tpu.memref_slice %arg6[%dma_start3A_1024] : memref<12800xi32, #tpu.memory_space<vmem>> -> memref<128xi32, #tpu.memory_space<vmem>>
    %dma_start3A_1026 = arith.constant 0 : i32
    %dma_start3A_1027 = arith.constant 0 : i32
    %dma_start3A_1028 = tpu.memref_slice %arg5[%dma_start3A_1026, %dma_start3A_1027] : memref<9x64xf32, #tpu.memory_space<vmem_shared>> -> memref<9x64xf32, #tpu.memory_space<vmem_shared>>
    tpu.enqueue_indirect_dma source(%dma_start3A_1028 : memref<9x64xf32, #tpu.memory_space<vmem_shared>>) target(%arg7 : memref<128x64xf32, #tpu.memory_space<vmem>>) offsets(%dma_start3A_1025 : memref<128xi32, #tpu.memory_space<vmem>>) semaphore(%arg13 : memref<!tpu.dma_semaphore, #tpu.memory_space<semaphore_mem>>)
    %dma_wait3A_1029 = arith.constant 6400 : i32
    %dma_wait3A_1030 = tpu.memref_slice %arg6[%dma_wait3A_1029] : memref<12800xi32, #tpu.memory_space<vmem>> -> memref<128xi32, #tpu.memory_space<vmem>>
    %dma_wait3A_1031 = arith.constant 0 : i32
    %dma_wait3A_1032 = arith.constant 0 : i32
    %dma_wait3A_1033 = tpu.memref_slice %arg5[%dma_wait3A_1031, %dma_wait3A_1032] : memref<9x64xf32, #tpu.memory_space<vmem_shared>> -> memref<9x64xf32, #tpu.memory_space<vmem_shared>>
    tpu.wait_indirect_dma semaphore(%arg15 : memref<!tpu.dma_semaphore, #tpu.memory_space<semaphore_mem>>) src(%dma_wait3A_1033 : memref<9x64xf32, #tpu.memory_space<vmem_shared>>) dst(%arg9 : memref<128x64xf32, #tpu.memory_space<vmem>>)
    %add3A_1034 = arith.constant 6400 : i32
    %add3A_1035 = arith.addi %mul3A_2, %add3A_1034 : i32
    %dma_start3A_1036 = arith.constant 0 : i32
    %dma_start3A_1037 = tpu.memref_slice %arg4[%add3A_1035, %dma_start3A_1036] : memref<409600x64xf32, #tpu.memory_space<hbm>> -> memref<128x64xf32, #tpu.memory_space<hbm>>
    %dma_start3A_1038 = arith.constant 0 : i32
    %dma_start3A_1039 = tpu.memref_slice %arg4[%add3A_1035, %dma_start3A_1038] : memref<409600x64xf32, #tpu.memory_space<hbm>> -> memref<128x64xf32, #tpu.memory_space<hbm>>
    tpu.enqueue_dma source(%arg9 : memref<128x64xf32, #tpu.memory_space<vmem>>) target(%dma_start3A_1039 : memref<128x64xf32, #tpu.memory_space<hbm>>) target_semaphore(%arg21 : memref<!tpu.dma_semaphore, #tpu.memory_space<semaphore_mem>>)
    %dma_wait3A_1040 = arith.constant 0 : i32
    %dma_wait3A_1041 = tpu.memref_slice %arg4[%add3A_1015, %dma_wait3A_1040] : memref<409600x64xf32, #tpu.memory_space<hbm>> -> memref<128x64xf32, #tpu.memory_space<hbm>>
    %dma_wait3A_1042 = arith.constant 0 : i32
    %dma_wait3A_1043 = tpu.memref_slice %arg4[%add3A_1015, %dma_wait3A_1042] : memref<409600x64xf32, #tpu.memory_space<hbm>> -> memref<128x64xf32, #tpu.memory_space<hbm>>
    tpu.wait_dma2 semaphore(%arg20 : memref<!tpu.dma_semaphore, #tpu.memory_space<semaphore_mem>>) src(%arg8 : memref<128x64xf32, #tpu.memory_space<vmem>>) dst(%dma_wait3A_1043 : memref<128x64xf32, #tpu.memory_space<hbm>>)
    %dma_start3A_1044 = arith.constant 7040 : i32
    %dma_start3A_1045 = tpu.memref_slice %arg6[%dma_start3A_1044] : memref<12800xi32, #tpu.memory_space<vmem>> -> memref<128xi32, #tpu.memory_space<vmem>>
    %dma_start3A_1046 = arith.constant 0 : i32
    %dma_start3A_1047 = arith.constant 0 : i32
    %dma_start3A_1048 = tpu.memref_slice %arg5[%dma_start3A_1046, %dma_start3A_1047] : memref<9x64xf32, #tpu.memory_space<vmem_shared>> -> memref<9x64xf32, #tpu.memory_space<vmem_shared>>
    tpu.enqueue_indirect_dma source(%dma_start3A_1048 : memref<9x64xf32, #tpu.memory_space<vmem_shared>>) target(%arg8 : memref<128x64xf32, #tpu.memory_space<vmem>>) offsets(%dma_start3A_1045 : memref<128xi32, #tpu.memory_space<vmem>>) semaphore(%arg14 : memref<!tpu.dma_semaphore, #tpu.memory_space<semaphore_mem>>)
    %dma_wait3A_1049 = arith.constant 6528 : i32
    %dma_wait3A_1050 = tpu.memref_slice %arg6[%dma_wait3A_1049] : memref<12800xi32, #tpu.memory_space<vmem>> -> memref<128xi32, #tpu.memory_space<vmem>>
    %dma_wait3A_1051 = arith.constant 0 : i32
    %dma_wait3A_1052 = arith.constant 0 : i32
    %dma_wait3A_1053 = tpu.memref_slice %arg5[%dma_wait3A_1051, %dma_wait3A_1052] : memref<9x64xf32, #tpu.memory_space<vmem_shared>> -> memref<9x64xf32, #tpu.memory_space<vmem_shared>>
    tpu.wait_indirect_dma semaphore(%arg16 : memref<!tpu.dma_semaphore, #tpu.memory_space<semaphore_mem>>) src(%dma_wait3A_1053 : memref<9x64xf32, #tpu.memory_space<vmem_shared>>) dst(%arg10 : memref<128x64xf32, #tpu.memory_space<vmem>>)
    %add3A_1054 = arith.constant 6528 : i32
    %add3A_1055 = arith.addi %mul3A_2, %add3A_1054 : i32
    %dma_start3A_1056 = arith.constant 0 : i32
    %dma_start3A_1057 = tpu.memref_slice %arg4[%add3A_1055, %dma_start3A_1056] : memref<409600x64xf32, #tpu.memory_space<hbm>> -> memref<128x64xf32, #tpu.memory_space<hbm>>
    %dma_start3A_1058 = arith.constant 0 : i32
    %dma_start3A_1059 = tpu.memref_slice %arg4[%add3A_1055, %dma_start3A_1058] : memref<409600x64xf32, #tpu.memory_space<hbm>> -> memref<128x64xf32, #tpu.memory_space<hbm>>
    tpu.enqueue_dma source(%arg10 : memref<128x64xf32, #tpu.memory_space<vmem>>) target(%dma_start3A_1059 : memref<128x64xf32, #tpu.memory_space<hbm>>) target_semaphore(%arg22 : memref<!tpu.dma_semaphore, #tpu.memory_space<semaphore_mem>>)
    %dma_wait3A_1060 = arith.constant 0 : i32
    %dma_wait3A_1061 = tpu.memref_slice %arg4[%add3A_1035, %dma_wait3A_1060] : memref<409600x64xf32, #tpu.memory_space<hbm>> -> memref<128x64xf32, #tpu.memory_space<hbm>>
    %dma_wait3A_1062 = arith.constant 0 : i32
    %dma_wait3A_1063 = tpu.memref_slice %arg4[%add3A_1035, %dma_wait3A_1062] : memref<409600x64xf32, #tpu.memory_space<hbm>> -> memref<128x64xf32, #tpu.memory_space<hbm>>
    tpu.wait_dma2 semaphore(%arg21 : memref<!tpu.dma_semaphore, #tpu.memory_space<semaphore_mem>>) src(%arg9 : memref<128x64xf32, #tpu.memory_space<vmem>>) dst(%dma_wait3A_1063 : memref<128x64xf32, #tpu.memory_space<hbm>>)
    %dma_start3A_1064 = arith.constant 7168 : i32
    %dma_start3A_1065 = tpu.memref_slice %arg6[%dma_start3A_1064] : memref<12800xi32, #tpu.memory_space<vmem>> -> memref<128xi32, #tpu.memory_space<vmem>>
    %dma_start3A_1066 = arith.constant 0 : i32
    %dma_start3A_1067 = arith.constant 0 : i32
    %dma_start3A_1068 = tpu.memref_slice %arg5[%dma_start3A_1066, %dma_start3A_1067] : memref<9x64xf32, #tpu.memory_space<vmem_shared>> -> memref<9x64xf32, #tpu.memory_space<vmem_shared>>
    tpu.enqueue_indirect_dma source(%dma_start3A_1068 : memref<9x64xf32, #tpu.memory_space<vmem_shared>>) target(%arg9 : memref<128x64xf32, #tpu.memory_space<vmem>>) offsets(%dma_start3A_1065 : memref<128xi32, #tpu.memory_space<vmem>>) semaphore(%arg15 : memref<!tpu.dma_semaphore, #tpu.memory_space<semaphore_mem>>)
    %dma_wait3A_1069 = arith.constant 6656 : i32
    %dma_wait3A_1070 = tpu.memref_slice %arg6[%dma_wait3A_1069] : memref<12800xi32, #tpu.memory_space<vmem>> -> memref<128xi32, #tpu.memory_space<vmem>>
    %dma_wait3A_1071 = arith.constant 0 : i32
    %dma_wait3A_1072 = arith.constant 0 : i32
    %dma_wait3A_1073 = tpu.memref_slice %arg5[%dma_wait3A_1071, %dma_wait3A_1072] : memref<9x64xf32, #tpu.memory_space<vmem_shared>> -> memref<9x64xf32, #tpu.memory_space<vmem_shared>>
    tpu.wait_indirect_dma semaphore(%arg17 : memref<!tpu.dma_semaphore, #tpu.memory_space<semaphore_mem>>) src(%dma_wait3A_1073 : memref<9x64xf32, #tpu.memory_space<vmem_shared>>) dst(%arg11 : memref<128x64xf32, #tpu.memory_space<vmem>>)
    %add3A_1074 = arith.constant 6656 : i32
    %add3A_1075 = arith.addi %mul3A_2, %add3A_1074 : i32
    %dma_start3A_1076 = arith.constant 0 : i32
    %dma_start3A_1077 = tpu.memref_slice %arg4[%add3A_1075, %dma_start3A_1076] : memref<409600x64xf32, #tpu.memory_space<hbm>> -> memref<128x64xf32, #tpu.memory_space<hbm>>
    %dma_start3A_1078 = arith.constant 0 : i32
    %dma_start3A_1079 = tpu.memref_slice %arg4[%add3A_1075, %dma_start3A_1078] : memref<409600x64xf32, #tpu.memory_space<hbm>> -> memref<128x64xf32, #tpu.memory_space<hbm>>
    tpu.enqueue_dma source(%arg11 : memref<128x64xf32, #tpu.memory_space<vmem>>) target(%dma_start3A_1079 : memref<128x64xf32, #tpu.memory_space<hbm>>) target_semaphore(%arg23 : memref<!tpu.dma_semaphore, #tpu.memory_space<semaphore_mem>>)
    %dma_wait3A_1080 = arith.constant 0 : i32
    %dma_wait3A_1081 = tpu.memref_slice %arg4[%add3A_1055, %dma_wait3A_1080] : memref<409600x64xf32, #tpu.memory_space<hbm>> -> memref<128x64xf32, #tpu.memory_space<hbm>>
    %dma_wait3A_1082 = arith.constant 0 : i32
    %dma_wait3A_1083 = tpu.memref_slice %arg4[%add3A_1055, %dma_wait3A_1082] : memref<409600x64xf32, #tpu.memory_space<hbm>> -> memref<128x64xf32, #tpu.memory_space<hbm>>
    tpu.wait_dma2 semaphore(%arg22 : memref<!tpu.dma_semaphore, #tpu.memory_space<semaphore_mem>>) src(%arg10 : memref<128x64xf32, #tpu.memory_space<vmem>>) dst(%dma_wait3A_1083 : memref<128x64xf32, #tpu.memory_space<hbm>>)
    %dma_start3A_1084 = arith.constant 7296 : i32
    %dma_start3A_1085 = tpu.memref_slice %arg6[%dma_start3A_1084] : memref<12800xi32, #tpu.memory_space<vmem>> -> memref<128xi32, #tpu.memory_space<vmem>>
    %dma_start3A_1086 = arith.constant 0 : i32
    %dma_start3A_1087 = arith.constant 0 : i32
    %dma_start3A_1088 = tpu.memref_slice %arg5[%dma_start3A_1086, %dma_start3A_1087] : memref<9x64xf32, #tpu.memory_space<vmem_shared>> -> memref<9x64xf32, #tpu.memory_space<vmem_shared>>
    tpu.enqueue_indirect_dma source(%dma_start3A_1088 : memref<9x64xf32, #tpu.memory_space<vmem_shared>>) target(%arg10 : memref<128x64xf32, #tpu.memory_space<vmem>>) offsets(%dma_start3A_1085 : memref<128xi32, #tpu.memory_space<vmem>>) semaphore(%arg16 : memref<!tpu.dma_semaphore, #tpu.memory_space<semaphore_mem>>)
    %dma_wait3A_1089 = arith.constant 6784 : i32
    %dma_wait3A_1090 = tpu.memref_slice %arg6[%dma_wait3A_1089] : memref<12800xi32, #tpu.memory_space<vmem>> -> memref<128xi32, #tpu.memory_space<vmem>>
    %dma_wait3A_1091 = arith.constant 0 : i32
    %dma_wait3A_1092 = arith.constant 0 : i32
    %dma_wait3A_1093 = tpu.memref_slice %arg5[%dma_wait3A_1091, %dma_wait3A_1092] : memref<9x64xf32, #tpu.memory_space<vmem_shared>> -> memref<9x64xf32, #tpu.memory_space<vmem_shared>>
    tpu.wait_indirect_dma semaphore(%arg18 : memref<!tpu.dma_semaphore, #tpu.memory_space<semaphore_mem>>) src(%dma_wait3A_1093 : memref<9x64xf32, #tpu.memory_space<vmem_shared>>) dst(%arg12 : memref<128x64xf32, #tpu.memory_space<vmem>>)
    %add3A_1094 = arith.constant 6784 : i32
    %add3A_1095 = arith.addi %mul3A_2, %add3A_1094 : i32
    %dma_start3A_1096 = arith.constant 0 : i32
    %dma_start3A_1097 = tpu.memref_slice %arg4[%add3A_1095, %dma_start3A_1096] : memref<409600x64xf32, #tpu.memory_space<hbm>> -> memref<128x64xf32, #tpu.memory_space<hbm>>
    %dma_start3A_1098 = arith.constant 0 : i32
    %dma_start3A_1099 = tpu.memref_slice %arg4[%add3A_1095, %dma_start3A_1098] : memref<409600x64xf32, #tpu.memory_space<hbm>> -> memref<128x64xf32, #tpu.memory_space<hbm>>
    tpu.enqueue_dma source(%arg12 : memref<128x64xf32, #tpu.memory_space<vmem>>) target(%dma_start3A_1099 : memref<128x64xf32, #tpu.memory_space<hbm>>) target_semaphore(%arg24 : memref<!tpu.dma_semaphore, #tpu.memory_space<semaphore_mem>>)
    %dma_wait3A_1100 = arith.constant 0 : i32
    %dma_wait3A_1101 = tpu.memref_slice %arg4[%add3A_1075, %dma_wait3A_1100] : memref<409600x64xf32, #tpu.memory_space<hbm>> -> memref<128x64xf32, #tpu.memory_space<hbm>>
    %dma_wait3A_1102 = arith.constant 0 : i32
    %dma_wait3A_1103 = tpu.memref_slice %arg4[%add3A_1075, %dma_wait3A_1102] : memref<409600x64xf32, #tpu.memory_space<hbm>> -> memref<128x64xf32, #tpu.memory_space<hbm>>
    tpu.wait_dma2 semaphore(%arg23 : memref<!tpu.dma_semaphore, #tpu.memory_space<semaphore_mem>>) src(%arg11 : memref<128x64xf32, #tpu.memory_space<vmem>>) dst(%dma_wait3A_1103 : memref<128x64xf32, #tpu.memory_space<hbm>>)
    %dma_start3A_1104 = arith.constant 7424 : i32
    %dma_start3A_1105 = tpu.memref_slice %arg6[%dma_start3A_1104] : memref<12800xi32, #tpu.memory_space<vmem>> -> memref<128xi32, #tpu.memory_space<vmem>>
    %dma_start3A_1106 = arith.constant 0 : i32
    %dma_start3A_1107 = arith.constant 0 : i32
    %dma_start3A_1108 = tpu.memref_slice %arg5[%dma_start3A_1106, %dma_start3A_1107] : memref<9x64xf32, #tpu.memory_space<vmem_shared>> -> memref<9x64xf32, #tpu.memory_space<vmem_shared>>
    tpu.enqueue_indirect_dma source(%dma_start3A_1108 : memref<9x64xf32, #tpu.memory_space<vmem_shared>>) target(%arg11 : memref<128x64xf32, #tpu.memory_space<vmem>>) offsets(%dma_start3A_1105 : memref<128xi32, #tpu.memory_space<vmem>>) semaphore(%arg17 : memref<!tpu.dma_semaphore, #tpu.memory_space<semaphore_mem>>)
    %dma_wait3A_1109 = arith.constant 6912 : i32
    %dma_wait3A_1110 = tpu.memref_slice %arg6[%dma_wait3A_1109] : memref<12800xi32, #tpu.memory_space<vmem>> -> memref<128xi32, #tpu.memory_space<vmem>>
    %dma_wait3A_1111 = arith.constant 0 : i32
    %dma_wait3A_1112 = arith.constant 0 : i32
    %dma_wait3A_1113 = tpu.memref_slice %arg5[%dma_wait3A_1111, %dma_wait3A_1112] : memref<9x64xf32, #tpu.memory_space<vmem_shared>> -> memref<9x64xf32, #tpu.memory_space<vmem_shared>>
    tpu.wait_indirect_dma semaphore(%arg13 : memref<!tpu.dma_semaphore, #tpu.memory_space<semaphore_mem>>) src(%dma_wait3A_1113 : memref<9x64xf32, #tpu.memory_space<vmem_shared>>) dst(%arg7 : memref<128x64xf32, #tpu.memory_space<vmem>>)
    %add3A_1114 = arith.constant 6912 : i32
    %add3A_1115 = arith.addi %mul3A_2, %add3A_1114 : i32
    %dma_start3A_1116 = arith.constant 0 : i32
    %dma_start3A_1117 = tpu.memref_slice %arg4[%add3A_1115, %dma_start3A_1116] : memref<409600x64xf32, #tpu.memory_space<hbm>> -> memref<128x64xf32, #tpu.memory_space<hbm>>
    %dma_start3A_1118 = arith.constant 0 : i32
    %dma_start3A_1119 = tpu.memref_slice %arg4[%add3A_1115, %dma_start3A_1118] : memref<409600x64xf32, #tpu.memory_space<hbm>> -> memref<128x64xf32, #tpu.memory_space<hbm>>
    tpu.enqueue_dma source(%arg7 : memref<128x64xf32, #tpu.memory_space<vmem>>) target(%dma_start3A_1119 : memref<128x64xf32, #tpu.memory_space<hbm>>) target_semaphore(%arg19 : memref<!tpu.dma_semaphore, #tpu.memory_space<semaphore_mem>>)
    %dma_wait3A_1120 = arith.constant 0 : i32
    %dma_wait3A_1121 = tpu.memref_slice %arg4[%add3A_1095, %dma_wait3A_1120] : memref<409600x64xf32, #tpu.memory_space<hbm>> -> memref<128x64xf32, #tpu.memory_space<hbm>>
    %dma_wait3A_1122 = arith.constant 0 : i32
    %dma_wait3A_1123 = tpu.memref_slice %arg4[%add3A_1095, %dma_wait3A_1122] : memref<409600x64xf32, #tpu.memory_space<hbm>> -> memref<128x64xf32, #tpu.memory_space<hbm>>
    tpu.wait_dma2 semaphore(%arg24 : memref<!tpu.dma_semaphore, #tpu.memory_space<semaphore_mem>>) src(%arg12 : memref<128x64xf32, #tpu.memory_space<vmem>>) dst(%dma_wait3A_1123 : memref<128x64xf32, #tpu.memory_space<hbm>>)
    %dma_start3A_1124 = arith.constant 7552 : i32
    %dma_start3A_1125 = tpu.memref_slice %arg6[%dma_start3A_1124] : memref<12800xi32, #tpu.memory_space<vmem>> -> memref<128xi32, #tpu.memory_space<vmem>>
    %dma_start3A_1126 = arith.constant 0 : i32
    %dma_start3A_1127 = arith.constant 0 : i32
    %dma_start3A_1128 = tpu.memref_slice %arg5[%dma_start3A_1126, %dma_start3A_1127] : memref<9x64xf32, #tpu.memory_space<vmem_shared>> -> memref<9x64xf32, #tpu.memory_space<vmem_shared>>
    tpu.enqueue_indirect_dma source(%dma_start3A_1128 : memref<9x64xf32, #tpu.memory_space<vmem_shared>>) target(%arg12 : memref<128x64xf32, #tpu.memory_space<vmem>>) offsets(%dma_start3A_1125 : memref<128xi32, #tpu.memory_space<vmem>>) semaphore(%arg18 : memref<!tpu.dma_semaphore, #tpu.memory_space<semaphore_mem>>)
    %dma_wait3A_1129 = arith.constant 7040 : i32
    %dma_wait3A_1130 = tpu.memref_slice %arg6[%dma_wait3A_1129] : memref<12800xi32, #tpu.memory_space<vmem>> -> memref<128xi32, #tpu.memory_space<vmem>>
    %dma_wait3A_1131 = arith.constant 0 : i32
    %dma_wait3A_1132 = arith.constant 0 : i32
    %dma_wait3A_1133 = tpu.memref_slice %arg5[%dma_wait3A_1131, %dma_wait3A_1132] : memref<9x64xf32, #tpu.memory_space<vmem_shared>> -> memref<9x64xf32, #tpu.memory_space<vmem_shared>>
    tpu.wait_indirect_dma semaphore(%arg14 : memref<!tpu.dma_semaphore, #tpu.memory_space<semaphore_mem>>) src(%dma_wait3A_1133 : memref<9x64xf32, #tpu.memory_space<vmem_shared>>) dst(%arg8 : memref<128x64xf32, #tpu.memory_space<vmem>>)
    %add3A_1134 = arith.constant 7040 : i32
    %add3A_1135 = arith.addi %mul3A_2, %add3A_1134 : i32
    %dma_start3A_1136 = arith.constant 0 : i32
    %dma_start3A_1137 = tpu.memref_slice %arg4[%add3A_1135, %dma_start3A_1136] : memref<409600x64xf32, #tpu.memory_space<hbm>> -> memref<128x64xf32, #tpu.memory_space<hbm>>
    %dma_start3A_1138 = arith.constant 0 : i32
    %dma_start3A_1139 = tpu.memref_slice %arg4[%add3A_1135, %dma_start3A_1138] : memref<409600x64xf32, #tpu.memory_space<hbm>> -> memref<128x64xf32, #tpu.memory_space<hbm>>
    tpu.enqueue_dma source(%arg8 : memref<128x64xf32, #tpu.memory_space<vmem>>) target(%dma_start3A_1139 : memref<128x64xf32, #tpu.memory_space<hbm>>) target_semaphore(%arg20 : memref<!tpu.dma_semaphore, #tpu.memory_space<semaphore_mem>>)
    %dma_wait3A_1140 = arith.constant 0 : i32
    %dma_wait3A_1141 = tpu.memref_slice %arg4[%add3A_1115, %dma_wait3A_1140] : memref<409600x64xf32, #tpu.memory_space<hbm>> -> memref<128x64xf32, #tpu.memory_space<hbm>>
    %dma_wait3A_1142 = arith.constant 0 : i32
    %dma_wait3A_1143 = tpu.memref_slice %arg4[%add3A_1115, %dma_wait3A_1142] : memref<409600x64xf32, #tpu.memory_space<hbm>> -> memref<128x64xf32, #tpu.memory_space<hbm>>
    tpu.wait_dma2 semaphore(%arg19 : memref<!tpu.dma_semaphore, #tpu.memory_space<semaphore_mem>>) src(%arg7 : memref<128x64xf32, #tpu.memory_space<vmem>>) dst(%dma_wait3A_1143 : memref<128x64xf32, #tpu.memory_space<hbm>>)
    %dma_start3A_1144 = arith.constant 7680 : i32
    %dma_start3A_1145 = tpu.memref_slice %arg6[%dma_start3A_1144] : memref<12800xi32, #tpu.memory_space<vmem>> -> memref<128xi32, #tpu.memory_space<vmem>>
    %dma_start3A_1146 = arith.constant 0 : i32
    %dma_start3A_1147 = arith.constant 0 : i32
    %dma_start3A_1148 = tpu.memref_slice %arg5[%dma_start3A_1146, %dma_start3A_1147] : memref<9x64xf32, #tpu.memory_space<vmem_shared>> -> memref<9x64xf32, #tpu.memory_space<vmem_shared>>
    tpu.enqueue_indirect_dma source(%dma_start3A_1148 : memref<9x64xf32, #tpu.memory_space<vmem_shared>>) target(%arg7 : memref<128x64xf32, #tpu.memory_space<vmem>>) offsets(%dma_start3A_1145 : memref<128xi32, #tpu.memory_space<vmem>>) semaphore(%arg13 : memref<!tpu.dma_semaphore, #tpu.memory_space<semaphore_mem>>)
    %dma_wait3A_1149 = arith.constant 7168 : i32
    %dma_wait3A_1150 = tpu.memref_slice %arg6[%dma_wait3A_1149] : memref<12800xi32, #tpu.memory_space<vmem>> -> memref<128xi32, #tpu.memory_space<vmem>>
    %dma_wait3A_1151 = arith.constant 0 : i32
    %dma_wait3A_1152 = arith.constant 0 : i32
    %dma_wait3A_1153 = tpu.memref_slice %arg5[%dma_wait3A_1151, %dma_wait3A_1152] : memref<9x64xf32, #tpu.memory_space<vmem_shared>> -> memref<9x64xf32, #tpu.memory_space<vmem_shared>>
    tpu.wait_indirect_dma semaphore(%arg15 : memref<!tpu.dma_semaphore, #tpu.memory_space<semaphore_mem>>) src(%dma_wait3A_1153 : memref<9x64xf32, #tpu.memory_space<vmem_shared>>) dst(%arg9 : memref<128x64xf32, #tpu.memory_space<vmem>>)
    %add3A_1154 = arith.constant 7168 : i32
    %add3A_1155 = arith.addi %mul3A_2, %add3A_1154 : i32
    %dma_start3A_1156 = arith.constant 0 : i32
    %dma_start3A_1157 = tpu.memref_slice %arg4[%add3A_1155, %dma_start3A_1156] : memref<409600x64xf32, #tpu.memory_space<hbm>> -> memref<128x64xf32, #tpu.memory_space<hbm>>
    %dma_start3A_1158 = arith.constant 0 : i32
    %dma_start3A_1159 = tpu.memref_slice %arg4[%add3A_1155, %dma_start3A_1158] : memref<409600x64xf32, #tpu.memory_space<hbm>> -> memref<128x64xf32, #tpu.memory_space<hbm>>
    tpu.enqueue_dma source(%arg9 : memref<128x64xf32, #tpu.memory_space<vmem>>) target(%dma_start3A_1159 : memref<128x64xf32, #tpu.memory_space<hbm>>) target_semaphore(%arg21 : memref<!tpu.dma_semaphore, #tpu.memory_space<semaphore_mem>>)
    %dma_wait3A_1160 = arith.constant 0 : i32
    %dma_wait3A_1161 = tpu.memref_slice %arg4[%add3A_1135, %dma_wait3A_1160] : memref<409600x64xf32, #tpu.memory_space<hbm>> -> memref<128x64xf32, #tpu.memory_space<hbm>>
    %dma_wait3A_1162 = arith.constant 0 : i32
    %dma_wait3A_1163 = tpu.memref_slice %arg4[%add3A_1135, %dma_wait3A_1162] : memref<409600x64xf32, #tpu.memory_space<hbm>> -> memref<128x64xf32, #tpu.memory_space<hbm>>
    tpu.wait_dma2 semaphore(%arg20 : memref<!tpu.dma_semaphore, #tpu.memory_space<semaphore_mem>>) src(%arg8 : memref<128x64xf32, #tpu.memory_space<vmem>>) dst(%dma_wait3A_1163 : memref<128x64xf32, #tpu.memory_space<hbm>>)
    %dma_start3A_1164 = arith.constant 7808 : i32
    %dma_start3A_1165 = tpu.memref_slice %arg6[%dma_start3A_1164] : memref<12800xi32, #tpu.memory_space<vmem>> -> memref<128xi32, #tpu.memory_space<vmem>>
    %dma_start3A_1166 = arith.constant 0 : i32
    %dma_start3A_1167 = arith.constant 0 : i32
    %dma_start3A_1168 = tpu.memref_slice %arg5[%dma_start3A_1166, %dma_start3A_1167] : memref<9x64xf32, #tpu.memory_space<vmem_shared>> -> memref<9x64xf32, #tpu.memory_space<vmem_shared>>
    tpu.enqueue_indirect_dma source(%dma_start3A_1168 : memref<9x64xf32, #tpu.memory_space<vmem_shared>>) target(%arg8 : memref<128x64xf32, #tpu.memory_space<vmem>>) offsets(%dma_start3A_1165 : memref<128xi32, #tpu.memory_space<vmem>>) semaphore(%arg14 : memref<!tpu.dma_semaphore, #tpu.memory_space<semaphore_mem>>)
    %dma_wait3A_1169 = arith.constant 7296 : i32
    %dma_wait3A_1170 = tpu.memref_slice %arg6[%dma_wait3A_1169] : memref<12800xi32, #tpu.memory_space<vmem>> -> memref<128xi32, #tpu.memory_space<vmem>>
    %dma_wait3A_1171 = arith.constant 0 : i32
    %dma_wait3A_1172 = arith.constant 0 : i32
    %dma_wait3A_1173 = tpu.memref_slice %arg5[%dma_wait3A_1171, %dma_wait3A_1172] : memref<9x64xf32, #tpu.memory_space<vmem_shared>> -> memref<9x64xf32, #tpu.memory_space<vmem_shared>>
    tpu.wait_indirect_dma semaphore(%arg16 : memref<!tpu.dma_semaphore, #tpu.memory_space<semaphore_mem>>) src(%dma_wait3A_1173 : memref<9x64xf32, #tpu.memory_space<vmem_shared>>) dst(%arg10 : memref<128x64xf32, #tpu.memory_space<vmem>>)
    %add3A_1174 = arith.constant 7296 : i32
    %add3A_1175 = arith.addi %mul3A_2, %add3A_1174 : i32
    %dma_start3A_1176 = arith.constant 0 : i32
    %dma_start3A_1177 = tpu.memref_slice %arg4[%add3A_1175, %dma_start3A_1176] : memref<409600x64xf32, #tpu.memory_space<hbm>> -> memref<128x64xf32, #tpu.memory_space<hbm>>
    %dma_start3A_1178 = arith.constant 0 : i32
    %dma_start3A_1179 = tpu.memref_slice %arg4[%add3A_1175, %dma_start3A_1178] : memref<409600x64xf32, #tpu.memory_space<hbm>> -> memref<128x64xf32, #tpu.memory_space<hbm>>
    tpu.enqueue_dma source(%arg10 : memref<128x64xf32, #tpu.memory_space<vmem>>) target(%dma_start3A_1179 : memref<128x64xf32, #tpu.memory_space<hbm>>) target_semaphore(%arg22 : memref<!tpu.dma_semaphore, #tpu.memory_space<semaphore_mem>>)
    %dma_wait3A_1180 = arith.constant 0 : i32
    %dma_wait3A_1181 = tpu.memref_slice %arg4[%add3A_1155, %dma_wait3A_1180] : memref<409600x64xf32, #tpu.memory_space<hbm>> -> memref<128x64xf32, #tpu.memory_space<hbm>>
    %dma_wait3A_1182 = arith.constant 0 : i32
    %dma_wait3A_1183 = tpu.memref_slice %arg4[%add3A_1155, %dma_wait3A_1182] : memref<409600x64xf32, #tpu.memory_space<hbm>> -> memref<128x64xf32, #tpu.memory_space<hbm>>
    tpu.wait_dma2 semaphore(%arg21 : memref<!tpu.dma_semaphore, #tpu.memory_space<semaphore_mem>>) src(%arg9 : memref<128x64xf32, #tpu.memory_space<vmem>>) dst(%dma_wait3A_1183 : memref<128x64xf32, #tpu.memory_space<hbm>>)
    %dma_start3A_1184 = arith.constant 7936 : i32
    %dma_start3A_1185 = tpu.memref_slice %arg6[%dma_start3A_1184] : memref<12800xi32, #tpu.memory_space<vmem>> -> memref<128xi32, #tpu.memory_space<vmem>>
    %dma_start3A_1186 = arith.constant 0 : i32
    %dma_start3A_1187 = arith.constant 0 : i32
    %dma_start3A_1188 = tpu.memref_slice %arg5[%dma_start3A_1186, %dma_start3A_1187] : memref<9x64xf32, #tpu.memory_space<vmem_shared>> -> memref<9x64xf32, #tpu.memory_space<vmem_shared>>
    tpu.enqueue_indirect_dma source(%dma_start3A_1188 : memref<9x64xf32, #tpu.memory_space<vmem_shared>>) target(%arg9 : memref<128x64xf32, #tpu.memory_space<vmem>>) offsets(%dma_start3A_1185 : memref<128xi32, #tpu.memory_space<vmem>>) semaphore(%arg15 : memref<!tpu.dma_semaphore, #tpu.memory_space<semaphore_mem>>)
    %dma_wait3A_1189 = arith.constant 7424 : i32
    %dma_wait3A_1190 = tpu.memref_slice %arg6[%dma_wait3A_1189] : memref<12800xi32, #tpu.memory_space<vmem>> -> memref<128xi32, #tpu.memory_space<vmem>>
    %dma_wait3A_1191 = arith.constant 0 : i32
    %dma_wait3A_1192 = arith.constant 0 : i32
    %dma_wait3A_1193 = tpu.memref_slice %arg5[%dma_wait3A_1191, %dma_wait3A_1192] : memref<9x64xf32, #tpu.memory_space<vmem_shared>> -> memref<9x64xf32, #tpu.memory_space<vmem_shared>>
    tpu.wait_indirect_dma semaphore(%arg17 : memref<!tpu.dma_semaphore, #tpu.memory_space<semaphore_mem>>) src(%dma_wait3A_1193 : memref<9x64xf32, #tpu.memory_space<vmem_shared>>) dst(%arg11 : memref<128x64xf32, #tpu.memory_space<vmem>>)
    %add3A_1194 = arith.constant 7424 : i32
    %add3A_1195 = arith.addi %mul3A_2, %add3A_1194 : i32
    %dma_start3A_1196 = arith.constant 0 : i32
    %dma_start3A_1197 = tpu.memref_slice %arg4[%add3A_1195, %dma_start3A_1196] : memref<409600x64xf32, #tpu.memory_space<hbm>> -> memref<128x64xf32, #tpu.memory_space<hbm>>
    %dma_start3A_1198 = arith.constant 0 : i32
    %dma_start3A_1199 = tpu.memref_slice %arg4[%add3A_1195, %dma_start3A_1198] : memref<409600x64xf32, #tpu.memory_space<hbm>> -> memref<128x64xf32, #tpu.memory_space<hbm>>
    tpu.enqueue_dma source(%arg11 : memref<128x64xf32, #tpu.memory_space<vmem>>) target(%dma_start3A_1199 : memref<128x64xf32, #tpu.memory_space<hbm>>) target_semaphore(%arg23 : memref<!tpu.dma_semaphore, #tpu.memory_space<semaphore_mem>>)
    %dma_wait3A_1200 = arith.constant 0 : i32
    %dma_wait3A_1201 = tpu.memref_slice %arg4[%add3A_1175, %dma_wait3A_1200] : memref<409600x64xf32, #tpu.memory_space<hbm>> -> memref<128x64xf32, #tpu.memory_space<hbm>>
    %dma_wait3A_1202 = arith.constant 0 : i32
    %dma_wait3A_1203 = tpu.memref_slice %arg4[%add3A_1175, %dma_wait3A_1202] : memref<409600x64xf32, #tpu.memory_space<hbm>> -> memref<128x64xf32, #tpu.memory_space<hbm>>
    tpu.wait_dma2 semaphore(%arg22 : memref<!tpu.dma_semaphore, #tpu.memory_space<semaphore_mem>>) src(%arg10 : memref<128x64xf32, #tpu.memory_space<vmem>>) dst(%dma_wait3A_1203 : memref<128x64xf32, #tpu.memory_space<hbm>>)
    %dma_start3A_1204 = arith.constant 8064 : i32
    %dma_start3A_1205 = tpu.memref_slice %arg6[%dma_start3A_1204] : memref<12800xi32, #tpu.memory_space<vmem>> -> memref<128xi32, #tpu.memory_space<vmem>>
    %dma_start3A_1206 = arith.constant 0 : i32
    %dma_start3A_1207 = arith.constant 0 : i32
    %dma_start3A_1208 = tpu.memref_slice %arg5[%dma_start3A_1206, %dma_start3A_1207] : memref<9x64xf32, #tpu.memory_space<vmem_shared>> -> memref<9x64xf32, #tpu.memory_space<vmem_shared>>
    tpu.enqueue_indirect_dma source(%dma_start3A_1208 : memref<9x64xf32, #tpu.memory_space<vmem_shared>>) target(%arg10 : memref<128x64xf32, #tpu.memory_space<vmem>>) offsets(%dma_start3A_1205 : memref<128xi32, #tpu.memory_space<vmem>>) semaphore(%arg16 : memref<!tpu.dma_semaphore, #tpu.memory_space<semaphore_mem>>)
    %dma_wait3A_1209 = arith.constant 7552 : i32
    %dma_wait3A_1210 = tpu.memref_slice %arg6[%dma_wait3A_1209] : memref<12800xi32, #tpu.memory_space<vmem>> -> memref<128xi32, #tpu.memory_space<vmem>>
    %dma_wait3A_1211 = arith.constant 0 : i32
    %dma_wait3A_1212 = arith.constant 0 : i32
    %dma_wait3A_1213 = tpu.memref_slice %arg5[%dma_wait3A_1211, %dma_wait3A_1212] : memref<9x64xf32, #tpu.memory_space<vmem_shared>> -> memref<9x64xf32, #tpu.memory_space<vmem_shared>>
    tpu.wait_indirect_dma semaphore(%arg18 : memref<!tpu.dma_semaphore, #tpu.memory_space<semaphore_mem>>) src(%dma_wait3A_1213 : memref<9x64xf32, #tpu.memory_space<vmem_shared>>) dst(%arg12 : memref<128x64xf32, #tpu.memory_space<vmem>>)
    %add3A_1214 = arith.constant 7552 : i32
    %add3A_1215 = arith.addi %mul3A_2, %add3A_1214 : i32
    %dma_start3A_1216 = arith.constant 0 : i32
    %dma_start3A_1217 = tpu.memref_slice %arg4[%add3A_1215, %dma_start3A_1216] : memref<409600x64xf32, #tpu.memory_space<hbm>> -> memref<128x64xf32, #tpu.memory_space<hbm>>
    %dma_start3A_1218 = arith.constant 0 : i32
    %dma_start3A_1219 = tpu.memref_slice %arg4[%add3A_1215, %dma_start3A_1218] : memref<409600x64xf32, #tpu.memory_space<hbm>> -> memref<128x64xf32, #tpu.memory_space<hbm>>
    tpu.enqueue_dma source(%arg12 : memref<128x64xf32, #tpu.memory_space<vmem>>) target(%dma_start3A_1219 : memref<128x64xf32, #tpu.memory_space<hbm>>) target_semaphore(%arg24 : memref<!tpu.dma_semaphore, #tpu.memory_space<semaphore_mem>>)
    %dma_wait3A_1220 = arith.constant 0 : i32
    %dma_wait3A_1221 = tpu.memref_slice %arg4[%add3A_1195, %dma_wait3A_1220] : memref<409600x64xf32, #tpu.memory_space<hbm>> -> memref<128x64xf32, #tpu.memory_space<hbm>>
    %dma_wait3A_1222 = arith.constant 0 : i32
    %dma_wait3A_1223 = tpu.memref_slice %arg4[%add3A_1195, %dma_wait3A_1222] : memref<409600x64xf32, #tpu.memory_space<hbm>> -> memref<128x64xf32, #tpu.memory_space<hbm>>
    tpu.wait_dma2 semaphore(%arg23 : memref<!tpu.dma_semaphore, #tpu.memory_space<semaphore_mem>>) src(%arg11 : memref<128x64xf32, #tpu.memory_space<vmem>>) dst(%dma_wait3A_1223 : memref<128x64xf32, #tpu.memory_space<hbm>>)
    %dma_start3A_1224 = arith.constant 8192 : i32
    %dma_start3A_1225 = tpu.memref_slice %arg6[%dma_start3A_1224] : memref<12800xi32, #tpu.memory_space<vmem>> -> memref<128xi32, #tpu.memory_space<vmem>>
    %dma_start3A_1226 = arith.constant 0 : i32
    %dma_start3A_1227 = arith.constant 0 : i32
    %dma_start3A_1228 = tpu.memref_slice %arg5[%dma_start3A_1226, %dma_start3A_1227] : memref<9x64xf32, #tpu.memory_space<vmem_shared>> -> memref<9x64xf32, #tpu.memory_space<vmem_shared>>
    tpu.enqueue_indirect_dma source(%dma_start3A_1228 : memref<9x64xf32, #tpu.memory_space<vmem_shared>>) target(%arg11 : memref<128x64xf32, #tpu.memory_space<vmem>>) offsets(%dma_start3A_1225 : memref<128xi32, #tpu.memory_space<vmem>>) semaphore(%arg17 : memref<!tpu.dma_semaphore, #tpu.memory_space<semaphore_mem>>)
    %dma_wait3A_1229 = arith.constant 7680 : i32
    %dma_wait3A_1230 = tpu.memref_slice %arg6[%dma_wait3A_1229] : memref<12800xi32, #tpu.memory_space<vmem>> -> memref<128xi32, #tpu.memory_space<vmem>>
    %dma_wait3A_1231 = arith.constant 0 : i32
    %dma_wait3A_1232 = arith.constant 0 : i32
    %dma_wait3A_1233 = tpu.memref_slice %arg5[%dma_wait3A_1231, %dma_wait3A_1232] : memref<9x64xf32, #tpu.memory_space<vmem_shared>> -> memref<9x64xf32, #tpu.memory_space<vmem_shared>>
    tpu.wait_indirect_dma semaphore(%arg13 : memref<!tpu.dma_semaphore, #tpu.memory_space<semaphore_mem>>) src(%dma_wait3A_1233 : memref<9x64xf32, #tpu.memory_space<vmem_shared>>) dst(%arg7 : memref<128x64xf32, #tpu.memory_space<vmem>>)
    %add3A_1234 = arith.constant 7680 : i32
    %add3A_1235 = arith.addi %mul3A_2, %add3A_1234 : i32
    %dma_start3A_1236 = arith.constant 0 : i32
    %dma_start3A_1237 = tpu.memref_slice %arg4[%add3A_1235, %dma_start3A_1236] : memref<409600x64xf32, #tpu.memory_space<hbm>> -> memref<128x64xf32, #tpu.memory_space<hbm>>
    %dma_start3A_1238 = arith.constant 0 : i32
    %dma_start3A_1239 = tpu.memref_slice %arg4[%add3A_1235, %dma_start3A_1238] : memref<409600x64xf32, #tpu.memory_space<hbm>> -> memref<128x64xf32, #tpu.memory_space<hbm>>
    tpu.enqueue_dma source(%arg7 : memref<128x64xf32, #tpu.memory_space<vmem>>) target(%dma_start3A_1239 : memref<128x64xf32, #tpu.memory_space<hbm>>) target_semaphore(%arg19 : memref<!tpu.dma_semaphore, #tpu.memory_space<semaphore_mem>>)
    %dma_wait3A_1240 = arith.constant 0 : i32
    %dma_wait3A_1241 = tpu.memref_slice %arg4[%add3A_1215, %dma_wait3A_1240] : memref<409600x64xf32, #tpu.memory_space<hbm>> -> memref<128x64xf32, #tpu.memory_space<hbm>>
    %dma_wait3A_1242 = arith.constant 0 : i32
    %dma_wait3A_1243 = tpu.memref_slice %arg4[%add3A_1215, %dma_wait3A_1242] : memref<409600x64xf32, #tpu.memory_space<hbm>> -> memref<128x64xf32, #tpu.memory_space<hbm>>
    tpu.wait_dma2 semaphore(%arg24 : memref<!tpu.dma_semaphore, #tpu.memory_space<semaphore_mem>>) src(%arg12 : memref<128x64xf32, #tpu.memory_space<vmem>>) dst(%dma_wait3A_1243 : memref<128x64xf32, #tpu.memory_space<hbm>>)
    %dma_start3A_1244 = arith.constant 8320 : i32
    %dma_start3A_1245 = tpu.memref_slice %arg6[%dma_start3A_1244] : memref<12800xi32, #tpu.memory_space<vmem>> -> memref<128xi32, #tpu.memory_space<vmem>>
    %dma_start3A_1246 = arith.constant 0 : i32
    %dma_start3A_1247 = arith.constant 0 : i32
    %dma_start3A_1248 = tpu.memref_slice %arg5[%dma_start3A_1246, %dma_start3A_1247] : memref<9x64xf32, #tpu.memory_space<vmem_shared>> -> memref<9x64xf32, #tpu.memory_space<vmem_shared>>
    tpu.enqueue_indirect_dma source(%dma_start3A_1248 : memref<9x64xf32, #tpu.memory_space<vmem_shared>>) target(%arg12 : memref<128x64xf32, #tpu.memory_space<vmem>>) offsets(%dma_start3A_1245 : memref<128xi32, #tpu.memory_space<vmem>>) semaphore(%arg18 : memref<!tpu.dma_semaphore, #tpu.memory_space<semaphore_mem>>)
    %dma_wait3A_1249 = arith.constant 7808 : i32
    %dma_wait3A_1250 = tpu.memref_slice %arg6[%dma_wait3A_1249] : memref<12800xi32, #tpu.memory_space<vmem>> -> memref<128xi32, #tpu.memory_space<vmem>>
    %dma_wait3A_1251 = arith.constant 0 : i32
    %dma_wait3A_1252 = arith.constant 0 : i32
    %dma_wait3A_1253 = tpu.memref_slice %arg5[%dma_wait3A_1251, %dma_wait3A_1252] : memref<9x64xf32, #tpu.memory_space<vmem_shared>> -> memref<9x64xf32, #tpu.memory_space<vmem_shared>>
    tpu.wait_indirect_dma semaphore(%arg14 : memref<!tpu.dma_semaphore, #tpu.memory_space<semaphore_mem>>) src(%dma_wait3A_1253 : memref<9x64xf32, #tpu.memory_space<vmem_shared>>) dst(%arg8 : memref<128x64xf32, #tpu.memory_space<vmem>>)
    %add3A_1254 = arith.constant 7808 : i32
    %add3A_1255 = arith.addi %mul3A_2, %add3A_1254 : i32
    %dma_start3A_1256 = arith.constant 0 : i32
    %dma_start3A_1257 = tpu.memref_slice %arg4[%add3A_1255, %dma_start3A_1256] : memref<409600x64xf32, #tpu.memory_space<hbm>> -> memref<128x64xf32, #tpu.memory_space<hbm>>
    %dma_start3A_1258 = arith.constant 0 : i32
    %dma_start3A_1259 = tpu.memref_slice %arg4[%add3A_1255, %dma_start3A_1258] : memref<409600x64xf32, #tpu.memory_space<hbm>> -> memref<128x64xf32, #tpu.memory_space<hbm>>
    tpu.enqueue_dma source(%arg8 : memref<128x64xf32, #tpu.memory_space<vmem>>) target(%dma_start3A_1259 : memref<128x64xf32, #tpu.memory_space<hbm>>) target_semaphore(%arg20 : memref<!tpu.dma_semaphore, #tpu.memory_space<semaphore_mem>>)
    %dma_wait3A_1260 = arith.constant 0 : i32
    %dma_wait3A_1261 = tpu.memref_slice %arg4[%add3A_1235, %dma_wait3A_1260] : memref<409600x64xf32, #tpu.memory_space<hbm>> -> memref<128x64xf32, #tpu.memory_space<hbm>>
    %dma_wait3A_1262 = arith.constant 0 : i32
    %dma_wait3A_1263 = tpu.memref_slice %arg4[%add3A_1235, %dma_wait3A_1262] : memref<409600x64xf32, #tpu.memory_space<hbm>> -> memref<128x64xf32, #tpu.memory_space<hbm>>
    tpu.wait_dma2 semaphore(%arg19 : memref<!tpu.dma_semaphore, #tpu.memory_space<semaphore_mem>>) src(%arg7 : memref<128x64xf32, #tpu.memory_space<vmem>>) dst(%dma_wait3A_1263 : memref<128x64xf32, #tpu.memory_space<hbm>>)
    %dma_start3A_1264 = arith.constant 8448 : i32
    %dma_start3A_1265 = tpu.memref_slice %arg6[%dma_start3A_1264] : memref<12800xi32, #tpu.memory_space<vmem>> -> memref<128xi32, #tpu.memory_space<vmem>>
    %dma_start3A_1266 = arith.constant 0 : i32
    %dma_start3A_1267 = arith.constant 0 : i32
    %dma_start3A_1268 = tpu.memref_slice %arg5[%dma_start3A_1266, %dma_start3A_1267] : memref<9x64xf32, #tpu.memory_space<vmem_shared>> -> memref<9x64xf32, #tpu.memory_space<vmem_shared>>
    tpu.enqueue_indirect_dma source(%dma_start3A_1268 : memref<9x64xf32, #tpu.memory_space<vmem_shared>>) target(%arg7 : memref<128x64xf32, #tpu.memory_space<vmem>>) offsets(%dma_start3A_1265 : memref<128xi32, #tpu.memory_space<vmem>>) semaphore(%arg13 : memref<!tpu.dma_semaphore, #tpu.memory_space<semaphore_mem>>)
    %dma_wait3A_1269 = arith.constant 7936 : i32
    %dma_wait3A_1270 = tpu.memref_slice %arg6[%dma_wait3A_1269] : memref<12800xi32, #tpu.memory_space<vmem>> -> memref<128xi32, #tpu.memory_space<vmem>>
    %dma_wait3A_1271 = arith.constant 0 : i32
    %dma_wait3A_1272 = arith.constant 0 : i32
    %dma_wait3A_1273 = tpu.memref_slice %arg5[%dma_wait3A_1271, %dma_wait3A_1272] : memref<9x64xf32, #tpu.memory_space<vmem_shared>> -> memref<9x64xf32, #tpu.memory_space<vmem_shared>>
    tpu.wait_indirect_dma semaphore(%arg15 : memref<!tpu.dma_semaphore, #tpu.memory_space<semaphore_mem>>) src(%dma_wait3A_1273 : memref<9x64xf32, #tpu.memory_space<vmem_shared>>) dst(%arg9 : memref<128x64xf32, #tpu.memory_space<vmem>>)
    %add3A_1274 = arith.constant 7936 : i32
    %add3A_1275 = arith.addi %mul3A_2, %add3A_1274 : i32
    %dma_start3A_1276 = arith.constant 0 : i32
    %dma_start3A_1277 = tpu.memref_slice %arg4[%add3A_1275, %dma_start3A_1276] : memref<409600x64xf32, #tpu.memory_space<hbm>> -> memref<128x64xf32, #tpu.memory_space<hbm>>
    %dma_start3A_1278 = arith.constant 0 : i32
    %dma_start3A_1279 = tpu.memref_slice %arg4[%add3A_1275, %dma_start3A_1278] : memref<409600x64xf32, #tpu.memory_space<hbm>> -> memref<128x64xf32, #tpu.memory_space<hbm>>
    tpu.enqueue_dma source(%arg9 : memref<128x64xf32, #tpu.memory_space<vmem>>) target(%dma_start3A_1279 : memref<128x64xf32, #tpu.memory_space<hbm>>) target_semaphore(%arg21 : memref<!tpu.dma_semaphore, #tpu.memory_space<semaphore_mem>>)
    %dma_wait3A_1280 = arith.constant 0 : i32
    %dma_wait3A_1281 = tpu.memref_slice %arg4[%add3A_1255, %dma_wait3A_1280] : memref<409600x64xf32, #tpu.memory_space<hbm>> -> memref<128x64xf32, #tpu.memory_space<hbm>>
    %dma_wait3A_1282 = arith.constant 0 : i32
    %dma_wait3A_1283 = tpu.memref_slice %arg4[%add3A_1255, %dma_wait3A_1282] : memref<409600x64xf32, #tpu.memory_space<hbm>> -> memref<128x64xf32, #tpu.memory_space<hbm>>
    tpu.wait_dma2 semaphore(%arg20 : memref<!tpu.dma_semaphore, #tpu.memory_space<semaphore_mem>>) src(%arg8 : memref<128x64xf32, #tpu.memory_space<vmem>>) dst(%dma_wait3A_1283 : memref<128x64xf32, #tpu.memory_space<hbm>>)
    %dma_start3A_1284 = arith.constant 8576 : i32
    %dma_start3A_1285 = tpu.memref_slice %arg6[%dma_start3A_1284] : memref<12800xi32, #tpu.memory_space<vmem>> -> memref<128xi32, #tpu.memory_space<vmem>>
    %dma_start3A_1286 = arith.constant 0 : i32
    %dma_start3A_1287 = arith.constant 0 : i32
    %dma_start3A_1288 = tpu.memref_slice %arg5[%dma_start3A_1286, %dma_start3A_1287] : memref<9x64xf32, #tpu.memory_space<vmem_shared>> -> memref<9x64xf32, #tpu.memory_space<vmem_shared>>
    tpu.enqueue_indirect_dma source(%dma_start3A_1288 : memref<9x64xf32, #tpu.memory_space<vmem_shared>>) target(%arg8 : memref<128x64xf32, #tpu.memory_space<vmem>>) offsets(%dma_start3A_1285 : memref<128xi32, #tpu.memory_space<vmem>>) semaphore(%arg14 : memref<!tpu.dma_semaphore, #tpu.memory_space<semaphore_mem>>)
    %dma_wait3A_1289 = arith.constant 8064 : i32
    %dma_wait3A_1290 = tpu.memref_slice %arg6[%dma_wait3A_1289] : memref<12800xi32, #tpu.memory_space<vmem>> -> memref<128xi32, #tpu.memory_space<vmem>>
    %dma_wait3A_1291 = arith.constant 0 : i32
    %dma_wait3A_1292 = arith.constant 0 : i32
    %dma_wait3A_1293 = tpu.memref_slice %arg5[%dma_wait3A_1291, %dma_wait3A_1292] : memref<9x64xf32, #tpu.memory_space<vmem_shared>> -> memref<9x64xf32, #tpu.memory_space<vmem_shared>>
    tpu.wait_indirect_dma semaphore(%arg16 : memref<!tpu.dma_semaphore, #tpu.memory_space<semaphore_mem>>) src(%dma_wait3A_1293 : memref<9x64xf32, #tpu.memory_space<vmem_shared>>) dst(%arg10 : memref<128x64xf32, #tpu.memory_space<vmem>>)
    %add3A_1294 = arith.constant 8064 : i32
    %add3A_1295 = arith.addi %mul3A_2, %add3A_1294 : i32
    %dma_start3A_1296 = arith.constant 0 : i32
    %dma_start3A_1297 = tpu.memref_slice %arg4[%add3A_1295, %dma_start3A_1296] : memref<409600x64xf32, #tpu.memory_space<hbm>> -> memref<128x64xf32, #tpu.memory_space<hbm>>
    %dma_start3A_1298 = arith.constant 0 : i32
    %dma_start3A_1299 = tpu.memref_slice %arg4[%add3A_1295, %dma_start3A_1298] : memref<409600x64xf32, #tpu.memory_space<hbm>> -> memref<128x64xf32, #tpu.memory_space<hbm>>
    tpu.enqueue_dma source(%arg10 : memref<128x64xf32, #tpu.memory_space<vmem>>) target(%dma_start3A_1299 : memref<128x64xf32, #tpu.memory_space<hbm>>) target_semaphore(%arg22 : memref<!tpu.dma_semaphore, #tpu.memory_space<semaphore_mem>>)
    %dma_wait3A_1300 = arith.constant 0 : i32
    %dma_wait3A_1301 = tpu.memref_slice %arg4[%add3A_1275, %dma_wait3A_1300] : memref<409600x64xf32, #tpu.memory_space<hbm>> -> memref<128x64xf32, #tpu.memory_space<hbm>>
    %dma_wait3A_1302 = arith.constant 0 : i32
    %dma_wait3A_1303 = tpu.memref_slice %arg4[%add3A_1275, %dma_wait3A_1302] : memref<409600x64xf32, #tpu.memory_space<hbm>> -> memref<128x64xf32, #tpu.memory_space<hbm>>
    tpu.wait_dma2 semaphore(%arg21 : memref<!tpu.dma_semaphore, #tpu.memory_space<semaphore_mem>>) src(%arg9 : memref<128x64xf32, #tpu.memory_space<vmem>>) dst(%dma_wait3A_1303 : memref<128x64xf32, #tpu.memory_space<hbm>>)
    %dma_start3A_1304 = arith.constant 8704 : i32
    %dma_start3A_1305 = tpu.memref_slice %arg6[%dma_start3A_1304] : memref<12800xi32, #tpu.memory_space<vmem>> -> memref<128xi32, #tpu.memory_space<vmem>>
    %dma_start3A_1306 = arith.constant 0 : i32
    %dma_start3A_1307 = arith.constant 0 : i32
    %dma_start3A_1308 = tpu.memref_slice %arg5[%dma_start3A_1306, %dma_start3A_1307] : memref<9x64xf32, #tpu.memory_space<vmem_shared>> -> memref<9x64xf32, #tpu.memory_space<vmem_shared>>
    tpu.enqueue_indirect_dma source(%dma_start3A_1308 : memref<9x64xf32, #tpu.memory_space<vmem_shared>>) target(%arg9 : memref<128x64xf32, #tpu.memory_space<vmem>>) offsets(%dma_start3A_1305 : memref<128xi32, #tpu.memory_space<vmem>>) semaphore(%arg15 : memref<!tpu.dma_semaphore, #tpu.memory_space<semaphore_mem>>)
    %dma_wait3A_1309 = arith.constant 8192 : i32
    %dma_wait3A_1310 = tpu.memref_slice %arg6[%dma_wait3A_1309] : memref<12800xi32, #tpu.memory_space<vmem>> -> memref<128xi32, #tpu.memory_space<vmem>>
    %dma_wait3A_1311 = arith.constant 0 : i32
    %dma_wait3A_1312 = arith.constant 0 : i32
    %dma_wait3A_1313 = tpu.memref_slice %arg5[%dma_wait3A_1311, %dma_wait3A_1312] : memref<9x64xf32, #tpu.memory_space<vmem_shared>> -> memref<9x64xf32, #tpu.memory_space<vmem_shared>>
    tpu.wait_indirect_dma semaphore(%arg17 : memref<!tpu.dma_semaphore, #tpu.memory_space<semaphore_mem>>) src(%dma_wait3A_1313 : memref<9x64xf32, #tpu.memory_space<vmem_shared>>) dst(%arg11 : memref<128x64xf32, #tpu.memory_space<vmem>>)
    %add3A_1314 = arith.constant 8192 : i32
    %add3A_1315 = arith.addi %mul3A_2, %add3A_1314 : i32
    %dma_start3A_1316 = arith.constant 0 : i32
    %dma_start3A_1317 = tpu.memref_slice %arg4[%add3A_1315, %dma_start3A_1316] : memref<409600x64xf32, #tpu.memory_space<hbm>> -> memref<128x64xf32, #tpu.memory_space<hbm>>
    %dma_start3A_1318 = arith.constant 0 : i32
    %dma_start3A_1319 = tpu.memref_slice %arg4[%add3A_1315, %dma_start3A_1318] : memref<409600x64xf32, #tpu.memory_space<hbm>> -> memref<128x64xf32, #tpu.memory_space<hbm>>
    tpu.enqueue_dma source(%arg11 : memref<128x64xf32, #tpu.memory_space<vmem>>) target(%dma_start3A_1319 : memref<128x64xf32, #tpu.memory_space<hbm>>) target_semaphore(%arg23 : memref<!tpu.dma_semaphore, #tpu.memory_space<semaphore_mem>>)
    %dma_wait3A_1320 = arith.constant 0 : i32
    %dma_wait3A_1321 = tpu.memref_slice %arg4[%add3A_1295, %dma_wait3A_1320] : memref<409600x64xf32, #tpu.memory_space<hbm>> -> memref<128x64xf32, #tpu.memory_space<hbm>>
    %dma_wait3A_1322 = arith.constant 0 : i32
    %dma_wait3A_1323 = tpu.memref_slice %arg4[%add3A_1295, %dma_wait3A_1322] : memref<409600x64xf32, #tpu.memory_space<hbm>> -> memref<128x64xf32, #tpu.memory_space<hbm>>
    tpu.wait_dma2 semaphore(%arg22 : memref<!tpu.dma_semaphore, #tpu.memory_space<semaphore_mem>>) src(%arg10 : memref<128x64xf32, #tpu.memory_space<vmem>>) dst(%dma_wait3A_1323 : memref<128x64xf32, #tpu.memory_space<hbm>>)
    %dma_start3A_1324 = arith.constant 8832 : i32
    %dma_start3A_1325 = tpu.memref_slice %arg6[%dma_start3A_1324] : memref<12800xi32, #tpu.memory_space<vmem>> -> memref<128xi32, #tpu.memory_space<vmem>>
    %dma_start3A_1326 = arith.constant 0 : i32
    %dma_start3A_1327 = arith.constant 0 : i32
    %dma_start3A_1328 = tpu.memref_slice %arg5[%dma_start3A_1326, %dma_start3A_1327] : memref<9x64xf32, #tpu.memory_space<vmem_shared>> -> memref<9x64xf32, #tpu.memory_space<vmem_shared>>
    tpu.enqueue_indirect_dma source(%dma_start3A_1328 : memref<9x64xf32, #tpu.memory_space<vmem_shared>>) target(%arg10 : memref<128x64xf32, #tpu.memory_space<vmem>>) offsets(%dma_start3A_1325 : memref<128xi32, #tpu.memory_space<vmem>>) semaphore(%arg16 : memref<!tpu.dma_semaphore, #tpu.memory_space<semaphore_mem>>)
    %dma_wait3A_1329 = arith.constant 8320 : i32
    %dma_wait3A_1330 = tpu.memref_slice %arg6[%dma_wait3A_1329] : memref<12800xi32, #tpu.memory_space<vmem>> -> memref<128xi32, #tpu.memory_space<vmem>>
    %dma_wait3A_1331 = arith.constant 0 : i32
    %dma_wait3A_1332 = arith.constant 0 : i32
    %dma_wait3A_1333 = tpu.memref_slice %arg5[%dma_wait3A_1331, %dma_wait3A_1332] : memref<9x64xf32, #tpu.memory_space<vmem_shared>> -> memref<9x64xf32, #tpu.memory_space<vmem_shared>>
    tpu.wait_indirect_dma semaphore(%arg18 : memref<!tpu.dma_semaphore, #tpu.memory_space<semaphore_mem>>) src(%dma_wait3A_1333 : memref<9x64xf32, #tpu.memory_space<vmem_shared>>) dst(%arg12 : memref<128x64xf32, #tpu.memory_space<vmem>>)
    %add3A_1334 = arith.constant 8320 : i32
    %add3A_1335 = arith.addi %mul3A_2, %add3A_1334 : i32
    %dma_start3A_1336 = arith.constant 0 : i32
    %dma_start3A_1337 = tpu.memref_slice %arg4[%add3A_1335, %dma_start3A_1336] : memref<409600x64xf32, #tpu.memory_space<hbm>> -> memref<128x64xf32, #tpu.memory_space<hbm>>
    %dma_start3A_1338 = arith.constant 0 : i32
    %dma_start3A_1339 = tpu.memref_slice %arg4[%add3A_1335, %dma_start3A_1338] : memref<409600x64xf32, #tpu.memory_space<hbm>> -> memref<128x64xf32, #tpu.memory_space<hbm>>
    tpu.enqueue_dma source(%arg12 : memref<128x64xf32, #tpu.memory_space<vmem>>) target(%dma_start3A_1339 : memref<128x64xf32, #tpu.memory_space<hbm>>) target_semaphore(%arg24 : memref<!tpu.dma_semaphore, #tpu.memory_space<semaphore_mem>>)
    %dma_wait3A_1340 = arith.constant 0 : i32
    %dma_wait3A_1341 = tpu.memref_slice %arg4[%add3A_1315, %dma_wait3A_1340] : memref<409600x64xf32, #tpu.memory_space<hbm>> -> memref<128x64xf32, #tpu.memory_space<hbm>>
    %dma_wait3A_1342 = arith.constant 0 : i32
    %dma_wait3A_1343 = tpu.memref_slice %arg4[%add3A_1315, %dma_wait3A_1342] : memref<409600x64xf32, #tpu.memory_space<hbm>> -> memref<128x64xf32, #tpu.memory_space<hbm>>
    tpu.wait_dma2 semaphore(%arg23 : memref<!tpu.dma_semaphore, #tpu.memory_space<semaphore_mem>>) src(%arg11 : memref<128x64xf32, #tpu.memory_space<vmem>>) dst(%dma_wait3A_1343 : memref<128x64xf32, #tpu.memory_space<hbm>>)
    %dma_start3A_1344 = arith.constant 8960 : i32
    %dma_start3A_1345 = tpu.memref_slice %arg6[%dma_start3A_1344] : memref<12800xi32, #tpu.memory_space<vmem>> -> memref<128xi32, #tpu.memory_space<vmem>>
    %dma_start3A_1346 = arith.constant 0 : i32
    %dma_start3A_1347 = arith.constant 0 : i32
    %dma_start3A_1348 = tpu.memref_slice %arg5[%dma_start3A_1346, %dma_start3A_1347] : memref<9x64xf32, #tpu.memory_space<vmem_shared>> -> memref<9x64xf32, #tpu.memory_space<vmem_shared>>
    tpu.enqueue_indirect_dma source(%dma_start3A_1348 : memref<9x64xf32, #tpu.memory_space<vmem_shared>>) target(%arg11 : memref<128x64xf32, #tpu.memory_space<vmem>>) offsets(%dma_start3A_1345 : memref<128xi32, #tpu.memory_space<vmem>>) semaphore(%arg17 : memref<!tpu.dma_semaphore, #tpu.memory_space<semaphore_mem>>)
    %dma_wait3A_1349 = arith.constant 8448 : i32
    %dma_wait3A_1350 = tpu.memref_slice %arg6[%dma_wait3A_1349] : memref<12800xi32, #tpu.memory_space<vmem>> -> memref<128xi32, #tpu.memory_space<vmem>>
    %dma_wait3A_1351 = arith.constant 0 : i32
    %dma_wait3A_1352 = arith.constant 0 : i32
    %dma_wait3A_1353 = tpu.memref_slice %arg5[%dma_wait3A_1351, %dma_wait3A_1352] : memref<9x64xf32, #tpu.memory_space<vmem_shared>> -> memref<9x64xf32, #tpu.memory_space<vmem_shared>>
    tpu.wait_indirect_dma semaphore(%arg13 : memref<!tpu.dma_semaphore, #tpu.memory_space<semaphore_mem>>) src(%dma_wait3A_1353 : memref<9x64xf32, #tpu.memory_space<vmem_shared>>) dst(%arg7 : memref<128x64xf32, #tpu.memory_space<vmem>>)
    %add3A_1354 = arith.constant 8448 : i32
    %add3A_1355 = arith.addi %mul3A_2, %add3A_1354 : i32
    %dma_start3A_1356 = arith.constant 0 : i32
    %dma_start3A_1357 = tpu.memref_slice %arg4[%add3A_1355, %dma_start3A_1356] : memref<409600x64xf32, #tpu.memory_space<hbm>> -> memref<128x64xf32, #tpu.memory_space<hbm>>
    %dma_start3A_1358 = arith.constant 0 : i32
    %dma_start3A_1359 = tpu.memref_slice %arg4[%add3A_1355, %dma_start3A_1358] : memref<409600x64xf32, #tpu.memory_space<hbm>> -> memref<128x64xf32, #tpu.memory_space<hbm>>
    tpu.enqueue_dma source(%arg7 : memref<128x64xf32, #tpu.memory_space<vmem>>) target(%dma_start3A_1359 : memref<128x64xf32, #tpu.memory_space<hbm>>) target_semaphore(%arg19 : memref<!tpu.dma_semaphore, #tpu.memory_space<semaphore_mem>>)
    %dma_wait3A_1360 = arith.constant 0 : i32
    %dma_wait3A_1361 = tpu.memref_slice %arg4[%add3A_1335, %dma_wait3A_1360] : memref<409600x64xf32, #tpu.memory_space<hbm>> -> memref<128x64xf32, #tpu.memory_space<hbm>>
    %dma_wait3A_1362 = arith.constant 0 : i32
    %dma_wait3A_1363 = tpu.memref_slice %arg4[%add3A_1335, %dma_wait3A_1362] : memref<409600x64xf32, #tpu.memory_space<hbm>> -> memref<128x64xf32, #tpu.memory_space<hbm>>
    tpu.wait_dma2 semaphore(%arg24 : memref<!tpu.dma_semaphore, #tpu.memory_space<semaphore_mem>>) src(%arg12 : memref<128x64xf32, #tpu.memory_space<vmem>>) dst(%dma_wait3A_1363 : memref<128x64xf32, #tpu.memory_space<hbm>>)
    %dma_start3A_1364 = arith.constant 9088 : i32
    %dma_start3A_1365 = tpu.memref_slice %arg6[%dma_start3A_1364] : memref<12800xi32, #tpu.memory_space<vmem>> -> memref<128xi32, #tpu.memory_space<vmem>>
    %dma_start3A_1366 = arith.constant 0 : i32
    %dma_start3A_1367 = arith.constant 0 : i32
    %dma_start3A_1368 = tpu.memref_slice %arg5[%dma_start3A_1366, %dma_start3A_1367] : memref<9x64xf32, #tpu.memory_space<vmem_shared>> -> memref<9x64xf32, #tpu.memory_space<vmem_shared>>
    tpu.enqueue_indirect_dma source(%dma_start3A_1368 : memref<9x64xf32, #tpu.memory_space<vmem_shared>>) target(%arg12 : memref<128x64xf32, #tpu.memory_space<vmem>>) offsets(%dma_start3A_1365 : memref<128xi32, #tpu.memory_space<vmem>>) semaphore(%arg18 : memref<!tpu.dma_semaphore, #tpu.memory_space<semaphore_mem>>)
    %dma_wait3A_1369 = arith.constant 8576 : i32
    %dma_wait3A_1370 = tpu.memref_slice %arg6[%dma_wait3A_1369] : memref<12800xi32, #tpu.memory_space<vmem>> -> memref<128xi32, #tpu.memory_space<vmem>>
    %dma_wait3A_1371 = arith.constant 0 : i32
    %dma_wait3A_1372 = arith.constant 0 : i32
    %dma_wait3A_1373 = tpu.memref_slice %arg5[%dma_wait3A_1371, %dma_wait3A_1372] : memref<9x64xf32, #tpu.memory_space<vmem_shared>> -> memref<9x64xf32, #tpu.memory_space<vmem_shared>>
    tpu.wait_indirect_dma semaphore(%arg14 : memref<!tpu.dma_semaphore, #tpu.memory_space<semaphore_mem>>) src(%dma_wait3A_1373 : memref<9x64xf32, #tpu.memory_space<vmem_shared>>) dst(%arg8 : memref<128x64xf32, #tpu.memory_space<vmem>>)
    %add3A_1374 = arith.constant 8576 : i32
    %add3A_1375 = arith.addi %mul3A_2, %add3A_1374 : i32
    %dma_start3A_1376 = arith.constant 0 : i32
    %dma_start3A_1377 = tpu.memref_slice %arg4[%add3A_1375, %dma_start3A_1376] : memref<409600x64xf32, #tpu.memory_space<hbm>> -> memref<128x64xf32, #tpu.memory_space<hbm>>
    %dma_start3A_1378 = arith.constant 0 : i32
    %dma_start3A_1379 = tpu.memref_slice %arg4[%add3A_1375, %dma_start3A_1378] : memref<409600x64xf32, #tpu.memory_space<hbm>> -> memref<128x64xf32, #tpu.memory_space<hbm>>
    tpu.enqueue_dma source(%arg8 : memref<128x64xf32, #tpu.memory_space<vmem>>) target(%dma_start3A_1379 : memref<128x64xf32, #tpu.memory_space<hbm>>) target_semaphore(%arg20 : memref<!tpu.dma_semaphore, #tpu.memory_space<semaphore_mem>>)
    %dma_wait3A_1380 = arith.constant 0 : i32
    %dma_wait3A_1381 = tpu.memref_slice %arg4[%add3A_1355, %dma_wait3A_1380] : memref<409600x64xf32, #tpu.memory_space<hbm>> -> memref<128x64xf32, #tpu.memory_space<hbm>>
    %dma_wait3A_1382 = arith.constant 0 : i32
    %dma_wait3A_1383 = tpu.memref_slice %arg4[%add3A_1355, %dma_wait3A_1382] : memref<409600x64xf32, #tpu.memory_space<hbm>> -> memref<128x64xf32, #tpu.memory_space<hbm>>
    tpu.wait_dma2 semaphore(%arg19 : memref<!tpu.dma_semaphore, #tpu.memory_space<semaphore_mem>>) src(%arg7 : memref<128x64xf32, #tpu.memory_space<vmem>>) dst(%dma_wait3A_1383 : memref<128x64xf32, #tpu.memory_space<hbm>>)
    %dma_start3A_1384 = arith.constant 9216 : i32
    %dma_start3A_1385 = tpu.memref_slice %arg6[%dma_start3A_1384] : memref<12800xi32, #tpu.memory_space<vmem>> -> memref<128xi32, #tpu.memory_space<vmem>>
    %dma_start3A_1386 = arith.constant 0 : i32
    %dma_start3A_1387 = arith.constant 0 : i32
    %dma_start3A_1388 = tpu.memref_slice %arg5[%dma_start3A_1386, %dma_start3A_1387] : memref<9x64xf32, #tpu.memory_space<vmem_shared>> -> memref<9x64xf32, #tpu.memory_space<vmem_shared>>
    tpu.enqueue_indirect_dma source(%dma_start3A_1388 : memref<9x64xf32, #tpu.memory_space<vmem_shared>>) target(%arg7 : memref<128x64xf32, #tpu.memory_space<vmem>>) offsets(%dma_start3A_1385 : memref<128xi32, #tpu.memory_space<vmem>>) semaphore(%arg13 : memref<!tpu.dma_semaphore, #tpu.memory_space<semaphore_mem>>)
    %dma_wait3A_1389 = arith.constant 8704 : i32
    %dma_wait3A_1390 = tpu.memref_slice %arg6[%dma_wait3A_1389] : memref<12800xi32, #tpu.memory_space<vmem>> -> memref<128xi32, #tpu.memory_space<vmem>>
    %dma_wait3A_1391 = arith.constant 0 : i32
    %dma_wait3A_1392 = arith.constant 0 : i32
    %dma_wait3A_1393 = tpu.memref_slice %arg5[%dma_wait3A_1391, %dma_wait3A_1392] : memref<9x64xf32, #tpu.memory_space<vmem_shared>> -> memref<9x64xf32, #tpu.memory_space<vmem_shared>>
    tpu.wait_indirect_dma semaphore(%arg15 : memref<!tpu.dma_semaphore, #tpu.memory_space<semaphore_mem>>) src(%dma_wait3A_1393 : memref<9x64xf32, #tpu.memory_space<vmem_shared>>) dst(%arg9 : memref<128x64xf32, #tpu.memory_space<vmem>>)
    %add3A_1394 = arith.constant 8704 : i32
    %add3A_1395 = arith.addi %mul3A_2, %add3A_1394 : i32
    %dma_start3A_1396 = arith.constant 0 : i32
    %dma_start3A_1397 = tpu.memref_slice %arg4[%add3A_1395, %dma_start3A_1396] : memref<409600x64xf32, #tpu.memory_space<hbm>> -> memref<128x64xf32, #tpu.memory_space<hbm>>
    %dma_start3A_1398 = arith.constant 0 : i32
    %dma_start3A_1399 = tpu.memref_slice %arg4[%add3A_1395, %dma_start3A_1398] : memref<409600x64xf32, #tpu.memory_space<hbm>> -> memref<128x64xf32, #tpu.memory_space<hbm>>
    tpu.enqueue_dma source(%arg9 : memref<128x64xf32, #tpu.memory_space<vmem>>) target(%dma_start3A_1399 : memref<128x64xf32, #tpu.memory_space<hbm>>) target_semaphore(%arg21 : memref<!tpu.dma_semaphore, #tpu.memory_space<semaphore_mem>>)
    %dma_wait3A_1400 = arith.constant 0 : i32
    %dma_wait3A_1401 = tpu.memref_slice %arg4[%add3A_1375, %dma_wait3A_1400] : memref<409600x64xf32, #tpu.memory_space<hbm>> -> memref<128x64xf32, #tpu.memory_space<hbm>>
    %dma_wait3A_1402 = arith.constant 0 : i32
    %dma_wait3A_1403 = tpu.memref_slice %arg4[%add3A_1375, %dma_wait3A_1402] : memref<409600x64xf32, #tpu.memory_space<hbm>> -> memref<128x64xf32, #tpu.memory_space<hbm>>
    tpu.wait_dma2 semaphore(%arg20 : memref<!tpu.dma_semaphore, #tpu.memory_space<semaphore_mem>>) src(%arg8 : memref<128x64xf32, #tpu.memory_space<vmem>>) dst(%dma_wait3A_1403 : memref<128x64xf32, #tpu.memory_space<hbm>>)
    %dma_start3A_1404 = arith.constant 9344 : i32
    %dma_start3A_1405 = tpu.memref_slice %arg6[%dma_start3A_1404] : memref<12800xi32, #tpu.memory_space<vmem>> -> memref<128xi32, #tpu.memory_space<vmem>>
    %dma_start3A_1406 = arith.constant 0 : i32
    %dma_start3A_1407 = arith.constant 0 : i32
    %dma_start3A_1408 = tpu.memref_slice %arg5[%dma_start3A_1406, %dma_start3A_1407] : memref<9x64xf32, #tpu.memory_space<vmem_shared>> -> memref<9x64xf32, #tpu.memory_space<vmem_shared>>
    tpu.enqueue_indirect_dma source(%dma_start3A_1408 : memref<9x64xf32, #tpu.memory_space<vmem_shared>>) target(%arg8 : memref<128x64xf32, #tpu.memory_space<vmem>>) offsets(%dma_start3A_1405 : memref<128xi32, #tpu.memory_space<vmem>>) semaphore(%arg14 : memref<!tpu.dma_semaphore, #tpu.memory_space<semaphore_mem>>)
    %dma_wait3A_1409 = arith.constant 8832 : i32
    %dma_wait3A_1410 = tpu.memref_slice %arg6[%dma_wait3A_1409] : memref<12800xi32, #tpu.memory_space<vmem>> -> memref<128xi32, #tpu.memory_space<vmem>>
    %dma_wait3A_1411 = arith.constant 0 : i32
    %dma_wait3A_1412 = arith.constant 0 : i32
    %dma_wait3A_1413 = tpu.memref_slice %arg5[%dma_wait3A_1411, %dma_wait3A_1412] : memref<9x64xf32, #tpu.memory_space<vmem_shared>> -> memref<9x64xf32, #tpu.memory_space<vmem_shared>>
    tpu.wait_indirect_dma semaphore(%arg16 : memref<!tpu.dma_semaphore, #tpu.memory_space<semaphore_mem>>) src(%dma_wait3A_1413 : memref<9x64xf32, #tpu.memory_space<vmem_shared>>) dst(%arg10 : memref<128x64xf32, #tpu.memory_space<vmem>>)
    %add3A_1414 = arith.constant 8832 : i32
    %add3A_1415 = arith.addi %mul3A_2, %add3A_1414 : i32
    %dma_start3A_1416 = arith.constant 0 : i32
    %dma_start3A_1417 = tpu.memref_slice %arg4[%add3A_1415, %dma_start3A_1416] : memref<409600x64xf32, #tpu.memory_space<hbm>> -> memref<128x64xf32, #tpu.memory_space<hbm>>
    %dma_start3A_1418 = arith.constant 0 : i32
    %dma_start3A_1419 = tpu.memref_slice %arg4[%add3A_1415, %dma_start3A_1418] : memref<409600x64xf32, #tpu.memory_space<hbm>> -> memref<128x64xf32, #tpu.memory_space<hbm>>
    tpu.enqueue_dma source(%arg10 : memref<128x64xf32, #tpu.memory_space<vmem>>) target(%dma_start3A_1419 : memref<128x64xf32, #tpu.memory_space<hbm>>) target_semaphore(%arg22 : memref<!tpu.dma_semaphore, #tpu.memory_space<semaphore_mem>>)
    %dma_wait3A_1420 = arith.constant 0 : i32
    %dma_wait3A_1421 = tpu.memref_slice %arg4[%add3A_1395, %dma_wait3A_1420] : memref<409600x64xf32, #tpu.memory_space<hbm>> -> memref<128x64xf32, #tpu.memory_space<hbm>>
    %dma_wait3A_1422 = arith.constant 0 : i32
    %dma_wait3A_1423 = tpu.memref_slice %arg4[%add3A_1395, %dma_wait3A_1422] : memref<409600x64xf32, #tpu.memory_space<hbm>> -> memref<128x64xf32, #tpu.memory_space<hbm>>
    tpu.wait_dma2 semaphore(%arg21 : memref<!tpu.dma_semaphore, #tpu.memory_space<semaphore_mem>>) src(%arg9 : memref<128x64xf32, #tpu.memory_space<vmem>>) dst(%dma_wait3A_1423 : memref<128x64xf32, #tpu.memory_space<hbm>>)
    %dma_start3A_1424 = arith.constant 9472 : i32
    %dma_start3A_1425 = tpu.memref_slice %arg6[%dma_start3A_1424] : memref<12800xi32, #tpu.memory_space<vmem>> -> memref<128xi32, #tpu.memory_space<vmem>>
    %dma_start3A_1426 = arith.constant 0 : i32
    %dma_start3A_1427 = arith.constant 0 : i32
    %dma_start3A_1428 = tpu.memref_slice %arg5[%dma_start3A_1426, %dma_start3A_1427] : memref<9x64xf32, #tpu.memory_space<vmem_shared>> -> memref<9x64xf32, #tpu.memory_space<vmem_shared>>
    tpu.enqueue_indirect_dma source(%dma_start3A_1428 : memref<9x64xf32, #tpu.memory_space<vmem_shared>>) target(%arg9 : memref<128x64xf32, #tpu.memory_space<vmem>>) offsets(%dma_start3A_1425 : memref<128xi32, #tpu.memory_space<vmem>>) semaphore(%arg15 : memref<!tpu.dma_semaphore, #tpu.memory_space<semaphore_mem>>)
    %dma_wait3A_1429 = arith.constant 8960 : i32
    %dma_wait3A_1430 = tpu.memref_slice %arg6[%dma_wait3A_1429] : memref<12800xi32, #tpu.memory_space<vmem>> -> memref<128xi32, #tpu.memory_space<vmem>>
    %dma_wait3A_1431 = arith.constant 0 : i32
    %dma_wait3A_1432 = arith.constant 0 : i32
    %dma_wait3A_1433 = tpu.memref_slice %arg5[%dma_wait3A_1431, %dma_wait3A_1432] : memref<9x64xf32, #tpu.memory_space<vmem_shared>> -> memref<9x64xf32, #tpu.memory_space<vmem_shared>>
    tpu.wait_indirect_dma semaphore(%arg17 : memref<!tpu.dma_semaphore, #tpu.memory_space<semaphore_mem>>) src(%dma_wait3A_1433 : memref<9x64xf32, #tpu.memory_space<vmem_shared>>) dst(%arg11 : memref<128x64xf32, #tpu.memory_space<vmem>>)
    %add3A_1434 = arith.constant 8960 : i32
    %add3A_1435 = arith.addi %mul3A_2, %add3A_1434 : i32
    %dma_start3A_1436 = arith.constant 0 : i32
    %dma_start3A_1437 = tpu.memref_slice %arg4[%add3A_1435, %dma_start3A_1436] : memref<409600x64xf32, #tpu.memory_space<hbm>> -> memref<128x64xf32, #tpu.memory_space<hbm>>
    %dma_start3A_1438 = arith.constant 0 : i32
    %dma_start3A_1439 = tpu.memref_slice %arg4[%add3A_1435, %dma_start3A_1438] : memref<409600x64xf32, #tpu.memory_space<hbm>> -> memref<128x64xf32, #tpu.memory_space<hbm>>
    tpu.enqueue_dma source(%arg11 : memref<128x64xf32, #tpu.memory_space<vmem>>) target(%dma_start3A_1439 : memref<128x64xf32, #tpu.memory_space<hbm>>) target_semaphore(%arg23 : memref<!tpu.dma_semaphore, #tpu.memory_space<semaphore_mem>>)
    %dma_wait3A_1440 = arith.constant 0 : i32
    %dma_wait3A_1441 = tpu.memref_slice %arg4[%add3A_1415, %dma_wait3A_1440] : memref<409600x64xf32, #tpu.memory_space<hbm>> -> memref<128x64xf32, #tpu.memory_space<hbm>>
    %dma_wait3A_1442 = arith.constant 0 : i32
    %dma_wait3A_1443 = tpu.memref_slice %arg4[%add3A_1415, %dma_wait3A_1442] : memref<409600x64xf32, #tpu.memory_space<hbm>> -> memref<128x64xf32, #tpu.memory_space<hbm>>
    tpu.wait_dma2 semaphore(%arg22 : memref<!tpu.dma_semaphore, #tpu.memory_space<semaphore_mem>>) src(%arg10 : memref<128x64xf32, #tpu.memory_space<vmem>>) dst(%dma_wait3A_1443 : memref<128x64xf32, #tpu.memory_space<hbm>>)
    %dma_start3A_1444 = arith.constant 9600 : i32
    %dma_start3A_1445 = tpu.memref_slice %arg6[%dma_start3A_1444] : memref<12800xi32, #tpu.memory_space<vmem>> -> memref<128xi32, #tpu.memory_space<vmem>>
    %dma_start3A_1446 = arith.constant 0 : i32
    %dma_start3A_1447 = arith.constant 0 : i32
    %dma_start3A_1448 = tpu.memref_slice %arg5[%dma_start3A_1446, %dma_start3A_1447] : memref<9x64xf32, #tpu.memory_space<vmem_shared>> -> memref<9x64xf32, #tpu.memory_space<vmem_shared>>
    tpu.enqueue_indirect_dma source(%dma_start3A_1448 : memref<9x64xf32, #tpu.memory_space<vmem_shared>>) target(%arg10 : memref<128x64xf32, #tpu.memory_space<vmem>>) offsets(%dma_start3A_1445 : memref<128xi32, #tpu.memory_space<vmem>>) semaphore(%arg16 : memref<!tpu.dma_semaphore, #tpu.memory_space<semaphore_mem>>)
    %dma_wait3A_1449 = arith.constant 9088 : i32
    %dma_wait3A_1450 = tpu.memref_slice %arg6[%dma_wait3A_1449] : memref<12800xi32, #tpu.memory_space<vmem>> -> memref<128xi32, #tpu.memory_space<vmem>>
    %dma_wait3A_1451 = arith.constant 0 : i32
    %dma_wait3A_1452 = arith.constant 0 : i32
    %dma_wait3A_1453 = tpu.memref_slice %arg5[%dma_wait3A_1451, %dma_wait3A_1452] : memref<9x64xf32, #tpu.memory_space<vmem_shared>> -> memref<9x64xf32, #tpu.memory_space<vmem_shared>>
    tpu.wait_indirect_dma semaphore(%arg18 : memref<!tpu.dma_semaphore, #tpu.memory_space<semaphore_mem>>) src(%dma_wait3A_1453 : memref<9x64xf32, #tpu.memory_space<vmem_shared>>) dst(%arg12 : memref<128x64xf32, #tpu.memory_space<vmem>>)
    %add3A_1454 = arith.constant 9088 : i32
    %add3A_1455 = arith.addi %mul3A_2, %add3A_1454 : i32
    %dma_start3A_1456 = arith.constant 0 : i32
    %dma_start3A_1457 = tpu.memref_slice %arg4[%add3A_1455, %dma_start3A_1456] : memref<409600x64xf32, #tpu.memory_space<hbm>> -> memref<128x64xf32, #tpu.memory_space<hbm>>
    %dma_start3A_1458 = arith.constant 0 : i32
    %dma_start3A_1459 = tpu.memref_slice %arg4[%add3A_1455, %dma_start3A_1458] : memref<409600x64xf32, #tpu.memory_space<hbm>> -> memref<128x64xf32, #tpu.memory_space<hbm>>
    tpu.enqueue_dma source(%arg12 : memref<128x64xf32, #tpu.memory_space<vmem>>) target(%dma_start3A_1459 : memref<128x64xf32, #tpu.memory_space<hbm>>) target_semaphore(%arg24 : memref<!tpu.dma_semaphore, #tpu.memory_space<semaphore_mem>>)
    %dma_wait3A_1460 = arith.constant 0 : i32
    %dma_wait3A_1461 = tpu.memref_slice %arg4[%add3A_1435, %dma_wait3A_1460] : memref<409600x64xf32, #tpu.memory_space<hbm>> -> memref<128x64xf32, #tpu.memory_space<hbm>>
    %dma_wait3A_1462 = arith.constant 0 : i32
    %dma_wait3A_1463 = tpu.memref_slice %arg4[%add3A_1435, %dma_wait3A_1462] : memref<409600x64xf32, #tpu.memory_space<hbm>> -> memref<128x64xf32, #tpu.memory_space<hbm>>
    tpu.wait_dma2 semaphore(%arg23 : memref<!tpu.dma_semaphore, #tpu.memory_space<semaphore_mem>>) src(%arg11 : memref<128x64xf32, #tpu.memory_space<vmem>>) dst(%dma_wait3A_1463 : memref<128x64xf32, #tpu.memory_space<hbm>>)
    %dma_start3A_1464 = arith.constant 9728 : i32
    %dma_start3A_1465 = tpu.memref_slice %arg6[%dma_start3A_1464] : memref<12800xi32, #tpu.memory_space<vmem>> -> memref<128xi32, #tpu.memory_space<vmem>>
    %dma_start3A_1466 = arith.constant 0 : i32
    %dma_start3A_1467 = arith.constant 0 : i32
    %dma_start3A_1468 = tpu.memref_slice %arg5[%dma_start3A_1466, %dma_start3A_1467] : memref<9x64xf32, #tpu.memory_space<vmem_shared>> -> memref<9x64xf32, #tpu.memory_space<vmem_shared>>
    tpu.enqueue_indirect_dma source(%dma_start3A_1468 : memref<9x64xf32, #tpu.memory_space<vmem_shared>>) target(%arg11 : memref<128x64xf32, #tpu.memory_space<vmem>>) offsets(%dma_start3A_1465 : memref<128xi32, #tpu.memory_space<vmem>>) semaphore(%arg17 : memref<!tpu.dma_semaphore, #tpu.memory_space<semaphore_mem>>)
    %dma_wait3A_1469 = arith.constant 9216 : i32
    %dma_wait3A_1470 = tpu.memref_slice %arg6[%dma_wait3A_1469] : memref<12800xi32, #tpu.memory_space<vmem>> -> memref<128xi32, #tpu.memory_space<vmem>>
    %dma_wait3A_1471 = arith.constant 0 : i32
    %dma_wait3A_1472 = arith.constant 0 : i32
    %dma_wait3A_1473 = tpu.memref_slice %arg5[%dma_wait3A_1471, %dma_wait3A_1472] : memref<9x64xf32, #tpu.memory_space<vmem_shared>> -> memref<9x64xf32, #tpu.memory_space<vmem_shared>>
    tpu.wait_indirect_dma semaphore(%arg13 : memref<!tpu.dma_semaphore, #tpu.memory_space<semaphore_mem>>) src(%dma_wait3A_1473 : memref<9x64xf32, #tpu.memory_space<vmem_shared>>) dst(%arg7 : memref<128x64xf32, #tpu.memory_space<vmem>>)
    %add3A_1474 = arith.constant 9216 : i32
    %add3A_1475 = arith.addi %mul3A_2, %add3A_1474 : i32
    %dma_start3A_1476 = arith.constant 0 : i32
    %dma_start3A_1477 = tpu.memref_slice %arg4[%add3A_1475, %dma_start3A_1476] : memref<409600x64xf32, #tpu.memory_space<hbm>> -> memref<128x64xf32, #tpu.memory_space<hbm>>
    %dma_start3A_1478 = arith.constant 0 : i32
    %dma_start3A_1479 = tpu.memref_slice %arg4[%add3A_1475, %dma_start3A_1478] : memref<409600x64xf32, #tpu.memory_space<hbm>> -> memref<128x64xf32, #tpu.memory_space<hbm>>
    tpu.enqueue_dma source(%arg7 : memref<128x64xf32, #tpu.memory_space<vmem>>) target(%dma_start3A_1479 : memref<128x64xf32, #tpu.memory_space<hbm>>) target_semaphore(%arg19 : memref<!tpu.dma_semaphore, #tpu.memory_space<semaphore_mem>>)
    %dma_wait3A_1480 = arith.constant 0 : i32
    %dma_wait3A_1481 = tpu.memref_slice %arg4[%add3A_1455, %dma_wait3A_1480] : memref<409600x64xf32, #tpu.memory_space<hbm>> -> memref<128x64xf32, #tpu.memory_space<hbm>>
    %dma_wait3A_1482 = arith.constant 0 : i32
    %dma_wait3A_1483 = tpu.memref_slice %arg4[%add3A_1455, %dma_wait3A_1482] : memref<409600x64xf32, #tpu.memory_space<hbm>> -> memref<128x64xf32, #tpu.memory_space<hbm>>
    tpu.wait_dma2 semaphore(%arg24 : memref<!tpu.dma_semaphore, #tpu.memory_space<semaphore_mem>>) src(%arg12 : memref<128x64xf32, #tpu.memory_space<vmem>>) dst(%dma_wait3A_1483 : memref<128x64xf32, #tpu.memory_space<hbm>>)
    %dma_start3A_1484 = arith.constant 9856 : i32
    %dma_start3A_1485 = tpu.memref_slice %arg6[%dma_start3A_1484] : memref<12800xi32, #tpu.memory_space<vmem>> -> memref<128xi32, #tpu.memory_space<vmem>>
    %dma_start3A_1486 = arith.constant 0 : i32
    %dma_start3A_1487 = arith.constant 0 : i32
    %dma_start3A_1488 = tpu.memref_slice %arg5[%dma_start3A_1486, %dma_start3A_1487] : memref<9x64xf32, #tpu.memory_space<vmem_shared>> -> memref<9x64xf32, #tpu.memory_space<vmem_shared>>
    tpu.enqueue_indirect_dma source(%dma_start3A_1488 : memref<9x64xf32, #tpu.memory_space<vmem_shared>>) target(%arg12 : memref<128x64xf32, #tpu.memory_space<vmem>>) offsets(%dma_start3A_1485 : memref<128xi32, #tpu.memory_space<vmem>>) semaphore(%arg18 : memref<!tpu.dma_semaphore, #tpu.memory_space<semaphore_mem>>)
    %dma_wait3A_1489 = arith.constant 9344 : i32
    %dma_wait3A_1490 = tpu.memref_slice %arg6[%dma_wait3A_1489] : memref<12800xi32, #tpu.memory_space<vmem>> -> memref<128xi32, #tpu.memory_space<vmem>>
    %dma_wait3A_1491 = arith.constant 0 : i32
    %dma_wait3A_1492 = arith.constant 0 : i32
    %dma_wait3A_1493 = tpu.memref_slice %arg5[%dma_wait3A_1491, %dma_wait3A_1492] : memref<9x64xf32, #tpu.memory_space<vmem_shared>> -> memref<9x64xf32, #tpu.memory_space<vmem_shared>>
    tpu.wait_indirect_dma semaphore(%arg14 : memref<!tpu.dma_semaphore, #tpu.memory_space<semaphore_mem>>) src(%dma_wait3A_1493 : memref<9x64xf32, #tpu.memory_space<vmem_shared>>) dst(%arg8 : memref<128x64xf32, #tpu.memory_space<vmem>>)
    %add3A_1494 = arith.constant 9344 : i32
    %add3A_1495 = arith.addi %mul3A_2, %add3A_1494 : i32
    %dma_start3A_1496 = arith.constant 0 : i32
    %dma_start3A_1497 = tpu.memref_slice %arg4[%add3A_1495, %dma_start3A_1496] : memref<409600x64xf32, #tpu.memory_space<hbm>> -> memref<128x64xf32, #tpu.memory_space<hbm>>
    %dma_start3A_1498 = arith.constant 0 : i32
    %dma_start3A_1499 = tpu.memref_slice %arg4[%add3A_1495, %dma_start3A_1498] : memref<409600x64xf32, #tpu.memory_space<hbm>> -> memref<128x64xf32, #tpu.memory_space<hbm>>
    tpu.enqueue_dma source(%arg8 : memref<128x64xf32, #tpu.memory_space<vmem>>) target(%dma_start3A_1499 : memref<128x64xf32, #tpu.memory_space<hbm>>) target_semaphore(%arg20 : memref<!tpu.dma_semaphore, #tpu.memory_space<semaphore_mem>>)
    %dma_wait3A_1500 = arith.constant 0 : i32
    %dma_wait3A_1501 = tpu.memref_slice %arg4[%add3A_1475, %dma_wait3A_1500] : memref<409600x64xf32, #tpu.memory_space<hbm>> -> memref<128x64xf32, #tpu.memory_space<hbm>>
    %dma_wait3A_1502 = arith.constant 0 : i32
    %dma_wait3A_1503 = tpu.memref_slice %arg4[%add3A_1475, %dma_wait3A_1502] : memref<409600x64xf32, #tpu.memory_space<hbm>> -> memref<128x64xf32, #tpu.memory_space<hbm>>
    tpu.wait_dma2 semaphore(%arg19 : memref<!tpu.dma_semaphore, #tpu.memory_space<semaphore_mem>>) src(%arg7 : memref<128x64xf32, #tpu.memory_space<vmem>>) dst(%dma_wait3A_1503 : memref<128x64xf32, #tpu.memory_space<hbm>>)
    %dma_start3A_1504 = arith.constant 9984 : i32
    %dma_start3A_1505 = tpu.memref_slice %arg6[%dma_start3A_1504] : memref<12800xi32, #tpu.memory_space<vmem>> -> memref<128xi32, #tpu.memory_space<vmem>>
    %dma_start3A_1506 = arith.constant 0 : i32
    %dma_start3A_1507 = arith.constant 0 : i32
    %dma_start3A_1508 = tpu.memref_slice %arg5[%dma_start3A_1506, %dma_start3A_1507] : memref<9x64xf32, #tpu.memory_space<vmem_shared>> -> memref<9x64xf32, #tpu.memory_space<vmem_shared>>
    tpu.enqueue_indirect_dma source(%dma_start3A_1508 : memref<9x64xf32, #tpu.memory_space<vmem_shared>>) target(%arg7 : memref<128x64xf32, #tpu.memory_space<vmem>>) offsets(%dma_start3A_1505 : memref<128xi32, #tpu.memory_space<vmem>>) semaphore(%arg13 : memref<!tpu.dma_semaphore, #tpu.memory_space<semaphore_mem>>)
    %dma_wait3A_1509 = arith.constant 9472 : i32
    %dma_wait3A_1510 = tpu.memref_slice %arg6[%dma_wait3A_1509] : memref<12800xi32, #tpu.memory_space<vmem>> -> memref<128xi32, #tpu.memory_space<vmem>>
    %dma_wait3A_1511 = arith.constant 0 : i32
    %dma_wait3A_1512 = arith.constant 0 : i32
    %dma_wait3A_1513 = tpu.memref_slice %arg5[%dma_wait3A_1511, %dma_wait3A_1512] : memref<9x64xf32, #tpu.memory_space<vmem_shared>> -> memref<9x64xf32, #tpu.memory_space<vmem_shared>>
    tpu.wait_indirect_dma semaphore(%arg15 : memref<!tpu.dma_semaphore, #tpu.memory_space<semaphore_mem>>) src(%dma_wait3A_1513 : memref<9x64xf32, #tpu.memory_space<vmem_shared>>) dst(%arg9 : memref<128x64xf32, #tpu.memory_space<vmem>>)
    %add3A_1514 = arith.constant 9472 : i32
    %add3A_1515 = arith.addi %mul3A_2, %add3A_1514 : i32
    %dma_start3A_1516 = arith.constant 0 : i32
    %dma_start3A_1517 = tpu.memref_slice %arg4[%add3A_1515, %dma_start3A_1516] : memref<409600x64xf32, #tpu.memory_space<hbm>> -> memref<128x64xf32, #tpu.memory_space<hbm>>
    %dma_start3A_1518 = arith.constant 0 : i32
    %dma_start3A_1519 = tpu.memref_slice %arg4[%add3A_1515, %dma_start3A_1518] : memref<409600x64xf32, #tpu.memory_space<hbm>> -> memref<128x64xf32, #tpu.memory_space<hbm>>
    tpu.enqueue_dma source(%arg9 : memref<128x64xf32, #tpu.memory_space<vmem>>) target(%dma_start3A_1519 : memref<128x64xf32, #tpu.memory_space<hbm>>) target_semaphore(%arg21 : memref<!tpu.dma_semaphore, #tpu.memory_space<semaphore_mem>>)
    %dma_wait3A_1520 = arith.constant 0 : i32
    %dma_wait3A_1521 = tpu.memref_slice %arg4[%add3A_1495, %dma_wait3A_1520] : memref<409600x64xf32, #tpu.memory_space<hbm>> -> memref<128x64xf32, #tpu.memory_space<hbm>>
    %dma_wait3A_1522 = arith.constant 0 : i32
    %dma_wait3A_1523 = tpu.memref_slice %arg4[%add3A_1495, %dma_wait3A_1522] : memref<409600x64xf32, #tpu.memory_space<hbm>> -> memref<128x64xf32, #tpu.memory_space<hbm>>
    tpu.wait_dma2 semaphore(%arg20 : memref<!tpu.dma_semaphore, #tpu.memory_space<semaphore_mem>>) src(%arg8 : memref<128x64xf32, #tpu.memory_space<vmem>>) dst(%dma_wait3A_1523 : memref<128x64xf32, #tpu.memory_space<hbm>>)
    %dma_start3A_1524 = arith.constant 10112 : i32
    %dma_start3A_1525 = tpu.memref_slice %arg6[%dma_start3A_1524] : memref<12800xi32, #tpu.memory_space<vmem>> -> memref<128xi32, #tpu.memory_space<vmem>>
    %dma_start3A_1526 = arith.constant 0 : i32
    %dma_start3A_1527 = arith.constant 0 : i32
    %dma_start3A_1528 = tpu.memref_slice %arg5[%dma_start3A_1526, %dma_start3A_1527] : memref<9x64xf32, #tpu.memory_space<vmem_shared>> -> memref<9x64xf32, #tpu.memory_space<vmem_shared>>
    tpu.enqueue_indirect_dma source(%dma_start3A_1528 : memref<9x64xf32, #tpu.memory_space<vmem_shared>>) target(%arg8 : memref<128x64xf32, #tpu.memory_space<vmem>>) offsets(%dma_start3A_1525 : memref<128xi32, #tpu.memory_space<vmem>>) semaphore(%arg14 : memref<!tpu.dma_semaphore, #tpu.memory_space<semaphore_mem>>)
    %dma_wait3A_1529 = arith.constant 9600 : i32
    %dma_wait3A_1530 = tpu.memref_slice %arg6[%dma_wait3A_1529] : memref<12800xi32, #tpu.memory_space<vmem>> -> memref<128xi32, #tpu.memory_space<vmem>>
    %dma_wait3A_1531 = arith.constant 0 : i32
    %dma_wait3A_1532 = arith.constant 0 : i32
    %dma_wait3A_1533 = tpu.memref_slice %arg5[%dma_wait3A_1531, %dma_wait3A_1532] : memref<9x64xf32, #tpu.memory_space<vmem_shared>> -> memref<9x64xf32, #tpu.memory_space<vmem_shared>>
    tpu.wait_indirect_dma semaphore(%arg16 : memref<!tpu.dma_semaphore, #tpu.memory_space<semaphore_mem>>) src(%dma_wait3A_1533 : memref<9x64xf32, #tpu.memory_space<vmem_shared>>) dst(%arg10 : memref<128x64xf32, #tpu.memory_space<vmem>>)
    %add3A_1534 = arith.constant 9600 : i32
    %add3A_1535 = arith.addi %mul3A_2, %add3A_1534 : i32
    %dma_start3A_1536 = arith.constant 0 : i32
    %dma_start3A_1537 = tpu.memref_slice %arg4[%add3A_1535, %dma_start3A_1536] : memref<409600x64xf32, #tpu.memory_space<hbm>> -> memref<128x64xf32, #tpu.memory_space<hbm>>
    %dma_start3A_1538 = arith.constant 0 : i32
    %dma_start3A_1539 = tpu.memref_slice %arg4[%add3A_1535, %dma_start3A_1538] : memref<409600x64xf32, #tpu.memory_space<hbm>> -> memref<128x64xf32, #tpu.memory_space<hbm>>
    tpu.enqueue_dma source(%arg10 : memref<128x64xf32, #tpu.memory_space<vmem>>) target(%dma_start3A_1539 : memref<128x64xf32, #tpu.memory_space<hbm>>) target_semaphore(%arg22 : memref<!tpu.dma_semaphore, #tpu.memory_space<semaphore_mem>>)
    %dma_wait3A_1540 = arith.constant 0 : i32
    %dma_wait3A_1541 = tpu.memref_slice %arg4[%add3A_1515, %dma_wait3A_1540] : memref<409600x64xf32, #tpu.memory_space<hbm>> -> memref<128x64xf32, #tpu.memory_space<hbm>>
    %dma_wait3A_1542 = arith.constant 0 : i32
    %dma_wait3A_1543 = tpu.memref_slice %arg4[%add3A_1515, %dma_wait3A_1542] : memref<409600x64xf32, #tpu.memory_space<hbm>> -> memref<128x64xf32, #tpu.memory_space<hbm>>
    tpu.wait_dma2 semaphore(%arg21 : memref<!tpu.dma_semaphore, #tpu.memory_space<semaphore_mem>>) src(%arg9 : memref<128x64xf32, #tpu.memory_space<vmem>>) dst(%dma_wait3A_1543 : memref<128x64xf32, #tpu.memory_space<hbm>>)
    %dma_start3A_1544 = arith.constant 10240 : i32
    %dma_start3A_1545 = tpu.memref_slice %arg6[%dma_start3A_1544] : memref<12800xi32, #tpu.memory_space<vmem>> -> memref<128xi32, #tpu.memory_space<vmem>>
    %dma_start3A_1546 = arith.constant 0 : i32
    %dma_start3A_1547 = arith.constant 0 : i32
    %dma_start3A_1548 = tpu.memref_slice %arg5[%dma_start3A_1546, %dma_start3A_1547] : memref<9x64xf32, #tpu.memory_space<vmem_shared>> -> memref<9x64xf32, #tpu.memory_space<vmem_shared>>
    tpu.enqueue_indirect_dma source(%dma_start3A_1548 : memref<9x64xf32, #tpu.memory_space<vmem_shared>>) target(%arg9 : memref<128x64xf32, #tpu.memory_space<vmem>>) offsets(%dma_start3A_1545 : memref<128xi32, #tpu.memory_space<vmem>>) semaphore(%arg15 : memref<!tpu.dma_semaphore, #tpu.memory_space<semaphore_mem>>)
    %dma_wait3A_1549 = arith.constant 9728 : i32
    %dma_wait3A_1550 = tpu.memref_slice %arg6[%dma_wait3A_1549] : memref<12800xi32, #tpu.memory_space<vmem>> -> memref<128xi32, #tpu.memory_space<vmem>>
    %dma_wait3A_1551 = arith.constant 0 : i32
    %dma_wait3A_1552 = arith.constant 0 : i32
    %dma_wait3A_1553 = tpu.memref_slice %arg5[%dma_wait3A_1551, %dma_wait3A_1552] : memref<9x64xf32, #tpu.memory_space<vmem_shared>> -> memref<9x64xf32, #tpu.memory_space<vmem_shared>>
    tpu.wait_indirect_dma semaphore(%arg17 : memref<!tpu.dma_semaphore, #tpu.memory_space<semaphore_mem>>) src(%dma_wait3A_1553 : memref<9x64xf32, #tpu.memory_space<vmem_shared>>) dst(%arg11 : memref<128x64xf32, #tpu.memory_space<vmem>>)
    %add3A_1554 = arith.constant 9728 : i32
    %add3A_1555 = arith.addi %mul3A_2, %add3A_1554 : i32
    %dma_start3A_1556 = arith.constant 0 : i32
    %dma_start3A_1557 = tpu.memref_slice %arg4[%add3A_1555, %dma_start3A_1556] : memref<409600x64xf32, #tpu.memory_space<hbm>> -> memref<128x64xf32, #tpu.memory_space<hbm>>
    %dma_start3A_1558 = arith.constant 0 : i32
    %dma_start3A_1559 = tpu.memref_slice %arg4[%add3A_1555, %dma_start3A_1558] : memref<409600x64xf32, #tpu.memory_space<hbm>> -> memref<128x64xf32, #tpu.memory_space<hbm>>
    tpu.enqueue_dma source(%arg11 : memref<128x64xf32, #tpu.memory_space<vmem>>) target(%dma_start3A_1559 : memref<128x64xf32, #tpu.memory_space<hbm>>) target_semaphore(%arg23 : memref<!tpu.dma_semaphore, #tpu.memory_space<semaphore_mem>>)
    %dma_wait3A_1560 = arith.constant 0 : i32
    %dma_wait3A_1561 = tpu.memref_slice %arg4[%add3A_1535, %dma_wait3A_1560] : memref<409600x64xf32, #tpu.memory_space<hbm>> -> memref<128x64xf32, #tpu.memory_space<hbm>>
    %dma_wait3A_1562 = arith.constant 0 : i32
    %dma_wait3A_1563 = tpu.memref_slice %arg4[%add3A_1535, %dma_wait3A_1562] : memref<409600x64xf32, #tpu.memory_space<hbm>> -> memref<128x64xf32, #tpu.memory_space<hbm>>
    tpu.wait_dma2 semaphore(%arg22 : memref<!tpu.dma_semaphore, #tpu.memory_space<semaphore_mem>>) src(%arg10 : memref<128x64xf32, #tpu.memory_space<vmem>>) dst(%dma_wait3A_1563 : memref<128x64xf32, #tpu.memory_space<hbm>>)
    %dma_start3A_1564 = arith.constant 10368 : i32
    %dma_start3A_1565 = tpu.memref_slice %arg6[%dma_start3A_1564] : memref<12800xi32, #tpu.memory_space<vmem>> -> memref<128xi32, #tpu.memory_space<vmem>>
    %dma_start3A_1566 = arith.constant 0 : i32
    %dma_start3A_1567 = arith.constant 0 : i32
    %dma_start3A_1568 = tpu.memref_slice %arg5[%dma_start3A_1566, %dma_start3A_1567] : memref<9x64xf32, #tpu.memory_space<vmem_shared>> -> memref<9x64xf32, #tpu.memory_space<vmem_shared>>
    tpu.enqueue_indirect_dma source(%dma_start3A_1568 : memref<9x64xf32, #tpu.memory_space<vmem_shared>>) target(%arg10 : memref<128x64xf32, #tpu.memory_space<vmem>>) offsets(%dma_start3A_1565 : memref<128xi32, #tpu.memory_space<vmem>>) semaphore(%arg16 : memref<!tpu.dma_semaphore, #tpu.memory_space<semaphore_mem>>)
    %dma_wait3A_1569 = arith.constant 9856 : i32
    %dma_wait3A_1570 = tpu.memref_slice %arg6[%dma_wait3A_1569] : memref<12800xi32, #tpu.memory_space<vmem>> -> memref<128xi32, #tpu.memory_space<vmem>>
    %dma_wait3A_1571 = arith.constant 0 : i32
    %dma_wait3A_1572 = arith.constant 0 : i32
    %dma_wait3A_1573 = tpu.memref_slice %arg5[%dma_wait3A_1571, %dma_wait3A_1572] : memref<9x64xf32, #tpu.memory_space<vmem_shared>> -> memref<9x64xf32, #tpu.memory_space<vmem_shared>>
    tpu.wait_indirect_dma semaphore(%arg18 : memref<!tpu.dma_semaphore, #tpu.memory_space<semaphore_mem>>) src(%dma_wait3A_1573 : memref<9x64xf32, #tpu.memory_space<vmem_shared>>) dst(%arg12 : memref<128x64xf32, #tpu.memory_space<vmem>>)
    %add3A_1574 = arith.constant 9856 : i32
    %add3A_1575 = arith.addi %mul3A_2, %add3A_1574 : i32
    %dma_start3A_1576 = arith.constant 0 : i32
    %dma_start3A_1577 = tpu.memref_slice %arg4[%add3A_1575, %dma_start3A_1576] : memref<409600x64xf32, #tpu.memory_space<hbm>> -> memref<128x64xf32, #tpu.memory_space<hbm>>
    %dma_start3A_1578 = arith.constant 0 : i32
    %dma_start3A_1579 = tpu.memref_slice %arg4[%add3A_1575, %dma_start3A_1578] : memref<409600x64xf32, #tpu.memory_space<hbm>> -> memref<128x64xf32, #tpu.memory_space<hbm>>
    tpu.enqueue_dma source(%arg12 : memref<128x64xf32, #tpu.memory_space<vmem>>) target(%dma_start3A_1579 : memref<128x64xf32, #tpu.memory_space<hbm>>) target_semaphore(%arg24 : memref<!tpu.dma_semaphore, #tpu.memory_space<semaphore_mem>>)
    %dma_wait3A_1580 = arith.constant 0 : i32
    %dma_wait3A_1581 = tpu.memref_slice %arg4[%add3A_1555, %dma_wait3A_1580] : memref<409600x64xf32, #tpu.memory_space<hbm>> -> memref<128x64xf32, #tpu.memory_space<hbm>>
    %dma_wait3A_1582 = arith.constant 0 : i32
    %dma_wait3A_1583 = tpu.memref_slice %arg4[%add3A_1555, %dma_wait3A_1582] : memref<409600x64xf32, #tpu.memory_space<hbm>> -> memref<128x64xf32, #tpu.memory_space<hbm>>
    tpu.wait_dma2 semaphore(%arg23 : memref<!tpu.dma_semaphore, #tpu.memory_space<semaphore_mem>>) src(%arg11 : memref<128x64xf32, #tpu.memory_space<vmem>>) dst(%dma_wait3A_1583 : memref<128x64xf32, #tpu.memory_space<hbm>>)
    %dma_start3A_1584 = arith.constant 10496 : i32
    %dma_start3A_1585 = tpu.memref_slice %arg6[%dma_start3A_1584] : memref<12800xi32, #tpu.memory_space<vmem>> -> memref<128xi32, #tpu.memory_space<vmem>>
    %dma_start3A_1586 = arith.constant 0 : i32
    %dma_start3A_1587 = arith.constant 0 : i32
    %dma_start3A_1588 = tpu.memref_slice %arg5[%dma_start3A_1586, %dma_start3A_1587] : memref<9x64xf32, #tpu.memory_space<vmem_shared>> -> memref<9x64xf32, #tpu.memory_space<vmem_shared>>
    tpu.enqueue_indirect_dma source(%dma_start3A_1588 : memref<9x64xf32, #tpu.memory_space<vmem_shared>>) target(%arg11 : memref<128x64xf32, #tpu.memory_space<vmem>>) offsets(%dma_start3A_1585 : memref<128xi32, #tpu.memory_space<vmem>>) semaphore(%arg17 : memref<!tpu.dma_semaphore, #tpu.memory_space<semaphore_mem>>)
    %dma_wait3A_1589 = arith.constant 9984 : i32
    %dma_wait3A_1590 = tpu.memref_slice %arg6[%dma_wait3A_1589] : memref<12800xi32, #tpu.memory_space<vmem>> -> memref<128xi32, #tpu.memory_space<vmem>>
    %dma_wait3A_1591 = arith.constant 0 : i32
    %dma_wait3A_1592 = arith.constant 0 : i32
    %dma_wait3A_1593 = tpu.memref_slice %arg5[%dma_wait3A_1591, %dma_wait3A_1592] : memref<9x64xf32, #tpu.memory_space<vmem_shared>> -> memref<9x64xf32, #tpu.memory_space<vmem_shared>>
    tpu.wait_indirect_dma semaphore(%arg13 : memref<!tpu.dma_semaphore, #tpu.memory_space<semaphore_mem>>) src(%dma_wait3A_1593 : memref<9x64xf32, #tpu.memory_space<vmem_shared>>) dst(%arg7 : memref<128x64xf32, #tpu.memory_space<vmem>>)
    %add3A_1594 = arith.constant 9984 : i32
    %add3A_1595 = arith.addi %mul3A_2, %add3A_1594 : i32
    %dma_start3A_1596 = arith.constant 0 : i32
    %dma_start3A_1597 = tpu.memref_slice %arg4[%add3A_1595, %dma_start3A_1596] : memref<409600x64xf32, #tpu.memory_space<hbm>> -> memref<128x64xf32, #tpu.memory_space<hbm>>
    %dma_start3A_1598 = arith.constant 0 : i32
    %dma_start3A_1599 = tpu.memref_slice %arg4[%add3A_1595, %dma_start3A_1598] : memref<409600x64xf32, #tpu.memory_space<hbm>> -> memref<128x64xf32, #tpu.memory_space<hbm>>
    tpu.enqueue_dma source(%arg7 : memref<128x64xf32, #tpu.memory_space<vmem>>) target(%dma_start3A_1599 : memref<128x64xf32, #tpu.memory_space<hbm>>) target_semaphore(%arg19 : memref<!tpu.dma_semaphore, #tpu.memory_space<semaphore_mem>>)
    %dma_wait3A_1600 = arith.constant 0 : i32
    %dma_wait3A_1601 = tpu.memref_slice %arg4[%add3A_1575, %dma_wait3A_1600] : memref<409600x64xf32, #tpu.memory_space<hbm>> -> memref<128x64xf32, #tpu.memory_space<hbm>>
    %dma_wait3A_1602 = arith.constant 0 : i32
    %dma_wait3A_1603 = tpu.memref_slice %arg4[%add3A_1575, %dma_wait3A_1602] : memref<409600x64xf32, #tpu.memory_space<hbm>> -> memref<128x64xf32, #tpu.memory_space<hbm>>
    tpu.wait_dma2 semaphore(%arg24 : memref<!tpu.dma_semaphore, #tpu.memory_space<semaphore_mem>>) src(%arg12 : memref<128x64xf32, #tpu.memory_space<vmem>>) dst(%dma_wait3A_1603 : memref<128x64xf32, #tpu.memory_space<hbm>>)
    %dma_start3A_1604 = arith.constant 10624 : i32
    %dma_start3A_1605 = tpu.memref_slice %arg6[%dma_start3A_1604] : memref<12800xi32, #tpu.memory_space<vmem>> -> memref<128xi32, #tpu.memory_space<vmem>>
    %dma_start3A_1606 = arith.constant 0 : i32
    %dma_start3A_1607 = arith.constant 0 : i32
    %dma_start3A_1608 = tpu.memref_slice %arg5[%dma_start3A_1606, %dma_start3A_1607] : memref<9x64xf32, #tpu.memory_space<vmem_shared>> -> memref<9x64xf32, #tpu.memory_space<vmem_shared>>
    tpu.enqueue_indirect_dma source(%dma_start3A_1608 : memref<9x64xf32, #tpu.memory_space<vmem_shared>>) target(%arg12 : memref<128x64xf32, #tpu.memory_space<vmem>>) offsets(%dma_start3A_1605 : memref<128xi32, #tpu.memory_space<vmem>>) semaphore(%arg18 : memref<!tpu.dma_semaphore, #tpu.memory_space<semaphore_mem>>)
    %dma_wait3A_1609 = arith.constant 10112 : i32
    %dma_wait3A_1610 = tpu.memref_slice %arg6[%dma_wait3A_1609] : memref<12800xi32, #tpu.memory_space<vmem>> -> memref<128xi32, #tpu.memory_space<vmem>>
    %dma_wait3A_1611 = arith.constant 0 : i32
    %dma_wait3A_1612 = arith.constant 0 : i32
    %dma_wait3A_1613 = tpu.memref_slice %arg5[%dma_wait3A_1611, %dma_wait3A_1612] : memref<9x64xf32, #tpu.memory_space<vmem_shared>> -> memref<9x64xf32, #tpu.memory_space<vmem_shared>>
    tpu.wait_indirect_dma semaphore(%arg14 : memref<!tpu.dma_semaphore, #tpu.memory_space<semaphore_mem>>) src(%dma_wait3A_1613 : memref<9x64xf32, #tpu.memory_space<vmem_shared>>) dst(%arg8 : memref<128x64xf32, #tpu.memory_space<vmem>>)
    %add3A_1614 = arith.constant 10112 : i32
    %add3A_1615 = arith.addi %mul3A_2, %add3A_1614 : i32
    %dma_start3A_1616 = arith.constant 0 : i32
    %dma_start3A_1617 = tpu.memref_slice %arg4[%add3A_1615, %dma_start3A_1616] : memref<409600x64xf32, #tpu.memory_space<hbm>> -> memref<128x64xf32, #tpu.memory_space<hbm>>
    %dma_start3A_1618 = arith.constant 0 : i32
    %dma_start3A_1619 = tpu.memref_slice %arg4[%add3A_1615, %dma_start3A_1618] : memref<409600x64xf32, #tpu.memory_space<hbm>> -> memref<128x64xf32, #tpu.memory_space<hbm>>
    tpu.enqueue_dma source(%arg8 : memref<128x64xf32, #tpu.memory_space<vmem>>) target(%dma_start3A_1619 : memref<128x64xf32, #tpu.memory_space<hbm>>) target_semaphore(%arg20 : memref<!tpu.dma_semaphore, #tpu.memory_space<semaphore_mem>>)
    %dma_wait3A_1620 = arith.constant 0 : i32
    %dma_wait3A_1621 = tpu.memref_slice %arg4[%add3A_1595, %dma_wait3A_1620] : memref<409600x64xf32, #tpu.memory_space<hbm>> -> memref<128x64xf32, #tpu.memory_space<hbm>>
    %dma_wait3A_1622 = arith.constant 0 : i32
    %dma_wait3A_1623 = tpu.memref_slice %arg4[%add3A_1595, %dma_wait3A_1622] : memref<409600x64xf32, #tpu.memory_space<hbm>> -> memref<128x64xf32, #tpu.memory_space<hbm>>
    tpu.wait_dma2 semaphore(%arg19 : memref<!tpu.dma_semaphore, #tpu.memory_space<semaphore_mem>>) src(%arg7 : memref<128x64xf32, #tpu.memory_space<vmem>>) dst(%dma_wait3A_1623 : memref<128x64xf32, #tpu.memory_space<hbm>>)
    %dma_start3A_1624 = arith.constant 10752 : i32
    %dma_start3A_1625 = tpu.memref_slice %arg6[%dma_start3A_1624] : memref<12800xi32, #tpu.memory_space<vmem>> -> memref<128xi32, #tpu.memory_space<vmem>>
    %dma_start3A_1626 = arith.constant 0 : i32
    %dma_start3A_1627 = arith.constant 0 : i32
    %dma_start3A_1628 = tpu.memref_slice %arg5[%dma_start3A_1626, %dma_start3A_1627] : memref<9x64xf32, #tpu.memory_space<vmem_shared>> -> memref<9x64xf32, #tpu.memory_space<vmem_shared>>
    tpu.enqueue_indirect_dma source(%dma_start3A_1628 : memref<9x64xf32, #tpu.memory_space<vmem_shared>>) target(%arg7 : memref<128x64xf32, #tpu.memory_space<vmem>>) offsets(%dma_start3A_1625 : memref<128xi32, #tpu.memory_space<vmem>>) semaphore(%arg13 : memref<!tpu.dma_semaphore, #tpu.memory_space<semaphore_mem>>)
    %dma_wait3A_1629 = arith.constant 10240 : i32
    %dma_wait3A_1630 = tpu.memref_slice %arg6[%dma_wait3A_1629] : memref<12800xi32, #tpu.memory_space<vmem>> -> memref<128xi32, #tpu.memory_space<vmem>>
    %dma_wait3A_1631 = arith.constant 0 : i32
    %dma_wait3A_1632 = arith.constant 0 : i32
    %dma_wait3A_1633 = tpu.memref_slice %arg5[%dma_wait3A_1631, %dma_wait3A_1632] : memref<9x64xf32, #tpu.memory_space<vmem_shared>> -> memref<9x64xf32, #tpu.memory_space<vmem_shared>>
    tpu.wait_indirect_dma semaphore(%arg15 : memref<!tpu.dma_semaphore, #tpu.memory_space<semaphore_mem>>) src(%dma_wait3A_1633 : memref<9x64xf32, #tpu.memory_space<vmem_shared>>) dst(%arg9 : memref<128x64xf32, #tpu.memory_space<vmem>>)
    %add3A_1634 = arith.constant 10240 : i32
    %add3A_1635 = arith.addi %mul3A_2, %add3A_1634 : i32
    %dma_start3A_1636 = arith.constant 0 : i32
    %dma_start3A_1637 = tpu.memref_slice %arg4[%add3A_1635, %dma_start3A_1636] : memref<409600x64xf32, #tpu.memory_space<hbm>> -> memref<128x64xf32, #tpu.memory_space<hbm>>
    %dma_start3A_1638 = arith.constant 0 : i32
    %dma_start3A_1639 = tpu.memref_slice %arg4[%add3A_1635, %dma_start3A_1638] : memref<409600x64xf32, #tpu.memory_space<hbm>> -> memref<128x64xf32, #tpu.memory_space<hbm>>
    tpu.enqueue_dma source(%arg9 : memref<128x64xf32, #tpu.memory_space<vmem>>) target(%dma_start3A_1639 : memref<128x64xf32, #tpu.memory_space<hbm>>) target_semaphore(%arg21 : memref<!tpu.dma_semaphore, #tpu.memory_space<semaphore_mem>>)
    %dma_wait3A_1640 = arith.constant 0 : i32
    %dma_wait3A_1641 = tpu.memref_slice %arg4[%add3A_1615, %dma_wait3A_1640] : memref<409600x64xf32, #tpu.memory_space<hbm>> -> memref<128x64xf32, #tpu.memory_space<hbm>>
    %dma_wait3A_1642 = arith.constant 0 : i32
    %dma_wait3A_1643 = tpu.memref_slice %arg4[%add3A_1615, %dma_wait3A_1642] : memref<409600x64xf32, #tpu.memory_space<hbm>> -> memref<128x64xf32, #tpu.memory_space<hbm>>
    tpu.wait_dma2 semaphore(%arg20 : memref<!tpu.dma_semaphore, #tpu.memory_space<semaphore_mem>>) src(%arg8 : memref<128x64xf32, #tpu.memory_space<vmem>>) dst(%dma_wait3A_1643 : memref<128x64xf32, #tpu.memory_space<hbm>>)
    %dma_start3A_1644 = arith.constant 10880 : i32
    %dma_start3A_1645 = tpu.memref_slice %arg6[%dma_start3A_1644] : memref<12800xi32, #tpu.memory_space<vmem>> -> memref<128xi32, #tpu.memory_space<vmem>>
    %dma_start3A_1646 = arith.constant 0 : i32
    %dma_start3A_1647 = arith.constant 0 : i32
    %dma_start3A_1648 = tpu.memref_slice %arg5[%dma_start3A_1646, %dma_start3A_1647] : memref<9x64xf32, #tpu.memory_space<vmem_shared>> -> memref<9x64xf32, #tpu.memory_space<vmem_shared>>
    tpu.enqueue_indirect_dma source(%dma_start3A_1648 : memref<9x64xf32, #tpu.memory_space<vmem_shared>>) target(%arg8 : memref<128x64xf32, #tpu.memory_space<vmem>>) offsets(%dma_start3A_1645 : memref<128xi32, #tpu.memory_space<vmem>>) semaphore(%arg14 : memref<!tpu.dma_semaphore, #tpu.memory_space<semaphore_mem>>)
    %dma_wait3A_1649 = arith.constant 10368 : i32
    %dma_wait3A_1650 = tpu.memref_slice %arg6[%dma_wait3A_1649] : memref<12800xi32, #tpu.memory_space<vmem>> -> memref<128xi32, #tpu.memory_space<vmem>>
    %dma_wait3A_1651 = arith.constant 0 : i32
    %dma_wait3A_1652 = arith.constant 0 : i32
    %dma_wait3A_1653 = tpu.memref_slice %arg5[%dma_wait3A_1651, %dma_wait3A_1652] : memref<9x64xf32, #tpu.memory_space<vmem_shared>> -> memref<9x64xf32, #tpu.memory_space<vmem_shared>>
    tpu.wait_indirect_dma semaphore(%arg16 : memref<!tpu.dma_semaphore, #tpu.memory_space<semaphore_mem>>) src(%dma_wait3A_1653 : memref<9x64xf32, #tpu.memory_space<vmem_shared>>) dst(%arg10 : memref<128x64xf32, #tpu.memory_space<vmem>>)
    %add3A_1654 = arith.constant 10368 : i32
    %add3A_1655 = arith.addi %mul3A_2, %add3A_1654 : i32
    %dma_start3A_1656 = arith.constant 0 : i32
    %dma_start3A_1657 = tpu.memref_slice %arg4[%add3A_1655, %dma_start3A_1656] : memref<409600x64xf32, #tpu.memory_space<hbm>> -> memref<128x64xf32, #tpu.memory_space<hbm>>
    %dma_start3A_1658 = arith.constant 0 : i32
    %dma_start3A_1659 = tpu.memref_slice %arg4[%add3A_1655, %dma_start3A_1658] : memref<409600x64xf32, #tpu.memory_space<hbm>> -> memref<128x64xf32, #tpu.memory_space<hbm>>
    tpu.enqueue_dma source(%arg10 : memref<128x64xf32, #tpu.memory_space<vmem>>) target(%dma_start3A_1659 : memref<128x64xf32, #tpu.memory_space<hbm>>) target_semaphore(%arg22 : memref<!tpu.dma_semaphore, #tpu.memory_space<semaphore_mem>>)
    %dma_wait3A_1660 = arith.constant 0 : i32
    %dma_wait3A_1661 = tpu.memref_slice %arg4[%add3A_1635, %dma_wait3A_1660] : memref<409600x64xf32, #tpu.memory_space<hbm>> -> memref<128x64xf32, #tpu.memory_space<hbm>>
    %dma_wait3A_1662 = arith.constant 0 : i32
    %dma_wait3A_1663 = tpu.memref_slice %arg4[%add3A_1635, %dma_wait3A_1662] : memref<409600x64xf32, #tpu.memory_space<hbm>> -> memref<128x64xf32, #tpu.memory_space<hbm>>
    tpu.wait_dma2 semaphore(%arg21 : memref<!tpu.dma_semaphore, #tpu.memory_space<semaphore_mem>>) src(%arg9 : memref<128x64xf32, #tpu.memory_space<vmem>>) dst(%dma_wait3A_1663 : memref<128x64xf32, #tpu.memory_space<hbm>>)
    %dma_start3A_1664 = arith.constant 11008 : i32
    %dma_start3A_1665 = tpu.memref_slice %arg6[%dma_start3A_1664] : memref<12800xi32, #tpu.memory_space<vmem>> -> memref<128xi32, #tpu.memory_space<vmem>>
    %dma_start3A_1666 = arith.constant 0 : i32
    %dma_start3A_1667 = arith.constant 0 : i32
    %dma_start3A_1668 = tpu.memref_slice %arg5[%dma_start3A_1666, %dma_start3A_1667] : memref<9x64xf32, #tpu.memory_space<vmem_shared>> -> memref<9x64xf32, #tpu.memory_space<vmem_shared>>
    tpu.enqueue_indirect_dma source(%dma_start3A_1668 : memref<9x64xf32, #tpu.memory_space<vmem_shared>>) target(%arg9 : memref<128x64xf32, #tpu.memory_space<vmem>>) offsets(%dma_start3A_1665 : memref<128xi32, #tpu.memory_space<vmem>>) semaphore(%arg15 : memref<!tpu.dma_semaphore, #tpu.memory_space<semaphore_mem>>)
    %dma_wait3A_1669 = arith.constant 10496 : i32
    %dma_wait3A_1670 = tpu.memref_slice %arg6[%dma_wait3A_1669] : memref<12800xi32, #tpu.memory_space<vmem>> -> memref<128xi32, #tpu.memory_space<vmem>>
    %dma_wait3A_1671 = arith.constant 0 : i32
    %dma_wait3A_1672 = arith.constant 0 : i32
    %dma_wait3A_1673 = tpu.memref_slice %arg5[%dma_wait3A_1671, %dma_wait3A_1672] : memref<9x64xf32, #tpu.memory_space<vmem_shared>> -> memref<9x64xf32, #tpu.memory_space<vmem_shared>>
    tpu.wait_indirect_dma semaphore(%arg17 : memref<!tpu.dma_semaphore, #tpu.memory_space<semaphore_mem>>) src(%dma_wait3A_1673 : memref<9x64xf32, #tpu.memory_space<vmem_shared>>) dst(%arg11 : memref<128x64xf32, #tpu.memory_space<vmem>>)
    %add3A_1674 = arith.constant 10496 : i32
    %add3A_1675 = arith.addi %mul3A_2, %add3A_1674 : i32
    %dma_start3A_1676 = arith.constant 0 : i32
    %dma_start3A_1677 = tpu.memref_slice %arg4[%add3A_1675, %dma_start3A_1676] : memref<409600x64xf32, #tpu.memory_space<hbm>> -> memref<128x64xf32, #tpu.memory_space<hbm>>
    %dma_start3A_1678 = arith.constant 0 : i32
    %dma_start3A_1679 = tpu.memref_slice %arg4[%add3A_1675, %dma_start3A_1678] : memref<409600x64xf32, #tpu.memory_space<hbm>> -> memref<128x64xf32, #tpu.memory_space<hbm>>
    tpu.enqueue_dma source(%arg11 : memref<128x64xf32, #tpu.memory_space<vmem>>) target(%dma_start3A_1679 : memref<128x64xf32, #tpu.memory_space<hbm>>) target_semaphore(%arg23 : memref<!tpu.dma_semaphore, #tpu.memory_space<semaphore_mem>>)
    %dma_wait3A_1680 = arith.constant 0 : i32
    %dma_wait3A_1681 = tpu.memref_slice %arg4[%add3A_1655, %dma_wait3A_1680] : memref<409600x64xf32, #tpu.memory_space<hbm>> -> memref<128x64xf32, #tpu.memory_space<hbm>>
    %dma_wait3A_1682 = arith.constant 0 : i32
    %dma_wait3A_1683 = tpu.memref_slice %arg4[%add3A_1655, %dma_wait3A_1682] : memref<409600x64xf32, #tpu.memory_space<hbm>> -> memref<128x64xf32, #tpu.memory_space<hbm>>
    tpu.wait_dma2 semaphore(%arg22 : memref<!tpu.dma_semaphore, #tpu.memory_space<semaphore_mem>>) src(%arg10 : memref<128x64xf32, #tpu.memory_space<vmem>>) dst(%dma_wait3A_1683 : memref<128x64xf32, #tpu.memory_space<hbm>>)
    %dma_start3A_1684 = arith.constant 11136 : i32
    %dma_start3A_1685 = tpu.memref_slice %arg6[%dma_start3A_1684] : memref<12800xi32, #tpu.memory_space<vmem>> -> memref<128xi32, #tpu.memory_space<vmem>>
    %dma_start3A_1686 = arith.constant 0 : i32
    %dma_start3A_1687 = arith.constant 0 : i32
    %dma_start3A_1688 = tpu.memref_slice %arg5[%dma_start3A_1686, %dma_start3A_1687] : memref<9x64xf32, #tpu.memory_space<vmem_shared>> -> memref<9x64xf32, #tpu.memory_space<vmem_shared>>
    tpu.enqueue_indirect_dma source(%dma_start3A_1688 : memref<9x64xf32, #tpu.memory_space<vmem_shared>>) target(%arg10 : memref<128x64xf32, #tpu.memory_space<vmem>>) offsets(%dma_start3A_1685 : memref<128xi32, #tpu.memory_space<vmem>>) semaphore(%arg16 : memref<!tpu.dma_semaphore, #tpu.memory_space<semaphore_mem>>)
    %dma_wait3A_1689 = arith.constant 10624 : i32
    %dma_wait3A_1690 = tpu.memref_slice %arg6[%dma_wait3A_1689] : memref<12800xi32, #tpu.memory_space<vmem>> -> memref<128xi32, #tpu.memory_space<vmem>>
    %dma_wait3A_1691 = arith.constant 0 : i32
    %dma_wait3A_1692 = arith.constant 0 : i32
    %dma_wait3A_1693 = tpu.memref_slice %arg5[%dma_wait3A_1691, %dma_wait3A_1692] : memref<9x64xf32, #tpu.memory_space<vmem_shared>> -> memref<9x64xf32, #tpu.memory_space<vmem_shared>>
    tpu.wait_indirect_dma semaphore(%arg18 : memref<!tpu.dma_semaphore, #tpu.memory_space<semaphore_mem>>) src(%dma_wait3A_1693 : memref<9x64xf32, #tpu.memory_space<vmem_shared>>) dst(%arg12 : memref<128x64xf32, #tpu.memory_space<vmem>>)
    %add3A_1694 = arith.constant 10624 : i32
    %add3A_1695 = arith.addi %mul3A_2, %add3A_1694 : i32
    %dma_start3A_1696 = arith.constant 0 : i32
    %dma_start3A_1697 = tpu.memref_slice %arg4[%add3A_1695, %dma_start3A_1696] : memref<409600x64xf32, #tpu.memory_space<hbm>> -> memref<128x64xf32, #tpu.memory_space<hbm>>
    %dma_start3A_1698 = arith.constant 0 : i32
    %dma_start3A_1699 = tpu.memref_slice %arg4[%add3A_1695, %dma_start3A_1698] : memref<409600x64xf32, #tpu.memory_space<hbm>> -> memref<128x64xf32, #tpu.memory_space<hbm>>
    tpu.enqueue_dma source(%arg12 : memref<128x64xf32, #tpu.memory_space<vmem>>) target(%dma_start3A_1699 : memref<128x64xf32, #tpu.memory_space<hbm>>) target_semaphore(%arg24 : memref<!tpu.dma_semaphore, #tpu.memory_space<semaphore_mem>>)
    %dma_wait3A_1700 = arith.constant 0 : i32
    %dma_wait3A_1701 = tpu.memref_slice %arg4[%add3A_1675, %dma_wait3A_1700] : memref<409600x64xf32, #tpu.memory_space<hbm>> -> memref<128x64xf32, #tpu.memory_space<hbm>>
    %dma_wait3A_1702 = arith.constant 0 : i32
    %dma_wait3A_1703 = tpu.memref_slice %arg4[%add3A_1675, %dma_wait3A_1702] : memref<409600x64xf32, #tpu.memory_space<hbm>> -> memref<128x64xf32, #tpu.memory_space<hbm>>
    tpu.wait_dma2 semaphore(%arg23 : memref<!tpu.dma_semaphore, #tpu.memory_space<semaphore_mem>>) src(%arg11 : memref<128x64xf32, #tpu.memory_space<vmem>>) dst(%dma_wait3A_1703 : memref<128x64xf32, #tpu.memory_space<hbm>>)
    %dma_start3A_1704 = arith.constant 11264 : i32
    %dma_start3A_1705 = tpu.memref_slice %arg6[%dma_start3A_1704] : memref<12800xi32, #tpu.memory_space<vmem>> -> memref<128xi32, #tpu.memory_space<vmem>>
    %dma_start3A_1706 = arith.constant 0 : i32
    %dma_start3A_1707 = arith.constant 0 : i32
    %dma_start3A_1708 = tpu.memref_slice %arg5[%dma_start3A_1706, %dma_start3A_1707] : memref<9x64xf32, #tpu.memory_space<vmem_shared>> -> memref<9x64xf32, #tpu.memory_space<vmem_shared>>
    tpu.enqueue_indirect_dma source(%dma_start3A_1708 : memref<9x64xf32, #tpu.memory_space<vmem_shared>>) target(%arg11 : memref<128x64xf32, #tpu.memory_space<vmem>>) offsets(%dma_start3A_1705 : memref<128xi32, #tpu.memory_space<vmem>>) semaphore(%arg17 : memref<!tpu.dma_semaphore, #tpu.memory_space<semaphore_mem>>)
    %dma_wait3A_1709 = arith.constant 10752 : i32
    %dma_wait3A_1710 = tpu.memref_slice %arg6[%dma_wait3A_1709] : memref<12800xi32, #tpu.memory_space<vmem>> -> memref<128xi32, #tpu.memory_space<vmem>>
    %dma_wait3A_1711 = arith.constant 0 : i32
    %dma_wait3A_1712 = arith.constant 0 : i32
    %dma_wait3A_1713 = tpu.memref_slice %arg5[%dma_wait3A_1711, %dma_wait3A_1712] : memref<9x64xf32, #tpu.memory_space<vmem_shared>> -> memref<9x64xf32, #tpu.memory_space<vmem_shared>>
    tpu.wait_indirect_dma semaphore(%arg13 : memref<!tpu.dma_semaphore, #tpu.memory_space<semaphore_mem>>) src(%dma_wait3A_1713 : memref<9x64xf32, #tpu.memory_space<vmem_shared>>) dst(%arg7 : memref<128x64xf32, #tpu.memory_space<vmem>>)
    %add3A_1714 = arith.constant 10752 : i32
    %add3A_1715 = arith.addi %mul3A_2, %add3A_1714 : i32
    %dma_start3A_1716 = arith.constant 0 : i32
    %dma_start3A_1717 = tpu.memref_slice %arg4[%add3A_1715, %dma_start3A_1716] : memref<409600x64xf32, #tpu.memory_space<hbm>> -> memref<128x64xf32, #tpu.memory_space<hbm>>
    %dma_start3A_1718 = arith.constant 0 : i32
    %dma_start3A_1719 = tpu.memref_slice %arg4[%add3A_1715, %dma_start3A_1718] : memref<409600x64xf32, #tpu.memory_space<hbm>> -> memref<128x64xf32, #tpu.memory_space<hbm>>
    tpu.enqueue_dma source(%arg7 : memref<128x64xf32, #tpu.memory_space<vmem>>) target(%dma_start3A_1719 : memref<128x64xf32, #tpu.memory_space<hbm>>) target_semaphore(%arg19 : memref<!tpu.dma_semaphore, #tpu.memory_space<semaphore_mem>>)
    %dma_wait3A_1720 = arith.constant 0 : i32
    %dma_wait3A_1721 = tpu.memref_slice %arg4[%add3A_1695, %dma_wait3A_1720] : memref<409600x64xf32, #tpu.memory_space<hbm>> -> memref<128x64xf32, #tpu.memory_space<hbm>>
    %dma_wait3A_1722 = arith.constant 0 : i32
    %dma_wait3A_1723 = tpu.memref_slice %arg4[%add3A_1695, %dma_wait3A_1722] : memref<409600x64xf32, #tpu.memory_space<hbm>> -> memref<128x64xf32, #tpu.memory_space<hbm>>
    tpu.wait_dma2 semaphore(%arg24 : memref<!tpu.dma_semaphore, #tpu.memory_space<semaphore_mem>>) src(%arg12 : memref<128x64xf32, #tpu.memory_space<vmem>>) dst(%dma_wait3A_1723 : memref<128x64xf32, #tpu.memory_space<hbm>>)
    %dma_start3A_1724 = arith.constant 11392 : i32
    %dma_start3A_1725 = tpu.memref_slice %arg6[%dma_start3A_1724] : memref<12800xi32, #tpu.memory_space<vmem>> -> memref<128xi32, #tpu.memory_space<vmem>>
    %dma_start3A_1726 = arith.constant 0 : i32
    %dma_start3A_1727 = arith.constant 0 : i32
    %dma_start3A_1728 = tpu.memref_slice %arg5[%dma_start3A_1726, %dma_start3A_1727] : memref<9x64xf32, #tpu.memory_space<vmem_shared>> -> memref<9x64xf32, #tpu.memory_space<vmem_shared>>
    tpu.enqueue_indirect_dma source(%dma_start3A_1728 : memref<9x64xf32, #tpu.memory_space<vmem_shared>>) target(%arg12 : memref<128x64xf32, #tpu.memory_space<vmem>>) offsets(%dma_start3A_1725 : memref<128xi32, #tpu.memory_space<vmem>>) semaphore(%arg18 : memref<!tpu.dma_semaphore, #tpu.memory_space<semaphore_mem>>)
    %dma_wait3A_1729 = arith.constant 10880 : i32
    %dma_wait3A_1730 = tpu.memref_slice %arg6[%dma_wait3A_1729] : memref<12800xi32, #tpu.memory_space<vmem>> -> memref<128xi32, #tpu.memory_space<vmem>>
    %dma_wait3A_1731 = arith.constant 0 : i32
    %dma_wait3A_1732 = arith.constant 0 : i32
    %dma_wait3A_1733 = tpu.memref_slice %arg5[%dma_wait3A_1731, %dma_wait3A_1732] : memref<9x64xf32, #tpu.memory_space<vmem_shared>> -> memref<9x64xf32, #tpu.memory_space<vmem_shared>>
    tpu.wait_indirect_dma semaphore(%arg14 : memref<!tpu.dma_semaphore, #tpu.memory_space<semaphore_mem>>) src(%dma_wait3A_1733 : memref<9x64xf32, #tpu.memory_space<vmem_shared>>) dst(%arg8 : memref<128x64xf32, #tpu.memory_space<vmem>>)
    %add3A_1734 = arith.constant 10880 : i32
    %add3A_1735 = arith.addi %mul3A_2, %add3A_1734 : i32
    %dma_start3A_1736 = arith.constant 0 : i32
    %dma_start3A_1737 = tpu.memref_slice %arg4[%add3A_1735, %dma_start3A_1736] : memref<409600x64xf32, #tpu.memory_space<hbm>> -> memref<128x64xf32, #tpu.memory_space<hbm>>
    %dma_start3A_1738 = arith.constant 0 : i32
    %dma_start3A_1739 = tpu.memref_slice %arg4[%add3A_1735, %dma_start3A_1738] : memref<409600x64xf32, #tpu.memory_space<hbm>> -> memref<128x64xf32, #tpu.memory_space<hbm>>
    tpu.enqueue_dma source(%arg8 : memref<128x64xf32, #tpu.memory_space<vmem>>) target(%dma_start3A_1739 : memref<128x64xf32, #tpu.memory_space<hbm>>) target_semaphore(%arg20 : memref<!tpu.dma_semaphore, #tpu.memory_space<semaphore_mem>>)
    %dma_wait3A_1740 = arith.constant 0 : i32
    %dma_wait3A_1741 = tpu.memref_slice %arg4[%add3A_1715, %dma_wait3A_1740] : memref<409600x64xf32, #tpu.memory_space<hbm>> -> memref<128x64xf32, #tpu.memory_space<hbm>>
    %dma_wait3A_1742 = arith.constant 0 : i32
    %dma_wait3A_1743 = tpu.memref_slice %arg4[%add3A_1715, %dma_wait3A_1742] : memref<409600x64xf32, #tpu.memory_space<hbm>> -> memref<128x64xf32, #tpu.memory_space<hbm>>
    tpu.wait_dma2 semaphore(%arg19 : memref<!tpu.dma_semaphore, #tpu.memory_space<semaphore_mem>>) src(%arg7 : memref<128x64xf32, #tpu.memory_space<vmem>>) dst(%dma_wait3A_1743 : memref<128x64xf32, #tpu.memory_space<hbm>>)
    %dma_start3A_1744 = arith.constant 11520 : i32
    %dma_start3A_1745 = tpu.memref_slice %arg6[%dma_start3A_1744] : memref<12800xi32, #tpu.memory_space<vmem>> -> memref<128xi32, #tpu.memory_space<vmem>>
    %dma_start3A_1746 = arith.constant 0 : i32
    %dma_start3A_1747 = arith.constant 0 : i32
    %dma_start3A_1748 = tpu.memref_slice %arg5[%dma_start3A_1746, %dma_start3A_1747] : memref<9x64xf32, #tpu.memory_space<vmem_shared>> -> memref<9x64xf32, #tpu.memory_space<vmem_shared>>
    tpu.enqueue_indirect_dma source(%dma_start3A_1748 : memref<9x64xf32, #tpu.memory_space<vmem_shared>>) target(%arg7 : memref<128x64xf32, #tpu.memory_space<vmem>>) offsets(%dma_start3A_1745 : memref<128xi32, #tpu.memory_space<vmem>>) semaphore(%arg13 : memref<!tpu.dma_semaphore, #tpu.memory_space<semaphore_mem>>)
    %dma_wait3A_1749 = arith.constant 11008 : i32
    %dma_wait3A_1750 = tpu.memref_slice %arg6[%dma_wait3A_1749] : memref<12800xi32, #tpu.memory_space<vmem>> -> memref<128xi32, #tpu.memory_space<vmem>>
    %dma_wait3A_1751 = arith.constant 0 : i32
    %dma_wait3A_1752 = arith.constant 0 : i32
    %dma_wait3A_1753 = tpu.memref_slice %arg5[%dma_wait3A_1751, %dma_wait3A_1752] : memref<9x64xf32, #tpu.memory_space<vmem_shared>> -> memref<9x64xf32, #tpu.memory_space<vmem_shared>>
    tpu.wait_indirect_dma semaphore(%arg15 : memref<!tpu.dma_semaphore, #tpu.memory_space<semaphore_mem>>) src(%dma_wait3A_1753 : memref<9x64xf32, #tpu.memory_space<vmem_shared>>) dst(%arg9 : memref<128x64xf32, #tpu.memory_space<vmem>>)
    %add3A_1754 = arith.constant 11008 : i32
    %add3A_1755 = arith.addi %mul3A_2, %add3A_1754 : i32
    %dma_start3A_1756 = arith.constant 0 : i32
    %dma_start3A_1757 = tpu.memref_slice %arg4[%add3A_1755, %dma_start3A_1756] : memref<409600x64xf32, #tpu.memory_space<hbm>> -> memref<128x64xf32, #tpu.memory_space<hbm>>
    %dma_start3A_1758 = arith.constant 0 : i32
    %dma_start3A_1759 = tpu.memref_slice %arg4[%add3A_1755, %dma_start3A_1758] : memref<409600x64xf32, #tpu.memory_space<hbm>> -> memref<128x64xf32, #tpu.memory_space<hbm>>
    tpu.enqueue_dma source(%arg9 : memref<128x64xf32, #tpu.memory_space<vmem>>) target(%dma_start3A_1759 : memref<128x64xf32, #tpu.memory_space<hbm>>) target_semaphore(%arg21 : memref<!tpu.dma_semaphore, #tpu.memory_space<semaphore_mem>>)
    %dma_wait3A_1760 = arith.constant 0 : i32
    %dma_wait3A_1761 = tpu.memref_slice %arg4[%add3A_1735, %dma_wait3A_1760] : memref<409600x64xf32, #tpu.memory_space<hbm>> -> memref<128x64xf32, #tpu.memory_space<hbm>>
    %dma_wait3A_1762 = arith.constant 0 : i32
    %dma_wait3A_1763 = tpu.memref_slice %arg4[%add3A_1735, %dma_wait3A_1762] : memref<409600x64xf32, #tpu.memory_space<hbm>> -> memref<128x64xf32, #tpu.memory_space<hbm>>
    tpu.wait_dma2 semaphore(%arg20 : memref<!tpu.dma_semaphore, #tpu.memory_space<semaphore_mem>>) src(%arg8 : memref<128x64xf32, #tpu.memory_space<vmem>>) dst(%dma_wait3A_1763 : memref<128x64xf32, #tpu.memory_space<hbm>>)
    %dma_start3A_1764 = arith.constant 11648 : i32
    %dma_start3A_1765 = tpu.memref_slice %arg6[%dma_start3A_1764] : memref<12800xi32, #tpu.memory_space<vmem>> -> memref<128xi32, #tpu.memory_space<vmem>>
    %dma_start3A_1766 = arith.constant 0 : i32
    %dma_start3A_1767 = arith.constant 0 : i32
    %dma_start3A_1768 = tpu.memref_slice %arg5[%dma_start3A_1766, %dma_start3A_1767] : memref<9x64xf32, #tpu.memory_space<vmem_shared>> -> memref<9x64xf32, #tpu.memory_space<vmem_shared>>
    tpu.enqueue_indirect_dma source(%dma_start3A_1768 : memref<9x64xf32, #tpu.memory_space<vmem_shared>>) target(%arg8 : memref<128x64xf32, #tpu.memory_space<vmem>>) offsets(%dma_start3A_1765 : memref<128xi32, #tpu.memory_space<vmem>>) semaphore(%arg14 : memref<!tpu.dma_semaphore, #tpu.memory_space<semaphore_mem>>)
    %dma_wait3A_1769 = arith.constant 11136 : i32
    %dma_wait3A_1770 = tpu.memref_slice %arg6[%dma_wait3A_1769] : memref<12800xi32, #tpu.memory_space<vmem>> -> memref<128xi32, #tpu.memory_space<vmem>>
    %dma_wait3A_1771 = arith.constant 0 : i32
    %dma_wait3A_1772 = arith.constant 0 : i32
    %dma_wait3A_1773 = tpu.memref_slice %arg5[%dma_wait3A_1771, %dma_wait3A_1772] : memref<9x64xf32, #tpu.memory_space<vmem_shared>> -> memref<9x64xf32, #tpu.memory_space<vmem_shared>>
    tpu.wait_indirect_dma semaphore(%arg16 : memref<!tpu.dma_semaphore, #tpu.memory_space<semaphore_mem>>) src(%dma_wait3A_1773 : memref<9x64xf32, #tpu.memory_space<vmem_shared>>) dst(%arg10 : memref<128x64xf32, #tpu.memory_space<vmem>>)
    %add3A_1774 = arith.constant 11136 : i32
    %add3A_1775 = arith.addi %mul3A_2, %add3A_1774 : i32
    %dma_start3A_1776 = arith.constant 0 : i32
    %dma_start3A_1777 = tpu.memref_slice %arg4[%add3A_1775, %dma_start3A_1776] : memref<409600x64xf32, #tpu.memory_space<hbm>> -> memref<128x64xf32, #tpu.memory_space<hbm>>
    %dma_start3A_1778 = arith.constant 0 : i32
    %dma_start3A_1779 = tpu.memref_slice %arg4[%add3A_1775, %dma_start3A_1778] : memref<409600x64xf32, #tpu.memory_space<hbm>> -> memref<128x64xf32, #tpu.memory_space<hbm>>
    tpu.enqueue_dma source(%arg10 : memref<128x64xf32, #tpu.memory_space<vmem>>) target(%dma_start3A_1779 : memref<128x64xf32, #tpu.memory_space<hbm>>) target_semaphore(%arg22 : memref<!tpu.dma_semaphore, #tpu.memory_space<semaphore_mem>>)
    %dma_wait3A_1780 = arith.constant 0 : i32
    %dma_wait3A_1781 = tpu.memref_slice %arg4[%add3A_1755, %dma_wait3A_1780] : memref<409600x64xf32, #tpu.memory_space<hbm>> -> memref<128x64xf32, #tpu.memory_space<hbm>>
    %dma_wait3A_1782 = arith.constant 0 : i32
    %dma_wait3A_1783 = tpu.memref_slice %arg4[%add3A_1755, %dma_wait3A_1782] : memref<409600x64xf32, #tpu.memory_space<hbm>> -> memref<128x64xf32, #tpu.memory_space<hbm>>
    tpu.wait_dma2 semaphore(%arg21 : memref<!tpu.dma_semaphore, #tpu.memory_space<semaphore_mem>>) src(%arg9 : memref<128x64xf32, #tpu.memory_space<vmem>>) dst(%dma_wait3A_1783 : memref<128x64xf32, #tpu.memory_space<hbm>>)
    %dma_start3A_1784 = arith.constant 11776 : i32
    %dma_start3A_1785 = tpu.memref_slice %arg6[%dma_start3A_1784] : memref<12800xi32, #tpu.memory_space<vmem>> -> memref<128xi32, #tpu.memory_space<vmem>>
    %dma_start3A_1786 = arith.constant 0 : i32
    %dma_start3A_1787 = arith.constant 0 : i32
    %dma_start3A_1788 = tpu.memref_slice %arg5[%dma_start3A_1786, %dma_start3A_1787] : memref<9x64xf32, #tpu.memory_space<vmem_shared>> -> memref<9x64xf32, #tpu.memory_space<vmem_shared>>
    tpu.enqueue_indirect_dma source(%dma_start3A_1788 : memref<9x64xf32, #tpu.memory_space<vmem_shared>>) target(%arg9 : memref<128x64xf32, #tpu.memory_space<vmem>>) offsets(%dma_start3A_1785 : memref<128xi32, #tpu.memory_space<vmem>>) semaphore(%arg15 : memref<!tpu.dma_semaphore, #tpu.memory_space<semaphore_mem>>)
    %dma_wait3A_1789 = arith.constant 11264 : i32
    %dma_wait3A_1790 = tpu.memref_slice %arg6[%dma_wait3A_1789] : memref<12800xi32, #tpu.memory_space<vmem>> -> memref<128xi32, #tpu.memory_space<vmem>>
    %dma_wait3A_1791 = arith.constant 0 : i32
    %dma_wait3A_1792 = arith.constant 0 : i32
    %dma_wait3A_1793 = tpu.memref_slice %arg5[%dma_wait3A_1791, %dma_wait3A_1792] : memref<9x64xf32, #tpu.memory_space<vmem_shared>> -> memref<9x64xf32, #tpu.memory_space<vmem_shared>>
    tpu.wait_indirect_dma semaphore(%arg17 : memref<!tpu.dma_semaphore, #tpu.memory_space<semaphore_mem>>) src(%dma_wait3A_1793 : memref<9x64xf32, #tpu.memory_space<vmem_shared>>) dst(%arg11 : memref<128x64xf32, #tpu.memory_space<vmem>>)
    %add3A_1794 = arith.constant 11264 : i32
    %add3A_1795 = arith.addi %mul3A_2, %add3A_1794 : i32
    %dma_start3A_1796 = arith.constant 0 : i32
    %dma_start3A_1797 = tpu.memref_slice %arg4[%add3A_1795, %dma_start3A_1796] : memref<409600x64xf32, #tpu.memory_space<hbm>> -> memref<128x64xf32, #tpu.memory_space<hbm>>
    %dma_start3A_1798 = arith.constant 0 : i32
    %dma_start3A_1799 = tpu.memref_slice %arg4[%add3A_1795, %dma_start3A_1798] : memref<409600x64xf32, #tpu.memory_space<hbm>> -> memref<128x64xf32, #tpu.memory_space<hbm>>
    tpu.enqueue_dma source(%arg11 : memref<128x64xf32, #tpu.memory_space<vmem>>) target(%dma_start3A_1799 : memref<128x64xf32, #tpu.memory_space<hbm>>) target_semaphore(%arg23 : memref<!tpu.dma_semaphore, #tpu.memory_space<semaphore_mem>>)
    %dma_wait3A_1800 = arith.constant 0 : i32
    %dma_wait3A_1801 = tpu.memref_slice %arg4[%add3A_1775, %dma_wait3A_1800] : memref<409600x64xf32, #tpu.memory_space<hbm>> -> memref<128x64xf32, #tpu.memory_space<hbm>>
    %dma_wait3A_1802 = arith.constant 0 : i32
    %dma_wait3A_1803 = tpu.memref_slice %arg4[%add3A_1775, %dma_wait3A_1802] : memref<409600x64xf32, #tpu.memory_space<hbm>> -> memref<128x64xf32, #tpu.memory_space<hbm>>
    tpu.wait_dma2 semaphore(%arg22 : memref<!tpu.dma_semaphore, #tpu.memory_space<semaphore_mem>>) src(%arg10 : memref<128x64xf32, #tpu.memory_space<vmem>>) dst(%dma_wait3A_1803 : memref<128x64xf32, #tpu.memory_space<hbm>>)
    %dma_start3A_1804 = arith.constant 11904 : i32
    %dma_start3A_1805 = tpu.memref_slice %arg6[%dma_start3A_1804] : memref<12800xi32, #tpu.memory_space<vmem>> -> memref<128xi32, #tpu.memory_space<vmem>>
    %dma_start3A_1806 = arith.constant 0 : i32
    %dma_start3A_1807 = arith.constant 0 : i32
    %dma_start3A_1808 = tpu.memref_slice %arg5[%dma_start3A_1806, %dma_start3A_1807] : memref<9x64xf32, #tpu.memory_space<vmem_shared>> -> memref<9x64xf32, #tpu.memory_space<vmem_shared>>
    tpu.enqueue_indirect_dma source(%dma_start3A_1808 : memref<9x64xf32, #tpu.memory_space<vmem_shared>>) target(%arg10 : memref<128x64xf32, #tpu.memory_space<vmem>>) offsets(%dma_start3A_1805 : memref<128xi32, #tpu.memory_space<vmem>>) semaphore(%arg16 : memref<!tpu.dma_semaphore, #tpu.memory_space<semaphore_mem>>)
    %dma_wait3A_1809 = arith.constant 11392 : i32
    %dma_wait3A_1810 = tpu.memref_slice %arg6[%dma_wait3A_1809] : memref<12800xi32, #tpu.memory_space<vmem>> -> memref<128xi32, #tpu.memory_space<vmem>>
    %dma_wait3A_1811 = arith.constant 0 : i32
    %dma_wait3A_1812 = arith.constant 0 : i32
    %dma_wait3A_1813 = tpu.memref_slice %arg5[%dma_wait3A_1811, %dma_wait3A_1812] : memref<9x64xf32, #tpu.memory_space<vmem_shared>> -> memref<9x64xf32, #tpu.memory_space<vmem_shared>>
    tpu.wait_indirect_dma semaphore(%arg18 : memref<!tpu.dma_semaphore, #tpu.memory_space<semaphore_mem>>) src(%dma_wait3A_1813 : memref<9x64xf32, #tpu.memory_space<vmem_shared>>) dst(%arg12 : memref<128x64xf32, #tpu.memory_space<vmem>>)
    %add3A_1814 = arith.constant 11392 : i32
    %add3A_1815 = arith.addi %mul3A_2, %add3A_1814 : i32
    %dma_start3A_1816 = arith.constant 0 : i32
    %dma_start3A_1817 = tpu.memref_slice %arg4[%add3A_1815, %dma_start3A_1816] : memref<409600x64xf32, #tpu.memory_space<hbm>> -> memref<128x64xf32, #tpu.memory_space<hbm>>
    %dma_start3A_1818 = arith.constant 0 : i32
    %dma_start3A_1819 = tpu.memref_slice %arg4[%add3A_1815, %dma_start3A_1818] : memref<409600x64xf32, #tpu.memory_space<hbm>> -> memref<128x64xf32, #tpu.memory_space<hbm>>
    tpu.enqueue_dma source(%arg12 : memref<128x64xf32, #tpu.memory_space<vmem>>) target(%dma_start3A_1819 : memref<128x64xf32, #tpu.memory_space<hbm>>) target_semaphore(%arg24 : memref<!tpu.dma_semaphore, #tpu.memory_space<semaphore_mem>>)
    %dma_wait3A_1820 = arith.constant 0 : i32
    %dma_wait3A_1821 = tpu.memref_slice %arg4[%add3A_1795, %dma_wait3A_1820] : memref<409600x64xf32, #tpu.memory_space<hbm>> -> memref<128x64xf32, #tpu.memory_space<hbm>>
    %dma_wait3A_1822 = arith.constant 0 : i32
    %dma_wait3A_1823 = tpu.memref_slice %arg4[%add3A_1795, %dma_wait3A_1822] : memref<409600x64xf32, #tpu.memory_space<hbm>> -> memref<128x64xf32, #tpu.memory_space<hbm>>
    tpu.wait_dma2 semaphore(%arg23 : memref<!tpu.dma_semaphore, #tpu.memory_space<semaphore_mem>>) src(%arg11 : memref<128x64xf32, #tpu.memory_space<vmem>>) dst(%dma_wait3A_1823 : memref<128x64xf32, #tpu.memory_space<hbm>>)
    %dma_start3A_1824 = arith.constant 12032 : i32
    %dma_start3A_1825 = tpu.memref_slice %arg6[%dma_start3A_1824] : memref<12800xi32, #tpu.memory_space<vmem>> -> memref<128xi32, #tpu.memory_space<vmem>>
    %dma_start3A_1826 = arith.constant 0 : i32
    %dma_start3A_1827 = arith.constant 0 : i32
    %dma_start3A_1828 = tpu.memref_slice %arg5[%dma_start3A_1826, %dma_start3A_1827] : memref<9x64xf32, #tpu.memory_space<vmem_shared>> -> memref<9x64xf32, #tpu.memory_space<vmem_shared>>
    tpu.enqueue_indirect_dma source(%dma_start3A_1828 : memref<9x64xf32, #tpu.memory_space<vmem_shared>>) target(%arg11 : memref<128x64xf32, #tpu.memory_space<vmem>>) offsets(%dma_start3A_1825 : memref<128xi32, #tpu.memory_space<vmem>>) semaphore(%arg17 : memref<!tpu.dma_semaphore, #tpu.memory_space<semaphore_mem>>)
    %dma_wait3A_1829 = arith.constant 11520 : i32
    %dma_wait3A_1830 = tpu.memref_slice %arg6[%dma_wait3A_1829] : memref<12800xi32, #tpu.memory_space<vmem>> -> memref<128xi32, #tpu.memory_space<vmem>>
    %dma_wait3A_1831 = arith.constant 0 : i32
    %dma_wait3A_1832 = arith.constant 0 : i32
    %dma_wait3A_1833 = tpu.memref_slice %arg5[%dma_wait3A_1831, %dma_wait3A_1832] : memref<9x64xf32, #tpu.memory_space<vmem_shared>> -> memref<9x64xf32, #tpu.memory_space<vmem_shared>>
    tpu.wait_indirect_dma semaphore(%arg13 : memref<!tpu.dma_semaphore, #tpu.memory_space<semaphore_mem>>) src(%dma_wait3A_1833 : memref<9x64xf32, #tpu.memory_space<vmem_shared>>) dst(%arg7 : memref<128x64xf32, #tpu.memory_space<vmem>>)
    %add3A_1834 = arith.constant 11520 : i32
    %add3A_1835 = arith.addi %mul3A_2, %add3A_1834 : i32
    %dma_start3A_1836 = arith.constant 0 : i32
    %dma_start3A_1837 = tpu.memref_slice %arg4[%add3A_1835, %dma_start3A_1836] : memref<409600x64xf32, #tpu.memory_space<hbm>> -> memref<128x64xf32, #tpu.memory_space<hbm>>
    %dma_start3A_1838 = arith.constant 0 : i32
    %dma_start3A_1839 = tpu.memref_slice %arg4[%add3A_1835, %dma_start3A_1838] : memref<409600x64xf32, #tpu.memory_space<hbm>> -> memref<128x64xf32, #tpu.memory_space<hbm>>
    tpu.enqueue_dma source(%arg7 : memref<128x64xf32, #tpu.memory_space<vmem>>) target(%dma_start3A_1839 : memref<128x64xf32, #tpu.memory_space<hbm>>) target_semaphore(%arg19 : memref<!tpu.dma_semaphore, #tpu.memory_space<semaphore_mem>>)
    %dma_wait3A_1840 = arith.constant 0 : i32
    %dma_wait3A_1841 = tpu.memref_slice %arg4[%add3A_1815, %dma_wait3A_1840] : memref<409600x64xf32, #tpu.memory_space<hbm>> -> memref<128x64xf32, #tpu.memory_space<hbm>>
    %dma_wait3A_1842 = arith.constant 0 : i32
    %dma_wait3A_1843 = tpu.memref_slice %arg4[%add3A_1815, %dma_wait3A_1842] : memref<409600x64xf32, #tpu.memory_space<hbm>> -> memref<128x64xf32, #tpu.memory_space<hbm>>
    tpu.wait_dma2 semaphore(%arg24 : memref<!tpu.dma_semaphore, #tpu.memory_space<semaphore_mem>>) src(%arg12 : memref<128x64xf32, #tpu.memory_space<vmem>>) dst(%dma_wait3A_1843 : memref<128x64xf32, #tpu.memory_space<hbm>>)
    %dma_start3A_1844 = arith.constant 12160 : i32
    %dma_start3A_1845 = tpu.memref_slice %arg6[%dma_start3A_1844] : memref<12800xi32, #tpu.memory_space<vmem>> -> memref<128xi32, #tpu.memory_space<vmem>>
    %dma_start3A_1846 = arith.constant 0 : i32
    %dma_start3A_1847 = arith.constant 0 : i32
    %dma_start3A_1848 = tpu.memref_slice %arg5[%dma_start3A_1846, %dma_start3A_1847] : memref<9x64xf32, #tpu.memory_space<vmem_shared>> -> memref<9x64xf32, #tpu.memory_space<vmem_shared>>
    tpu.enqueue_indirect_dma source(%dma_start3A_1848 : memref<9x64xf32, #tpu.memory_space<vmem_shared>>) target(%arg12 : memref<128x64xf32, #tpu.memory_space<vmem>>) offsets(%dma_start3A_1845 : memref<128xi32, #tpu.memory_space<vmem>>) semaphore(%arg18 : memref<!tpu.dma_semaphore, #tpu.memory_space<semaphore_mem>>)
    %dma_wait3A_1849 = arith.constant 11648 : i32
    %dma_wait3A_1850 = tpu.memref_slice %arg6[%dma_wait3A_1849] : memref<12800xi32, #tpu.memory_space<vmem>> -> memref<128xi32, #tpu.memory_space<vmem>>
    %dma_wait3A_1851 = arith.constant 0 : i32
    %dma_wait3A_1852 = arith.constant 0 : i32
    %dma_wait3A_1853 = tpu.memref_slice %arg5[%dma_wait3A_1851, %dma_wait3A_1852] : memref<9x64xf32, #tpu.memory_space<vmem_shared>> -> memref<9x64xf32, #tpu.memory_space<vmem_shared>>
    tpu.wait_indirect_dma semaphore(%arg14 : memref<!tpu.dma_semaphore, #tpu.memory_space<semaphore_mem>>) src(%dma_wait3A_1853 : memref<9x64xf32, #tpu.memory_space<vmem_shared>>) dst(%arg8 : memref<128x64xf32, #tpu.memory_space<vmem>>)
    %add3A_1854 = arith.constant 11648 : i32
    %add3A_1855 = arith.addi %mul3A_2, %add3A_1854 : i32
    %dma_start3A_1856 = arith.constant 0 : i32
    %dma_start3A_1857 = tpu.memref_slice %arg4[%add3A_1855, %dma_start3A_1856] : memref<409600x64xf32, #tpu.memory_space<hbm>> -> memref<128x64xf32, #tpu.memory_space<hbm>>
    %dma_start3A_1858 = arith.constant 0 : i32
    %dma_start3A_1859 = tpu.memref_slice %arg4[%add3A_1855, %dma_start3A_1858] : memref<409600x64xf32, #tpu.memory_space<hbm>> -> memref<128x64xf32, #tpu.memory_space<hbm>>
    tpu.enqueue_dma source(%arg8 : memref<128x64xf32, #tpu.memory_space<vmem>>) target(%dma_start3A_1859 : memref<128x64xf32, #tpu.memory_space<hbm>>) target_semaphore(%arg20 : memref<!tpu.dma_semaphore, #tpu.memory_space<semaphore_mem>>)
    %dma_wait3A_1860 = arith.constant 0 : i32
    %dma_wait3A_1861 = tpu.memref_slice %arg4[%add3A_1835, %dma_wait3A_1860] : memref<409600x64xf32, #tpu.memory_space<hbm>> -> memref<128x64xf32, #tpu.memory_space<hbm>>
    %dma_wait3A_1862 = arith.constant 0 : i32
    %dma_wait3A_1863 = tpu.memref_slice %arg4[%add3A_1835, %dma_wait3A_1862] : memref<409600x64xf32, #tpu.memory_space<hbm>> -> memref<128x64xf32, #tpu.memory_space<hbm>>
    tpu.wait_dma2 semaphore(%arg19 : memref<!tpu.dma_semaphore, #tpu.memory_space<semaphore_mem>>) src(%arg7 : memref<128x64xf32, #tpu.memory_space<vmem>>) dst(%dma_wait3A_1863 : memref<128x64xf32, #tpu.memory_space<hbm>>)
    %dma_start3A_1864 = arith.constant 12288 : i32
    %dma_start3A_1865 = tpu.memref_slice %arg6[%dma_start3A_1864] : memref<12800xi32, #tpu.memory_space<vmem>> -> memref<128xi32, #tpu.memory_space<vmem>>
    %dma_start3A_1866 = arith.constant 0 : i32
    %dma_start3A_1867 = arith.constant 0 : i32
    %dma_start3A_1868 = tpu.memref_slice %arg5[%dma_start3A_1866, %dma_start3A_1867] : memref<9x64xf32, #tpu.memory_space<vmem_shared>> -> memref<9x64xf32, #tpu.memory_space<vmem_shared>>
    tpu.enqueue_indirect_dma source(%dma_start3A_1868 : memref<9x64xf32, #tpu.memory_space<vmem_shared>>) target(%arg7 : memref<128x64xf32, #tpu.memory_space<vmem>>) offsets(%dma_start3A_1865 : memref<128xi32, #tpu.memory_space<vmem>>) semaphore(%arg13 : memref<!tpu.dma_semaphore, #tpu.memory_space<semaphore_mem>>)
    %dma_wait3A_1869 = arith.constant 11776 : i32
    %dma_wait3A_1870 = tpu.memref_slice %arg6[%dma_wait3A_1869] : memref<12800xi32, #tpu.memory_space<vmem>> -> memref<128xi32, #tpu.memory_space<vmem>>
    %dma_wait3A_1871 = arith.constant 0 : i32
    %dma_wait3A_1872 = arith.constant 0 : i32
    %dma_wait3A_1873 = tpu.memref_slice %arg5[%dma_wait3A_1871, %dma_wait3A_1872] : memref<9x64xf32, #tpu.memory_space<vmem_shared>> -> memref<9x64xf32, #tpu.memory_space<vmem_shared>>
    tpu.wait_indirect_dma semaphore(%arg15 : memref<!tpu.dma_semaphore, #tpu.memory_space<semaphore_mem>>) src(%dma_wait3A_1873 : memref<9x64xf32, #tpu.memory_space<vmem_shared>>) dst(%arg9 : memref<128x64xf32, #tpu.memory_space<vmem>>)
    %add3A_1874 = arith.constant 11776 : i32
    %add3A_1875 = arith.addi %mul3A_2, %add3A_1874 : i32
    %dma_start3A_1876 = arith.constant 0 : i32
    %dma_start3A_1877 = tpu.memref_slice %arg4[%add3A_1875, %dma_start3A_1876] : memref<409600x64xf32, #tpu.memory_space<hbm>> -> memref<128x64xf32, #tpu.memory_space<hbm>>
    %dma_start3A_1878 = arith.constant 0 : i32
    %dma_start3A_1879 = tpu.memref_slice %arg4[%add3A_1875, %dma_start3A_1878] : memref<409600x64xf32, #tpu.memory_space<hbm>> -> memref<128x64xf32, #tpu.memory_space<hbm>>
    tpu.enqueue_dma source(%arg9 : memref<128x64xf32, #tpu.memory_space<vmem>>) target(%dma_start3A_1879 : memref<128x64xf32, #tpu.memory_space<hbm>>) target_semaphore(%arg21 : memref<!tpu.dma_semaphore, #tpu.memory_space<semaphore_mem>>)
    %dma_wait3A_1880 = arith.constant 0 : i32
    %dma_wait3A_1881 = tpu.memref_slice %arg4[%add3A_1855, %dma_wait3A_1880] : memref<409600x64xf32, #tpu.memory_space<hbm>> -> memref<128x64xf32, #tpu.memory_space<hbm>>
    %dma_wait3A_1882 = arith.constant 0 : i32
    %dma_wait3A_1883 = tpu.memref_slice %arg4[%add3A_1855, %dma_wait3A_1882] : memref<409600x64xf32, #tpu.memory_space<hbm>> -> memref<128x64xf32, #tpu.memory_space<hbm>>
    tpu.wait_dma2 semaphore(%arg20 : memref<!tpu.dma_semaphore, #tpu.memory_space<semaphore_mem>>) src(%arg8 : memref<128x64xf32, #tpu.memory_space<vmem>>) dst(%dma_wait3A_1883 : memref<128x64xf32, #tpu.memory_space<hbm>>)
    %dma_start3A_1884 = arith.constant 12416 : i32
    %dma_start3A_1885 = tpu.memref_slice %arg6[%dma_start3A_1884] : memref<12800xi32, #tpu.memory_space<vmem>> -> memref<128xi32, #tpu.memory_space<vmem>>
    %dma_start3A_1886 = arith.constant 0 : i32
    %dma_start3A_1887 = arith.constant 0 : i32
    %dma_start3A_1888 = tpu.memref_slice %arg5[%dma_start3A_1886, %dma_start3A_1887] : memref<9x64xf32, #tpu.memory_space<vmem_shared>> -> memref<9x64xf32, #tpu.memory_space<vmem_shared>>
    tpu.enqueue_indirect_dma source(%dma_start3A_1888 : memref<9x64xf32, #tpu.memory_space<vmem_shared>>) target(%arg8 : memref<128x64xf32, #tpu.memory_space<vmem>>) offsets(%dma_start3A_1885 : memref<128xi32, #tpu.memory_space<vmem>>) semaphore(%arg14 : memref<!tpu.dma_semaphore, #tpu.memory_space<semaphore_mem>>)
    %dma_wait3A_1889 = arith.constant 11904 : i32
    %dma_wait3A_1890 = tpu.memref_slice %arg6[%dma_wait3A_1889] : memref<12800xi32, #tpu.memory_space<vmem>> -> memref<128xi32, #tpu.memory_space<vmem>>
    %dma_wait3A_1891 = arith.constant 0 : i32
    %dma_wait3A_1892 = arith.constant 0 : i32
    %dma_wait3A_1893 = tpu.memref_slice %arg5[%dma_wait3A_1891, %dma_wait3A_1892] : memref<9x64xf32, #tpu.memory_space<vmem_shared>> -> memref<9x64xf32, #tpu.memory_space<vmem_shared>>
    tpu.wait_indirect_dma semaphore(%arg16 : memref<!tpu.dma_semaphore, #tpu.memory_space<semaphore_mem>>) src(%dma_wait3A_1893 : memref<9x64xf32, #tpu.memory_space<vmem_shared>>) dst(%arg10 : memref<128x64xf32, #tpu.memory_space<vmem>>)
    %add3A_1894 = arith.constant 11904 : i32
    %add3A_1895 = arith.addi %mul3A_2, %add3A_1894 : i32
    %dma_start3A_1896 = arith.constant 0 : i32
    %dma_start3A_1897 = tpu.memref_slice %arg4[%add3A_1895, %dma_start3A_1896] : memref<409600x64xf32, #tpu.memory_space<hbm>> -> memref<128x64xf32, #tpu.memory_space<hbm>>
    %dma_start3A_1898 = arith.constant 0 : i32
    %dma_start3A_1899 = tpu.memref_slice %arg4[%add3A_1895, %dma_start3A_1898] : memref<409600x64xf32, #tpu.memory_space<hbm>> -> memref<128x64xf32, #tpu.memory_space<hbm>>
    tpu.enqueue_dma source(%arg10 : memref<128x64xf32, #tpu.memory_space<vmem>>) target(%dma_start3A_1899 : memref<128x64xf32, #tpu.memory_space<hbm>>) target_semaphore(%arg22 : memref<!tpu.dma_semaphore, #tpu.memory_space<semaphore_mem>>)
    %dma_wait3A_1900 = arith.constant 0 : i32
    %dma_wait3A_1901 = tpu.memref_slice %arg4[%add3A_1875, %dma_wait3A_1900] : memref<409600x64xf32, #tpu.memory_space<hbm>> -> memref<128x64xf32, #tpu.memory_space<hbm>>
    %dma_wait3A_1902 = arith.constant 0 : i32
    %dma_wait3A_1903 = tpu.memref_slice %arg4[%add3A_1875, %dma_wait3A_1902] : memref<409600x64xf32, #tpu.memory_space<hbm>> -> memref<128x64xf32, #tpu.memory_space<hbm>>
    tpu.wait_dma2 semaphore(%arg21 : memref<!tpu.dma_semaphore, #tpu.memory_space<semaphore_mem>>) src(%arg9 : memref<128x64xf32, #tpu.memory_space<vmem>>) dst(%dma_wait3A_1903 : memref<128x64xf32, #tpu.memory_space<hbm>>)
    %dma_start3A_1904 = arith.constant 12544 : i32
    %dma_start3A_1905 = tpu.memref_slice %arg6[%dma_start3A_1904] : memref<12800xi32, #tpu.memory_space<vmem>> -> memref<128xi32, #tpu.memory_space<vmem>>
    %dma_start3A_1906 = arith.constant 0 : i32
    %dma_start3A_1907 = arith.constant 0 : i32
    %dma_start3A_1908 = tpu.memref_slice %arg5[%dma_start3A_1906, %dma_start3A_1907] : memref<9x64xf32, #tpu.memory_space<vmem_shared>> -> memref<9x64xf32, #tpu.memory_space<vmem_shared>>
    tpu.enqueue_indirect_dma source(%dma_start3A_1908 : memref<9x64xf32, #tpu.memory_space<vmem_shared>>) target(%arg9 : memref<128x64xf32, #tpu.memory_space<vmem>>) offsets(%dma_start3A_1905 : memref<128xi32, #tpu.memory_space<vmem>>) semaphore(%arg15 : memref<!tpu.dma_semaphore, #tpu.memory_space<semaphore_mem>>)
    %dma_wait3A_1909 = arith.constant 12032 : i32
    %dma_wait3A_1910 = tpu.memref_slice %arg6[%dma_wait3A_1909] : memref<12800xi32, #tpu.memory_space<vmem>> -> memref<128xi32, #tpu.memory_space<vmem>>
    %dma_wait3A_1911 = arith.constant 0 : i32
    %dma_wait3A_1912 = arith.constant 0 : i32
    %dma_wait3A_1913 = tpu.memref_slice %arg5[%dma_wait3A_1911, %dma_wait3A_1912] : memref<9x64xf32, #tpu.memory_space<vmem_shared>> -> memref<9x64xf32, #tpu.memory_space<vmem_shared>>
    tpu.wait_indirect_dma semaphore(%arg17 : memref<!tpu.dma_semaphore, #tpu.memory_space<semaphore_mem>>) src(%dma_wait3A_1913 : memref<9x64xf32, #tpu.memory_space<vmem_shared>>) dst(%arg11 : memref<128x64xf32, #tpu.memory_space<vmem>>)
    %add3A_1914 = arith.constant 12032 : i32
    %add3A_1915 = arith.addi %mul3A_2, %add3A_1914 : i32
    %dma_start3A_1916 = arith.constant 0 : i32
    %dma_start3A_1917 = tpu.memref_slice %arg4[%add3A_1915, %dma_start3A_1916] : memref<409600x64xf32, #tpu.memory_space<hbm>> -> memref<128x64xf32, #tpu.memory_space<hbm>>
    %dma_start3A_1918 = arith.constant 0 : i32
    %dma_start3A_1919 = tpu.memref_slice %arg4[%add3A_1915, %dma_start3A_1918] : memref<409600x64xf32, #tpu.memory_space<hbm>> -> memref<128x64xf32, #tpu.memory_space<hbm>>
    tpu.enqueue_dma source(%arg11 : memref<128x64xf32, #tpu.memory_space<vmem>>) target(%dma_start3A_1919 : memref<128x64xf32, #tpu.memory_space<hbm>>) target_semaphore(%arg23 : memref<!tpu.dma_semaphore, #tpu.memory_space<semaphore_mem>>)
    %dma_wait3A_1920 = arith.constant 0 : i32
    %dma_wait3A_1921 = tpu.memref_slice %arg4[%add3A_1895, %dma_wait3A_1920] : memref<409600x64xf32, #tpu.memory_space<hbm>> -> memref<128x64xf32, #tpu.memory_space<hbm>>
    %dma_wait3A_1922 = arith.constant 0 : i32
    %dma_wait3A_1923 = tpu.memref_slice %arg4[%add3A_1895, %dma_wait3A_1922] : memref<409600x64xf32, #tpu.memory_space<hbm>> -> memref<128x64xf32, #tpu.memory_space<hbm>>
    tpu.wait_dma2 semaphore(%arg22 : memref<!tpu.dma_semaphore, #tpu.memory_space<semaphore_mem>>) src(%arg10 : memref<128x64xf32, #tpu.memory_space<vmem>>) dst(%dma_wait3A_1923 : memref<128x64xf32, #tpu.memory_space<hbm>>)
    %dma_start3A_1924 = arith.constant 12672 : i32
    %dma_start3A_1925 = tpu.memref_slice %arg6[%dma_start3A_1924] : memref<12800xi32, #tpu.memory_space<vmem>> -> memref<128xi32, #tpu.memory_space<vmem>>
    %dma_start3A_1926 = arith.constant 0 : i32
    %dma_start3A_1927 = arith.constant 0 : i32
    %dma_start3A_1928 = tpu.memref_slice %arg5[%dma_start3A_1926, %dma_start3A_1927] : memref<9x64xf32, #tpu.memory_space<vmem_shared>> -> memref<9x64xf32, #tpu.memory_space<vmem_shared>>
    tpu.enqueue_indirect_dma source(%dma_start3A_1928 : memref<9x64xf32, #tpu.memory_space<vmem_shared>>) target(%arg10 : memref<128x64xf32, #tpu.memory_space<vmem>>) offsets(%dma_start3A_1925 : memref<128xi32, #tpu.memory_space<vmem>>) semaphore(%arg16 : memref<!tpu.dma_semaphore, #tpu.memory_space<semaphore_mem>>)
    %dma_wait3A_1929 = arith.constant 12160 : i32
    %dma_wait3A_1930 = tpu.memref_slice %arg6[%dma_wait3A_1929] : memref<12800xi32, #tpu.memory_space<vmem>> -> memref<128xi32, #tpu.memory_space<vmem>>
    %dma_wait3A_1931 = arith.constant 0 : i32
    %dma_wait3A_1932 = arith.constant 0 : i32
    %dma_wait3A_1933 = tpu.memref_slice %arg5[%dma_wait3A_1931, %dma_wait3A_1932] : memref<9x64xf32, #tpu.memory_space<vmem_shared>> -> memref<9x64xf32, #tpu.memory_space<vmem_shared>>
    tpu.wait_indirect_dma semaphore(%arg18 : memref<!tpu.dma_semaphore, #tpu.memory_space<semaphore_mem>>) src(%dma_wait3A_1933 : memref<9x64xf32, #tpu.memory_space<vmem_shared>>) dst(%arg12 : memref<128x64xf32, #tpu.memory_space<vmem>>)
    %add3A_1934 = arith.constant 12160 : i32
    %add3A_1935 = arith.addi %mul3A_2, %add3A_1934 : i32
    %dma_start3A_1936 = arith.constant 0 : i32
    %dma_start3A_1937 = tpu.memref_slice %arg4[%add3A_1935, %dma_start3A_1936] : memref<409600x64xf32, #tpu.memory_space<hbm>> -> memref<128x64xf32, #tpu.memory_space<hbm>>
    %dma_start3A_1938 = arith.constant 0 : i32
    %dma_start3A_1939 = tpu.memref_slice %arg4[%add3A_1935, %dma_start3A_1938] : memref<409600x64xf32, #tpu.memory_space<hbm>> -> memref<128x64xf32, #tpu.memory_space<hbm>>
    tpu.enqueue_dma source(%arg12 : memref<128x64xf32, #tpu.memory_space<vmem>>) target(%dma_start3A_1939 : memref<128x64xf32, #tpu.memory_space<hbm>>) target_semaphore(%arg24 : memref<!tpu.dma_semaphore, #tpu.memory_space<semaphore_mem>>)
    %dma_wait3A_1940 = arith.constant 12288 : i32
    %dma_wait3A_1941 = tpu.memref_slice %arg6[%dma_wait3A_1940] : memref<12800xi32, #tpu.memory_space<vmem>> -> memref<128xi32, #tpu.memory_space<vmem>>
    %dma_wait3A_1942 = arith.constant 0 : i32
    %dma_wait3A_1943 = arith.constant 0 : i32
    %dma_wait3A_1944 = tpu.memref_slice %arg5[%dma_wait3A_1942, %dma_wait3A_1943] : memref<9x64xf32, #tpu.memory_space<vmem_shared>> -> memref<9x64xf32, #tpu.memory_space<vmem_shared>>
    tpu.wait_indirect_dma semaphore(%arg13 : memref<!tpu.dma_semaphore, #tpu.memory_space<semaphore_mem>>) src(%dma_wait3A_1944 : memref<9x64xf32, #tpu.memory_space<vmem_shared>>) dst(%arg7 : memref<128x64xf32, #tpu.memory_space<vmem>>)
    %add3A_1945 = arith.constant 12288 : i32
    %add3A_1946 = arith.addi %mul3A_2, %add3A_1945 : i32
    %dma_start3A_1947 = arith.constant 0 : i32
    %dma_start3A_1948 = tpu.memref_slice %arg4[%add3A_1946, %dma_start3A_1947] : memref<409600x64xf32, #tpu.memory_space<hbm>> -> memref<128x64xf32, #tpu.memory_space<hbm>>
    %dma_start3A_1949 = arith.constant 0 : i32
    %dma_start3A_1950 = tpu.memref_slice %arg4[%add3A_1946, %dma_start3A_1949] : memref<409600x64xf32, #tpu.memory_space<hbm>> -> memref<128x64xf32, #tpu.memory_space<hbm>>
    tpu.enqueue_dma source(%arg7 : memref<128x64xf32, #tpu.memory_space<vmem>>) target(%dma_start3A_1950 : memref<128x64xf32, #tpu.memory_space<hbm>>) target_semaphore(%arg19 : memref<!tpu.dma_semaphore, #tpu.memory_space<semaphore_mem>>)
    %dma_wait3A_1951 = arith.constant 12416 : i32
    %dma_wait3A_1952 = tpu.memref_slice %arg6[%dma_wait3A_1951] : memref<12800xi32, #tpu.memory_space<vmem>> -> memref<128xi32, #tpu.memory_space<vmem>>
    %dma_wait3A_1953 = arith.constant 0 : i32
    %dma_wait3A_1954 = arith.constant 0 : i32
    %dma_wait3A_1955 = tpu.memref_slice %arg5[%dma_wait3A_1953, %dma_wait3A_1954] : memref<9x64xf32, #tpu.memory_space<vmem_shared>> -> memref<9x64xf32, #tpu.memory_space<vmem_shared>>
    tpu.wait_indirect_dma semaphore(%arg14 : memref<!tpu.dma_semaphore, #tpu.memory_space<semaphore_mem>>) src(%dma_wait3A_1955 : memref<9x64xf32, #tpu.memory_space<vmem_shared>>) dst(%arg8 : memref<128x64xf32, #tpu.memory_space<vmem>>)
    %add3A_1956 = arith.constant 12416 : i32
    %add3A_1957 = arith.addi %mul3A_2, %add3A_1956 : i32
    %dma_start3A_1958 = arith.constant 0 : i32
    %dma_start3A_1959 = tpu.memref_slice %arg4[%add3A_1957, %dma_start3A_1958] : memref<409600x64xf32, #tpu.memory_space<hbm>> -> memref<128x64xf32, #tpu.memory_space<hbm>>
    %dma_start3A_1960 = arith.constant 0 : i32
    %dma_start3A_1961 = tpu.memref_slice %arg4[%add3A_1957, %dma_start3A_1960] : memref<409600x64xf32, #tpu.memory_space<hbm>> -> memref<128x64xf32, #tpu.memory_space<hbm>>
    tpu.enqueue_dma source(%arg8 : memref<128x64xf32, #tpu.memory_space<vmem>>) target(%dma_start3A_1961 : memref<128x64xf32, #tpu.memory_space<hbm>>) target_semaphore(%arg20 : memref<!tpu.dma_semaphore, #tpu.memory_space<semaphore_mem>>)
    %dma_wait3A_1962 = arith.constant 12544 : i32
    %dma_wait3A_1963 = tpu.memref_slice %arg6[%dma_wait3A_1962] : memref<12800xi32, #tpu.memory_space<vmem>> -> memref<128xi32, #tpu.memory_space<vmem>>
    %dma_wait3A_1964 = arith.constant 0 : i32
    %dma_wait3A_1965 = arith.constant 0 : i32
    %dma_wait3A_1966 = tpu.memref_slice %arg5[%dma_wait3A_1964, %dma_wait3A_1965] : memref<9x64xf32, #tpu.memory_space<vmem_shared>> -> memref<9x64xf32, #tpu.memory_space<vmem_shared>>
    tpu.wait_indirect_dma semaphore(%arg15 : memref<!tpu.dma_semaphore, #tpu.memory_space<semaphore_mem>>) src(%dma_wait3A_1966 : memref<9x64xf32, #tpu.memory_space<vmem_shared>>) dst(%arg9 : memref<128x64xf32, #tpu.memory_space<vmem>>)
    %add3A_1967 = arith.constant 12544 : i32
    %add3A_1968 = arith.addi %mul3A_2, %add3A_1967 : i32
    %dma_start3A_1969 = arith.constant 0 : i32
    %dma_start3A_1970 = tpu.memref_slice %arg4[%add3A_1968, %dma_start3A_1969] : memref<409600x64xf32, #tpu.memory_space<hbm>> -> memref<128x64xf32, #tpu.memory_space<hbm>>
    %dma_start3A_1971 = arith.constant 0 : i32
    %dma_start3A_1972 = tpu.memref_slice %arg4[%add3A_1968, %dma_start3A_1971] : memref<409600x64xf32, #tpu.memory_space<hbm>> -> memref<128x64xf32, #tpu.memory_space<hbm>>
    tpu.enqueue_dma source(%arg9 : memref<128x64xf32, #tpu.memory_space<vmem>>) target(%dma_start3A_1972 : memref<128x64xf32, #tpu.memory_space<hbm>>) target_semaphore(%arg21 : memref<!tpu.dma_semaphore, #tpu.memory_space<semaphore_mem>>)
    %dma_wait3A_1973 = arith.constant 12672 : i32
    %dma_wait3A_1974 = tpu.memref_slice %arg6[%dma_wait3A_1973] : memref<12800xi32, #tpu.memory_space<vmem>> -> memref<128xi32, #tpu.memory_space<vmem>>
    %dma_wait3A_1975 = arith.constant 0 : i32
    %dma_wait3A_1976 = arith.constant 0 : i32
    %dma_wait3A_1977 = tpu.memref_slice %arg5[%dma_wait3A_1975, %dma_wait3A_1976] : memref<9x64xf32, #tpu.memory_space<vmem_shared>> -> memref<9x64xf32, #tpu.memory_space<vmem_shared>>
    tpu.wait_indirect_dma semaphore(%arg16 : memref<!tpu.dma_semaphore, #tpu.memory_space<semaphore_mem>>) src(%dma_wait3A_1977 : memref<9x64xf32, #tpu.memory_space<vmem_shared>>) dst(%arg10 : memref<128x64xf32, #tpu.memory_space<vmem>>)
    %add3A_1978 = arith.constant 12672 : i32
    %add3A_1979 = arith.addi %mul3A_2, %add3A_1978 : i32
    %dma_start3A_1980 = arith.constant 0 : i32
    %dma_start3A_1981 = tpu.memref_slice %arg4[%add3A_1979, %dma_start3A_1980] : memref<409600x64xf32, #tpu.memory_space<hbm>> -> memref<128x64xf32, #tpu.memory_space<hbm>>
    %dma_start3A_1982 = arith.constant 0 : i32
    %dma_start3A_1983 = tpu.memref_slice %arg4[%add3A_1979, %dma_start3A_1982] : memref<409600x64xf32, #tpu.memory_space<hbm>> -> memref<128x64xf32, #tpu.memory_space<hbm>>
    tpu.enqueue_dma source(%arg10 : memref<128x64xf32, #tpu.memory_space<vmem>>) target(%dma_start3A_1983 : memref<128x64xf32, #tpu.memory_space<hbm>>) target_semaphore(%arg22 : memref<!tpu.dma_semaphore, #tpu.memory_space<semaphore_mem>>)
    %dma_wait3A_1984 = arith.constant 0 : i32
    %dma_wait3A_1985 = tpu.memref_slice %arg4[%add3A_1915, %dma_wait3A_1984] : memref<409600x64xf32, #tpu.memory_space<hbm>> -> memref<128x64xf32, #tpu.memory_space<hbm>>
    %dma_wait3A_1986 = arith.constant 0 : i32
    %dma_wait3A_1987 = tpu.memref_slice %arg4[%add3A_1915, %dma_wait3A_1986] : memref<409600x64xf32, #tpu.memory_space<hbm>> -> memref<128x64xf32, #tpu.memory_space<hbm>>
    tpu.wait_dma2 semaphore(%arg23 : memref<!tpu.dma_semaphore, #tpu.memory_space<semaphore_mem>>) src(%arg11 : memref<128x64xf32, #tpu.memory_space<vmem>>) dst(%dma_wait3A_1987 : memref<128x64xf32, #tpu.memory_space<hbm>>)
    %dma_wait3A_1988 = arith.constant 0 : i32
    %dma_wait3A_1989 = tpu.memref_slice %arg4[%add3A_1935, %dma_wait3A_1988] : memref<409600x64xf32, #tpu.memory_space<hbm>> -> memref<128x64xf32, #tpu.memory_space<hbm>>
    %dma_wait3A_1990 = arith.constant 0 : i32
    %dma_wait3A_1991 = tpu.memref_slice %arg4[%add3A_1935, %dma_wait3A_1990] : memref<409600x64xf32, #tpu.memory_space<hbm>> -> memref<128x64xf32, #tpu.memory_space<hbm>>
    tpu.wait_dma2 semaphore(%arg24 : memref<!tpu.dma_semaphore, #tpu.memory_space<semaphore_mem>>) src(%arg12 : memref<128x64xf32, #tpu.memory_space<vmem>>) dst(%dma_wait3A_1991 : memref<128x64xf32, #tpu.memory_space<hbm>>)
    %dma_wait3A_1992 = arith.constant 0 : i32
    %dma_wait3A_1993 = tpu.memref_slice %arg4[%add3A_1946, %dma_wait3A_1992] : memref<409600x64xf32, #tpu.memory_space<hbm>> -> memref<128x64xf32, #tpu.memory_space<hbm>>
    %dma_wait3A_1994 = arith.constant 0 : i32
    %dma_wait3A_1995 = tpu.memref_slice %arg4[%add3A_1946, %dma_wait3A_1994] : memref<409600x64xf32, #tpu.memory_space<hbm>> -> memref<128x64xf32, #tpu.memory_space<hbm>>
    tpu.wait_dma2 semaphore(%arg19 : memref<!tpu.dma_semaphore, #tpu.memory_space<semaphore_mem>>) src(%arg7 : memref<128x64xf32, #tpu.memory_space<vmem>>) dst(%dma_wait3A_1995 : memref<128x64xf32, #tpu.memory_space<hbm>>)
    %dma_wait3A_1996 = arith.constant 0 : i32
    %dma_wait3A_1997 = tpu.memref_slice %arg4[%add3A_1957, %dma_wait3A_1996] : memref<409600x64xf32, #tpu.memory_space<hbm>> -> memref<128x64xf32, #tpu.memory_space<hbm>>
    %dma_wait3A_1998 = arith.constant 0 : i32
    %dma_wait3A_1999 = tpu.memref_slice %arg4[%add3A_1957, %dma_wait3A_1998] : memref<409600x64xf32, #tpu.memory_space<hbm>> -> memref<128x64xf32, #tpu.memory_space<hbm>>
    tpu.wait_dma2 semaphore(%arg20 : memref<!tpu.dma_semaphore, #tpu.memory_space<semaphore_mem>>) src(%arg8 : memref<128x64xf32, #tpu.memory_space<vmem>>) dst(%dma_wait3A_1999 : memref<128x64xf32, #tpu.memory_space<hbm>>)
    %dma_wait3A_2000 = arith.constant 0 : i32
    %dma_wait3A_2001 = tpu.memref_slice %arg4[%add3A_1968, %dma_wait3A_2000] : memref<409600x64xf32, #tpu.memory_space<hbm>> -> memref<128x64xf32, #tpu.memory_space<hbm>>
    %dma_wait3A_2002 = arith.constant 0 : i32
    %dma_wait3A_2003 = tpu.memref_slice %arg4[%add3A_1968, %dma_wait3A_2002] : memref<409600x64xf32, #tpu.memory_space<hbm>> -> memref<128x64xf32, #tpu.memory_space<hbm>>
    tpu.wait_dma2 semaphore(%arg21 : memref<!tpu.dma_semaphore, #tpu.memory_space<semaphore_mem>>) src(%arg9 : memref<128x64xf32, #tpu.memory_space<vmem>>) dst(%dma_wait3A_2003 : memref<128x64xf32, #tpu.memory_space<hbm>>)
    %dma_wait3A_2004 = arith.constant 0 : i32
    %dma_wait3A_2005 = tpu.memref_slice %arg4[%add3A_1979, %dma_wait3A_2004] : memref<409600x64xf32, #tpu.memory_space<hbm>> -> memref<128x64xf32, #tpu.memory_space<hbm>>
    %dma_wait3A_2006 = arith.constant 0 : i32
    %dma_wait3A_2007 = tpu.memref_slice %arg4[%add3A_1979, %dma_wait3A_2006] : memref<409600x64xf32, #tpu.memory_space<hbm>> -> memref<128x64xf32, #tpu.memory_space<hbm>>
    tpu.wait_dma2 semaphore(%arg22 : memref<!tpu.dma_semaphore, #tpu.memory_space<semaphore_mem>>) src(%arg10 : memref<128x64xf32, #tpu.memory_space<vmem>>) dst(%dma_wait3A_2007 : memref<128x64xf32, #tpu.memory_space<hbm>>)
    return
  }
}

</mosaic_0001>

<sc_bundles>
// kernel: kernel.3.cloned.1.call-start
scs
__scs_entry_jumppad:
0x0: {  	(pc) =	sbr.rel $0x88, $3  }
0x1: {  	(tag) =	ssettag $0x0;
	lr =	simm.s32 $0x1  }
0x2: {  	[smem:$0x3F9F] =	sst lr;
	_ =	strace $0xD0000000  }
0x3: {  	_ = 	snop  }
0x4: {  	_ = 	snop  }
0x5: {  	_ = 	snop  }
0x6: {  	_ = 	snop  }
0x7: {  	_ = 	snop  }
__scs_overlays_trampoline_lowered:
0x8: {  	[smem:$0x3FAE] =	sst s0  }
0x9: {  	[smem:$0x3FAF] =	sst s1  }
0xa: {  	[smem:$0x3FB0] =	sst s2  }
0xb: {  	[smem:$0x3FB1] =	sst s3  }
0xc: {  	[smem:$0x3FB2] =	sst s4  }
0xd: {  	[smem:$0x3FB3] =	sst s5  }
0xe: {  	[smem:$0x3FB4] =	sst s6  }
0xf: {  	[smem:$0x3FB5] =	sst s7  }
0x10: {  	[smem:$0x3FB6] =	sst s8  }
0x11: {  	[smem:$0x3FB7] =	sst s9;
	s0 =	simm.s32 @!p0 $0x0  }
0x12: {  	s1 =	sld [smem:$0x3F9D];
	s0 =	simm.s32 @p0 $0x1  }
0x13: {  	[smem:$0x3FB8] =	sst s0;
	s0 =	simm.s32 @!p1 $0x0  }
0x14: {  	s2 =	sld [smem:$0x3F9C];
	s0 =	simm.s32 @p1 $0x1  }
0x15: {  	[smem:$0x3FB9] =	sst s0;
	s0 =	simm.s32 @!p2 $0x0  }
0x16: {  	s3 =	sld [smem:$0x3FDB];
	s0 =	simm.s32 @p2 $0x1  }
0x17: {  	s4 =	simm.s32 $0x1BF5;
	[smem:$0x3FBB] =	sst s0  }
0x18: {  	s0 =	sld [smem:$0x3F9E];
	_ =	swait.ge [sflag:s4], $0x0  }
0x19: {  	s7 =	sld [smem:$0x3F9F]  }
0x1a: {  	s8 =	sadd.s32 $0xFFFFE003, lr  }
0x1b: {  	s9 =	sadd.s32 $0xFFFFFEF7, lr;
	s5 =	simm.s32 $0xFFFFFFFF;
	p2 =	slt.u32 s8, $0xFFFFF086  }
0x1c: {  	p1 =	slt.u32 s9, $0xF7A;
	s5 =	simm.s32 @!p2 $0x0  }
0x1d: {  	s5 =	simm.s32 @p1 $0x1;
	p0 =	seq.s32 s7, s2  }
0x1e: {  	s7 =	smul.u32 @!p0 $0xF7A, s2;
	p2 =	seq.s32 @!p0 s5, $0x0  }
0x1f: {  	s9 =	smul.u32 $0xF7A, s1;
	s8 =	simm.s32 @!p0 $0x1BF5;
	p2 =	por !p2, p0  }
0x20: {  	[sflag:s8] =	ssyncset.s32 @!p0 $0xFFFFF086;
	s6 =	sadd.s32 @!p0 s3, s7;
	s7 =	simm.s32 @!p0 $0x108  }
0x21: {  	s3 =	sadd.s32 s3, s9;
	s6 =	sadd.s32 @!p0 $0x88, s6;
	s7 =	simm.s32 @p2 $0x1082  }
0x22: {  	[simem:s7], [sflag:s8] =	dma.local @!p0 [hbm:s6], $0xF7A  }
0x23: {  	s9 =	sor.u32 $0xD0000000, s2;
	s6 =	simm.s32 $0x108;
	_ =	swait.ge @!p0 [sflag:s8], $0x0  }
0x24: {  	s3 =	sadd.s32 $0x88, s3;
	s6 =	simm.s32 @!p1 $0x1082;
	[sflag:s4] =	ssyncset.s32 $0xFFFFF086  }
0x25: {  	[simem:s6], [sflag:s4] =	dma.local [hbm:s3], $0xF7A  }
0x26: {  	[smem:$0x3F9F] =	sst s1;
	(tag) =	ssettag s2;
	_ =	strace s9  }
0x27: {  	s1 =	sld [smem:$0x3FAF]  }
0x28: {  	s2 =	sld [smem:$0x3FB0]  }
0x29: {  	s4 =	sld [smem:$0x3FB2]  }
0x2a: {  	p0 =	seq.s32 s5, $0x0;
	s5 =	sld [smem:$0x3FB3]  }
0x2b: {  	s6 =	sld [smem:$0x3FB4]  }
0x2c: {  	s7 =	sld [smem:$0x3FB5]  }
0x2d: {  	s3 =	simm.s32 $0x108;
	s8 =	sld [smem:$0x3FB6]  }
0x2e: {  	s3 =	simm.s32 @!p0 $0x1082;
	s9 =	sld [smem:$0x3FB7]  }
0x2f: {  	lr =	sadd.s32 s0, s3;
	s0 =	sld [smem:$0x3FAE]  }
0x30: {  	s3 =	sld [smem:$0x3FB1]  }
0x31: {  	[smem:$0x3FBA] =	sst s10  }
0x32: {  	s10 =	sld [smem:$0x3FB8];
	_ =	sdelay $0x3  }
0x33: {  	p0 =	seq.s32 s10, $0x1;
	s10 =	sld [smem:$0x3FBA];
	_ =	sdelay $0x3  }
0x34: {  	[smem:$0x3FBA] =	sst s10  }
0x35: {  	s10 =	sld [smem:$0x3FB9];
	_ =	sdelay $0x3  }
0x36: {  	p1 =	seq.s32 s10, $0x1;
	s10 =	sld [smem:$0x3FBA];
	_ =	sdelay $0x3  }
0x37: {  	[smem:$0x3FBA] =	sst s10  }
0x38: {  	s10 =	sld [smem:$0x3FBB]  }
0x39: {  	_ = 	snop;
	(pc) =	sbr.ind lr, $3  }
0x3a: {  	_ = 	snop  }
0x3b: {  	_ = 	snop  }
0x3c: {  	p2 =	seq.s32 s10, $0x1;
	s10 =	sld [smem:$0x3FBA]  }
0x3d: {  	_ =	shalt  }
0x3e: {  	_ =	shalt  }
0x3f: {  	_ =	shalt  }
0x40: {  	_ =	shalt  }
0x41: {  	_ =	shalt  }
0x42: {  	_ =	shalt  }
0x43: {  	_ =	shalt  }
0x44: {  	_ =	shalt  }
0x45: {  	_ =	shalt  }
0x46: {  	_ =	shalt  }
0x47: {  	_ =	shalt  }
0x48: {  	_ =	shalt  }
0x49: {  	_ =	shalt  }
0x4a: {  	_ =	shalt  }
0x4b: {  	_ =	shalt  }
0x4c: {  	_ =	shalt  }
0x4d: {  	_ =	shalt  }
0x4e: {  	_ =	shalt  }
0x4f: {  	_ =	shalt  }
0x50: {  	_ =	shalt  }
0x51: {  	_ =	shalt  }
0x52: {  	_ =	shalt  }
0x53: {  	_ =	shalt  }
0x54: {  	_ =	shalt  }
0x55: {  	_ =	shalt  }
0x56: {  	_ =	shalt  }
0x57: {  	_ =	shalt  }
0x58: {  	_ =	shalt  }
0x59: {  	_ =	shalt  }
0x5a: {  	_ =	shalt  }
0x5b: {  	_ =	shalt  }
0x5c: {  	_ =	shalt  }
0x5d: {  	_ =	shalt  }
0x5e: {  	_ =	shalt  }
0x5f: {  	_ =	shalt  }
0x60: {  	_ =	shalt  }
0x61: {  	_ =	shalt  }
0x62: {  	_ =	shalt  }
0x63: {  	_ =	shalt  }
0x64: {  	_ =	shalt  }
0x65: {  	_ =	shalt  }
0x66: {  	_ =	shalt  }
0x67: {  	_ =	shalt  }
0x68: {  	_ =	shalt  }
0x69: {  	_ =	shalt  }
0x6a: {  	_ =	shalt  }
0x6b: {  	_ =	shalt  }
0x6c: {  	_ =	shalt  }
0x6d: {  	_ =	shalt  }
0x6e: {  	_ =	shalt  }
0x6f: {  	_ =	shalt  }
0x70: {  	_ =	shalt  }
0x71: {  	_ =	shalt  }
0x72: {  	_ =	shalt  }
0x73: {  	_ =	shalt  }
0x74: {  	_ =	shalt  }
0x75: {  	_ =	shalt  }
0x76: {  	_ =	shalt  }
0x77: {  	_ =	shalt  }
0x78: {  	_ =	shalt  }
0x79: {  	_ =	shalt  }
0x7a: {  	_ =	shalt  }
0x7b: {  	_ =	shalt  }
0x7c: {  	_ =	shalt  }
0x7d: {  	_ =	shalt  }
0x7e: {  	_ =	shalt  }
0x7f: {  	_ =	shalt  }
0x80: {  	_ =	shalt  }
0x81: {  	_ =	shalt  }
0x82: {  	_ =	shalt  }
0x83: {  	_ =	shalt  }
0x84: {  	_ =	shalt  }
0x85: {  	_ =	shalt  }
0x86: {  	_ =	shalt  }
0x87: {  	_ =	shalt  }
.Lfunc_end0:
.L_simem_size_0:
called_computation.1_lowered:
.L_overlay_start_0:
0x88: {  	s2 =	sld [smem:$0x3FD9]  }
0x89: {  	s3 =	sld [smem:$0x3FFE];
	_ =	sdelay $0x1  }
0x8a: {  	s1 =	srdreg.scid  }
0x8b: {  	s0 =	sand.u32 $0x1, s1  }
0x8c: {  	s17 =	sshll.u32 s0, $0xA;
	s2 =	sadd.s32 s3, s2  }
0x8d: {  	s2 =	sadd.s32 s2, s17  }
0x8e: {  	[smem:$0x3FC6] =	sst s2  }
0x8f: {  	_ = 	snop  }
0x90: {  	s2 =	sld [smem:$0x3FD0];
	(tm) =	ssettm $0x1  }
0x91: {  	s18 =	sld [smem:$0x3FFB];
	_ =	sdelay $0x3  }
0x92: {  	_ =	strace s18  }
0x93: {  	s3 =	sld [smem:$0x3FFC];
	_ =	sdelay $0x3  }
0x94: {  	_ =	strace s3  }
0x95: {  	s3 =	sld [smem:$0x3FFD];
	_ =	sdelay $0x3  }
0x96: {  	_ =	strace s3  }
0x97: {  	_ =	strace $0x8FFFFFFF  }
0x98: {  	s19 =	sld [smem:$0x3FDB];
	_ =	sdelay $0x1  }
0x99: {  	s4 =	simm.s32 $_scs_section_size  }
0x9a: {  	s5 =	simm.s32 $_size__tile_overlayer_lowered;
	s6 =	simm.s32 $_tile_overlayer_lowered  }
0x9b: {  	s22 =	simm.s32 $0x1BFF;
	s21 =	sshll.u32 s6, $0x1;
	s3 =	sadd.s32 s4, s19  }
0x9c: {  	s7 =	simm.s32 $0x0;
	s20 =	sshll.u32 s5, $0x1;
	s5 =	sadd.s32 s21, s3  }
0x9d: {  	[timem:s7], [sflag:s22] =	dma.local [hbm:s5], s20  }
0x9e: {  	_ =	swait.ge [sflag:s22], s20  }
0x9f: {  	s4 =	ssub.s32 $0x0, s20;
	[sflag:s22] =	ssyncset.done $0x0  }
0xa0: {  	[sflag:s22] =	ssyncadd.s32 s4;
	_ =	sdelay $0x1  }
0xa1: {  	s23 =	simm.s32 $0x1B8B  }
0xa2: {  	_ =	swait.ge [sflag:s23], $0x1  }
0xa3: {  	[sflag:s23] =	ssyncset.done $0x0  }
0xa4: {  	s25 =	simm.s32 $0x1B8E;
	s24 =	sld [smem:$0x3FFE];
	[sflag:s23] =	ssyncadd.s32 $0xFFFFFFFF  }
0xa5: {  	s26 =	simm.s32 $execute0_lowered;
	[smem:$0x3FD2] =	sst s25  }
0xa6: {  	s5 =	sshll.u32 s26, $0x1;
	_ =	strace $0x80000046;
	[dreg:$0x1] =	wrdreg $0xFFFFFFFF  }
0xa7: {  	s28 =	simm.s32 $_size_execute0_lowered;
	s3 =	sadd.s32 s3, s5;
	[dreg:$0x0] =	wrdreg $0x0  }
0xa8: {  	s5 =	sshll.u32 s28, $0x1;
	[dreg:$0x2] =	wrdreg s3  }
0xa9: {  	[dreg:$0x3] =	wrdreg s5  }
0xaa: {  	[dreg:$0x4] =	wrdreg $0xC0  }
0xab: {  	_ =	task [dreg:s7], $0x5FFFF  }
0xac: {  	[dreg:$0x1] =	wrdreg $0xFFFFFFFF  }
0xad: {  	[dreg:$0x0] =	wrdreg $0x60  }
0xae: {  	[dreg:$0x2] =	wrdreg s24  }
0xaf: {  	[dreg:$0x3] =	wrdreg s2  }
0xb0: {  	[dreg:$0x4] =	wrdreg $0x0  }
0xb1: {  	[dreg:$0x5] =	wrdreg $0x9  }
0xb2: {  	_ =	task.clear_ibuf [dreg:s7], $0x6FFFF;
	_ =	strace $0x90000046  }
0xb3: {  	s29 =	simm.s32 $0x9;
	_ =	strace $0x80000048  }
0xb4: {  	_ =	swait.ge [sflag:s29], $0x1  }
0xb5: {  	[sflag:s29] =	ssyncadd.s32 $0xFFFFFFFF  }
0xb6: {  	_ =	strace $0x90000048  }
0xb7: {  	_ =	sfence  }
0xb8: {  	s30 =	sld [smem:$0x0];
	_ =	sdelay $0x2  }
0xb9: {  	s31 =	sshll.u32 s1, $0xD;
	s1 =	sshrl.u32 s1, $0x2  }
0xba: {  	s3 =	sand.u32 $0x4000, s31;
	s1 =	sadd.s32 s1, s30  }
0xbb: {  	s0 =	sor.u32 s3, s0;
	s1 =	sshll.u32 s1, $0x11  }
0xbc: {  	s0 =	sor.u32 s1, s0  }
0xbd: {  	s0 =	sadd.s32 $0x8F2B, s0  }
0xbe: {  	[sflag:s0] =	ssyncadd.remote.s32 $0x1  }
0xbf: {  	_ =	sfence.sel $0xFFFF  }
0xc0: {  	[dreg:$0x0] =	wrdreg $0xFFFFFFFF;
	(pc) =	sbr.abs _section_cstart, $3  }
0xc1: {  	[dreg:$0x1] =	wrdreg $0xFFFFFFFF  }
0xc2: {  	_ =	task.clear_ibuf [dreg:s7], $0x2FFFF;
	_ =	strace $0x9FFFFFFF  }
0xc3: {  	(tm) =	ssettm $0x7FFFFFFF  }
tec
execute0_lowered:
.L_overlay_start_1:
0x0: {  	(tag) =	ssettag $0x1  }
0x1: {  	s2 =	srdreg.scid;
	s4 =	stileid.u32  }
0x2: {  	s0 =	rddreg [dreg:$0x0];
	s5 =	sand.u32 $0x1, s2;
	s6 =	sshll.u32 s4, $0x1  }
0x3: {  	s3 =	rddreg [dreg:$0x1];
	s6 =	sor.u32 s5, s6  }
0x4: {  	s1 =	rddreg [dreg:$0x2];
	s2 =	simm.s32 $0x0;
	s7 =	smul.u32 $0x3200, s6  }
0x5: {  	[smem:$0x7FF] =	sst s2;
	s8 =	ssub.s32 $0x2, s5  }
0x6: {  	_ =	strace $0x80000047;
	s9 =	smul.u32 $0xC8000, s6;
	s7 =	sshrl.u32 s7, $0x3  }
0x7: {  	s10 =	sshrl.u32 s8, $0x1;
	s7 =	sadd.s32 s7, s0;
	s0 =	sadd.s32 $0x800, s0  }
0x8: {  	s6 =	smul.u32 $0x19000, s6;
	[dreg:$0x4] =	wrdreg s0;
	s7 =	sadd.s32 $0xA00, s7  }
0x9: {  	s0 =	ssub.s32 s8, s10;
	s10 =	sshrl.u32 s9, $0x3;
	[dreg:$0x5] =	wrdreg s7  }
0xa: {  	s7 =	sadd.s32 s3, s6;
	s3 =	sadd.s32 s3, s10;
	s0 =	smax.u32 s0, $0x1  }
0xb: {  	s11 =	sadd.s32 $0x1000, s3;
	[smem:$0x7FC] =	sst s0  }
0xc: {  	s12 =	sadd.s32 $0x1400, s3;
	[dreg:$0x6] =	wrdreg s11  }
0xd: {  	s13 =	sadd.s32 $0x1800, s3;
	[dreg:$0x7] =	wrdreg s12  }
0xe: {  	s14 =	sadd.s32 $0x1C00, s3;
	[dreg:$0x8] =	wrdreg s13  }
0xf: {  	s15 =	sadd.s32 $0x2000, s3;
	[dreg:$0x9] =	wrdreg s14  }
0x10: {  	s16 =	sadd.s32 $0x2400, s3;
	[dreg:$0xa] =	wrdreg s15  }
0x11: {  	s17 =	sadd.s32 $0x2800, s3;
	[dreg:$0xb] =	wrdreg s16  }
0x12: {  	s18 =	sadd.s32 $0x2C00, s3;
	[dreg:$0xc] =	wrdreg s17  }
0x13: {  	s8 =	sadd.s32 $0x3000, s3;
	[dreg:$0xd] =	wrdreg s18  }
0x14: {  	s20 =	sadd.s32 $0x3400, s3;
	[dreg:$0xe] =	wrdreg s8  }
0x15: {  	s21 =	sadd.s32 $0x3800, s3;
	[dreg:$0xf] =	wrdreg s20  }
0x16: {  	s22 =	sadd.s32 $0x3C00, s3;
	[dreg:$0x10] =	wrdreg s21  }
0x17: {  	s23 =	sadd.s32 $0x4000, s3;
	[dreg:$0x11] =	wrdreg s22  }
0x18: {  	s19 =	smul.u32 $0x6400, s4;
	s24 =	sadd.s32 $0x4400, s3;
	[dreg:$0x12] =	wrdreg s23  }
0x19: {  	s5 =	smul.u32 $0x3200, s5;
	s25 =	sadd.s32 $0x4800, s3;
	[dreg:$0x13] =	wrdreg s24  }
0x1a: {  	s26 =	sadd.s32 $0x4C00, s3;
	[dreg:$0x14] =	wrdreg s25  }
0x1b: {  	s19 =	sadd.s32 s5, s19;
	s5 =	sadd.s32 $0x5000, s3;
	[dreg:$0x15] =	wrdreg s26  }
0x1c: {  	s6 =	sadd.s32 $0x5400, s3;
	[dreg:$0x16] =	wrdreg s5  }
0x1d: {  	s9 =	sadd.s32 $0x5C00, s3;
	[dreg:$0x17] =	wrdreg s6  }
0x1e: {  	s10 =	sadd.s32 $0x6000, s3;
	[dreg:$0x19] =	wrdreg s9  }
0x1f: {  	s8 =	sadd.s32 $0x5800, s3;
	[dreg:$0x1a] =	wrdreg s10  }
0x20: {  	s11 =	sadd.s32 $0x6400, s3;
	[dreg:$0x18] =	wrdreg s8  }
0x21: {  	s12 =	sadd.s32 $0x6800, s3;
	[dreg:$0x1b] =	wrdreg s11  }
0x22: {  	s13 =	sadd.s32 $0x6C00, s3;
	[dreg:$0x1c] =	wrdreg s12  }
0x23: {  	s14 =	sadd.s32 $0x7000, s3;
	[dreg:$0x1d] =	wrdreg s13  }
0x24: {  	s15 =	sadd.s32 $0x7400, s3;
	[dreg:$0x1e] =	wrdreg s14  }
0x25: {  	s16 =	sadd.s32 $0x7800, s3;
	[dreg:$0x1f] =	wrdreg s15  }
0x26: {  	s17 =	sadd.s32 $0x7C00, s3;
	[smem:$0x7B6] =	sst s16  }
0x27: {  	s18 =	sadd.s32 $0x8000, s3;
	[smem:$0x7B7] =	sst s17  }
0x28: {  	s20 =	sadd.s32 $0x8400, s3;
	[smem:$0x7B8] =	sst s18  }
0x29: {  	s21 =	sadd.s32 $0x8800, s3;
	[smem:$0x7B9] =	sst s20  }
0x2a: {  	s22 =	sadd.s32 $0x8C00, s3;
	[smem:$0x7BA] =	sst s21  }
0x2b: {  	s23 =	sadd.s32 $0x9000, s3;
	[smem:$0x7BB] =	sst s22  }
0x2c: {  	s24 =	sadd.s32 $0x9400, s3;
	[smem:$0x7BC] =	sst s23  }
0x2d: {  	s25 =	sadd.s32 $0x9800, s3;
	[smem:$0x7BD] =	sst s24  }
0x2e: {  	s26 =	sadd.s32 $0x9C00, s3;
	[smem:$0x7BE] =	sst s25  }
0x2f: {  	s5 =	sadd.s32 $0xA000, s3;
	[smem:$0x7BF] =	sst s26  }
0x30: {  	s6 =	sadd.s32 $0xA400, s3;
	[smem:$0x7C0] =	sst s5  }
0x31: {  	s9 =	sadd.s32 $0xAC00, s3;
	[smem:$0x7C1] =	sst s6  }
0x32: {  	s10 =	sadd.s32 $0xB000, s3;
	[smem:$0x7C3] =	sst s9  }
0x33: {  	s8 =	sadd.s32 $0xA800, s3;
	[smem:$0x7C4] =	sst s10  }
0x34: {  	s11 =	sadd.s32 $0xB400, s3;
	[smem:$0x7C2] =	sst s8  }
0x35: {  	s12 =	sadd.s32 $0xB800, s3;
	[smem:$0x7C5] =	sst s11  }
0x36: {  	s13 =	sadd.s32 $0xBC00, s3;
	[smem:$0x7C6] =	sst s12  }
0x37: {  	s14 =	sadd.s32 $0xC000, s3;
	[smem:$0x7C7] =	sst s13  }
0x38: {  	s15 =	sadd.s32 $0xC400, s3;
	[smem:$0x7C8] =	sst s14  }
0x39: {  	s16 =	sadd.s32 $0xC800, s3;
	[smem:$0x7C9] =	sst s15  }
0x3a: {  	s17 =	sadd.s32 $0xCC00, s3;
	[smem:$0x7CA] =	sst s16  }
0x3b: {  	s18 =	sadd.s32 $0xD000, s3;
	[smem:$0x7CB] =	sst s17  }
0x3c: {  	s20 =	sadd.s32 $0xD400, s3;
	[smem:$0x7CC] =	sst s18  }
0x3d: {  	s21 =	sadd.s32 $0xD800, s3;
	[smem:$0x7CD] =	sst s20  }
0x3e: {  	s22 =	sadd.s32 $0xDC00, s3;
	[smem:$0x7CE] =	sst s21  }
0x3f: {  	s23 =	sadd.s32 $0xE000, s3;
	[smem:$0x7CF] =	sst s22  }
0x40: {  	s24 =	sadd.s32 $0xE400, s3;
	[smem:$0x7D0] =	sst s23  }
0x41: {  	s25 =	sadd.s32 $0xE800, s3;
	[smem:$0x7D1] =	sst s24  }
0x42: {  	s26 =	sadd.s32 $0xEC00, s3;
	[smem:$0x7D2] =	sst s25  }
0x43: {  	s5 =	sadd.s32 $0xF000, s3;
	[smem:$0x7D3] =	sst s26  }
0x44: {  	s6 =	sadd.s32 $0xF400, s3;
	[smem:$0x7D4] =	sst s5  }
0x45: {  	s9 =	sadd.s32 $0xFC00, s3;
	[smem:$0x7D5] =	sst s6  }
0x46: {  	s10 =	sadd.s32 $0x10000, s3;
	[smem:$0x7D7] =	sst s9  }
0x47: {  	s8 =	sadd.s32 $0xF800, s3;
	[smem:$0x7D8] =	sst s10  }
0x48: {  	s11 =	sadd.s32 $0x10400, s3;
	[smem:$0x7D6] =	sst s8  }
0x49: {  	s12 =	sadd.s32 $0x10800, s3;
	[smem:$0x7D9] =	sst s11  }
0x4a: {  	s13 =	sadd.s32 $0x10C00, s3;
	[smem:$0x7DA] =	sst s12  }
0x4b: {  	s14 =	sadd.s32 $0x11000, s3;
	[smem:$0x7DB] =	sst s13  }
0x4c: {  	s15 =	sadd.s32 $0x11400, s3;
	[smem:$0x7DC] =	sst s14  }
0x4d: {  	s16 =	sadd.s32 $0x11800, s3;
	[smem:$0x7DD] =	sst s15  }
0x4e: {  	s17 =	sadd.s32 $0x11C00, s3;
	[smem:$0x7DE] =	sst s16  }
0x4f: {  	s18 =	sadd.s32 $0x12000, s3;
	[smem:$0x7DF] =	sst s17  }
0x50: {  	s20 =	sadd.s32 $0x12400, s3;
	[smem:$0x7E0] =	sst s18  }
0x51: {  	s21 =	sadd.s32 $0x12800, s3;
	[smem:$0x7E1] =	sst s20  }
0x52: {  	s22 =	sadd.s32 $0x12C00, s3;
	[smem:$0x7E2] =	sst s21  }
0x53: {  	s23 =	sadd.s32 $0x13000, s3;
	[smem:$0x7E3] =	sst s22  }
0x54: {  	s24 =	sadd.s32 $0x13400, s3;
	[smem:$0x7E4] =	sst s23  }
0x55: {  	s25 =	sadd.s32 $0x13800, s3;
	[smem:$0x7E5] =	sst s24  }
0x56: {  	s26 =	sadd.s32 $0x13C00, s3;
	[smem:$0x7E6] =	sst s25  }
0x57: {  	s5 =	sadd.s32 $0x14000, s3;
	[smem:$0x7E7] =	sst s26  }
0x58: {  	s6 =	sadd.s32 $0x14400, s3;
	[smem:$0x7E8] =	sst s5  }
0x59: {  	s9 =	sadd.s32 $0x14C00, s3;
	[smem:$0x7E9] =	sst s6  }
0x5a: {  	s10 =	sadd.s32 $0x15000, s3;
	[smem:$0x7EB] =	sst s9  }
0x5b: {  	s8 =	sadd.s32 $0x14800, s3;
	[smem:$0x7EC] =	sst s10  }
0x5c: {  	s11 =	sadd.s32 $0x15400, s3;
	[smem:$0x7EA] =	sst s8  }
0x5d: {  	s12 =	sadd.s32 $0x15800, s3;
	[smem:$0x7ED] =	sst s11  }
0x5e: {  	s13 =	sadd.s32 $0x15C00, s3;
	[smem:$0x7EE] =	sst s12  }
0x5f: {  	s14 =	sadd.s32 $0x16000, s3;
	[smem:$0x7EF] =	sst s13  }
0x60: {  	s15 =	sadd.s32 $0x16400, s3;
	[smem:$0x7F0] =	sst s14  }
0x61: {  	s16 =	sadd.s32 $0x16800, s3;
	[smem:$0x7F1] =	sst s15  }
0x62: {  	s17 =	sadd.s32 $0x16C00, s3;
	[smem:$0x7F2] =	sst s16  }
0x63: {  	s28 =	simm.s32 $0xD;
	s18 =	sadd.s32 $0x17000, s3;
	[smem:$0x7F3] =	sst s17  }
0x64: {  	s29 =	simm.s32 $0x80;
	s20 =	sadd.s32 $0x17400, s3;
	[smem:$0x7F4] =	sst s18  }
0x65: {  	s30 =	simm.s32 $0x3228;
	s21 =	sadd.s32 $0x17800, s3;
	[smem:$0x7F5] =	sst s20  }
0x66: {  	s31 =	simm.s32 $0x5228;
	s22 =	sadd.s32 $0x17C00, s3;
	[smem:$0x7F6] =	sst s21  }
0x67: {  	p0 =	sne.s32 s4, $0x0;
	s23 =	sadd.s32 $0x18000, s3;
	[smem:$0x7F7] =	sst s22  }
0x68: {  	s4 =	simm.s32 $0xB228;
	s24 =	sadd.s32 $0x18400, s3;
	[smem:$0x7F8] =	sst s23  }
0x69: {  	s0 =	simm.s32 $0x7228;
	s25 =	sadd.s32 $0x18800, s3;
	[smem:$0x7F9] =	sst s24  }
0x6a: {  	s3 =	sadd.s32 $0x18C00, s3;
	s26 =	sadd.s32 $0x400, s7;
	[smem:$0x7FA] =	sst s25  }
0x6b: {  	s6 =	simm.s32 $0x1;
	s9 =	simm.s32 $0x3;
	[smem:$0x7FB] =	sst s3  }
0x6c: {  	s10 =	simm.s32 $0x8;
	s5 =	simm.s32 $0x0;
	[smem:$0x7FD] =	sst s26  }
0x6d: {  	s24 =	sadd.s32 $0x800, s7;
	s22 =	smov.u32 s7;
	s25 =	sadd.s32 $0xC00, s7  }
0x6e: {  	s3 =	simm.s32 $0x9228;
	s7 =	simm.s32 $0xD228;
	s8 =	simm.s32 $0x2  }
0x6f: {  	s26 =	simm.s32 $0x7;
	s11 =	simm.s32 $0x4;
	s12 =	simm.s32 $0x9  }
0x70: {  	s13 =	simm.s32 $0x5;
	s14 =	simm.s32 $0xA;
	s15 =	simm.s32 $0x6  }
0x71: {  	v0 =	vlaneseq.u32;
	v1 =	vimm.s32 $0x0;
	s16 =	simm.s32 $0xB;
	s17 =	simm.s32 $0xC;
	s23 =	simm.s32 $0x28  }
.LBB2_1:
0x72: {  	s18 =	sshrl.u32 @!p0 s1, $0x3;
	s20 =	simm.s32 @!p0 $0x1C0D;
	s21 =	rddreg [dreg:$0x4]  }
0x73: {  	[spmem:s18], [sflag:s20] =	dma.local @!p0 [hbm:s21], $0x48  }
0x74: {  	s18 =	simm.s32 @!p0 $0xD  }
0x75: {  	_ =	swait.ge @!p0 [sflag:s18], $0x48  }
0x76: {  	[sflag:s18] =	ssyncset.done @!p0 $0x0  }
0x77: {  	s21 =	rddreg [dreg:$0x5];
	[sflag:s18] =	ssyncadd.s32 @!p0 $0xFFFFFFB8  }
0x78: {  	[tilespmem:s23], [sflag:$0xD] =	stream.linear.gather [hbm4b:s21+s2], $0x3200, $0x38;
	[tilespmem:$0xF228] =	vst v63  }
0x79: {  	_ =	swait.ge [sflag:s28], $0x3200  }
0x7a: {  	[sflag:s28] =	ssyncset.done $0x0  }
0x7b: {  	[sflag:s28] =	ssyncadd.s32 $0xFFFFCE00  }
0x7c: {  	s21 =	simm.s32 $0x0;
	[bflag:$0x0] =	sbarrier.arrive $0xFFFF  }
0x7d: {  	v2 =	vld [tilespmem:s21+$0x28]  }
0x7e: {  	v3 =	vor.u32 s19, v0  }
0x7f: {  	v3 =	vmulhi.u32 $0x51EB851F, v3;
	_ =	sdelay $0x1  }
0x80: {  	v3 =	vshrl.u32 v3, $0x4  }
0x81: {  	v2 =	vsub.s32 v3, v2  }
0x82: {  	vm0 =	vgt.s32 v2, $0x1;
	vm1 =	vgt.s32 v2, $0x2  }
0x83: {  	vm10 =	vgt.s32 v2, $0x3;
	v3 =	vsel vm0, $0x1, v1;
	v4 =	vsel vm1, $0x1, v1  }
0x84: {  	vm11 =	vgt.s32 v2, $0x4;
	v59 =	vsel vm10, $0x1, v1;
	v3 =	vadd.s32 v4, v3  }
0x85: {  	vm12 =	vgt.s32 v2, $0x7;
	v60 =	vsel vm11, $0x1, v1;
	v3 =	vadd.s32 v59, v3  }
0x86: {  	vm13 =	vgt.s32 v2, $0xF;
	v61 =	vsel vm12, $0x1, v1;
	v3 =	vadd.s32 v60, v3  }
0x87: {  	vm14 =	vgt.s32 v2, $0x1F;
	v62 =	vsel vm13, $0x1, v1;
	v3 =	vadd.s32 v61, v3  }
0x88: {  	vm15 =	vgt.s32 v2, $0x3F;
	v63 =	vsel vm14, $0x1, v1;
	v3 =	vadd.s32 v62, v3  }
0x89: {  	v2 =	vadd.s32 v63, v3;
	v3 =	vsel vm15, $0x1, v1  }
0x8a: {  	v2 =	vadd.s32 v3, v2  }
0x8b: {  	s20 =	simm.s32 $0x80;
	s18 =	simm.s32 $0x10;
	[tilespmem:s21+$0x28] =	vst v2;
	s21 =	smov.u32 s19  }
.LBB2_2:
0x8c: {  	p1 =	sne.s32 s20, $0xC7C0;
	v2 =	vld [tilespmem:s18+$0x28];
	s21 =	sadd.s32 $0x10, s21  }
0x8d: {  	v3 =	vor.u32 s21, v0  }
0x8e: {  	v3 =	vmulhi.u32 $0x51EB851F, v3;
	_ =	sdelay $0x1  }
0x8f: {  	v3 =	vshrl.u32 v3, $0x4  }
0x90: {  	v2 =	vsub.s32 v3, v2  }
0x91: {  	vm0 =	vgt.s32 v2, $0x1;
	vm1 =	vgt.s32 v2, $0x2  }
0x92: {  	v3 =	vsel vm0, $0x1, v1;
	v4 =	vsel vm1, $0x1, v1;
	vm0 =	vgt.s32 v2, $0x3  }
0x93: {  	v3 =	vadd.s32 v4, v3;
	v4 =	vsel vm0, $0x1, v1;
	vm0 =	vgt.s32 v2, $0x4  }
0x94: {  	v3 =	vadd.s32 v4, v3;
	v4 =	vsel vm0, $0x1, v1;
	vm0 =	vgt.s32 v2, $0x7  }
0x95: {  	v3 =	vadd.s32 v4, v3;
	v4 =	vsel vm0, $0x1, v1;
	vm0 =	vgt.s32 v2, $0xF  }
.Ltmp0:
0x96: {  	v3 =	vadd.s32 v4, v3;
	v4 =	vsel vm0, $0x1, v1;
	vm0 =	vgt.s32 v2, $0x1F;
	(pc) =	sbr.rel @p1 .LBB2_2-.Ltmp0, $4  }
0x97: {  	v3 =	vadd.s32 v4, v3;
	v4 =	vsel vm0, $0x1, v1;
	vm0 =	vgt.s32 v2, $0x3F  }
0x98: {  	v2 =	vadd.s32 v4, v3;
	v3 =	vsel vm0, $0x1, v1  }
0x99: {  	v2 =	vadd.s32 v3, v2  }
0x9a: {  	[tilespmem:s18+$0x28] =	vst v2;
	s18 =	sshra.s32 s20, $0x2;
	s20 =	sadd.s32 $0x40, s20  }
0x9b: {  	v2 =	vld [tilespmem:s18+$0x28];
	s20 =	sadd.s32 $0x10, s21  }
0x9c: {  	v3 =	vor.u32 s20, v0  }
0x9d: {  	v3 =	vmulhi.u32 $0x51EB851F, v3;
	_ =	sdelay $0x1  }
0x9e: {  	v3 =	vshrl.u32 v3, $0x4  }
0x9f: {  	v2 =	vsub.s32 v3, v2  }
0xa0: {  	vm0 =	vgt.s32 v2, $0x1;
	vm1 =	vgt.s32 v2, $0x2  }
0xa1: {  	vm10 =	vgt.s32 v2, $0x3;
	v3 =	vsel vm0, $0x1, v1;
	v4 =	vsel vm1, $0x1, v1  }
0xa2: {  	vm11 =	vgt.s32 v2, $0x4;
	v59 =	vsel vm10, $0x1, v1;
	v3 =	vadd.s32 v4, v3  }
0xa3: {  	vm12 =	vgt.s32 v2, $0x7;
	v60 =	vsel vm11, $0x1, v1;
	v3 =	vadd.s32 v59, v3  }
0xa4: {  	vm13 =	vgt.s32 v2, $0xF;
	v61 =	vsel vm12, $0x1, v1;
	v3 =	vadd.s32 v60, v3  }
0xa5: {  	vm14 =	vgt.s32 v2, $0x1F;
	v62 =	vsel vm13, $0x1, v1;
	v3 =	vadd.s32 v61, v3  }
0xa6: {  	vm15 =	vgt.s32 v2, $0x3F;
	v63 =	vsel vm14, $0x1, v1;
	v3 =	vadd.s32 v62, v3  }
0xa7: {  	v2 =	vadd.s32 v63, v3;
	v3 =	vsel vm15, $0x1, v1  }
0xa8: {  	v2 =	vadd.s32 v3, v2  }
0xa9: {  	s20 =	simm.s32 $0x28;
	[tilespmem:s18+$0x28] =	vst v2  }
0xaa: {  	[tilespmem:s30], [sflag:$0x1] =	stream.indirect.gather [spmem:s1], $0x40, s20, s29, $0xb8;
	[tilespmem:$0xF228] =	vst v63  }
0xab: {  	s21 =	simm.s32 $0xA8  }
0xac: {  	[tilespmem:s31], [sflag:$0x2] =	stream.indirect.gather [spmem:s1], $0x40, s21, s29, $0xb8;
	[tilespmem:$0xF228] =	vst v63  }
0xad: {  	s20 =	simm.s32 $0x128  }
0xae: {  	[tilespmem:s0], [sflag:$0x3] =	stream.indirect.gather [spmem:s1], $0x40, s20, s29, $0xb8;
	[tilespmem:$0xF228] =	vst v63  }
0xaf: {  	s21 =	simm.s32 $0x1A8  }
0xb0: {  	[tilespmem:s3], [sflag:$0x4] =	stream.indirect.gather [spmem:s1], $0x40, s21, s29, $0xb8;
	[tilespmem:$0xF228] =	vst v63  }
0xb1: {  	s20 =	simm.s32 $0x228  }
0xb2: {  	[tilespmem:s4], [sflag:$0x5] =	stream.indirect.gather [spmem:s1], $0x40, s20, s29, $0xb8;
	[tilespmem:$0xF228] =	vst v63  }
0xb3: {  	_ =	swait.ge [sflag:s6], $0x2000  }
0xb4: {  	[sflag:s6] =	ssyncset.done $0x0  }
0xb5: {  	[sflag:s6] =	ssyncadd.s32 $0xFFFFE000  }
0xb6: {  	[hbm4b:s22+s2] =	stream.linear.scatter [tilespmem:s30], [sflag:$0x7], $0x2000, $0x38;
	[tilespmem:$0xF228] =	vst v63  }
0xb7: {  	s21 =	simm.s32 $0x2A8  }
0xb8: {  	[tilespmem:s7], [sflag:$0x6] =	stream.indirect.gather [spmem:s1], $0x40, s21, s29, $0xb8;
	[tilespmem:$0xF228] =	vst v63  }
0xb9: {  	_ =	swait.ge [sflag:s8], $0x2000  }
0xba: {  	s20 =	sld [smem:$0x7FD]  }
0xbb: {  	[sflag:s8] =	ssyncset.done $0x0  }
0xbc: {  	[sflag:s8] =	ssyncadd.s32 $0xFFFFE000  }
0xbd: {  	[hbm4b:s20+s2] =	stream.linear.scatter [tilespmem:s31], [sflag:$0x8], $0x2000, $0x38;
	[tilespmem:$0xF228] =	vst v63  }
0xbe: {  	_ =	swait.ge [sflag:s26], $0x2000  }
0xbf: {  	[sflag:s26] =	ssyncset.done $0x0  }
0xc0: {  	s21 =	simm.s32 $0x328;
	[sflag:s26] =	ssyncadd.s32 $0xFFFFE000  }
0xc1: {  	[tilespmem:s30], [sflag:$0x1] =	stream.indirect.gather [spmem:s1], $0x40, s21, s29, $0xb8;
	[tilespmem:$0xF228] =	vst v63  }
0xc2: {  	_ =	swait.ge [sflag:s9], $0x2000  }
0xc3: {  	[sflag:s9] =	ssyncset.done $0x0  }
0xc4: {  	[sflag:s9] =	ssyncadd.s32 $0xFFFFE000  }
0xc5: {  	[hbm4b:s24+s2] =	stream.linear.scatter [tilespmem:s0], [sflag:$0x9], $0x2000, $0x38;
	[tilespmem:$0xF228] =	vst v63  }
0xc6: {  	_ =	swait.ge [sflag:s10], $0x2000  }
0xc7: {  	[sflag:s10] =	ssyncset.done $0x0  }
0xc8: {  	s20 =	simm.s32 $0x3A8;
	[sflag:s10] =	ssyncadd.s32 $0xFFFFE000  }
0xc9: {  	[tilespmem:s31], [sflag:$0x2] =	stream.indirect.gather [spmem:s1], $0x40, s20, s29, $0xb8;
	[tilespmem:$0xF228] =	vst v63  }
0xca: {  	_ =	swait.ge [sflag:s11], $0x2000  }
0xcb: {  	[sflag:s11] =	ssyncset.done $0x0  }
0xcc: {  	[sflag:s11] =	ssyncadd.s32 $0xFFFFE000  }
0xcd: {  	[hbm4b:s25+s2] =	stream.linear.scatter [tilespmem:s3], [sflag:$0xA], $0x2000, $0x38;
	[tilespmem:$0xF228] =	vst v63  }
0xce: {  	_ =	swait.ge [sflag:s12], $0x2000  }
0xcf: {  	[sflag:s12] =	ssyncset.done $0x0  }
0xd0: {  	s21 =	simm.s32 $0x428;
	[sflag:s12] =	ssyncadd.s32 $0xFFFFE000  }
0xd1: {  	[tilespmem:s0], [sflag:$0x3] =	stream.indirect.gather [spmem:s1], $0x40, s21, s29, $0xb8;
	[tilespmem:$0xF228] =	vst v63  }
0xd2: {  	_ =	swait.ge [sflag:s13], $0x2000  }
0xd3: {  	[sflag:s13] =	ssyncset.done $0x0  }
0xd4: {  	s20 =	rddreg [dreg:$0x6];
	[sflag:s13] =	ssyncadd.s32 $0xFFFFE000  }
0xd5: {  	[hbm4b:s20+s2] =	stream.linear.scatter [tilespmem:s4], [sflag:$0xB], $0x2000, $0x38;
	[tilespmem:$0xF228] =	vst v63  }
0xd6: {  	_ =	swait.ge [sflag:s14], $0x2000  }
0xd7: {  	[sflag:s14] =	ssyncset.done $0x0  }
0xd8: {  	s21 =	simm.s32 $0x4A8;
	[sflag:s14] =	ssyncadd.s32 $0xFFFFE000  }
0xd9: {  	[tilespmem:s3], [sflag:$0x4] =	stream.indirect.gather [spmem:s1], $0x40, s21, s29, $0xb8;
	[tilespmem:$0xF228] =	vst v63  }
0xda: {  	_ =	swait.ge [sflag:s15], $0x2000  }
0xdb: {  	[sflag:s15] =	ssyncset.done $0x0  }
0xdc: {  	s20 =	rddreg [dreg:$0x7];
	[sflag:s15] =	ssyncadd.s32 $0xFFFFE000  }
0xdd: {  	[hbm4b:s20+s2] =	stream.linear.scatter [tilespmem:s7], [sflag:$0xC], $0x2000, $0x38;
	[tilespmem:$0xF228] =	vst v63  }
0xde: {  	_ =	swait.ge [sflag:s16], $0x2000  }
0xdf: {  	[sflag:s16] =	ssyncset.done $0x0  }
0xe0: {  	s21 =	simm.s32 $0x528;
	[sflag:s16] =	ssyncadd.s32 $0xFFFFE000  }
0xe1: {  	[tilespmem:s4], [sflag:$0x5] =	stream.indirect.gather [spmem:s1], $0x40, s21, s29, $0xb8;
	[tilespmem:$0xF228] =	vst v63  }
0xe2: {  	_ =	swait.ge [sflag:s6], $0x2000  }
0xe3: {  	[sflag:s6] =	ssyncset.done $0x0  }
0xe4: {  	s20 =	rddreg [dreg:$0x8];
	[sflag:s6] =	ssyncadd.s32 $0xFFFFE000  }
0xe5: {  	[hbm4b:s20+s2] =	stream.linear.scatter [tilespmem:s30], [sflag:$0x7], $0x2000, $0x38;
	[tilespmem:$0xF228] =	vst v63  }
0xe6: {  	_ =	swait.ge [sflag:s17], $0x2000  }
0xe7: {  	[sflag:s17] =	ssyncset.done $0x0  }
0xe8: {  	s21 =	simm.s32 $0x5A8;
	[sflag:s17] =	ssyncadd.s32 $0xFFFFE000  }
0xe9: {  	[tilespmem:s7], [sflag:$0x6] =	stream.indirect.gather [spmem:s1], $0x40, s21, s29, $0xb8;
	[tilespmem:$0xF228] =	vst v63  }
0xea: {  	_ =	swait.ge [sflag:s8], $0x2000  }
0xeb: {  	[sflag:s8] =	ssyncset.done $0x0  }
0xec: {  	s20 =	rddreg [dreg:$0x9];
	[sflag:s8] =	ssyncadd.s32 $0xFFFFE000  }
0xed: {  	[hbm4b:s20+s2] =	stream.linear.scatter [tilespmem:s31], [sflag:$0x8], $0x2000, $0x38;
	[tilespmem:$0xF228] =	vst v63  }
0xee: {  	_ =	swait.ge [sflag:s26], $0x2000  }
0xef: {  	[sflag:s26] =	ssyncset.done $0x0  }
0xf0: {  	s21 =	simm.s32 $0x628;
	[sflag:s26] =	ssyncadd.s32 $0xFFFFE000  }
0xf1: {  	[tilespmem:s30], [sflag:$0x1] =	stream.indirect.gather [spmem:s1], $0x40, s21, s29, $0xb8;
	[tilespmem:$0xF228] =	vst v63  }
0xf2: {  	_ =	swait.ge [sflag:s9], $0x2000  }
0xf3: {  	[sflag:s9] =	ssyncset.done $0x0  }
0xf4: {  	s20 =	rddreg [dreg:$0xa];
	[sflag:s9] =	ssyncadd.s32 $0xFFFFE000  }
0xf5: {  	[hbm4b:s20+s2] =	stream.linear.scatter [tilespmem:s0], [sflag:$0x9], $0x2000, $0x38;
	[tilespmem:$0xF228] =	vst v63  }
0xf6: {  	_ =	swait.ge [sflag:s10], $0x2000  }
0xf7: {  	[sflag:s10] =	ssyncset.done $0x0  }
0xf8: {  	s21 =	simm.s32 $0x6A8;
	[sflag:s10] =	ssyncadd.s32 $0xFFFFE000  }
0xf9: {  	[tilespmem:s31], [sflag:$0x2] =	stream.indirect.gather [spmem:s1], $0x40, s21, s29, $0xb8;
	[tilespmem:$0xF228] =	vst v63  }
0xfa: {  	_ =	swait.ge [sflag:s11], $0x2000  }
0xfb: {  	[sflag:s11] =	ssyncset.done $0x0  }
0xfc: {  	s20 =	rddreg [dreg:$0xb];
	[sflag:s11] =	ssyncadd.s32 $0xFFFFE000  }
0xfd: {  	[hbm4b:s20+s2] =	stream.linear.scatter [tilespmem:s3], [sflag:$0xA], $0x2000, $0x38;
	[tilespmem:$0xF228] =	vst v63  }
0xfe: {  	_ =	swait.ge [sflag:s12], $0x2000  }
0xff: {  	[sflag:s12] =	ssyncset.done $0x0  }
0x100: {  	s21 =	simm.s32 $0x728;
	[sflag:s12] =	ssyncadd.s32 $0xFFFFE000  }
0x101: {  	[tilespmem:s0], [sflag:$0x3] =	stream.indirect.gather [spmem:s1], $0x40, s21, s29, $0xb8;
	[tilespmem:$0xF228] =	vst v63  }
0x102: {  	_ =	swait.ge [sflag:s13], $0x2000  }
0x103: {  	[sflag:s13] =	ssyncset.done $0x0  }
0x104: {  	s20 =	rddreg [dreg:$0xc];
	[sflag:s13] =	ssyncadd.s32 $0xFFFFE000  }
0x105: {  	[hbm4b:s20+s2] =	stream.linear.scatter [tilespmem:s4], [sflag:$0xB], $0x2000, $0x38;
	[tilespmem:$0xF228] =	vst v63  }
0x106: {  	_ =	swait.ge [sflag:s14], $0x2000  }
0x107: {  	[sflag:s14] =	ssyncset.done $0x0  }
0x108: {  	s21 =	simm.s32 $0x7A8;
	[sflag:s14] =	ssyncadd.s32 $0xFFFFE000  }
0x109: {  	[tilespmem:s3], [sflag:$0x4] =	stream.indirect.gather [spmem:s1], $0x40, s21, s29, $0xb8;
	[tilespmem:$0xF228] =	vst v63  }
0x10a: {  	_ =	swait.ge [sflag:s15], $0x2000  }
0x10b: {  	[sflag:s15] =	ssyncset.done $0x0  }
0x10c: {  	s20 =	rddreg [dreg:$0xd];
	[sflag:s15] =	ssyncadd.s32 $0xFFFFE000  }
0x10d: {  	[hbm4b:s20+s2] =	stream.linear.scatter [tilespmem:s7], [sflag:$0xC], $0x2000, $0x38;
	[tilespmem:$0xF228] =	vst v63  }
0x10e: {  	_ =	swait.ge [sflag:s16], $0x2000  }
0x10f: {  	[sflag:s16] =	ssyncset.done $0x0  }
0x110: {  	s21 =	simm.s32 $0x828;
	[sflag:s16] =	ssyncadd.s32 $0xFFFFE000  }
0x111: {  	[tilespmem:s4], [sflag:$0x5] =	stream.indirect.gather [spmem:s1], $0x40, s21, s29, $0xb8;
	[tilespmem:$0xF228] =	vst v63  }
0x112: {  	_ =	swait.ge [sflag:s6], $0x2000  }
0x113: {  	[sflag:s6] =	ssyncset.done $0x0  }
0x114: {  	s20 =	rddreg [dreg:$0xe];
	[sflag:s6] =	ssyncadd.s32 $0xFFFFE000  }
0x115: {  	[hbm4b:s20+s2] =	stream.linear.scatter [tilespmem:s30], [sflag:$0x7], $0x2000, $0x38;
	[tilespmem:$0xF228] =	vst v63  }
0x116: {  	_ =	swait.ge [sflag:s17], $0x2000  }
0x117: {  	[sflag:s17] =	ssyncset.done $0x0  }
0x118: {  	s21 =	simm.s32 $0x8A8;
	[sflag:s17] =	ssyncadd.s32 $0xFFFFE000  }
0x119: {  	[tilespmem:s7], [sflag:$0x6] =	stream.indirect.gather [spmem:s1], $0x40, s21, s29, $0xb8;
	[tilespmem:$0xF228] =	vst v63  }
0x11a: {  	_ =	swait.ge [sflag:s8], $0x2000  }
0x11b: {  	[sflag:s8] =	ssyncset.done $0x0  }
0x11c: {  	s20 =	rddreg [dreg:$0xf];
	[sflag:s8] =	ssyncadd.s32 $0xFFFFE000  }
0x11d: {  	[hbm4b:s20+s2] =	stream.linear.scatter [tilespmem:s31], [sflag:$0x8], $0x2000, $0x38;
	[tilespmem:$0xF228] =	vst v63  }
0x11e: {  	_ =	swait.ge [sflag:s26], $0x2000  }
0x11f: {  	[sflag:s26] =	ssyncset.done $0x0  }
0x120: {  	s21 =	simm.s32 $0x928;
	[sflag:s26] =	ssyncadd.s32 $0xFFFFE000  }
0x121: {  	[tilespmem:s30], [sflag:$0x1] =	stream.indirect.gather [spmem:s1], $0x40, s21, s29, $0xb8;
	[tilespmem:$0xF228] =	vst v63  }
0x122: {  	_ =	swait.ge [sflag:s9], $0x2000  }
0x123: {  	[sflag:s9] =	ssyncset.done $0x0  }
0x124: {  	s20 =	rddreg [dreg:$0x10];
	[sflag:s9] =	ssyncadd.s32 $0xFFFFE000  }
0x125: {  	[hbm4b:s20+s2] =	stream.linear.scatter [tilespmem:s0], [sflag:$0x9], $0x2000, $0x38;
	[tilespmem:$0xF228] =	vst v63  }
0x126: {  	_ =	swait.ge [sflag:s10], $0x2000  }
0x127: {  	[sflag:s10] =	ssyncset.done $0x0  }
0x128: {  	s21 =	simm.s32 $0x9A8;
	[sflag:s10] =	ssyncadd.s32 $0xFFFFE000  }
0x129: {  	[tilespmem:s31], [sflag:$0x2] =	stream.indirect.gather [spmem:s1], $0x40, s21, s29, $0xb8;
	[tilespmem:$0xF228] =	vst v63  }
0x12a: {  	_ =	swait.ge [sflag:s11], $0x2000  }
0x12b: {  	[sflag:s11] =	ssyncset.done $0x0  }
0x12c: {  	s20 =	rddreg [dreg:$0x11];
	[sflag:s11] =	ssyncadd.s32 $0xFFFFE000  }
0x12d: {  	[hbm4b:s20+s2] =	stream.linear.scatter [tilespmem:s3], [sflag:$0xA], $0x2000, $0x38;
	[tilespmem:$0xF228] =	vst v63  }
0x12e: {  	_ =	swait.ge [sflag:s12], $0x2000  }
0x12f: {  	[sflag:s12] =	ssyncset.done $0x0  }
0x130: {  	s21 =	simm.s32 $0xA28;
	[sflag:s12] =	ssyncadd.s32 $0xFFFFE000  }
0x131: {  	[tilespmem:s0], [sflag:$0x3] =	stream.indirect.gather [spmem:s1], $0x40, s21, s29, $0xb8;
	[tilespmem:$0xF228] =	vst v63  }
0x132: {  	_ =	swait.ge [sflag:s13], $0x2000  }
0x133: {  	[sflag:s13] =	ssyncset.done $0x0  }
0x134: {  	s20 =	rddreg [dreg:$0x12];
	[sflag:s13] =	ssyncadd.s32 $0xFFFFE000  }
0x135: {  	[hbm4b:s20+s2] =	stream.linear.scatter [tilespmem:s4], [sflag:$0xB], $0x2000, $0x38;
	[tilespmem:$0xF228] =	vst v63  }
0x136: {  	_ =	swait.ge [sflag:s14], $0x2000  }
0x137: {  	[sflag:s14] =	ssyncset.done $0x0  }
0x138: {  	s21 =	simm.s32 $0xAA8;
	[sflag:s14] =	ssyncadd.s32 $0xFFFFE000  }
0x139: {  	[tilespmem:s3], [sflag:$0x4] =	stream.indirect.gather [spmem:s1], $0x40, s21, s29, $0xb8;
	[tilespmem:$0xF228] =	vst v63  }
0x13a: {  	_ =	swait.ge [sflag:s15], $0x2000  }
0x13b: {  	[sflag:s15] =	ssyncset.done $0x0  }
0x13c: {  	s20 =	rddreg [dreg:$0x13];
	[sflag:s15] =	ssyncadd.s32 $0xFFFFE000  }
0x13d: {  	[hbm4b:s20+s2] =	stream.linear.scatter [tilespmem:s7], [sflag:$0xC], $0x2000, $0x38;
	[tilespmem:$0xF228] =	vst v63  }
0x13e: {  	_ =	swait.ge [sflag:s16], $0x2000  }
0x13f: {  	[sflag:s16] =	ssyncset.done $0x0  }
0x140: {  	s21 =	simm.s32 $0xB28;
	[sflag:s16] =	ssyncadd.s32 $0xFFFFE000  }
0x141: {  	[tilespmem:s4], [sflag:$0x5] =	stream.indirect.gather [spmem:s1], $0x40, s21, s29, $0xb8;
	[tilespmem:$0xF228] =	vst v63  }
0x142: {  	_ =	swait.ge [sflag:s6], $0x2000  }
0x143: {  	[sflag:s6] =	ssyncset.done $0x0  }
0x144: {  	s20 =	rddreg [dreg:$0x14];
	[sflag:s6] =	ssyncadd.s32 $0xFFFFE000  }
0x145: {  	[hbm4b:s20+s2] =	stream.linear.scatter [tilespmem:s30], [sflag:$0x7], $0x2000, $0x38;
	[tilespmem:$0xF228] =	vst v63  }
0x146: {  	_ =	swait.ge [sflag:s17], $0x2000  }
0x147: {  	[sflag:s17] =	ssyncset.done $0x0  }
0x148: {  	s21 =	simm.s32 $0xBA8;
	[sflag:s17] =	ssyncadd.s32 $0xFFFFE000  }
0x149: {  	[tilespmem:s7], [sflag:$0x6] =	stream.indirect.gather [spmem:s1], $0x40, s21, s29, $0xb8;
	[tilespmem:$0xF228] =	vst v63  }
0x14a: {  	_ =	swait.ge [sflag:s8], $0x2000  }
0x14b: {  	[sflag:s8] =	ssyncset.done $0x0  }
0x14c: {  	s20 =	rddreg [dreg:$0x15];
	[sflag:s8] =	ssyncadd.s32 $0xFFFFE000  }
0x14d: {  	[hbm4b:s20+s2] =	stream.linear.scatter [tilespmem:s31], [sflag:$0x8], $0x2000, $0x38;
	[tilespmem:$0xF228] =	vst v63  }
0x14e: {  	_ =	swait.ge [sflag:s26], $0x2000  }
0x14f: {  	[sflag:s26] =	ssyncset.done $0x0  }
0x150: {  	s21 =	simm.s32 $0xC28;
	[sflag:s26] =	ssyncadd.s32 $0xFFFFE000  }
0x151: {  	[tilespmem:s30], [sflag:$0x1] =	stream.indirect.gather [spmem:s1], $0x40, s21, s29, $0xb8;
	[tilespmem:$0xF228] =	vst v63  }
0x152: {  	_ =	swait.ge [sflag:s9], $0x2000  }
0x153: {  	[sflag:s9] =	ssyncset.done $0x0  }
0x154: {  	s20 =	rddreg [dreg:$0x16];
	[sflag:s9] =	ssyncadd.s32 $0xFFFFE000  }
0x155: {  	[hbm4b:s20+s2] =	stream.linear.scatter [tilespmem:s0], [sflag:$0x9], $0x2000, $0x38;
	[tilespmem:$0xF228] =	vst v63  }
0x156: {  	_ =	swait.ge [sflag:s10], $0x2000  }
0x157: {  	[sflag:s10] =	ssyncset.done $0x0  }
0x158: {  	s21 =	simm.s32 $0xCA8;
	[sflag:s10] =	ssyncadd.s32 $0xFFFFE000  }
0x159: {  	[tilespmem:s31], [sflag:$0x2] =	stream.indirect.gather [spmem:s1], $0x40, s21, s29, $0xb8;
	[tilespmem:$0xF228] =	vst v63  }
0x15a: {  	_ =	swait.ge [sflag:s11], $0x2000  }
0x15b: {  	[sflag:s11] =	ssyncset.done $0x0  }
0x15c: {  	s20 =	rddreg [dreg:$0x17];
	[sflag:s11] =	ssyncadd.s32 $0xFFFFE000  }
0x15d: {  	[hbm4b:s20+s2] =	stream.linear.scatter [tilespmem:s3], [sflag:$0xA], $0x2000, $0x38;
	[tilespmem:$0xF228] =	vst v63  }
0x15e: {  	_ =	swait.ge [sflag:s12], $0x2000  }
0x15f: {  	[sflag:s12] =	ssyncset.done $0x0  }
0x160: {  	s21 =	simm.s32 $0xD28;
	[sflag:s12] =	ssyncadd.s32 $0xFFFFE000  }
0x161: {  	[tilespmem:s0], [sflag:$0x3] =	stream.indirect.gather [spmem:s1], $0x40, s21, s29, $0xb8;
	[tilespmem:$0xF228] =	vst v63  }
0x162: {  	_ =	swait.ge [sflag:s13], $0x2000  }
0x163: {  	[sflag:s13] =	ssyncset.done $0x0  }
0x164: {  	s20 =	rddreg [dreg:$0x18];
	[sflag:s13] =	ssyncadd.s32 $0xFFFFE000  }
0x165: {  	[hbm4b:s20+s2] =	stream.linear.scatter [tilespmem:s4], [sflag:$0xB], $0x2000, $0x38;
	[tilespmem:$0xF228] =	vst v63  }
0x166: {  	_ =	swait.ge [sflag:s14], $0x2000  }
0x167: {  	[sflag:s14] =	ssyncset.done $0x0  }
0x168: {  	s21 =	simm.s32 $0xDA8;
	[sflag:s14] =	ssyncadd.s32 $0xFFFFE000  }
0x169: {  	[tilespmem:s3], [sflag:$0x4] =	stream.indirect.gather [spmem:s1], $0x40, s21, s29, $0xb8;
	[tilespmem:$0xF228] =	vst v63  }
0x16a: {  	_ =	swait.ge [sflag:s15], $0x2000  }
0x16b: {  	[sflag:s15] =	ssyncset.done $0x0  }
0x16c: {  	s20 =	rddreg [dreg:$0x19];
	[sflag:s15] =	ssyncadd.s32 $0xFFFFE000  }
0x16d: {  	[hbm4b:s20+s2] =	stream.linear.scatter [tilespmem:s7], [sflag:$0xC], $0x2000, $0x38;
	[tilespmem:$0xF228] =	vst v63  }
0x16e: {  	_ =	swait.ge [sflag:s16], $0x2000  }
0x16f: {  	[sflag:s16] =	ssyncset.done $0x0  }
0x170: {  	s21 =	simm.s32 $0xE28;
	[sflag:s16] =	ssyncadd.s32 $0xFFFFE000  }
0x171: {  	[tilespmem:s4], [sflag:$0x5] =	stream.indirect.gather [spmem:s1], $0x40, s21, s29, $0xb8;
	[tilespmem:$0xF228] =	vst v63  }
0x172: {  	_ =	swait.ge [sflag:s6], $0x2000  }
0x173: {  	[sflag:s6] =	ssyncset.done $0x0  }
0x174: {  	s20 =	rddreg [dreg:$0x1a];
	[sflag:s6] =	ssyncadd.s32 $0xFFFFE000  }
0x175: {  	[hbm4b:s20+s2] =	stream.linear.scatter [tilespmem:s30], [sflag:$0x7], $0x2000, $0x38;
	[tilespmem:$0xF228] =	vst v63  }
0x176: {  	_ =	swait.ge [sflag:s17], $0x2000  }
0x177: {  	[sflag:s17] =	ssyncset.done $0x0  }
0x178: {  	s21 =	simm.s32 $0xEA8;
	[sflag:s17] =	ssyncadd.s32 $0xFFFFE000  }
0x179: {  	[tilespmem:s7], [sflag:$0x6] =	stream.indirect.gather [spmem:s1], $0x40, s21, s29, $0xb8;
	[tilespmem:$0xF228] =	vst v63  }
0x17a: {  	_ =	swait.ge [sflag:s8], $0x2000  }
0x17b: {  	[sflag:s8] =	ssyncset.done $0x0  }
0x17c: {  	s20 =	rddreg [dreg:$0x1b];
	[sflag:s8] =	ssyncadd.s32 $0xFFFFE000  }
0x17d: {  	[hbm4b:s20+s2] =	stream.linear.scatter [tilespmem:s31], [sflag:$0x8], $0x2000, $0x38;
	[tilespmem:$0xF228] =	vst v63  }
0x17e: {  	_ =	swait.ge [sflag:s26], $0x2000  }
0x17f: {  	[sflag:s26] =	ssyncset.done $0x0  }
0x180: {  	s21 =	simm.s32 $0xF28;
	[sflag:s26] =	ssyncadd.s32 $0xFFFFE000  }
0x181: {  	[tilespmem:s30], [sflag:$0x1] =	stream.indirect.gather [spmem:s1], $0x40, s21, s29, $0xb8;
	[tilespmem:$0xF228] =	vst v63  }
0x182: {  	_ =	swait.ge [sflag:s9], $0x2000  }
0x183: {  	[sflag:s9] =	ssyncset.done $0x0  }
0x184: {  	s20 =	rddreg [dreg:$0x1c];
	[sflag:s9] =	ssyncadd.s32 $0xFFFFE000  }
0x185: {  	[hbm4b:s20+s2] =	stream.linear.scatter [tilespmem:s0], [sflag:$0x9], $0x2000, $0x38;
	[tilespmem:$0xF228] =	vst v63  }
0x186: {  	_ =	swait.ge [sflag:s10], $0x2000  }
0x187: {  	[sflag:s10] =	ssyncset.done $0x0  }
0x188: {  	s21 =	simm.s32 $0xFA8;
	[sflag:s10] =	ssyncadd.s32 $0xFFFFE000  }
0x189: {  	[tilespmem:s31], [sflag:$0x2] =	stream.indirect.gather [spmem:s1], $0x40, s21, s29, $0xb8;
	[tilespmem:$0xF228] =	vst v63  }
0x18a: {  	_ =	swait.ge [sflag:s11], $0x2000  }
0x18b: {  	[sflag:s11] =	ssyncset.done $0x0  }
0x18c: {  	s20 =	rddreg [dreg:$0x1d];
	[sflag:s11] =	ssyncadd.s32 $0xFFFFE000  }
0x18d: {  	[hbm4b:s20+s2] =	stream.linear.scatter [tilespmem:s3], [sflag:$0xA], $0x2000, $0x38;
	[tilespmem:$0xF228] =	vst v63  }
0x18e: {  	_ =	swait.ge [sflag:s12], $0x2000  }
0x18f: {  	[sflag:s12] =	ssyncset.done $0x0  }
0x190: {  	s21 =	simm.s32 $0x1028;
	[sflag:s12] =	ssyncadd.s32 $0xFFFFE000  }
0x191: {  	[tilespmem:s0], [sflag:$0x3] =	stream.indirect.gather [spmem:s1], $0x40, s21, s29, $0xb8;
	[tilespmem:$0xF228] =	vst v63  }
0x192: {  	_ =	swait.ge [sflag:s13], $0x2000  }
0x193: {  	[sflag:s13] =	ssyncset.done $0x0  }
0x194: {  	[sflag:s13] =	ssyncadd.s32 $0xFFFFE000  }
0x195: {  	s20 =	rddreg [dreg:$0x1e]  }
0x196: {  	[hbm4b:s20+s2] =	stream.linear.scatter [tilespmem:s4], [sflag:$0xB], $0x2000, $0x38;
	[tilespmem:$0xF228] =	vst v63  }
0x197: {  	_ =	swait.ge [sflag:s14], $0x2000  }
0x198: {  	[sflag:s14] =	ssyncset.done $0x0  }
0x199: {  	s21 =	simm.s32 $0x10A8;
	[sflag:s14] =	ssyncadd.s32 $0xFFFFE000  }
0x19a: {  	[tilespmem:s3], [sflag:$0x4] =	stream.indirect.gather [spmem:s1], $0x40, s21, s29, $0xb8;
	[tilespmem:$0xF228] =	vst v63  }
0x19b: {  	_ =	swait.ge [sflag:s15], $0x2000  }
0x19c: {  	[sflag:s15] =	ssyncset.done $0x0  }
0x19d: {  	s20 =	rddreg [dreg:$0x1f];
	[sflag:s15] =	ssyncadd.s32 $0xFFFFE000  }
0x19e: {  	[hbm4b:s20+s2] =	stream.linear.scatter [tilespmem:s7], [sflag:$0xC], $0x2000, $0x38;
	[tilespmem:$0xF228] =	vst v63  }
0x19f: {  	_ =	swait.ge [sflag:s16], $0x2000  }
0x1a0: {  	[sflag:s16] =	ssyncset.done $0x0  }
0x1a1: {  	s21 =	simm.s32 $0x1128;
	[sflag:s16] =	ssyncadd.s32 $0xFFFFE000  }
0x1a2: {  	[tilespmem:s4], [sflag:$0x5] =	stream.indirect.gather [spmem:s1], $0x40, s21, s29, $0xb8;
	[tilespmem:$0xF228] =	vst v63  }
0x1a3: {  	_ =	swait.ge [sflag:s6], $0x2000  }
0x1a4: {  	s20 =	sld [smem:$0x7B6]  }
0x1a5: {  	[sflag:s6] =	ssyncset.done $0x0  }
0x1a6: {  	[sflag:s6] =	ssyncadd.s32 $0xFFFFE000  }
0x1a7: {  	[hbm4b:s20+s2] =	stream.linear.scatter [tilespmem:s30], [sflag:$0x7], $0x2000, $0x38;
	[tilespmem:$0xF228] =	vst v63  }
0x1a8: {  	_ =	swait.ge [sflag:s17], $0x2000  }
0x1a9: {  	[sflag:s17] =	ssyncset.done $0x0  }
0x1aa: {  	s21 =	simm.s32 $0x11A8;
	[sflag:s17] =	ssyncadd.s32 $0xFFFFE000  }
0x1ab: {  	[tilespmem:s7], [sflag:$0x6] =	stream.indirect.gather [spmem:s1], $0x40, s21, s29, $0xb8;
	[tilespmem:$0xF228] =	vst v63  }
0x1ac: {  	_ =	swait.ge [sflag:s8], $0x2000  }
0x1ad: {  	s20 =	sld [smem:$0x7B7]  }
0x1ae: {  	[sflag:s8] =	ssyncset.done $0x0  }
0x1af: {  	[sflag:s8] =	ssyncadd.s32 $0xFFFFE000  }
0x1b0: {  	[hbm4b:s20+s2] =	stream.linear.scatter [tilespmem:s31], [sflag:$0x8], $0x2000, $0x38;
	[tilespmem:$0xF228] =	vst v63  }
0x1b1: {  	_ =	swait.ge [sflag:s26], $0x2000  }
0x1b2: {  	[sflag:s26] =	ssyncset.done $0x0  }
0x1b3: {  	s21 =	simm.s32 $0x1228;
	[sflag:s26] =	ssyncadd.s32 $0xFFFFE000  }
0x1b4: {  	[tilespmem:s30], [sflag:$0x1] =	stream.indirect.gather [spmem:s1], $0x40, s21, s29, $0xb8;
	[tilespmem:$0xF228] =	vst v63  }
0x1b5: {  	_ =	swait.ge [sflag:s9], $0x2000  }
0x1b6: {  	s20 =	sld [smem:$0x7B8]  }
0x1b7: {  	[sflag:s9] =	ssyncset.done $0x0  }
0x1b8: {  	[sflag:s9] =	ssyncadd.s32 $0xFFFFE000  }
0x1b9: {  	[hbm4b:s20+s2] =	stream.linear.scatter [tilespmem:s0], [sflag:$0x9], $0x2000, $0x38;
	[tilespmem:$0xF228] =	vst v63  }
0x1ba: {  	_ =	swait.ge [sflag:s10], $0x2000  }
0x1bb: {  	[sflag:s10] =	ssyncset.done $0x0  }
0x1bc: {  	s21 =	simm.s32 $0x12A8;
	[sflag:s10] =	ssyncadd.s32 $0xFFFFE000  }
0x1bd: {  	[tilespmem:s31], [sflag:$0x2] =	stream.indirect.gather [spmem:s1], $0x40, s21, s29, $0xb8;
	[tilespmem:$0xF228] =	vst v63  }
0x1be: {  	_ =	swait.ge [sflag:s11], $0x2000  }
0x1bf: {  	s20 =	sld [smem:$0x7B9]  }
0x1c0: {  	[sflag:s11] =	ssyncset.done $0x0  }
0x1c1: {  	[sflag:s11] =	ssyncadd.s32 $0xFFFFE000  }
0x1c2: {  	[hbm4b:s20+s2] =	stream.linear.scatter [tilespmem:s3], [sflag:$0xA], $0x2000, $0x38;
	[tilespmem:$0xF228] =	vst v63  }
0x1c3: {  	_ =	swait.ge [sflag:s12], $0x2000  }
0x1c4: {  	[sflag:s12] =	ssyncset.done $0x0  }
0x1c5: {  	s21 =	simm.s32 $0x1328;
	[sflag:s12] =	ssyncadd.s32 $0xFFFFE000  }
0x1c6: {  	[tilespmem:s0], [sflag:$0x3] =	stream.indirect.gather [spmem:s1], $0x40, s21, s29, $0xb8;
	[tilespmem:$0xF228] =	vst v63  }
0x1c7: {  	_ =	swait.ge [sflag:s13], $0x2000  }
0x1c8: {  	s20 =	sld [smem:$0x7BA]  }
0x1c9: {  	[sflag:s13] =	ssyncset.done $0x0  }
0x1ca: {  	[sflag:s13] =	ssyncadd.s32 $0xFFFFE000  }
0x1cb: {  	[hbm4b:s20+s2] =	stream.linear.scatter [tilespmem:s4], [sflag:$0xB], $0x2000, $0x38;
	[tilespmem:$0xF228] =	vst v63  }
0x1cc: {  	_ =	swait.ge [sflag:s14], $0x2000  }
0x1cd: {  	[sflag:s14] =	ssyncset.done $0x0  }
0x1ce: {  	s21 =	simm.s32 $0x13A8;
	[sflag:s14] =	ssyncadd.s32 $0xFFFFE000  }
0x1cf: {  	[tilespmem:s3], [sflag:$0x4] =	stream.indirect.gather [spmem:s1], $0x40, s21, s29, $0xb8;
	[tilespmem:$0xF228] =	vst v63  }
0x1d0: {  	_ =	swait.ge [sflag:s15], $0x2000  }
0x1d1: {  	s20 =	sld [smem:$0x7BB]  }
0x1d2: {  	[sflag:s15] =	ssyncset.done $0x0  }
0x1d3: {  	[sflag:s15] =	ssyncadd.s32 $0xFFFFE000  }
0x1d4: {  	[hbm4b:s20+s2] =	stream.linear.scatter [tilespmem:s7], [sflag:$0xC], $0x2000, $0x38;
	[tilespmem:$0xF228] =	vst v63  }
0x1d5: {  	_ =	swait.ge [sflag:s16], $0x2000  }
0x1d6: {  	[sflag:s16] =	ssyncset.done $0x0  }
0x1d7: {  	s21 =	simm.s32 $0x1428;
	[sflag:s16] =	ssyncadd.s32 $0xFFFFE000  }
0x1d8: {  	[tilespmem:s4], [sflag:$0x5] =	stream.indirect.gather [spmem:s1], $0x40, s21, s29, $0xb8;
	[tilespmem:$0xF228] =	vst v63  }
0x1d9: {  	_ =	swait.ge [sflag:s6], $0x2000  }
0x1da: {  	s20 =	sld [smem:$0x7BC]  }
0x1db: {  	[sflag:s6] =	ssyncset.done $0x0  }
0x1dc: {  	[sflag:s6] =	ssyncadd.s32 $0xFFFFE000  }
0x1dd: {  	[hbm4b:s20+s2] =	stream.linear.scatter [tilespmem:s30], [sflag:$0x7], $0x2000, $0x38;
	[tilespmem:$0xF228] =	vst v63  }
0x1de: {  	_ =	swait.ge [sflag:s17], $0x2000  }
0x1df: {  	[sflag:s17] =	ssyncset.done $0x0  }
0x1e0: {  	s21 =	simm.s32 $0x14A8;
	[sflag:s17] =	ssyncadd.s32 $0xFFFFE000  }
0x1e1: {  	[tilespmem:s7], [sflag:$0x6] =	stream.indirect.gather [spmem:s1], $0x40, s21, s29, $0xb8;
	[tilespmem:$0xF228] =	vst v63  }
0x1e2: {  	_ =	swait.ge [sflag:s8], $0x2000  }
0x1e3: {  	s20 =	sld [smem:$0x7BD]  }
0x1e4: {  	[sflag:s8] =	ssyncset.done $0x0  }
0x1e5: {  	[sflag:s8] =	ssyncadd.s32 $0xFFFFE000  }
0x1e6: {  	[hbm4b:s20+s2] =	stream.linear.scatter [tilespmem:s31], [sflag:$0x8], $0x2000, $0x38;
	[tilespmem:$0xF228] =	vst v63  }
0x1e7: {  	_ =	swait.ge [sflag:s26], $0x2000  }
0x1e8: {  	[sflag:s26] =	ssyncset.done $0x0  }
0x1e9: {  	s21 =	simm.s32 $0x1528;
	[sflag:s26] =	ssyncadd.s32 $0xFFFFE000  }
0x1ea: {  	[tilespmem:s30], [sflag:$0x1] =	stream.indirect.gather [spmem:s1], $0x40, s21, s29, $0xb8;
	[tilespmem:$0xF228] =	vst v63  }
0x1eb: {  	_ =	swait.ge [sflag:s9], $0x2000  }
0x1ec: {  	s20 =	sld [smem:$0x7BE]  }
0x1ed: {  	[sflag:s9] =	ssyncset.done $0x0  }
0x1ee: {  	[sflag:s9] =	ssyncadd.s32 $0xFFFFE000  }
0x1ef: {  	[hbm4b:s20+s2] =	stream.linear.scatter [tilespmem:s0], [sflag:$0x9], $0x2000, $0x38;
	[tilespmem:$0xF228] =	vst v63  }
0x1f0: {  	_ =	swait.ge [sflag:s10], $0x2000  }
0x1f1: {  	[sflag:s10] =	ssyncset.done $0x0  }
0x1f2: {  	s21 =	simm.s32 $0x15A8;
	[sflag:s10] =	ssyncadd.s32 $0xFFFFE000  }
0x1f3: {  	[tilespmem:s31], [sflag:$0x2] =	stream.indirect.gather [spmem:s1], $0x40, s21, s29, $0xb8;
	[tilespmem:$0xF228] =	vst v63  }
0x1f4: {  	_ =	swait.ge [sflag:s11], $0x2000  }
0x1f5: {  	s20 =	sld [smem:$0x7BF]  }
0x1f6: {  	[sflag:s11] =	ssyncset.done $0x0  }
0x1f7: {  	[sflag:s11] =	ssyncadd.s32 $0xFFFFE000  }
0x1f8: {  	[hbm4b:s20+s2] =	stream.linear.scatter [tilespmem:s3], [sflag:$0xA], $0x2000, $0x38;
	[tilespmem:$0xF228] =	vst v63  }
0x1f9: {  	_ =	swait.ge [sflag:s12], $0x2000  }
0x1fa: {  	[sflag:s12] =	ssyncset.done $0x0  }
0x1fb: {  	s21 =	simm.s32 $0x1628;
	[sflag:s12] =	ssyncadd.s32 $0xFFFFE000  }
0x1fc: {  	[tilespmem:s0], [sflag:$0x3] =	stream.indirect.gather [spmem:s1], $0x40, s21, s29, $0xb8;
	[tilespmem:$0xF228] =	vst v63  }
0x1fd: {  	_ =	swait.ge [sflag:s13], $0x2000  }
0x1fe: {  	s20 =	sld [smem:$0x7C0]  }
0x1ff: {  	[sflag:s13] =	ssyncset.done $0x0  }
0x200: {  	[sflag:s13] =	ssyncadd.s32 $0xFFFFE000  }
0x201: {  	[hbm4b:s20+s2] =	stream.linear.scatter [tilespmem:s4], [sflag:$0xB], $0x2000, $0x38;
	[tilespmem:$0xF228] =	vst v63  }
0x202: {  	_ =	swait.ge [sflag:s14], $0x2000  }
0x203: {  	[sflag:s14] =	ssyncset.done $0x0  }
0x204: {  	s21 =	simm.s32 $0x16A8;
	[sflag:s14] =	ssyncadd.s32 $0xFFFFE000  }
0x205: {  	[tilespmem:s3], [sflag:$0x4] =	stream.indirect.gather [spmem:s1], $0x40, s21, s29, $0xb8;
	[tilespmem:$0xF228] =	vst v63  }
0x206: {  	_ =	swait.ge [sflag:s15], $0x2000  }
0x207: {  	s20 =	sld [smem:$0x7C1]  }
0x208: {  	[sflag:s15] =	ssyncset.done $0x0  }
0x209: {  	[sflag:s15] =	ssyncadd.s32 $0xFFFFE000  }
0x20a: {  	[hbm4b:s20+s2] =	stream.linear.scatter [tilespmem:s7], [sflag:$0xC], $0x2000, $0x38;
	[tilespmem:$0xF228] =	vst v63  }
0x20b: {  	_ =	swait.ge [sflag:s16], $0x2000  }
0x20c: {  	[sflag:s16] =	ssyncset.done $0x0  }
0x20d: {  	s21 =	simm.s32 $0x1728;
	[sflag:s16] =	ssyncadd.s32 $0xFFFFE000  }
0x20e: {  	[tilespmem:s4], [sflag:$0x5] =	stream.indirect.gather [spmem:s1], $0x40, s21, s29, $0xb8;
	[tilespmem:$0xF228] =	vst v63  }
0x20f: {  	_ =	swait.ge [sflag:s6], $0x2000  }
0x210: {  	s20 =	sld [smem:$0x7C2]  }
0x211: {  	[sflag:s6] =	ssyncset.done $0x0  }
0x212: {  	[sflag:s6] =	ssyncadd.s32 $0xFFFFE000  }
0x213: {  	[hbm4b:s20+s2] =	stream.linear.scatter [tilespmem:s30], [sflag:$0x7], $0x2000, $0x38;
	[tilespmem:$0xF228] =	vst v63  }
0x214: {  	_ =	swait.ge [sflag:s17], $0x2000  }
0x215: {  	[sflag:s17] =	ssyncset.done $0x0  }
0x216: {  	s21 =	simm.s32 $0x17A8;
	[sflag:s17] =	ssyncadd.s32 $0xFFFFE000  }
0x217: {  	[tilespmem:s7], [sflag:$0x6] =	stream.indirect.gather [spmem:s1], $0x40, s21, s29, $0xb8;
	[tilespmem:$0xF228] =	vst v63  }
0x218: {  	_ =	swait.ge [sflag:s8], $0x2000  }
0x219: {  	s20 =	sld [smem:$0x7C3]  }
0x21a: {  	[sflag:s8] =	ssyncset.done $0x0  }
0x21b: {  	[sflag:s8] =	ssyncadd.s32 $0xFFFFE000  }
0x21c: {  	[hbm4b:s20+s2] =	stream.linear.scatter [tilespmem:s31], [sflag:$0x8], $0x2000, $0x38;
	[tilespmem:$0xF228] =	vst v63  }
0x21d: {  	_ =	swait.ge [sflag:s26], $0x2000  }
0x21e: {  	[sflag:s26] =	ssyncset.done $0x0  }
0x21f: {  	s21 =	simm.s32 $0x1828;
	[sflag:s26] =	ssyncadd.s32 $0xFFFFE000  }
0x220: {  	[tilespmem:s30], [sflag:$0x1] =	stream.indirect.gather [spmem:s1], $0x40, s21, s29, $0xb8;
	[tilespmem:$0xF228] =	vst v63  }
0x221: {  	_ =	swait.ge [sflag:s9], $0x2000  }
0x222: {  	s20 =	sld [smem:$0x7C4]  }
0x223: {  	[sflag:s9] =	ssyncset.done $0x0  }
0x224: {  	[sflag:s9] =	ssyncadd.s32 $0xFFFFE000  }
0x225: {  	[hbm4b:s20+s2] =	stream.linear.scatter [tilespmem:s0], [sflag:$0x9], $0x2000, $0x38;
	[tilespmem:$0xF228] =	vst v63  }
0x226: {  	_ =	swait.ge [sflag:s10], $0x2000  }
0x227: {  	[sflag:s10] =	ssyncset.done $0x0  }
0x228: {  	s21 =	simm.s32 $0x18A8;
	[sflag:s10] =	ssyncadd.s32 $0xFFFFE000  }
0x229: {  	[tilespmem:s31], [sflag:$0x2] =	stream.indirect.gather [spmem:s1], $0x40, s21, s29, $0xb8;
	[tilespmem:$0xF228] =	vst v63  }
0x22a: {  	_ =	swait.ge [sflag:s11], $0x2000  }
0x22b: {  	s20 =	sld [smem:$0x7C5]  }
0x22c: {  	[sflag:s11] =	ssyncset.done $0x0  }
0x22d: {  	[sflag:s11] =	ssyncadd.s32 $0xFFFFE000  }
0x22e: {  	[hbm4b:s20+s2] =	stream.linear.scatter [tilespmem:s3], [sflag:$0xA], $0x2000, $0x38;
	[tilespmem:$0xF228] =	vst v63  }
0x22f: {  	_ =	swait.ge [sflag:s12], $0x2000  }
0x230: {  	[sflag:s12] =	ssyncset.done $0x0  }
0x231: {  	s21 =	simm.s32 $0x1928;
	[sflag:s12] =	ssyncadd.s32 $0xFFFFE000  }
0x232: {  	[tilespmem:s0], [sflag:$0x3] =	stream.indirect.gather [spmem:s1], $0x40, s21, s29, $0xb8;
	[tilespmem:$0xF228] =	vst v63  }
0x233: {  	_ =	swait.ge [sflag:s13], $0x2000  }
0x234: {  	s20 =	sld [smem:$0x7C6]  }
0x235: {  	[sflag:s13] =	ssyncset.done $0x0  }
0x236: {  	[sflag:s13] =	ssyncadd.s32 $0xFFFFE000  }
0x237: {  	[hbm4b:s20+s2] =	stream.linear.scatter [tilespmem:s4], [sflag:$0xB], $0x2000, $0x38;
	[tilespmem:$0xF228] =	vst v63  }
0x238: {  	_ =	swait.ge [sflag:s14], $0x2000  }
0x239: {  	[sflag:s14] =	ssyncset.done $0x0  }
0x23a: {  	s21 =	simm.s32 $0x19A8;
	[sflag:s14] =	ssyncadd.s32 $0xFFFFE000  }
0x23b: {  	[tilespmem:s3], [sflag:$0x4] =	stream.indirect.gather [spmem:s1], $0x40, s21, s29, $0xb8;
	[tilespmem:$0xF228] =	vst v63  }
0x23c: {  	_ =	swait.ge [sflag:s15], $0x2000  }
0x23d: {  	s20 =	sld [smem:$0x7C7]  }
0x23e: {  	[sflag:s15] =	ssyncset.done $0x0  }
0x23f: {  	[sflag:s15] =	ssyncadd.s32 $0xFFFFE000  }
0x240: {  	[hbm4b:s20+s2] =	stream.linear.scatter [tilespmem:s7], [sflag:$0xC], $0x2000, $0x38;
	[tilespmem:$0xF228] =	vst v63  }
0x241: {  	_ =	swait.ge [sflag:s16], $0x2000  }
0x242: {  	[sflag:s16] =	ssyncset.done $0x0  }
0x243: {  	s21 =	simm.s32 $0x1A28;
	[sflag:s16] =	ssyncadd.s32 $0xFFFFE000  }
0x244: {  	[tilespmem:s4], [sflag:$0x5] =	stream.indirect.gather [spmem:s1], $0x40, s21, s29, $0xb8;
	[tilespmem:$0xF228] =	vst v63  }
0x245: {  	_ =	swait.ge [sflag:s6], $0x2000  }
0x246: {  	s20 =	sld [smem:$0x7C8]  }
0x247: {  	[sflag:s6] =	ssyncset.done $0x0  }
0x248: {  	[sflag:s6] =	ssyncadd.s32 $0xFFFFE000  }
0x249: {  	[hbm4b:s20+s2] =	stream.linear.scatter [tilespmem:s30], [sflag:$0x7], $0x2000, $0x38;
	[tilespmem:$0xF228] =	vst v63  }
0x24a: {  	_ =	swait.ge [sflag:s17], $0x2000  }
0x24b: {  	[sflag:s17] =	ssyncset.done $0x0  }
0x24c: {  	s21 =	simm.s32 $0x1AA8;
	[sflag:s17] =	ssyncadd.s32 $0xFFFFE000  }
0x24d: {  	[tilespmem:s7], [sflag:$0x6] =	stream.indirect.gather [spmem:s1], $0x40, s21, s29, $0xb8;
	[tilespmem:$0xF228] =	vst v63  }
0x24e: {  	_ =	swait.ge [sflag:s8], $0x2000  }
0x24f: {  	s20 =	sld [smem:$0x7C9]  }
0x250: {  	[sflag:s8] =	ssyncset.done $0x0  }
0x251: {  	[sflag:s8] =	ssyncadd.s32 $0xFFFFE000  }
0x252: {  	[hbm4b:s20+s2] =	stream.linear.scatter [tilespmem:s31], [sflag:$0x8], $0x2000, $0x38;
	[tilespmem:$0xF228] =	vst v63  }
0x253: {  	_ =	swait.ge [sflag:s26], $0x2000  }
0x254: {  	[sflag:s26] =	ssyncset.done $0x0  }
0x255: {  	s21 =	simm.s32 $0x1B28;
	[sflag:s26] =	ssyncadd.s32 $0xFFFFE000  }
0x256: {  	[tilespmem:s30], [sflag:$0x1] =	stream.indirect.gather [spmem:s1], $0x40, s21, s29, $0xb8;
	[tilespmem:$0xF228] =	vst v63  }
0x257: {  	_ =	swait.ge [sflag:s9], $0x2000  }
0x258: {  	s20 =	sld [smem:$0x7CA]  }
0x259: {  	[sflag:s9] =	ssyncset.done $0x0  }
0x25a: {  	[sflag:s9] =	ssyncadd.s32 $0xFFFFE000  }
0x25b: {  	[hbm4b:s20+s2] =	stream.linear.scatter [tilespmem:s0], [sflag:$0x9], $0x2000, $0x38;
	[tilespmem:$0xF228] =	vst v63  }
0x25c: {  	_ =	swait.ge [sflag:s10], $0x2000  }
0x25d: {  	[sflag:s10] =	ssyncset.done $0x0  }
0x25e: {  	s21 =	simm.s32 $0x1BA8;
	[sflag:s10] =	ssyncadd.s32 $0xFFFFE000  }
0x25f: {  	[tilespmem:s31], [sflag:$0x2] =	stream.indirect.gather [spmem:s1], $0x40, s21, s29, $0xb8;
	[tilespmem:$0xF228] =	vst v63  }
0x260: {  	_ =	swait.ge [sflag:s11], $0x2000  }
0x261: {  	s20 =	sld [smem:$0x7CB]  }
0x262: {  	[sflag:s11] =	ssyncset.done $0x0  }
0x263: {  	[sflag:s11] =	ssyncadd.s32 $0xFFFFE000  }
0x264: {  	[hbm4b:s20+s2] =	stream.linear.scatter [tilespmem:s3], [sflag:$0xA], $0x2000, $0x38;
	[tilespmem:$0xF228] =	vst v63  }
0x265: {  	_ =	swait.ge [sflag:s12], $0x2000  }
0x266: {  	[sflag:s12] =	ssyncset.done $0x0  }
0x267: {  	s21 =	simm.s32 $0x1C28;
	[sflag:s12] =	ssyncadd.s32 $0xFFFFE000  }
0x268: {  	[tilespmem:s0], [sflag:$0x3] =	stream.indirect.gather [spmem:s1], $0x40, s21, s29, $0xb8;
	[tilespmem:$0xF228] =	vst v63  }
0x269: {  	_ =	swait.ge [sflag:s13], $0x2000  }
0x26a: {  	s20 =	sld [smem:$0x7CC]  }
0x26b: {  	[sflag:s13] =	ssyncset.done $0x0  }
0x26c: {  	[sflag:s13] =	ssyncadd.s32 $0xFFFFE000  }
0x26d: {  	[hbm4b:s20+s2] =	stream.linear.scatter [tilespmem:s4], [sflag:$0xB], $0x2000, $0x38;
	[tilespmem:$0xF228] =	vst v63  }
0x26e: {  	_ =	swait.ge [sflag:s14], $0x2000  }
0x26f: {  	[sflag:s14] =	ssyncset.done $0x0  }
0x270: {  	s21 =	simm.s32 $0x1CA8;
	[sflag:s14] =	ssyncadd.s32 $0xFFFFE000  }
0x271: {  	[tilespmem:s3], [sflag:$0x4] =	stream.indirect.gather [spmem:s1], $0x40, s21, s29, $0xb8;
	[tilespmem:$0xF228] =	vst v63  }
0x272: {  	_ =	swait.ge [sflag:s15], $0x2000  }
0x273: {  	s20 =	sld [smem:$0x7CD]  }
0x274: {  	[sflag:s15] =	ssyncset.done $0x0  }
0x275: {  	[sflag:s15] =	ssyncadd.s32 $0xFFFFE000  }
0x276: {  	[hbm4b:s20+s2] =	stream.linear.scatter [tilespmem:s7], [sflag:$0xC], $0x2000, $0x38;
	[tilespmem:$0xF228] =	vst v63  }
0x277: {  	_ =	swait.ge [sflag:s16], $0x2000  }
0x278: {  	[sflag:s16] =	ssyncset.done $0x0  }
0x279: {  	s21 =	simm.s32 $0x1D28;
	[sflag:s16] =	ssyncadd.s32 $0xFFFFE000  }
0x27a: {  	[tilespmem:s4], [sflag:$0x5] =	stream.indirect.gather [spmem:s1], $0x40, s21, s29, $0xb8;
	[tilespmem:$0xF228] =	vst v63  }
0x27b: {  	_ =	swait.ge [sflag:s6], $0x2000  }
0x27c: {  	s20 =	sld [smem:$0x7CE]  }
0x27d: {  	[sflag:s6] =	ssyncset.done $0x0  }
0x27e: {  	[sflag:s6] =	ssyncadd.s32 $0xFFFFE000  }
0x27f: {  	[hbm4b:s20+s2] =	stream.linear.scatter [tilespmem:s30], [sflag:$0x7], $0x2000, $0x38;
	[tilespmem:$0xF228] =	vst v63  }
0x280: {  	_ =	swait.ge [sflag:s17], $0x2000  }
0x281: {  	[sflag:s17] =	ssyncset.done $0x0  }
0x282: {  	s21 =	simm.s32 $0x1DA8;
	[sflag:s17] =	ssyncadd.s32 $0xFFFFE000  }
0x283: {  	[tilespmem:s7], [sflag:$0x6] =	stream.indirect.gather [spmem:s1], $0x40, s21, s29, $0xb8;
	[tilespmem:$0xF228] =	vst v63  }
0x284: {  	_ =	swait.ge [sflag:s8], $0x2000  }
0x285: {  	s20 =	sld [smem:$0x7CF]  }
0x286: {  	[sflag:s8] =	ssyncset.done $0x0  }
0x287: {  	[sflag:s8] =	ssyncadd.s32 $0xFFFFE000  }
0x288: {  	[hbm4b:s20+s2] =	stream.linear.scatter [tilespmem:s31], [sflag:$0x8], $0x2000, $0x38;
	[tilespmem:$0xF228] =	vst v63  }
0x289: {  	_ =	swait.ge [sflag:s26], $0x2000  }
0x28a: {  	[sflag:s26] =	ssyncset.done $0x0  }
0x28b: {  	s21 =	simm.s32 $0x1E28;
	[sflag:s26] =	ssyncadd.s32 $0xFFFFE000  }
0x28c: {  	[tilespmem:s30], [sflag:$0x1] =	stream.indirect.gather [spmem:s1], $0x40, s21, s29, $0xb8;
	[tilespmem:$0xF228] =	vst v63  }
0x28d: {  	_ =	swait.ge [sflag:s9], $0x2000  }
0x28e: {  	s20 =	sld [smem:$0x7D0]  }
0x28f: {  	[sflag:s9] =	ssyncset.done $0x0  }
0x290: {  	[sflag:s9] =	ssyncadd.s32 $0xFFFFE000  }
0x291: {  	[hbm4b:s20+s2] =	stream.linear.scatter [tilespmem:s0], [sflag:$0x9], $0x2000, $0x38;
	[tilespmem:$0xF228] =	vst v63  }
0x292: {  	_ =	swait.ge [sflag:s10], $0x2000  }
0x293: {  	[sflag:s10] =	ssyncset.done $0x0  }
0x294: {  	s21 =	simm.s32 $0x1EA8;
	[sflag:s10] =	ssyncadd.s32 $0xFFFFE000  }
0x295: {  	[tilespmem:s31], [sflag:$0x2] =	stream.indirect.gather [spmem:s1], $0x40, s21, s29, $0xb8;
	[tilespmem:$0xF228] =	vst v63  }
0x296: {  	_ =	swait.ge [sflag:s11], $0x2000  }
0x297: {  	s20 =	sld [smem:$0x7D1]  }
0x298: {  	[sflag:s11] =	ssyncset.done $0x0  }
0x299: {  	[sflag:s11] =	ssyncadd.s32 $0xFFFFE000  }
0x29a: {  	[hbm4b:s20+s2] =	stream.linear.scatter [tilespmem:s3], [sflag:$0xA], $0x2000, $0x38;
	[tilespmem:$0xF228] =	vst v63  }
0x29b: {  	_ =	swait.ge [sflag:s12], $0x2000  }
0x29c: {  	[sflag:s12] =	ssyncset.done $0x0  }
0x29d: {  	s21 =	simm.s32 $0x1F28;
	[sflag:s12] =	ssyncadd.s32 $0xFFFFE000  }
0x29e: {  	[tilespmem:s0], [sflag:$0x3] =	stream.indirect.gather [spmem:s1], $0x40, s21, s29, $0xb8;
	[tilespmem:$0xF228] =	vst v63  }
0x29f: {  	_ =	swait.ge [sflag:s13], $0x2000  }
0x2a0: {  	s20 =	sld [smem:$0x7D2]  }
0x2a1: {  	[sflag:s13] =	ssyncset.done $0x0  }
0x2a2: {  	[sflag:s13] =	ssyncadd.s32 $0xFFFFE000  }
0x2a3: {  	[hbm4b:s20+s2] =	stream.linear.scatter [tilespmem:s4], [sflag:$0xB], $0x2000, $0x38;
	[tilespmem:$0xF228] =	vst v63  }
0x2a4: {  	_ =	swait.ge [sflag:s14], $0x2000  }
0x2a5: {  	[sflag:s14] =	ssyncset.done $0x0  }
0x2a6: {  	s21 =	simm.s32 $0x1FA8;
	[sflag:s14] =	ssyncadd.s32 $0xFFFFE000  }
0x2a7: {  	[tilespmem:s3], [sflag:$0x4] =	stream.indirect.gather [spmem:s1], $0x40, s21, s29, $0xb8;
	[tilespmem:$0xF228] =	vst v63  }
0x2a8: {  	_ =	swait.ge [sflag:s15], $0x2000  }
0x2a9: {  	s20 =	sld [smem:$0x7D3]  }
0x2aa: {  	[sflag:s15] =	ssyncset.done $0x0  }
0x2ab: {  	[sflag:s15] =	ssyncadd.s32 $0xFFFFE000  }
0x2ac: {  	[hbm4b:s20+s2] =	stream.linear.scatter [tilespmem:s7], [sflag:$0xC], $0x2000, $0x38;
	[tilespmem:$0xF228] =	vst v63  }
0x2ad: {  	_ =	swait.ge [sflag:s16], $0x2000  }
0x2ae: {  	[sflag:s16] =	ssyncset.done $0x0  }
0x2af: {  	s21 =	simm.s32 $0x2028;
	[sflag:s16] =	ssyncadd.s32 $0xFFFFE000  }
0x2b0: {  	[tilespmem:s4], [sflag:$0x5] =	stream.indirect.gather [spmem:s1], $0x40, s21, s29, $0xb8;
	[tilespmem:$0xF228] =	vst v63  }
0x2b1: {  	_ =	swait.ge [sflag:s6], $0x2000  }
0x2b2: {  	s20 =	sld [smem:$0x7D4]  }
0x2b3: {  	[sflag:s6] =	ssyncset.done $0x0  }
0x2b4: {  	[sflag:s6] =	ssyncadd.s32 $0xFFFFE000  }
0x2b5: {  	[hbm4b:s20+s2] =	stream.linear.scatter [tilespmem:s30], [sflag:$0x7], $0x2000, $0x38;
	[tilespmem:$0xF228] =	vst v63  }
0x2b6: {  	_ =	swait.ge [sflag:s17], $0x2000  }
0x2b7: {  	[sflag:s17] =	ssyncset.done $0x0  }
0x2b8: {  	s21 =	simm.s32 $0x20A8;
	[sflag:s17] =	ssyncadd.s32 $0xFFFFE000  }
0x2b9: {  	[tilespmem:s7], [sflag:$0x6] =	stream.indirect.gather [spmem:s1], $0x40, s21, s29, $0xb8;
	[tilespmem:$0xF228] =	vst v63  }
0x2ba: {  	_ =	swait.ge [sflag:s8], $0x2000  }
0x2bb: {  	s20 =	sld [smem:$0x7D5]  }
0x2bc: {  	[sflag:s8] =	ssyncset.done $0x0  }
0x2bd: {  	[sflag:s8] =	ssyncadd.s32 $0xFFFFE000  }
0x2be: {  	[hbm4b:s20+s2] =	stream.linear.scatter [tilespmem:s31], [sflag:$0x8], $0x2000, $0x38;
	[tilespmem:$0xF228] =	vst v63  }
0x2bf: {  	_ =	swait.ge [sflag:s26], $0x2000  }
0x2c0: {  	[sflag:s26] =	ssyncset.done $0x0  }
0x2c1: {  	s21 =	simm.s32 $0x2128;
	[sflag:s26] =	ssyncadd.s32 $0xFFFFE000  }
0x2c2: {  	[tilespmem:s30], [sflag:$0x1] =	stream.indirect.gather [spmem:s1], $0x40, s21, s29, $0xb8;
	[tilespmem:$0xF228] =	vst v63  }
0x2c3: {  	_ =	swait.ge [sflag:s9], $0x2000  }
0x2c4: {  	s20 =	sld [smem:$0x7D6]  }
0x2c5: {  	[sflag:s9] =	ssyncset.done $0x0  }
0x2c6: {  	[sflag:s9] =	ssyncadd.s32 $0xFFFFE000  }
0x2c7: {  	[hbm4b:s20+s2] =	stream.linear.scatter [tilespmem:s0], [sflag:$0x9], $0x2000, $0x38;
	[tilespmem:$0xF228] =	vst v63  }
0x2c8: {  	_ =	swait.ge [sflag:s10], $0x2000  }
0x2c9: {  	[sflag:s10] =	ssyncset.done $0x0  }
0x2ca: {  	s21 =	simm.s32 $0x21A8;
	[sflag:s10] =	ssyncadd.s32 $0xFFFFE000  }
0x2cb: {  	[tilespmem:s31], [sflag:$0x2] =	stream.indirect.gather [spmem:s1], $0x40, s21, s29, $0xb8;
	[tilespmem:$0xF228] =	vst v63  }
0x2cc: {  	_ =	swait.ge [sflag:s11], $0x2000  }
0x2cd: {  	s20 =	sld [smem:$0x7D7]  }
0x2ce: {  	[sflag:s11] =	ssyncset.done $0x0  }
0x2cf: {  	[sflag:s11] =	ssyncadd.s32 $0xFFFFE000  }
0x2d0: {  	[hbm4b:s20+s2] =	stream.linear.scatter [tilespmem:s3], [sflag:$0xA], $0x2000, $0x38;
	[tilespmem:$0xF228] =	vst v63  }
0x2d1: {  	_ =	swait.ge [sflag:s12], $0x2000  }
0x2d2: {  	[sflag:s12] =	ssyncset.done $0x0  }
0x2d3: {  	s21 =	simm.s32 $0x2228;
	[sflag:s12] =	ssyncadd.s32 $0xFFFFE000  }
0x2d4: {  	[tilespmem:s0], [sflag:$0x3] =	stream.indirect.gather [spmem:s1], $0x40, s21, s29, $0xb8;
	[tilespmem:$0xF228] =	vst v63  }
0x2d5: {  	_ =	swait.ge [sflag:s13], $0x2000  }
0x2d6: {  	s20 =	sld [smem:$0x7D8]  }
0x2d7: {  	[sflag:s13] =	ssyncset.done $0x0  }
0x2d8: {  	[sflag:s13] =	ssyncadd.s32 $0xFFFFE000  }
0x2d9: {  	[hbm4b:s20+s2] =	stream.linear.scatter [tilespmem:s4], [sflag:$0xB], $0x2000, $0x38;
	[tilespmem:$0xF228] =	vst v63  }
0x2da: {  	_ =	swait.ge [sflag:s14], $0x2000  }
0x2db: {  	[sflag:s14] =	ssyncset.done $0x0  }
0x2dc: {  	s21 =	simm.s32 $0x22A8;
	[sflag:s14] =	ssyncadd.s32 $0xFFFFE000  }
0x2dd: {  	[tilespmem:s3], [sflag:$0x4] =	stream.indirect.gather [spmem:s1], $0x40, s21, s29, $0xb8;
	[tilespmem:$0xF228] =	vst v63  }
0x2de: {  	_ =	swait.ge [sflag:s15], $0x2000  }
0x2df: {  	s20 =	sld [smem:$0x7D9]  }
0x2e0: {  	[sflag:s15] =	ssyncset.done $0x0  }
0x2e1: {  	[sflag:s15] =	ssyncadd.s32 $0xFFFFE000  }
0x2e2: {  	[hbm4b:s20+s2] =	stream.linear.scatter [tilespmem:s7], [sflag:$0xC], $0x2000, $0x38;
	[tilespmem:$0xF228] =	vst v63  }
0x2e3: {  	_ =	swait.ge [sflag:s16], $0x2000  }
0x2e4: {  	[sflag:s16] =	ssyncset.done $0x0  }
0x2e5: {  	s21 =	simm.s32 $0x2328;
	[sflag:s16] =	ssyncadd.s32 $0xFFFFE000  }
0x2e6: {  	[tilespmem:s4], [sflag:$0x5] =	stream.indirect.gather [spmem:s1], $0x40, s21, s29, $0xb8;
	[tilespmem:$0xF228] =	vst v63  }
0x2e7: {  	_ =	swait.ge [sflag:s6], $0x2000  }
0x2e8: {  	s20 =	sld [smem:$0x7DA]  }
0x2e9: {  	[sflag:s6] =	ssyncset.done $0x0  }
0x2ea: {  	[sflag:s6] =	ssyncadd.s32 $0xFFFFE000  }
0x2eb: {  	[hbm4b:s20+s2] =	stream.linear.scatter [tilespmem:s30], [sflag:$0x7], $0x2000, $0x38;
	[tilespmem:$0xF228] =	vst v63  }
0x2ec: {  	_ =	swait.ge [sflag:s17], $0x2000  }
0x2ed: {  	[sflag:s17] =	ssyncset.done $0x0  }
0x2ee: {  	s21 =	simm.s32 $0x23A8;
	[sflag:s17] =	ssyncadd.s32 $0xFFFFE000  }
0x2ef: {  	[tilespmem:s7], [sflag:$0x6] =	stream.indirect.gather [spmem:s1], $0x40, s21, s29, $0xb8;
	[tilespmem:$0xF228] =	vst v63  }
0x2f0: {  	_ =	swait.ge [sflag:s8], $0x2000  }
0x2f1: {  	s20 =	sld [smem:$0x7DB]  }
0x2f2: {  	[sflag:s8] =	ssyncset.done $0x0  }
0x2f3: {  	[sflag:s8] =	ssyncadd.s32 $0xFFFFE000  }
0x2f4: {  	[hbm4b:s20+s2] =	stream.linear.scatter [tilespmem:s31], [sflag:$0x8], $0x2000, $0x38;
	[tilespmem:$0xF228] =	vst v63  }
0x2f5: {  	_ =	swait.ge [sflag:s26], $0x2000  }
0x2f6: {  	[sflag:s26] =	ssyncset.done $0x0  }
0x2f7: {  	s21 =	simm.s32 $0x2428;
	[sflag:s26] =	ssyncadd.s32 $0xFFFFE000  }
0x2f8: {  	[tilespmem:s30], [sflag:$0x1] =	stream.indirect.gather [spmem:s1], $0x40, s21, s29, $0xb8;
	[tilespmem:$0xF228] =	vst v63  }
0x2f9: {  	_ =	swait.ge [sflag:s9], $0x2000  }
0x2fa: {  	s20 =	sld [smem:$0x7DC]  }
0x2fb: {  	[sflag:s9] =	ssyncset.done $0x0  }
0x2fc: {  	[sflag:s9] =	ssyncadd.s32 $0xFFFFE000  }
0x2fd: {  	[hbm4b:s20+s2] =	stream.linear.scatter [tilespmem:s0], [sflag:$0x9], $0x2000, $0x38;
	[tilespmem:$0xF228] =	vst v63  }
0x2fe: {  	_ =	swait.ge [sflag:s10], $0x2000  }
0x2ff: {  	[sflag:s10] =	ssyncset.done $0x0  }
0x300: {  	s21 =	simm.s32 $0x24A8;
	[sflag:s10] =	ssyncadd.s32 $0xFFFFE000  }
0x301: {  	[tilespmem:s31], [sflag:$0x2] =	stream.indirect.gather [spmem:s1], $0x40, s21, s29, $0xb8;
	[tilespmem:$0xF228] =	vst v63  }
0x302: {  	_ =	swait.ge [sflag:s11], $0x2000  }
0x303: {  	s20 =	sld [smem:$0x7DD]  }
0x304: {  	[sflag:s11] =	ssyncset.done $0x0  }
0x305: {  	[sflag:s11] =	ssyncadd.s32 $0xFFFFE000  }
0x306: {  	[hbm4b:s20+s2] =	stream.linear.scatter [tilespmem:s3], [sflag:$0xA], $0x2000, $0x38;
	[tilespmem:$0xF228] =	vst v63  }
0x307: {  	_ =	swait.ge [sflag:s12], $0x2000  }
0x308: {  	[sflag:s12] =	ssyncset.done $0x0  }
0x309: {  	s21 =	simm.s32 $0x2528;
	[sflag:s12] =	ssyncadd.s32 $0xFFFFE000  }
0x30a: {  	[tilespmem:s0], [sflag:$0x3] =	stream.indirect.gather [spmem:s1], $0x40, s21, s29, $0xb8;
	[tilespmem:$0xF228] =	vst v63  }
0x30b: {  	_ =	swait.ge [sflag:s13], $0x2000  }
0x30c: {  	s20 =	sld [smem:$0x7DE]  }
0x30d: {  	[sflag:s13] =	ssyncset.done $0x0  }
0x30e: {  	[sflag:s13] =	ssyncadd.s32 $0xFFFFE000  }
0x30f: {  	[hbm4b:s20+s2] =	stream.linear.scatter [tilespmem:s4], [sflag:$0xB], $0x2000, $0x38;
	[tilespmem:$0xF228] =	vst v63  }
0x310: {  	_ =	swait.ge [sflag:s14], $0x2000  }
0x311: {  	[sflag:s14] =	ssyncset.done $0x0  }
0x312: {  	s21 =	simm.s32 $0x25A8;
	[sflag:s14] =	ssyncadd.s32 $0xFFFFE000  }
0x313: {  	[tilespmem:s3], [sflag:$0x4] =	stream.indirect.gather [spmem:s1], $0x40, s21, s29, $0xb8;
	[tilespmem:$0xF228] =	vst v63  }
0x314: {  	_ =	swait.ge [sflag:s15], $0x2000  }
0x315: {  	s20 =	sld [smem:$0x7DF]  }
0x316: {  	[sflag:s15] =	ssyncset.done $0x0  }
0x317: {  	[sflag:s15] =	ssyncadd.s32 $0xFFFFE000  }
0x318: {  	[hbm4b:s20+s2] =	stream.linear.scatter [tilespmem:s7], [sflag:$0xC], $0x2000, $0x38;
	[tilespmem:$0xF228] =	vst v63  }
0x319: {  	_ =	swait.ge [sflag:s16], $0x2000  }
0x31a: {  	[sflag:s16] =	ssyncset.done $0x0  }
0x31b: {  	s21 =	simm.s32 $0x2628;
	[sflag:s16] =	ssyncadd.s32 $0xFFFFE000  }
0x31c: {  	[tilespmem:s4], [sflag:$0x5] =	stream.indirect.gather [spmem:s1], $0x40, s21, s29, $0xb8;
	[tilespmem:$0xF228] =	vst v63  }
0x31d: {  	_ =	swait.ge [sflag:s6], $0x2000  }
0x31e: {  	s20 =	sld [smem:$0x7E0]  }
0x31f: {  	[sflag:s6] =	ssyncset.done $0x0  }
0x320: {  	[sflag:s6] =	ssyncadd.s32 $0xFFFFE000  }
0x321: {  	[hbm4b:s20+s2] =	stream.linear.scatter [tilespmem:s30], [sflag:$0x7], $0x2000, $0x38;
	[tilespmem:$0xF228] =	vst v63  }
0x322: {  	_ =	swait.ge [sflag:s17], $0x2000  }
0x323: {  	[sflag:s17] =	ssyncset.done $0x0  }
0x324: {  	s21 =	simm.s32 $0x26A8;
	[sflag:s17] =	ssyncadd.s32 $0xFFFFE000  }
0x325: {  	[tilespmem:s7], [sflag:$0x6] =	stream.indirect.gather [spmem:s1], $0x40, s21, s29, $0xb8;
	[tilespmem:$0xF228] =	vst v63  }
0x326: {  	_ =	swait.ge [sflag:s8], $0x2000  }
0x327: {  	s20 =	sld [smem:$0x7E1]  }
0x328: {  	[sflag:s8] =	ssyncset.done $0x0  }
0x329: {  	[sflag:s8] =	ssyncadd.s32 $0xFFFFE000  }
0x32a: {  	[hbm4b:s20+s2] =	stream.linear.scatter [tilespmem:s31], [sflag:$0x8], $0x2000, $0x38;
	[tilespmem:$0xF228] =	vst v63  }
0x32b: {  	_ =	swait.ge [sflag:s26], $0x2000  }
0x32c: {  	[sflag:s26] =	ssyncset.done $0x0  }
0x32d: {  	s21 =	simm.s32 $0x2728;
	[sflag:s26] =	ssyncadd.s32 $0xFFFFE000  }
0x32e: {  	[tilespmem:s30], [sflag:$0x1] =	stream.indirect.gather [spmem:s1], $0x40, s21, s29, $0xb8;
	[tilespmem:$0xF228] =	vst v63  }
0x32f: {  	_ =	swait.ge [sflag:s9], $0x2000  }
0x330: {  	s20 =	sld [smem:$0x7E2]  }
0x331: {  	[sflag:s9] =	ssyncset.done $0x0  }
0x332: {  	[sflag:s9] =	ssyncadd.s32 $0xFFFFE000  }
0x333: {  	[hbm4b:s20+s2] =	stream.linear.scatter [tilespmem:s0], [sflag:$0x9], $0x2000, $0x38;
	[tilespmem:$0xF228] =	vst v63  }
0x334: {  	_ =	swait.ge [sflag:s10], $0x2000  }
0x335: {  	[sflag:s10] =	ssyncset.done $0x0  }
0x336: {  	s21 =	simm.s32 $0x27A8;
	[sflag:s10] =	ssyncadd.s32 $0xFFFFE000  }
0x337: {  	[tilespmem:s31], [sflag:$0x2] =	stream.indirect.gather [spmem:s1], $0x40, s21, s29, $0xb8;
	[tilespmem:$0xF228] =	vst v63  }
0x338: {  	_ =	swait.ge [sflag:s11], $0x2000  }
0x339: {  	s20 =	sld [smem:$0x7E3]  }
0x33a: {  	[sflag:s11] =	ssyncset.done $0x0  }
0x33b: {  	[sflag:s11] =	ssyncadd.s32 $0xFFFFE000  }
0x33c: {  	[hbm4b:s20+s2] =	stream.linear.scatter [tilespmem:s3], [sflag:$0xA], $0x2000, $0x38;
	[tilespmem:$0xF228] =	vst v63  }
0x33d: {  	_ =	swait.ge [sflag:s12], $0x2000  }
0x33e: {  	[sflag:s12] =	ssyncset.done $0x0  }
0x33f: {  	s21 =	simm.s32 $0x2828;
	[sflag:s12] =	ssyncadd.s32 $0xFFFFE000  }
0x340: {  	[tilespmem:s0], [sflag:$0x3] =	stream.indirect.gather [spmem:s1], $0x40, s21, s29, $0xb8;
	[tilespmem:$0xF228] =	vst v63  }
0x341: {  	_ =	swait.ge [sflag:s13], $0x2000  }
0x342: {  	s20 =	sld [smem:$0x7E4]  }
0x343: {  	[sflag:s13] =	ssyncset.done $0x0  }
0x344: {  	[sflag:s13] =	ssyncadd.s32 $0xFFFFE000  }
0x345: {  	[hbm4b:s20+s2] =	stream.linear.scatter [tilespmem:s4], [sflag:$0xB], $0x2000, $0x38;
	[tilespmem:$0xF228] =	vst v63  }
0x346: {  	_ =	swait.ge [sflag:s14], $0x2000  }
0x347: {  	[sflag:s14] =	ssyncset.done $0x0  }
0x348: {  	s21 =	simm.s32 $0x28A8;
	[sflag:s14] =	ssyncadd.s32 $0xFFFFE000  }
0x349: {  	[tilespmem:s3], [sflag:$0x4] =	stream.indirect.gather [spmem:s1], $0x40, s21, s29, $0xb8;
	[tilespmem:$0xF228] =	vst v63  }
0x34a: {  	_ =	swait.ge [sflag:s15], $0x2000  }
0x34b: {  	s20 =	sld [smem:$0x7E5]  }
0x34c: {  	[sflag:s15] =	ssyncset.done $0x0  }
0x34d: {  	[sflag:s15] =	ssyncadd.s32 $0xFFFFE000  }
0x34e: {  	[hbm4b:s20+s2] =	stream.linear.scatter [tilespmem:s7], [sflag:$0xC], $0x2000, $0x38;
	[tilespmem:$0xF228] =	vst v63  }
0x34f: {  	_ =	swait.ge [sflag:s16], $0x2000  }
0x350: {  	[sflag:s16] =	ssyncset.done $0x0  }
0x351: {  	s21 =	simm.s32 $0x2928;
	[sflag:s16] =	ssyncadd.s32 $0xFFFFE000  }
0x352: {  	[tilespmem:s4], [sflag:$0x5] =	stream.indirect.gather [spmem:s1], $0x40, s21, s29, $0xb8;
	[tilespmem:$0xF228] =	vst v63  }
0x353: {  	_ =	swait.ge [sflag:s6], $0x2000  }
0x354: {  	s20 =	sld [smem:$0x7E6]  }
0x355: {  	[sflag:s6] =	ssyncset.done $0x0  }
0x356: {  	[sflag:s6] =	ssyncadd.s32 $0xFFFFE000  }
0x357: {  	[hbm4b:s20+s2] =	stream.linear.scatter [tilespmem:s30], [sflag:$0x7], $0x2000, $0x38;
	[tilespmem:$0xF228] =	vst v63  }
0x358: {  	_ =	swait.ge [sflag:s17], $0x2000  }
0x359: {  	[sflag:s17] =	ssyncset.done $0x0  }
0x35a: {  	s21 =	simm.s32 $0x29A8;
	[sflag:s17] =	ssyncadd.s32 $0xFFFFE000  }
0x35b: {  	[tilespmem:s7], [sflag:$0x6] =	stream.indirect.gather [spmem:s1], $0x40, s21, s29, $0xb8;
	[tilespmem:$0xF228] =	vst v63  }
0x35c: {  	_ =	swait.ge [sflag:s8], $0x2000  }
0x35d: {  	s20 =	sld [smem:$0x7E7]  }
0x35e: {  	[sflag:s8] =	ssyncset.done $0x0  }
0x35f: {  	[sflag:s8] =	ssyncadd.s32 $0xFFFFE000  }
0x360: {  	[hbm4b:s20+s2] =	stream.linear.scatter [tilespmem:s31], [sflag:$0x8], $0x2000, $0x38;
	[tilespmem:$0xF228] =	vst v63  }
0x361: {  	_ =	swait.ge [sflag:s26], $0x2000  }
0x362: {  	[sflag:s26] =	ssyncset.done $0x0  }
0x363: {  	s21 =	simm.s32 $0x2A28;
	[sflag:s26] =	ssyncadd.s32 $0xFFFFE000  }
0x364: {  	[tilespmem:s30], [sflag:$0x1] =	stream.indirect.gather [spmem:s1], $0x40, s21, s29, $0xb8;
	[tilespmem:$0xF228] =	vst v63  }
0x365: {  	_ =	swait.ge [sflag:s9], $0x2000  }
0x366: {  	s20 =	sld [smem:$0x7E8]  }
0x367: {  	[sflag:s9] =	ssyncset.done $0x0  }
0x368: {  	[sflag:s9] =	ssyncadd.s32 $0xFFFFE000  }
0x369: {  	[hbm4b:s20+s2] =	stream.linear.scatter [tilespmem:s0], [sflag:$0x9], $0x2000, $0x38;
	[tilespmem:$0xF228] =	vst v63  }
0x36a: {  	_ =	swait.ge [sflag:s10], $0x2000  }
0x36b: {  	[sflag:s10] =	ssyncset.done $0x0  }
0x36c: {  	s21 =	simm.s32 $0x2AA8;
	[sflag:s10] =	ssyncadd.s32 $0xFFFFE000  }
0x36d: {  	[tilespmem:s31], [sflag:$0x2] =	stream.indirect.gather [spmem:s1], $0x40, s21, s29, $0xb8;
	[tilespmem:$0xF228] =	vst v63  }
0x36e: {  	_ =	swait.ge [sflag:s11], $0x2000  }
0x36f: {  	s20 =	sld [smem:$0x7E9]  }
0x370: {  	[sflag:s11] =	ssyncset.done $0x0  }
0x371: {  	[sflag:s11] =	ssyncadd.s32 $0xFFFFE000  }
0x372: {  	[hbm4b:s20+s2] =	stream.linear.scatter [tilespmem:s3], [sflag:$0xA], $0x2000, $0x38;
	[tilespmem:$0xF228] =	vst v63  }
0x373: {  	_ =	swait.ge [sflag:s12], $0x2000  }
0x374: {  	[sflag:s12] =	ssyncset.done $0x0  }
0x375: {  	s21 =	simm.s32 $0x2B28;
	[sflag:s12] =	ssyncadd.s32 $0xFFFFE000  }
0x376: {  	[tilespmem:s0], [sflag:$0x3] =	stream.indirect.gather [spmem:s1], $0x40, s21, s29, $0xb8;
	[tilespmem:$0xF228] =	vst v63  }
0x377: {  	_ =	swait.ge [sflag:s13], $0x2000  }
0x378: {  	s20 =	sld [smem:$0x7EA]  }
0x379: {  	[sflag:s13] =	ssyncset.done $0x0  }
0x37a: {  	[sflag:s13] =	ssyncadd.s32 $0xFFFFE000  }
0x37b: {  	[hbm4b:s20+s2] =	stream.linear.scatter [tilespmem:s4], [sflag:$0xB], $0x2000, $0x38;
	[tilespmem:$0xF228] =	vst v63  }
0x37c: {  	_ =	swait.ge [sflag:s14], $0x2000  }
0x37d: {  	[sflag:s14] =	ssyncset.done $0x0  }
0x37e: {  	s21 =	simm.s32 $0x2BA8;
	[sflag:s14] =	ssyncadd.s32 $0xFFFFE000  }
0x37f: {  	[tilespmem:s3], [sflag:$0x4] =	stream.indirect.gather [spmem:s1], $0x40, s21, s29, $0xb8;
	[tilespmem:$0xF228] =	vst v63  }
0x380: {  	_ =	swait.ge [sflag:s15], $0x2000  }
0x381: {  	s20 =	sld [smem:$0x7EB]  }
0x382: {  	[sflag:s15] =	ssyncset.done $0x0  }
0x383: {  	[sflag:s15] =	ssyncadd.s32 $0xFFFFE000  }
0x384: {  	[hbm4b:s20+s2] =	stream.linear.scatter [tilespmem:s7], [sflag:$0xC], $0x2000, $0x38;
	[tilespmem:$0xF228] =	vst v63  }
0x385: {  	_ =	swait.ge [sflag:s16], $0x2000  }
0x386: {  	[sflag:s16] =	ssyncset.done $0x0  }
0x387: {  	s21 =	simm.s32 $0x2C28;
	[sflag:s16] =	ssyncadd.s32 $0xFFFFE000  }
0x388: {  	[tilespmem:s4], [sflag:$0x5] =	stream.indirect.gather [spmem:s1], $0x40, s21, s29, $0xb8;
	[tilespmem:$0xF228] =	vst v63  }
0x389: {  	_ =	swait.ge [sflag:s6], $0x2000  }
0x38a: {  	s20 =	sld [smem:$0x7EC]  }
0x38b: {  	[sflag:s6] =	ssyncset.done $0x0  }
0x38c: {  	[sflag:s6] =	ssyncadd.s32 $0xFFFFE000  }
0x38d: {  	[hbm4b:s20+s2] =	stream.linear.scatter [tilespmem:s30], [sflag:$0x7], $0x2000, $0x38;
	[tilespmem:$0xF228] =	vst v63  }
0x38e: {  	_ =	swait.ge [sflag:s17], $0x2000  }
0x38f: {  	[sflag:s17] =	ssyncset.done $0x0  }
0x390: {  	s21 =	simm.s32 $0x2CA8;
	[sflag:s17] =	ssyncadd.s32 $0xFFFFE000  }
0x391: {  	[tilespmem:s7], [sflag:$0x6] =	stream.indirect.gather [spmem:s1], $0x40, s21, s29, $0xb8;
	[tilespmem:$0xF228] =	vst v63  }
0x392: {  	_ =	swait.ge [sflag:s8], $0x2000  }
0x393: {  	s20 =	sld [smem:$0x7ED]  }
0x394: {  	[sflag:s8] =	ssyncset.done $0x0  }
0x395: {  	[sflag:s8] =	ssyncadd.s32 $0xFFFFE000  }
0x396: {  	[hbm4b:s20+s2] =	stream.linear.scatter [tilespmem:s31], [sflag:$0x8], $0x2000, $0x38;
	[tilespmem:$0xF228] =	vst v63  }
0x397: {  	_ =	swait.ge [sflag:s26], $0x2000  }
0x398: {  	[sflag:s26] =	ssyncset.done $0x0  }
0x399: {  	s21 =	simm.s32 $0x2D28;
	[sflag:s26] =	ssyncadd.s32 $0xFFFFE000  }
0x39a: {  	[tilespmem:s30], [sflag:$0x1] =	stream.indirect.gather [spmem:s1], $0x40, s21, s29, $0xb8;
	[tilespmem:$0xF228] =	vst v63  }
0x39b: {  	_ =	swait.ge [sflag:s9], $0x2000  }
0x39c: {  	s20 =	sld [smem:$0x7EE]  }
0x39d: {  	[sflag:s9] =	ssyncset.done $0x0  }
0x39e: {  	[sflag:s9] =	ssyncadd.s32 $0xFFFFE000  }
0x39f: {  	[hbm4b:s20+s2] =	stream.linear.scatter [tilespmem:s0], [sflag:$0x9], $0x2000, $0x38;
	[tilespmem:$0xF228] =	vst v63  }
0x3a0: {  	_ =	swait.ge [sflag:s10], $0x2000  }
0x3a1: {  	[sflag:s10] =	ssyncset.done $0x0  }
0x3a2: {  	s21 =	simm.s32 $0x2DA8;
	[sflag:s10] =	ssyncadd.s32 $0xFFFFE000  }
0x3a3: {  	[tilespmem:s31], [sflag:$0x2] =	stream.indirect.gather [spmem:s1], $0x40, s21, s29, $0xb8;
	[tilespmem:$0xF228] =	vst v63  }
0x3a4: {  	_ =	swait.ge [sflag:s11], $0x2000  }
0x3a5: {  	s20 =	sld [smem:$0x7EF]  }
0x3a6: {  	[sflag:s11] =	ssyncset.done $0x0  }
0x3a7: {  	[sflag:s11] =	ssyncadd.s32 $0xFFFFE000  }
0x3a8: {  	[hbm4b:s20+s2] =	stream.linear.scatter [tilespmem:s3], [sflag:$0xA], $0x2000, $0x38;
	[tilespmem:$0xF228] =	vst v63  }
0x3a9: {  	_ =	swait.ge [sflag:s12], $0x2000  }
0x3aa: {  	[sflag:s12] =	ssyncset.done $0x0  }
0x3ab: {  	s21 =	simm.s32 $0x2E28;
	[sflag:s12] =	ssyncadd.s32 $0xFFFFE000  }
0x3ac: {  	[tilespmem:s0], [sflag:$0x3] =	stream.indirect.gather [spmem:s1], $0x40, s21, s29, $0xb8;
	[tilespmem:$0xF228] =	vst v63  }
0x3ad: {  	_ =	swait.ge [sflag:s13], $0x2000  }
0x3ae: {  	s20 =	sld [smem:$0x7F0]  }
0x3af: {  	[sflag:s13] =	ssyncset.done $0x0  }
0x3b0: {  	[sflag:s13] =	ssyncadd.s32 $0xFFFFE000  }
0x3b1: {  	[hbm4b:s20+s2] =	stream.linear.scatter [tilespmem:s4], [sflag:$0xB], $0x2000, $0x38;
	[tilespmem:$0xF228] =	vst v63  }
0x3b2: {  	_ =	swait.ge [sflag:s14], $0x2000  }
0x3b3: {  	[sflag:s14] =	ssyncset.done $0x0  }
0x3b4: {  	s21 =	simm.s32 $0x2EA8;
	[sflag:s14] =	ssyncadd.s32 $0xFFFFE000  }
0x3b5: {  	[tilespmem:s3], [sflag:$0x4] =	stream.indirect.gather [spmem:s1], $0x40, s21, s29, $0xb8;
	[tilespmem:$0xF228] =	vst v63  }
0x3b6: {  	_ =	swait.ge [sflag:s15], $0x2000  }
0x3b7: {  	s20 =	sld [smem:$0x7F1]  }
0x3b8: {  	[sflag:s15] =	ssyncset.done $0x0  }
0x3b9: {  	[sflag:s15] =	ssyncadd.s32 $0xFFFFE000  }
0x3ba: {  	[hbm4b:s20+s2] =	stream.linear.scatter [tilespmem:s7], [sflag:$0xC], $0x2000, $0x38;
	[tilespmem:$0xF228] =	vst v63  }
0x3bb: {  	_ =	swait.ge [sflag:s16], $0x2000  }
0x3bc: {  	[sflag:s16] =	ssyncset.done $0x0  }
0x3bd: {  	s21 =	simm.s32 $0x2F28;
	[sflag:s16] =	ssyncadd.s32 $0xFFFFE000  }
0x3be: {  	[tilespmem:s4], [sflag:$0x5] =	stream.indirect.gather [spmem:s1], $0x40, s21, s29, $0xb8;
	[tilespmem:$0xF228] =	vst v63  }
0x3bf: {  	_ =	swait.ge [sflag:s6], $0x2000  }
0x3c0: {  	s20 =	sld [smem:$0x7F2]  }
0x3c1: {  	[sflag:s6] =	ssyncset.done $0x0  }
0x3c2: {  	[sflag:s6] =	ssyncadd.s32 $0xFFFFE000  }
0x3c3: {  	[hbm4b:s20+s2] =	stream.linear.scatter [tilespmem:s30], [sflag:$0x7], $0x2000, $0x38;
	[tilespmem:$0xF228] =	vst v63  }
0x3c4: {  	_ =	swait.ge [sflag:s17], $0x2000  }
0x3c5: {  	[sflag:s17] =	ssyncset.done $0x0  }
0x3c6: {  	s21 =	simm.s32 $0x2FA8;
	[sflag:s17] =	ssyncadd.s32 $0xFFFFE000  }
0x3c7: {  	[tilespmem:s7], [sflag:$0x6] =	stream.indirect.gather [spmem:s1], $0x40, s21, s29, $0xb8;
	[tilespmem:$0xF228] =	vst v63  }
0x3c8: {  	_ =	swait.ge [sflag:s8], $0x2000  }
0x3c9: {  	s20 =	sld [smem:$0x7F3]  }
0x3ca: {  	[sflag:s8] =	ssyncset.done $0x0  }
0x3cb: {  	[sflag:s8] =	ssyncadd.s32 $0xFFFFE000  }
0x3cc: {  	[hbm4b:s20+s2] =	stream.linear.scatter [tilespmem:s31], [sflag:$0x8], $0x2000, $0x38;
	[tilespmem:$0xF228] =	vst v63  }
0x3cd: {  	_ =	swait.ge [sflag:s26], $0x2000  }
0x3ce: {  	[sflag:s26] =	ssyncset.done $0x0  }
0x3cf: {  	s21 =	simm.s32 $0x3028;
	[sflag:s26] =	ssyncadd.s32 $0xFFFFE000  }
0x3d0: {  	[tilespmem:s30], [sflag:$0x1] =	stream.indirect.gather [spmem:s1], $0x40, s21, s29, $0xb8;
	[tilespmem:$0xF228] =	vst v63  }
0x3d1: {  	_ =	swait.ge [sflag:s9], $0x2000  }
0x3d2: {  	s20 =	sld [smem:$0x7F4]  }
0x3d3: {  	[sflag:s9] =	ssyncset.done $0x0  }
0x3d4: {  	[sflag:s9] =	ssyncadd.s32 $0xFFFFE000  }
0x3d5: {  	[hbm4b:s20+s2] =	stream.linear.scatter [tilespmem:s0], [sflag:$0x9], $0x2000, $0x38;
	[tilespmem:$0xF228] =	vst v63  }
0x3d6: {  	_ =	swait.ge [sflag:s10], $0x2000  }
0x3d7: {  	[sflag:s10] =	ssyncset.done $0x0  }
0x3d8: {  	s21 =	simm.s32 $0x30A8;
	[sflag:s10] =	ssyncadd.s32 $0xFFFFE000  }
0x3d9: {  	[tilespmem:s31], [sflag:$0x2] =	stream.indirect.gather [spmem:s1], $0x40, s21, s29, $0xb8;
	[tilespmem:$0xF228] =	vst v63  }
0x3da: {  	_ =	swait.ge [sflag:s11], $0x2000  }
0x3db: {  	s20 =	sld [smem:$0x7F5]  }
0x3dc: {  	[sflag:s11] =	ssyncset.done $0x0  }
0x3dd: {  	[sflag:s11] =	ssyncadd.s32 $0xFFFFE000  }
0x3de: {  	[hbm4b:s20+s2] =	stream.linear.scatter [tilespmem:s3], [sflag:$0xA], $0x2000, $0x38;
	[tilespmem:$0xF228] =	vst v63  }
0x3df: {  	_ =	swait.ge [sflag:s12], $0x2000  }
0x3e0: {  	[sflag:s12] =	ssyncset.done $0x0  }
0x3e1: {  	s21 =	simm.s32 $0x3128;
	[sflag:s12] =	ssyncadd.s32 $0xFFFFE000  }
0x3e2: {  	[tilespmem:s0], [sflag:$0x3] =	stream.indirect.gather [spmem:s1], $0x40, s21, s29, $0xb8;
	[tilespmem:$0xF228] =	vst v63  }
0x3e3: {  	_ =	swait.ge [sflag:s13], $0x2000  }
0x3e4: {  	s20 =	sld [smem:$0x7F6]  }
0x3e5: {  	[sflag:s13] =	ssyncset.done $0x0  }
0x3e6: {  	[sflag:s13] =	ssyncadd.s32 $0xFFFFE000  }
0x3e7: {  	[hbm4b:s20+s2] =	stream.linear.scatter [tilespmem:s4], [sflag:$0xB], $0x2000, $0x38;
	[tilespmem:$0xF228] =	vst v63  }
0x3e8: {  	_ =	swait.ge [sflag:s14], $0x2000  }
0x3e9: {  	[sflag:s14] =	ssyncset.done $0x0  }
0x3ea: {  	s21 =	simm.s32 $0x31A8;
	[sflag:s14] =	ssyncadd.s32 $0xFFFFE000  }
0x3eb: {  	[tilespmem:s3], [sflag:$0x4] =	stream.indirect.gather [spmem:s1], $0x40, s21, s29, $0xb8;
	[tilespmem:$0xF228] =	vst v63  }
0x3ec: {  	_ =	swait.ge [sflag:s15], $0x2000  }
0x3ed: {  	s20 =	sld [smem:$0x7F7]  }
0x3ee: {  	[sflag:s15] =	ssyncset.done $0x0  }
0x3ef: {  	[sflag:s15] =	ssyncadd.s32 $0xFFFFE000  }
0x3f0: {  	[hbm4b:s20+s2] =	stream.linear.scatter [tilespmem:s7], [sflag:$0xC], $0x2000, $0x38;
	[tilespmem:$0xF228] =	vst v63  }
0x3f1: {  	_ =	swait.ge [sflag:s6], $0x2000  }
0x3f2: {  	s21 =	sld [smem:$0x7F8]  }
0x3f3: {  	[sflag:s6] =	ssyncset.done $0x0  }
0x3f4: {  	[sflag:s6] =	ssyncadd.s32 $0xFFFFE000  }
0x3f5: {  	[hbm4b:s21+s2] =	stream.linear.scatter [tilespmem:s30], [sflag:$0x7], $0x2000, $0x38;
	[tilespmem:$0xF228] =	vst v63  }
0x3f6: {  	_ =	swait.ge [sflag:s8], $0x2000  }
0x3f7: {  	s20 =	sld [smem:$0x7F9]  }
0x3f8: {  	[sflag:s8] =	ssyncset.done $0x0  }
0x3f9: {  	[sflag:s8] =	ssyncadd.s32 $0xFFFFE000  }
0x3fa: {  	[hbm4b:s20+s2] =	stream.linear.scatter [tilespmem:s31], [sflag:$0x8], $0x2000, $0x38;
	[tilespmem:$0xF228] =	vst v63  }
0x3fb: {  	_ =	swait.ge [sflag:s9], $0x2000  }
0x3fc: {  	s21 =	sld [smem:$0x7FA]  }
0x3fd: {  	[sflag:s9] =	ssyncset.done $0x0  }
0x3fe: {  	[sflag:s9] =	ssyncadd.s32 $0xFFFFE000  }
0x3ff: {  	[hbm4b:s21+s2] =	stream.linear.scatter [tilespmem:s0], [sflag:$0x9], $0x2000, $0x38;
	[tilespmem:$0xF228] =	vst v63  }
0x400: {  	_ =	swait.ge [sflag:s11], $0x2000  }
0x401: {  	s20 =	sld [smem:$0x7FB]  }
0x402: {  	[sflag:s11] =	ssyncset.done $0x0  }
0x403: {  	[sflag:s11] =	ssyncadd.s32 $0xFFFFE000  }
0x404: {  	[hbm4b:s20+s2] =	stream.linear.scatter [tilespmem:s3], [sflag:$0xA], $0x2000, $0x38;
	[tilespmem:$0xF228] =	vst v63  }
0x405: {  	_ =	swait.ge [sflag:s16], $0x2000  }
0x406: {  	[sflag:s16] =	ssyncset.done $0x0  }
0x407: {  	[sflag:s16] =	ssyncadd.s32 $0xFFFFE000  }
0x408: {  	_ =	swait.ge [sflag:s17], $0x2000  }
0x409: {  	[sflag:s17] =	ssyncset.done $0x0  }
0x40a: {  	[sflag:s17] =	ssyncadd.s32 $0xFFFFE000  }
0x40b: {  	_ =	swait.ge [sflag:s26], $0x2000  }
0x40c: {  	[sflag:s26] =	ssyncset.done $0x0  }
0x40d: {  	[sflag:s26] =	ssyncadd.s32 $0xFFFFE000  }
0x40e: {  	_ =	swait.ge [sflag:s10], $0x2000  }
0x40f: {  	[sflag:s10] =	ssyncset.done $0x0  }
0x410: {  	[sflag:s10] =	ssyncadd.s32 $0xFFFFE000  }
0x411: {  	_ =	swait.ge [sflag:s12], $0x2000  }
0x412: {  	[sflag:s12] =	ssyncset.done $0x0  }
0x413: {  	[sflag:s12] =	ssyncadd.s32 $0xFFFFE000  }
0x414: {  	_ =	swait.ge [sflag:s14], $0x2000  }
0x415: {  	s21 =	sld [smem:$0x7FC];
	_ =	sdelay $0x1  }
0x416: {  	s5 =	sadd.s32 $0x1, s5  }
0x417: {  	p1 =	sne.s32 s5, s21  }
.Ltmp1:
0x418: {  	_ = 	snop;
	(pc) =	sbr.rel @p1 .LBB2_1-.Ltmp1, $3  }
0x419: {  	_ =	sdelay $0x1  }
0x41a: {  	[sflag:s14] =	ssyncset.done $0x0  }
0x41b: {  	[sflag:s14] =	ssyncadd.s32 $0xFFFFE000  }
0x41c: {  	_ =	sfence.sel $0x180000  }
0x41d: {  	[bflag:$0x0] =	sbarrier.arrive $0xFFFF  }
0x41e: {  	_ =	strace $0x90000047  }
0x41f: {  	[bflag:$0x2] =	sbarrier.arrive $0xFFFF  }
0x420: {  	s0 =	rddreg [dreg:$0x3]  }
0x421: {  	s0 =	sadd.s32 @!p0 $0x100000, s0  }
0x422: {  	[sflag:s0] =	ssyncadd.tile.s32 @!p0 $0x1;
	_ =	shalt  }
.Lfunc_end2:
_tile_overlayer_lowered:
.L_overlay_start_2:
0x423: {  	(tag) =	ssettag $0x2  }
0x424: {  	s0 =	rddreg [dreg:$0x0];
	s2 =	stileid.u32  }
0x425: {  	s1 =	rddreg [dreg:$0x1];
	p0 =	sne.s32 s2, $0x0  }
0x426: {  	s3 =	rddreg [dreg:$0x2];
	[bflag:$0x3] =	sbarrier.arrive $0xFFFF;
	s2 =	simm.s32 @!p0 $0x1C0D  }
0x427: {  	[timem:s3], [sflag:s2] =	dma.local @!p0 [hbm:s0], s1  }
0x428: {  	s0 =	simm.s32 @!p0 $0xD  }
0x429: {  	_ =	swait.ge @!p0 [sflag:s0], s1  }
0x42a: {  	s1 =	ssub.s32 @!p0 $0x0, s1;
	[sflag:s0] =	ssyncset.done @!p0 $0x0  }
0x42b: {  	[sflag:s0] =	ssyncadd.s32 @!p0 s1  }
0x42c: {  	[bflag:$0x3] =	sbarrier.arrive $0xFFFF  }
0x42d: {  	_ =	shalt  }

// kernel: sparse-core-data-format-call.cloned.1.call-start
scs
called_computation_lowered:
.L_overlay_start_0:
0x0: {  	s2 =	sld [smem:$0x3FD9]  }
0x1: {  	s3 =	sld [smem:$0x3FFE];
	_ =	sdelay $0x1  }
0x2: {  	s1 =	srdreg.scid  }
0x3: {  	s0 =	sand.u32 $0x1, s1  }
0x4: {  	s18 =	sshll.u32 s0, $0xA;
	s2 =	sadd.s32 s3, s2  }
0x5: {  	s2 =	sadd.s32 s2, s18  }
0x6: {  	[smem:$0x3FC6] =	sst s2  }
0x7: {  	_ = 	snop  }
0x8: {  	s2 =	sld [smem:$0x3FD0];
	(tm) =	ssettm $0x1  }
0x9: {  	s19 =	sld [smem:$0x3FFB];
	_ =	sdelay $0x3  }
0xa: {  	_ =	strace s19  }
0xb: {  	s3 =	sld [smem:$0x3FFC];
	_ =	sdelay $0x3  }
0xc: {  	_ =	strace s3  }
0xd: {  	s3 =	sld [smem:$0x3FFD];
	_ =	sdelay $0x3  }
0xe: {  	_ =	strace s3  }
0xf: {  	_ =	strace $0x8FFFFFFF  }
0x10: {  	s20 =	sld [smem:$0x3FDB];
	_ =	sdelay $0x1  }
0x11: {  	s4 =	simm.s32 $_scs_section_size  }
0x12: {  	s5 =	simm.s32 $_size__tile_overlayer_lowered;
	s6 =	simm.s32 $_tile_overlayer_lowered  }
0x13: {  	s23 =	simm.s32 $0x1BFF;
	s22 =	sshll.u32 s6, $0x1;
	s3 =	sadd.s32 s4, s20  }
0x14: {  	s7 =	simm.s32 $0x0;
	s21 =	sshll.u32 s5, $0x1;
	s5 =	sadd.s32 s22, s3  }
0x15: {  	[timem:s7], [sflag:s23] =	dma.local [hbm:s5], s21  }
0x16: {  	_ =	swait.ge [sflag:s23], s21  }
0x17: {  	s4 =	ssub.s32 $0x0, s21;
	[sflag:s23] =	ssyncset.done $0x0  }
0x18: {  	[sflag:s23] =	ssyncadd.s32 s4;
	_ =	sdelay $0x1  }
0x19: {  	s24 =	simm.s32 $0x1B8B  }
0x1a: {  	_ =	swait.ge [sflag:s24], $0x1  }
0x1b: {  	[sflag:s24] =	ssyncset.done $0x0  }
0x1c: {  	s26 =	simm.s32 $0x1B8E;
	s25 =	sld [smem:$0x3FFE];
	[sflag:s24] =	ssyncadd.s32 $0xFFFFFFFF  }
0x1d: {  	s27 =	simm.s32 $execute0_lowered;
	[smem:$0x3FD2] =	sst s26  }
0x1e: {  	s5 =	sshll.u32 s27, $0x1;
	_ =	strace $0x80000049;
	[dreg:$0x1] =	wrdreg $0xFFFFFFFF  }
0x1f: {  	s28 =	simm.s32 $_size_execute0_lowered;
	s3 =	sadd.s32 s3, s5;
	[dreg:$0x0] =	wrdreg $0x0  }
0x20: {  	s5 =	sshll.u32 s28, $0x1;
	[dreg:$0x2] =	wrdreg s3  }
0x21: {  	[dreg:$0x3] =	wrdreg s5  }
0x22: {  	[dreg:$0x4] =	wrdreg $0xC0  }
0x23: {  	_ =	task [dreg:s7], $0x5FFFF  }
0x24: {  	[dreg:$0x1] =	wrdreg $0xFFFFFFFF  }
0x25: {  	[dreg:$0x0] =	wrdreg $0x60  }
0x26: {  	[dreg:$0x2] =	wrdreg s25  }
0x27: {  	[dreg:$0x3] =	wrdreg s2  }
0x28: {  	[dreg:$0x4] =	wrdreg $0x9  }
0x29: {  	_ =	task.clear_ibuf [dreg:s7], $0x5FFFF;
	_ =	strace $0x90000049  }
0x2a: {  	s29 =	simm.s32 $0x9;
	_ =	strace $0x8000004B  }
0x2b: {  	_ =	swait.ge [sflag:s29], $0x1  }
0x2c: {  	[sflag:s29] =	ssyncadd.s32 $0xFFFFFFFF  }
0x2d: {  	_ =	strace $0x9000004B  }
0x2e: {  	_ =	sfence  }
0x2f: {  	s30 =	sld [smem:$0x0];
	_ =	sdelay $0x2  }
0x30: {  	s31 =	sshll.u32 s1, $0xD;
	s1 =	sshrl.u32 s1, $0x2  }
0x31: {  	s3 =	sand.u32 $0x4000, s31;
	s1 =	sadd.s32 s1, s30  }
0x32: {  	s0 =	sor.u32 s3, s0;
	s1 =	sshll.u32 s1, $0x11  }
0x33: {  	s0 =	sor.u32 s1, s0  }
0x34: {  	s0 =	sadd.s32 $0x8F2B, s0  }
0x35: {  	[sflag:s0] =	ssyncadd.remote.s32 $0x1  }
0x36: {  	_ =	sfence.sel $0xFFFF  }
0x37: {  	[dreg:$0x0] =	wrdreg $0xFFFFFFFF;
	(pc) =	sbr.abs _section_cstart, $3  }
0x38: {  	[dreg:$0x1] =	wrdreg $0xFFFFFFFF  }
0x39: {  	_ =	task.clear_ibuf [dreg:s7], $0x2FFFF;
	_ =	strace $0x9FFFFFFF  }
0x3a: {  	(tm) =	ssettm $0x7FFFFFFF  }
0x3b: {  	_ =	shalt  }
tec
execute0_lowered:
.L_overlay_start_1:
0x0: {  	(tag) =	ssettag $0x1  }
0x1: {  	s0 =	srdreg.scid  }
0x2: {  	s1 =	sshll.u32 s0, $0x4  }
0x3: {  	s0 =	stileid.u32;
	s1 =	sand.u32 $0x10, s1  }
0x4: {  	s1 =	sor.u32 s0, s1  }
0x5: {  	s6 =	rddreg [dreg:$0x0];
	s4 =	simm.s32 $0x1;
	s2 =	sshll.u32 s1, $0x7  }
0x6: {  	s7 =	simm.s32 $0x2;
	s12 =	simm.s32 $0x0;
	s1 =	ssub.s32 $0x2000, s2  }
0x7: {  	s8 =	simm.s32 $0x10000;
	s13 =	simm.s32 $0x0;
	s3 =	sand.u32 $0xF80, s1  }
0x8: {  	s9 =	simm.s32 $0x0;
	s5 =	sshrl.u32 s1, $0xC;
	p0 =	sne.s32 s3, $0x0  }
.Ltmp0:
0x9: {  	s1 =	rddreg [dreg:$0x2];
	s4 =	simm.s32 @!p0 $0x0;
	(pc) =	sbr.rel .LBB1_1-.Ltmp0, $4  }
0xa: {  	s11 =	simm.s32 $0x0;
	s3 =	rddreg [dreg:$0x1];
	s5 =	sadd.s32 s4, s5  }
0xb: {  	_ =	strace $0x8000004A;
	s4 =	simm.s32 $0x1;
	s5 =	smul.u32 $0x32, s5  }
0xc: {  	s6 =	sadd.s32 $0x800, s6;
	s10 =	smov.u32 s2;
	[sflag:s4] =	ssyncpa.u1 $0x0  }
0xd: {  	p0 =	por $0x0, $0x0;
	[sflag:s7] =	ssyncpa.u1 $0x0;
	s7 =	sor.u32 $0x1, s5  }
.LBB1_4:
0xe: {  	s16 =	sshll.u32 s13, $0x3;
	s17 =	sand.u32 $0x78, s13  }
0xf: {  	s30 =	sand.u32 $0xFC00, s13;
	s12 =	sshll.u32 s12, $0x10;
	s16 =	sand.u32 $0x1C00, s16  }
0x10: {  	[tilespmem:s15+$0x810 ss:$0x81] =	vst.msk $0xffff, v2;
	s31 =	sand.u32 $0x7, s13;
	s16 =	sor.u32 s17, s16;
	s17 =	sadd.s32 s3, s30  }
0x11: {  	[tilespmem:s15+$0x1020 ss:$0x81] =	vst.msk $0xffff, v0;
	s13 =	sshll.u32 s31, $0x12;
	s12 =	sadd.s32 s12, s17;
	s16 =	sshrl.u32 s16, $0x3  }
0x12: {  	[tilespmem:s15+$0x0 ss:$0x81] =	vst.msk $0xffff, v1;
	s13 =	sor.u32 $0x400, s13;
	s12 =	sadd.s32 s16, s12  }
0x13: {  	[hbm4b:s12+s13] =	stream.strided.scatter [tilespmem:s14], [sflag:$0x2], $0x2000, s8, s13, $0x20;
	[tilespmem:$0x8080] =	vst v63  }
.LBB1_5:
0x14: {  	s14 =	sadd.s32 $0x1, s9  }
0x15: {  	s12 =	sadd.s32 $0x1000, s10;
	s16 =	smov.u32 s10;
	p2 =	sgt.s32 s14, $0x31  }
0x16: {  	s16 =	smov.u32 @p2 s12  }
0x17: {  	s14 =	simm.s32 @p2 $0x0;
	p2 =	sgt.s32 s16, $0x1FFF  }
0x18: {  	s16 =	smov.u32 @p2 s2;
	p2 =	sne.s32 s11, s7  }
.Ltmp1:
0x19: {  	p1 =	slt.u32 s11, $0x2;
	(pc) =	sbr.rel @!p2 .LBB1_6-.Ltmp1, $4  }
0x1a: {  	s15 =	simm.s32 @!p1 $0x2  }
0x1b: {  	s13 =	smov.u32 s10;
	p0 =	por !p0, !p0;
	_ =	swait.ge @!p1 [sflag:s15], $0x2000  }
0x1c: {  	s12 =	smov.u32 s9;
	[sflag:s15] =	ssyncset.done @!p1 $0x0;
	s9 =	smov.u32 s14  }
0x1d: {  	s11 =	sadd.s32 $0x1, s11;
	[sflag:s15] =	ssyncadd.s32 @!p1 $0xFFFFE000;
	s10 =	smov.u32 s16  }
.LBB1_1:
0x1e: {  	p1 =	sge.u32 s11, s5  }
0x1f: {  	s14 =	sand.u32 @!p1 $0x1FFFFFF, s9  }
0x20: {  	s15 =	smulhi.u32 @!p1 $0x4924925, s14;
	_ =	sdelay $0x1  }
0x21: {  	s15 =	smul.u32 @!p1 $0x38, s15  }
0x22: {  	s16 =	sxor.u32 @!p1 $0xFFFFFFFF, s11;
	s17 =	smul.u32 @!p1 $0x380, s10  }
0x23: {  	s31 =	sadd.s32 $0xFFFFFFFF, s11;
	s16 =	sshll.u32 @!p1 s16, $0xD;
	s14 =	ssub.s32 @!p1 s14, s15  }
0x24: {  	s15 =	sand.u32 @!p1 $0x2000, s16;
	s16 =	sadd.s32 @!p1 s6, s17;
	s14 =	sshll.u32 @!p1 s14, $0x4  }
0x25: {  	s17 =	simm.s32 @!p1 $0x1C00;
	s14 =	sadd.s32 @!p1 s14, s16;
	s16 =	simm.s32 @!p1 $0x40  }
0x26: {  	[tilespmem:s15], [sflag:$0x1] =	stream.strided.gather @!p1 [hbm4b:s14+s16], $0x2000, s17, s16, $0x38;
	[tilespmem:$0x8080] =	vst v63  }
0x27: {  	p1 =	sge.u32 s31, s5  }
.Ltmp2:
0x28: {  	_ = 	snop;
	(pc) =	sbr.rel @p1 .LBB1_5-.Ltmp2, $1  }
0x29: {  	_ =	sdelay $0x3  }
0x2a: {  	s14 =	simm.s32 $0x1  }
0x2b: {  	_ =	swait.ge [sflag:s4], $0x2000;
	s14 =	simm.s32 @!p0 $0x0  }
0x2c: {  	[sflag:s4] =	ssyncset.done $0x0;
	s15 =	sshll.u32 s14, $0xD  }
0x2d: {  	[sflag:s4] =	ssyncadd.s32 $0xFFFFE000;
	s18 =	sor.u32 $0x20, s15  }
0x2e: {  	s14 =	smul.u32 $0x8100, s14;
	v3 =	vld [tilespmem:s18+$0x10]  }
0x2f: {  	s30 =	sand.u32 $0x1, s11;
	v2 =	vld [tilespmem:s18+$0xFFFFFFF0]  }
0x30: {  	s15 =	smul.u32 $0x8100, s30;
	s14 =	sshrl.u32 s14, $0x2;
	v0 =	vld [tilespmem:s18+$0x0]  }
0x31: {  	v1 =	vld [tilespmem:s18+$0xFFFFFFE0];
	s16 =	sor.u32 $0x4000, s14  }
0x32: {  	s31 =	sshrl.u32 s15, $0x2;
	s15 =	sadd.s32 $0x0, s16  }
0x33: {  	s17 =	simm.s32 $0x4;
	s18 =	sadd.s32 $0x40, s18;
	s14 =	sor.u32 $0x4000, s31;
	[tilespmem:s15+$0x1830 ss:$0x81] =	vst.msk $0xffff, v3  }
.LBB1_3:
0x34: {  	v3 =	vld [tilespmem:s18+$0x10];
	p1 =	sne.s32 s17, $0x1FC;
	[tilespmem:s15+$0x810 ss:$0x81] =	vst.msk $0xffff, v2;
	s19 =	smov.u32 s17;
	s17 =	sadd.s32 $0x4, s17  }
.Ltmp3:
0x35: {  	v2 =	vld [tilespmem:s18+$0xFFFFFFF0];
	[tilespmem:s15+$0x1020 ss:$0x81] =	vst.msk $0xffff, v0;
	(pc) =	sbr.rel @p1 .LBB1_3-.Ltmp3, $4  }
0x36: {  	v0 =	vld [tilespmem:s18+$0x0];
	[tilespmem:s15+$0x0 ss:$0x81] =	vst.msk $0xffff, v1  }
0x37: {  	s15 =	sshra.s32 s19, $0x2;
	v1 =	vld [tilespmem:s18+$0xFFFFFFE0]  }
0x38: {  	s15 =	sadd.s32 s15, s16  }
0x39: {  	s18 =	sadd.s32 $0x40, s18;
	[tilespmem:s15+$0x1830 ss:$0x81] =	vst.msk $0xffff, v3  }
.Ltmp4:
0x3a: {  	_ = 	snop;
	(pc) =	sbr.rel .LBB1_4-.Ltmp4, $1  }
0x3b: {  	_ =	sdelay $0x3  }
.LBB1_6:
0x3c: {  	_ =	sfence.sel $0x180000  }
0x3d: {  	s2 =	simm.s32 $0x1;
	[bflag:$0x0] =	sbarrier.arrive $0xFFFF  }
0x3e: {  	s31 =	simm.s32 $0x2;
	[sflag:s2] =	ssyncpa.u1 $0x1  }
0x3f: {  	[sflag:s31] =	ssyncpa.u1 $0x1  }
0x40: {  	p0 =	sne.s32 s0, $0x0;
	_ =	strace $0x9000004A  }
0x41: {  	s0 =	sadd.s32 @!p0 $0x100000, s1;
	[bflag:$0x2] =	sbarrier.arrive $0xFFFF  }
0x42: {  	[sflag:s0] =	ssyncadd.tile.s32 @!p0 $0x1;
	_ =	shalt  }
.Lfunc_end1:
_tile_overlayer_lowered:
.L_overlay_start_2:
0x43: {  	(tag) =	ssettag $0x2  }
0x44: {  	s0 =	rddreg [dreg:$0x0];
	s2 =	stileid.u32  }
0x45: {  	s1 =	rddreg [dreg:$0x1];
	p0 =	sne.s32 s2, $0x0  }
0x46: {  	s3 =	rddreg [dreg:$0x2];
	[bflag:$0x3] =	sbarrier.arrive $0xFFFF;
	s2 =	simm.s32 @!p0 $0x1C01  }
0x47: {  	[timem:s3], [sflag:s2] =	dma.local @!p0 [hbm:s0], s1  }
0x48: {  	s0 =	simm.s32 @!p0 $0x1  }
0x49: {  	_ =	swait.ge @!p0 [sflag:s0], s1  }
0x4a: {  	s1 =	ssub.s32 @!p0 $0x0, s1;
	[sflag:s0] =	ssyncset.done @!p0 $0x0  }
0x4b: {  	[sflag:s0] =	ssyncadd.s32 @!p0 s1  }
0x4c: {  	[bflag:$0x3] =	sbarrier.arrive $0xFFFF  }
0x4d: {  	_ =	shalt  }

</sc_bundles>
